<compile_context>
chip_gen: v7x
topology: tpu7x:2x2x1
jax: 0.10.2.dev20260603
libtpu: 0.0.44.dev20260713+nightly
codegen_flags: <defaults>
</compile_context>

<pallas_src>
import functools

import jax
import jax.numpy as jnp
from jax import lax
from jax.experimental import pallas as pl
from jax.experimental.pallas import tpu as pltpu
from jax.experimental.pallas import tpu_sc as plsc

E = 3_200_000
D = 16
V0, V1, V2 = 5, 6, 2
NLUT = V0 * V1 * V2
NC, NS = 2, 16
NW = NC * NS
TILES = E // 128
CT = 10
C = CT * 128
NCH = TILES // CT
NBUF = 3
ROUNDS = (NCH + NBUF * NW - 1) // (NBUF * NW)
OUTW = 2 * CT * 1024
LSTRIDE = 17


def _body(ea_hbm, w_hbm, out_hbm,
          a0_v0, a1_v0, a2_v0, a0_v1, a1_v1, a2_v1, a0_v2, a1_v2, a2_v2,
          out_v0, out_v1, out_v2,
          w_v, lut_v,
          sin0, sin1, sin2, sout0, sout1, sout2):
    wid = lax.axis_index("s") * NC + lax.axis_index("c")

    def in_copies(k, bufs3, sem):
        return [
            pltpu.make_async_copy(
                ea_hbm.at[pl.ds(r, 1), pl.ds(k * C, C)], bufs3[r], sem)
            for r in range(3)
        ]

    def out_copies(k, buf, sem):
        return [
            pltpu.make_async_copy(
                buf.at[pl.ds(g * CT * 1024, CT * 1024)],
                out_hbm.at[pl.ds(g * (TILES * 1024) + k * CT * 1024, CT * 1024)],
                sem)
            for g in range(2)
        ]

    def compute(bufs3, out_v):
        a0_v, a1_v, a2_v = bufs3

        @plsc.parallel_loop(0, CT, unroll=2)
        def tile_body(t):
            tb = t * 128
            ob = t * 1024

            @plsc.parallel_loop(0, 8, unroll=8)
            def lane_block(lb):
                lb16 = lb * 16
                a0 = a0_v[0, pl.ds(tb + lb16, 16)]
                a1 = a1_v[0, pl.ds(tb + lb16, 16)]
                a2 = a2_v[0, pl.ds(tb + lb16, 16)]
                gidx = a0 * (V1 * V2 * LSTRIDE) + a1 * (V2 * LSTRIDE) + a2 * LSTRIDE
                vals = [plsc.load_gather(lut_v, [gidx + d]) for d in range(D)]
                for d in range(D):
                    g, r = d // 8, d % 8
                    out_v[pl.ds(g * (CT * 1024) + ob + r * 128 + lb16, 16)] = vals[d]

    bufs = (((a0_v0, a1_v0, a2_v0), out_v0, sin0, sout0),
            ((a0_v1, a1_v1, a2_v1), out_v1, sin1, sout1),
            ((a0_v2, a1_v2, a2_v2), out_v2, sin2, sout2))

    for b, (in3, _, sin, _) in enumerate(bufs):
        for c in in_copies(wid + NW * b, in3, sin):
            c.start()

    pltpu.sync_copy(w_hbm, w_v)
    for i0 in range(V0):
        r0 = w_v[i0, :]
        for i1 in range(V1):
            r01 = r0 + w_v[V0 + i1, :]
            for i2 in range(V2):
                lut_v[pl.ds(((i0 * V1 + i1) * V2 + i2) * LSTRIDE, D)] = r01 + w_v[V0 + V1 + i2, :]

    def round_body(r, carry):
        for b, (in3, outv, sin, sout) in enumerate(bufs):
            j = NBUF * r + b
            k = wid + NW * j

            @pl.when(k < NCH)
            def _do_chunk():
                for c in in_copies(k, in3, sin):
                    c.wait()

                @pl.when(r > 0)
                def _wait_prev_out():
                    for c in out_copies(k - NBUF * NW, outv, sout):
                        c.wait()

                compute(in3, outv)
                for c in out_copies(k, outv, sout):
                    c.start()

                @pl.when(k + NBUF * NW < NCH)
                def _start_next_in():
                    for c in in_copies(k + NBUF * NW, in3, sin):
                        c.start()
        return carry

    lax.fori_loop(0, ROUNDS, round_body, 0, unroll=False)

    nj = (NCH - wid + NW - 1) // NW
    m = nj - 1
    for b, (_, outv, _, sout) in enumerate(bufs):
        jb = m - ((m - b) % NBUF)
        kb = wid + NW * jb
        for c in out_copies(kb, outv, sout):
            c.wait()


@functools.partial(
    pl.kernel,
    out_type=jax.ShapeDtypeStruct((E * D,), jnp.float32),
    mesh=plsc.VectorSubcoreMesh(core_axis_name="c", subcore_axis_name="s"),
    compiler_params=pltpu.CompilerParams(needs_layout_passes=False),
    scratch_types=[
        pltpu.VMEM((1, C), jnp.int32),
        pltpu.VMEM((1, C), jnp.int32),
        pltpu.VMEM((1, C), jnp.int32),
        pltpu.VMEM((1, C), jnp.int32),
        pltpu.VMEM((1, C), jnp.int32),
        pltpu.VMEM((1, C), jnp.int32),
        pltpu.VMEM((1, C), jnp.int32),
        pltpu.VMEM((1, C), jnp.int32),
        pltpu.VMEM((1, C), jnp.int32),
        pltpu.VMEM((OUTW,), jnp.float32),
        pltpu.VMEM((OUTW,), jnp.float32),
        pltpu.VMEM((OUTW,), jnp.float32),
        pltpu.VMEM((V0 + V1 + V2, D), jnp.float32),
        pltpu.VMEM((NLUT * LSTRIDE,), jnp.float32),
        pltpu.SemaphoreType.DMA,
        pltpu.SemaphoreType.DMA,
        pltpu.SemaphoreType.DMA,
        pltpu.SemaphoreType.DMA,
        pltpu.SemaphoreType.DMA,
        pltpu.SemaphoreType.DMA,
    ],
)
def _bond_encoder_sc(*refs):
    _body(*refs)


def kernel(edge_attr, W0, W1, W2):
    ea = edge_attr.astype(jnp.int32)
    eat = ea.T
    w_all = jnp.concatenate([W0, W1, W2])
    flat = _bond_encoder_sc(eat, w_all)
    x = flat.reshape(2, E // 128, 8, 128)
    return x.transpose(1, 3, 0, 2).reshape(E, D)

# --- scband reference (transcript-rebuilt; emitter-appended) ---
"""Pipeline reference for scband-bond-encoder-21388937134340 (READ-ONLY COPY).

The authoritative reference and input builder live on the scoring server;
editing this copy changes nothing except your own understanding.
"""

import jax, jax.numpy as jnp
import numpy as np

E = 3200000
EMB_DIM = 16
FULL_BOND_FEATURE_DIMS = [5, 6, 2]

def _xavier_uniform(key, shape):
    fan_in, fan_out = shape[0], shape[1]
    a = float(np.sqrt(6.0 / (fan_in + fan_out)))
    return jax.random.uniform(key, shape, dtype=jnp.float32, minval=-a, maxval=a)

def setup_inputs(seed: int = 0) -> dict:
    key = jax.random.key(seed)
    k_idx, k0, k1, k2 = jax.random.split(key, 4)
    edge_attr = jax.random.randint(k_idx, (E, 3), 0, 2, dtype=jnp.int64)
    W0 = _xavier_uniform(k0, (FULL_BOND_FEATURE_DIMS[0], EMB_DIM))
    W1 = _xavier_uniform(k1, (FULL_BOND_FEATURE_DIMS[1], EMB_DIM))
    W2 = _xavier_uniform(k2, (FULL_BOND_FEATURE_DIMS[2], EMB_DIM))
    return {"edge_attr": edge_attr, "W0": W0, "W1": W1, "W2": W2}

def reference(edge_attr, W0, W1, W2):
    # bond_embedding = sum_i embedding_i(edge_attr[..., i])
    tables = [W0, W1, W2]
    bond_embedding = jnp.zeros((edge_attr.shape[0], EMB_DIM), dtype=jnp.float32)
    for i in range(edge_attr.shape[-1]):
        bond_embedding = bond_embedding + jnp.take(tables[i], edge_attr[..., i], axis=0)
    return bond_embedding

if __name__ == "__main__":
    import jax
    _d = setup_inputs()
    print(jax.jit(kernel)(*tuple(_d.values())))

</pallas_src>

<mosaic_0001>
#map = affine_map<(d0, d1) -> (0, 0)>
#map1 = affine_map<(d0, d1) -> (0)>
module attributes {stable_mosaic.version = 14 : i64} {
  func.func @_bond_encoder_sc(%arg0: i32, %arg1: i32, %arg2: memref<3x3200000xi32, #tpu.memory_space<hbm>>, %arg3: memref<13x16xf32, #tpu.memory_space<hbm>>, %arg4: memref<51200000xf32, #tpu.memory_space<hbm>>, %arg5: memref<1x1280xi32, #tpu.memory_space<vmem>>, %arg6: memref<1x1280xi32, #tpu.memory_space<vmem>>, %arg7: memref<1x1280xi32, #tpu.memory_space<vmem>>, %arg8: memref<1x1280xi32, #tpu.memory_space<vmem>>, %arg9: memref<1x1280xi32, #tpu.memory_space<vmem>>, %arg10: memref<1x1280xi32, #tpu.memory_space<vmem>>, %arg11: memref<1x1280xi32, #tpu.memory_space<vmem>>, %arg12: memref<1x1280xi32, #tpu.memory_space<vmem>>, %arg13: memref<1x1280xi32, #tpu.memory_space<vmem>>, %arg14: memref<20480xf32, #tpu.memory_space<vmem>>, %arg15: memref<20480xf32, #tpu.memory_space<vmem>>, %arg16: memref<20480xf32, #tpu.memory_space<vmem>>, %arg17: memref<13x16xf32, #tpu.memory_space<vmem>>, %arg18: memref<1020xf32, #tpu.memory_space<vmem>>, %arg19: memref<!tpu.dma_semaphore, #tpu.memory_space<semaphore_mem>>, %arg20: memref<!tpu.dma_semaphore, #tpu.memory_space<semaphore_mem>>, %arg21: memref<!tpu.dma_semaphore, #tpu.memory_space<semaphore_mem>>, %arg22: memref<!tpu.dma_semaphore, #tpu.memory_space<semaphore_mem>>, %arg23: memref<!tpu.dma_semaphore, #tpu.memory_space<semaphore_mem>>, %arg24: memref<!tpu.dma_semaphore, #tpu.memory_space<semaphore_mem>>) attributes {dimension_semantics = [#tpu.dimension_semantics<core_parallel>, #tpu.dimension_semantics<subcore_parallel>], iteration_bounds = array<i64: 2, 16>, scalar_prefetch = 0 : i64, scratch_operands = 20 : i64, tpu.core_type = #tpu.core_type<sc_vector_subcore>, window_params = [{transform_indices = #map}, {transform_indices = #map}, {transform_indices = #map1}]} {
    %mul3A = arith.constant 2 : i32
    %mul3A_0 = arith.muli %arg1, %mul3A : i32
    %add3A = arith.addi %mul3A_0, %arg0 : i32
    %add3A_1 = arith.constant 0 : i32
    %add3A_2 = arith.addi %add3A, %add3A_1 : i32
    %mul3A_3 = arith.constant 1280 : i32
    %mul3A_4 = arith.muli %add3A_2, %mul3A_3 : i32
    %mul3A_5 = arith.constant 1280 : i32
    %mul3A_6 = arith.muli %add3A_2, %mul3A_5 : i32
    %mul3A_7 = arith.constant 1280 : i32
    %mul3A_8 = arith.muli %add3A_2, %mul3A_7 : i32
    %dma_start3A = arith.constant 0 : i32
    %dma_start3A_9 = tpu.memref_slice %arg2[%dma_start3A, %mul3A_4] : memref<3x3200000xi32, #tpu.memory_space<hbm>> -> memref<1x1280xi32, #tpu.memory_space<hbm>>
    %dma_start3A_10 = arith.constant 0 : i32
    %dma_start3A_11 = tpu.memref_slice %arg2[%dma_start3A_10, %mul3A_4] : memref<3x3200000xi32, #tpu.memory_space<hbm>> -> memref<1x1280xi32, #tpu.memory_space<hbm>>
    tpu.enqueue_dma source(%dma_start3A_11 : memref<1x1280xi32, #tpu.memory_space<hbm>>) target(%arg5 : memref<1x1280xi32, #tpu.memory_space<vmem>>) target_semaphore(%arg19 : memref<!tpu.dma_semaphore, #tpu.memory_space<semaphore_mem>>)
    %dma_start3A_12 = arith.constant 1 : i32
    %dma_start3A_13 = tpu.memref_slice %arg2[%dma_start3A_12, %mul3A_6] : memref<3x3200000xi32, #tpu.memory_space<hbm>> -> memref<1x1280xi32, #tpu.memory_space<hbm>>
    %dma_start3A_14 = arith.constant 1 : i32
    %dma_start3A_15 = tpu.memref_slice %arg2[%dma_start3A_14, %mul3A_6] : memref<3x3200000xi32, #tpu.memory_space<hbm>> -> memref<1x1280xi32, #tpu.memory_space<hbm>>
    tpu.enqueue_dma source(%dma_start3A_15 : memref<1x1280xi32, #tpu.memory_space<hbm>>) target(%arg6 : memref<1x1280xi32, #tpu.memory_space<vmem>>) target_semaphore(%arg19 : memref<!tpu.dma_semaphore, #tpu.memory_space<semaphore_mem>>)
    %dma_start3A_16 = arith.constant 2 : i32
    %dma_start3A_17 = tpu.memref_slice %arg2[%dma_start3A_16, %mul3A_8] : memref<3x3200000xi32, #tpu.memory_space<hbm>> -> memref<1x1280xi32, #tpu.memory_space<hbm>>
    %dma_start3A_18 = arith.constant 2 : i32
    %dma_start3A_19 = tpu.memref_slice %arg2[%dma_start3A_18, %mul3A_8] : memref<3x3200000xi32, #tpu.memory_space<hbm>> -> memref<1x1280xi32, #tpu.memory_space<hbm>>
    tpu.enqueue_dma source(%dma_start3A_19 : memref<1x1280xi32, #tpu.memory_space<hbm>>) target(%arg7 : memref<1x1280xi32, #tpu.memory_space<vmem>>) target_semaphore(%arg19 : memref<!tpu.dma_semaphore, #tpu.memory_space<semaphore_mem>>)
    %add3A_20 = arith.constant 32 : i32
    %add3A_21 = arith.addi %add3A, %add3A_20 : i32
    %mul3A_22 = arith.constant 1280 : i32
    %mul3A_23 = arith.muli %add3A_21, %mul3A_22 : i32
    %mul3A_24 = arith.constant 1280 : i32
    %mul3A_25 = arith.muli %add3A_21, %mul3A_24 : i32
    %mul3A_26 = arith.constant 1280 : i32
    %mul3A_27 = arith.muli %add3A_21, %mul3A_26 : i32
    %dma_start3A_28 = arith.constant 0 : i32
    %dma_start3A_29 = tpu.memref_slice %arg2[%dma_start3A_28, %mul3A_23] : memref<3x3200000xi32, #tpu.memory_space<hbm>> -> memref<1x1280xi32, #tpu.memory_space<hbm>>
    %dma_start3A_30 = arith.constant 0 : i32
    %dma_start3A_31 = tpu.memref_slice %arg2[%dma_start3A_30, %mul3A_23] : memref<3x3200000xi32, #tpu.memory_space<hbm>> -> memref<1x1280xi32, #tpu.memory_space<hbm>>
    tpu.enqueue_dma source(%dma_start3A_31 : memref<1x1280xi32, #tpu.memory_space<hbm>>) target(%arg8 : memref<1x1280xi32, #tpu.memory_space<vmem>>) target_semaphore(%arg20 : memref<!tpu.dma_semaphore, #tpu.memory_space<semaphore_mem>>)
    %dma_start3A_32 = arith.constant 1 : i32
    %dma_start3A_33 = tpu.memref_slice %arg2[%dma_start3A_32, %mul3A_25] : memref<3x3200000xi32, #tpu.memory_space<hbm>> -> memref<1x1280xi32, #tpu.memory_space<hbm>>
    %dma_start3A_34 = arith.constant 1 : i32
    %dma_start3A_35 = tpu.memref_slice %arg2[%dma_start3A_34, %mul3A_25] : memref<3x3200000xi32, #tpu.memory_space<hbm>> -> memref<1x1280xi32, #tpu.memory_space<hbm>>
    tpu.enqueue_dma source(%dma_start3A_35 : memref<1x1280xi32, #tpu.memory_space<hbm>>) target(%arg9 : memref<1x1280xi32, #tpu.memory_space<vmem>>) target_semaphore(%arg20 : memref<!tpu.dma_semaphore, #tpu.memory_space<semaphore_mem>>)
    %dma_start3A_36 = arith.constant 2 : i32
    %dma_start3A_37 = tpu.memref_slice %arg2[%dma_start3A_36, %mul3A_27] : memref<3x3200000xi32, #tpu.memory_space<hbm>> -> memref<1x1280xi32, #tpu.memory_space<hbm>>
    %dma_start3A_38 = arith.constant 2 : i32
    %dma_start3A_39 = tpu.memref_slice %arg2[%dma_start3A_38, %mul3A_27] : memref<3x3200000xi32, #tpu.memory_space<hbm>> -> memref<1x1280xi32, #tpu.memory_space<hbm>>
    tpu.enqueue_dma source(%dma_start3A_39 : memref<1x1280xi32, #tpu.memory_space<hbm>>) target(%arg10 : memref<1x1280xi32, #tpu.memory_space<vmem>>) target_semaphore(%arg20 : memref<!tpu.dma_semaphore, #tpu.memory_space<semaphore_mem>>)
    %add3A_40 = arith.constant 64 : i32
    %add3A_41 = arith.addi %add3A, %add3A_40 : i32
    %mul3A_42 = arith.constant 1280 : i32
    %mul3A_43 = arith.muli %add3A_41, %mul3A_42 : i32
    %mul3A_44 = arith.constant 1280 : i32
    %mul3A_45 = arith.muli %add3A_41, %mul3A_44 : i32
    %mul3A_46 = arith.constant 1280 : i32
    %mul3A_47 = arith.muli %add3A_41, %mul3A_46 : i32
    %dma_start3A_48 = arith.constant 0 : i32
    %dma_start3A_49 = tpu.memref_slice %arg2[%dma_start3A_48, %mul3A_43] : memref<3x3200000xi32, #tpu.memory_space<hbm>> -> memref<1x1280xi32, #tpu.memory_space<hbm>>
    %dma_start3A_50 = arith.constant 0 : i32
    %dma_start3A_51 = tpu.memref_slice %arg2[%dma_start3A_50, %mul3A_43] : memref<3x3200000xi32, #tpu.memory_space<hbm>> -> memref<1x1280xi32, #tpu.memory_space<hbm>>
    tpu.enqueue_dma source(%dma_start3A_51 : memref<1x1280xi32, #tpu.memory_space<hbm>>) target(%arg11 : memref<1x1280xi32, #tpu.memory_space<vmem>>) target_semaphore(%arg21 : memref<!tpu.dma_semaphore, #tpu.memory_space<semaphore_mem>>)
    %dma_start3A_52 = arith.constant 1 : i32
    %dma_start3A_53 = tpu.memref_slice %arg2[%dma_start3A_52, %mul3A_45] : memref<3x3200000xi32, #tpu.memory_space<hbm>> -> memref<1x1280xi32, #tpu.memory_space<hbm>>
    %dma_start3A_54 = arith.constant 1 : i32
    %dma_start3A_55 = tpu.memref_slice %arg2[%dma_start3A_54, %mul3A_45] : memref<3x3200000xi32, #tpu.memory_space<hbm>> -> memref<1x1280xi32, #tpu.memory_space<hbm>>
    tpu.enqueue_dma source(%dma_start3A_55 : memref<1x1280xi32, #tpu.memory_space<hbm>>) target(%arg12 : memref<1x1280xi32, #tpu.memory_space<vmem>>) target_semaphore(%arg21 : memref<!tpu.dma_semaphore, #tpu.memory_space<semaphore_mem>>)
    %dma_start3A_56 = arith.constant 2 : i32
    %dma_start3A_57 = tpu.memref_slice %arg2[%dma_start3A_56, %mul3A_47] : memref<3x3200000xi32, #tpu.memory_space<hbm>> -> memref<1x1280xi32, #tpu.memory_space<hbm>>
    %dma_start3A_58 = arith.constant 2 : i32
    %dma_start3A_59 = tpu.memref_slice %arg2[%dma_start3A_58, %mul3A_47] : memref<3x3200000xi32, #tpu.memory_space<hbm>> -> memref<1x1280xi32, #tpu.memory_space<hbm>>
    tpu.enqueue_dma source(%dma_start3A_59 : memref<1x1280xi32, #tpu.memory_space<hbm>>) target(%arg13 : memref<1x1280xi32, #tpu.memory_space<vmem>>) target_semaphore(%arg21 : memref<!tpu.dma_semaphore, #tpu.memory_space<semaphore_mem>>)
    "tpu.region"() ({
      %run_scoped3A = tpu.sem_alloc : memref<!tpu.dma_semaphore, #tpu.memory_space<semaphore_mem>>
      tpu.enqueue_dma source(%arg3 : memref<13x16xf32, #tpu.memory_space<hbm>>) target(%arg17 : memref<13x16xf32, #tpu.memory_space<vmem>>) target_semaphore(%run_scoped3A : memref<!tpu.dma_semaphore, #tpu.memory_space<semaphore_mem>>)
      tpu.wait_dma2 semaphore(%run_scoped3A : memref<!tpu.dma_semaphore, #tpu.memory_space<semaphore_mem>>) src(%arg3 : memref<13x16xf32, #tpu.memory_space<hbm>>) dst(%arg17 : memref<13x16xf32, #tpu.memory_space<vmem>>)
      tpu.yield
    }) : () -> ()
    %get3A = arith.constant 0 : i32
    %get3A_60 = arith.index_cast %get3A : i32 to index
    %get3A_61 = arith.constant 0 : index
    %get3A_62 = tpu.vector_load %arg17[%get3A_60, %get3A_61] {strides = array<i32>} : memref<13x16xf32, #tpu.memory_space<vmem>>, vector<16xf32>,
    %get3A_63 = arith.constant 5 : i32
    %get3A_64 = arith.index_cast %get3A_63 : i32 to index
    %get3A_65 = arith.constant 0 : index
    %get3A_66 = tpu.vector_load %arg17[%get3A_64, %get3A_65] {strides = array<i32>} : memref<13x16xf32, #tpu.memory_space<vmem>>, vector<16xf32>,
    %add3A_67 = arith.addf %get3A_62, %get3A_66 : vector<16xf32>
    %get3A_68 = arith.constant 11 : i32
    %get3A_69 = arith.index_cast %get3A_68 : i32 to index
    %get3A_70 = arith.constant 0 : index
    %get3A_71 = tpu.vector_load %arg17[%get3A_69, %get3A_70] {strides = array<i32>} : memref<13x16xf32, #tpu.memory_space<vmem>>, vector<16xf32>,
    %add3A_72 = arith.addf %add3A_67, %get3A_71 : vector<16xf32>
    %swap3A = arith.constant 0 : index
    %swap3A_73 = tpu.vector_load %arg18[%swap3A] {strides = array<i32>} : memref<1020xf32, #tpu.memory_space<vmem>>, vector<16xf32>,
    tpu.vector_store %arg18[%swap3A], %add3A_72 {strides = array<i32>} : memref<1020xf32, #tpu.memory_space<vmem>>, vector<16xf32>,
    %get3A_74 = arith.constant 12 : i32
    %get3A_75 = arith.index_cast %get3A_74 : i32 to index
    %get3A_76 = arith.constant 0 : index
    %get3A_77 = tpu.vector_load %arg17[%get3A_75, %get3A_76] {strides = array<i32>} : memref<13x16xf32, #tpu.memory_space<vmem>>, vector<16xf32>,
    %add3A_78 = arith.addf %add3A_67, %get3A_77 : vector<16xf32>
    %swap3A_79 = arith.constant 17 : index
    %swap3A_80 = tpu.vector_load %arg18[%swap3A_79] {strides = array<i32>} : memref<1020xf32, #tpu.memory_space<vmem>>, vector<16xf32>,
    tpu.vector_store %arg18[%swap3A_79], %add3A_78 {strides = array<i32>} : memref<1020xf32, #tpu.memory_space<vmem>>, vector<16xf32>,
    %get3A_81 = arith.constant 6 : i32
    %get3A_82 = arith.index_cast %get3A_81 : i32 to index
    %get3A_83 = arith.constant 0 : index
    %get3A_84 = tpu.vector_load %arg17[%get3A_82, %get3A_83] {strides = array<i32>} : memref<13x16xf32, #tpu.memory_space<vmem>>, vector<16xf32>,
    %add3A_85 = arith.addf %get3A_62, %get3A_84 : vector<16xf32>
    %get3A_86 = arith.constant 11 : i32
    %get3A_87 = arith.index_cast %get3A_86 : i32 to index
    %get3A_88 = arith.constant 0 : index
    %get3A_89 = tpu.vector_load %arg17[%get3A_87, %get3A_88] {strides = array<i32>} : memref<13x16xf32, #tpu.memory_space<vmem>>, vector<16xf32>,
    %add3A_90 = arith.addf %add3A_85, %get3A_89 : vector<16xf32>
    %swap3A_91 = arith.constant 34 : index
    %swap3A_92 = tpu.vector_load %arg18[%swap3A_91] {strides = array<i32>} : memref<1020xf32, #tpu.memory_space<vmem>>, vector<16xf32>,
    tpu.vector_store %arg18[%swap3A_91], %add3A_90 {strides = array<i32>} : memref<1020xf32, #tpu.memory_space<vmem>>, vector<16xf32>,
    %get3A_93 = arith.constant 12 : i32
    %get3A_94 = arith.index_cast %get3A_93 : i32 to index
    %get3A_95 = arith.constant 0 : index
    %get3A_96 = tpu.vector_load %arg17[%get3A_94, %get3A_95] {strides = array<i32>} : memref<13x16xf32, #tpu.memory_space<vmem>>, vector<16xf32>,
    %add3A_97 = arith.addf %add3A_85, %get3A_96 : vector<16xf32>
    %swap3A_98 = arith.constant 51 : index
    %swap3A_99 = tpu.vector_load %arg18[%swap3A_98] {strides = array<i32>} : memref<1020xf32, #tpu.memory_space<vmem>>, vector<16xf32>,
    tpu.vector_store %arg18[%swap3A_98], %add3A_97 {strides = array<i32>} : memref<1020xf32, #tpu.memory_space<vmem>>, vector<16xf32>,
    %get3A_100 = arith.constant 7 : i32
    %get3A_101 = arith.index_cast %get3A_100 : i32 to index
    %get3A_102 = arith.constant 0 : index
    %get3A_103 = tpu.vector_load %arg17[%get3A_101, %get3A_102] {strides = array<i32>} : memref<13x16xf32, #tpu.memory_space<vmem>>, vector<16xf32>,
    %add3A_104 = arith.addf %get3A_62, %get3A_103 : vector<16xf32>
    %get3A_105 = arith.constant 11 : i32
    %get3A_106 = arith.index_cast %get3A_105 : i32 to index
    %get3A_107 = arith.constant 0 : index
    %get3A_108 = tpu.vector_load %arg17[%get3A_106, %get3A_107] {strides = array<i32>} : memref<13x16xf32, #tpu.memory_space<vmem>>, vector<16xf32>,
    %add3A_109 = arith.addf %add3A_104, %get3A_108 : vector<16xf32>
    %swap3A_110 = arith.constant 68 : index
    %swap3A_111 = tpu.vector_load %arg18[%swap3A_110] {strides = array<i32>} : memref<1020xf32, #tpu.memory_space<vmem>>, vector<16xf32>,
    tpu.vector_store %arg18[%swap3A_110], %add3A_109 {strides = array<i32>} : memref<1020xf32, #tpu.memory_space<vmem>>, vector<16xf32>,
    %get3A_112 = arith.constant 12 : i32
    %get3A_113 = arith.index_cast %get3A_112 : i32 to index
    %get3A_114 = arith.constant 0 : index
    %get3A_115 = tpu.vector_load %arg17[%get3A_113, %get3A_114] {strides = array<i32>} : memref<13x16xf32, #tpu.memory_space<vmem>>, vector<16xf32>,
    %add3A_116 = arith.addf %add3A_104, %get3A_115 : vector<16xf32>
    %swap3A_117 = arith.constant 85 : index
    %swap3A_118 = tpu.vector_load %arg18[%swap3A_117] {strides = array<i32>} : memref<1020xf32, #tpu.memory_space<vmem>>, vector<16xf32>,
    tpu.vector_store %arg18[%swap3A_117], %add3A_116 {strides = array<i32>} : memref<1020xf32, #tpu.memory_space<vmem>>, vector<16xf32>,
    %get3A_119 = arith.constant 8 : i32
    %get3A_120 = arith.index_cast %get3A_119 : i32 to index
    %get3A_121 = arith.constant 0 : index
    %get3A_122 = tpu.vector_load %arg17[%get3A_120, %get3A_121] {strides = array<i32>} : memref<13x16xf32, #tpu.memory_space<vmem>>, vector<16xf32>,
    %add3A_123 = arith.addf %get3A_62, %get3A_122 : vector<16xf32>
    %get3A_124 = arith.constant 11 : i32
    %get3A_125 = arith.index_cast %get3A_124 : i32 to index
    %get3A_126 = arith.constant 0 : index
    %get3A_127 = tpu.vector_load %arg17[%get3A_125, %get3A_126] {strides = array<i32>} : memref<13x16xf32, #tpu.memory_space<vmem>>, vector<16xf32>,
    %add3A_128 = arith.addf %add3A_123, %get3A_127 : vector<16xf32>
    %swap3A_129 = arith.constant 102 : index
    %swap3A_130 = tpu.vector_load %arg18[%swap3A_129] {strides = array<i32>} : memref<1020xf32, #tpu.memory_space<vmem>>, vector<16xf32>,
    tpu.vector_store %arg18[%swap3A_129], %add3A_128 {strides = array<i32>} : memref<1020xf32, #tpu.memory_space<vmem>>, vector<16xf32>,
    %get3A_131 = arith.constant 12 : i32
    %get3A_132 = arith.index_cast %get3A_131 : i32 to index
    %get3A_133 = arith.constant 0 : index
    %get3A_134 = tpu.vector_load %arg17[%get3A_132, %get3A_133] {strides = array<i32>} : memref<13x16xf32, #tpu.memory_space<vmem>>, vector<16xf32>,
    %add3A_135 = arith.addf %add3A_123, %get3A_134 : vector<16xf32>
    %swap3A_136 = arith.constant 119 : index
    %swap3A_137 = tpu.vector_load %arg18[%swap3A_136] {strides = array<i32>} : memref<1020xf32, #tpu.memory_space<vmem>>, vector<16xf32>,
    tpu.vector_store %arg18[%swap3A_136], %add3A_135 {strides = array<i32>} : memref<1020xf32, #tpu.memory_space<vmem>>, vector<16xf32>,
    %get3A_138 = arith.constant 9 : i32
    %get3A_139 = arith.index_cast %get3A_138 : i32 to index
    %get3A_140 = arith.constant 0 : index
    %get3A_141 = tpu.vector_load %arg17[%get3A_139, %get3A_140] {strides = array<i32>} : memref<13x16xf32, #tpu.memory_space<vmem>>, vector<16xf32>,
    %add3A_142 = arith.addf %get3A_62, %get3A_141 : vector<16xf32>
    %get3A_143 = arith.constant 11 : i32
    %get3A_144 = arith.index_cast %get3A_143 : i32 to index
    %get3A_145 = arith.constant 0 : index
    %get3A_146 = tpu.vector_load %arg17[%get3A_144, %get3A_145] {strides = array<i32>} : memref<13x16xf32, #tpu.memory_space<vmem>>, vector<16xf32>,
    %add3A_147 = arith.addf %add3A_142, %get3A_146 : vector<16xf32>
    %swap3A_148 = arith.constant 136 : index
    %swap3A_149 = tpu.vector_load %arg18[%swap3A_148] {strides = array<i32>} : memref<1020xf32, #tpu.memory_space<vmem>>, vector<16xf32>,
    tpu.vector_store %arg18[%swap3A_148], %add3A_147 {strides = array<i32>} : memref<1020xf32, #tpu.memory_space<vmem>>, vector<16xf32>,
    %get3A_150 = arith.constant 12 : i32
    %get3A_151 = arith.index_cast %get3A_150 : i32 to index
    %get3A_152 = arith.constant 0 : index
    %get3A_153 = tpu.vector_load %arg17[%get3A_151, %get3A_152] {strides = array<i32>} : memref<13x16xf32, #tpu.memory_space<vmem>>, vector<16xf32>,
    %add3A_154 = arith.addf %add3A_142, %get3A_153 : vector<16xf32>
    %swap3A_155 = arith.constant 153 : index
    %swap3A_156 = tpu.vector_load %arg18[%swap3A_155] {strides = array<i32>} : memref<1020xf32, #tpu.memory_space<vmem>>, vector<16xf32>,
    tpu.vector_store %arg18[%swap3A_155], %add3A_154 {strides = array<i32>} : memref<1020xf32, #tpu.memory_space<vmem>>, vector<16xf32>,
    %get3A_157 = arith.constant 10 : i32
    %get3A_158 = arith.index_cast %get3A_157 : i32 to index
    %get3A_159 = arith.constant 0 : index
    %get3A_160 = tpu.vector_load %arg17[%get3A_158, %get3A_159] {strides = array<i32>} : memref<13x16xf32, #tpu.memory_space<vmem>>, vector<16xf32>,
    %add3A_161 = arith.addf %get3A_62, %get3A_160 : vector<16xf32>
    %get3A_162 = arith.constant 11 : i32
    %get3A_163 = arith.index_cast %get3A_162 : i32 to index
    %get3A_164 = arith.constant 0 : index
    %get3A_165 = tpu.vector_load %arg17[%get3A_163, %get3A_164] {strides = array<i32>} : memref<13x16xf32, #tpu.memory_space<vmem>>, vector<16xf32>,
    %add3A_166 = arith.addf %add3A_161, %get3A_165 : vector<16xf32>
    %swap3A_167 = arith.constant 170 : index
    %swap3A_168 = tpu.vector_load %arg18[%swap3A_167] {strides = array<i32>} : memref<1020xf32, #tpu.memory_space<vmem>>, vector<16xf32>,
    tpu.vector_store %arg18[%swap3A_167], %add3A_166 {strides = array<i32>} : memref<1020xf32, #tpu.memory_space<vmem>>, vector<16xf32>,
    %get3A_169 = arith.constant 12 : i32
    %get3A_170 = arith.index_cast %get3A_169 : i32 to index
    %get3A_171 = arith.constant 0 : index
    %get3A_172 = tpu.vector_load %arg17[%get3A_170, %get3A_171] {strides = array<i32>} : memref<13x16xf32, #tpu.memory_space<vmem>>, vector<16xf32>,
    %add3A_173 = arith.addf %add3A_161, %get3A_172 : vector<16xf32>
    %swap3A_174 = arith.constant 187 : index
    %swap3A_175 = tpu.vector_load %arg18[%swap3A_174] {strides = array<i32>} : memref<1020xf32, #tpu.memory_space<vmem>>, vector<16xf32>,
    tpu.vector_store %arg18[%swap3A_174], %add3A_173 {strides = array<i32>} : memref<1020xf32, #tpu.memory_space<vmem>>, vector<16xf32>,
    %get3A_176 = arith.constant 1 : i32
    %get3A_177 = arith.index_cast %get3A_176 : i32 to index
    %get3A_178 = arith.constant 0 : index
    %get3A_179 = tpu.vector_load %arg17[%get3A_177, %get3A_178] {strides = array<i32>} : memref<13x16xf32, #tpu.memory_space<vmem>>, vector<16xf32>,
    %get3A_180 = arith.constant 5 : i32
    %get3A_181 = arith.index_cast %get3A_180 : i32 to index
    %get3A_182 = arith.constant 0 : index
    %get3A_183 = tpu.vector_load %arg17[%get3A_181, %get3A_182] {strides = array<i32>} : memref<13x16xf32, #tpu.memory_space<vmem>>, vector<16xf32>,
    %add3A_184 = arith.addf %get3A_179, %get3A_183 : vector<16xf32>
    %get3A_185 = arith.constant 11 : i32
    %get3A_186 = arith.index_cast %get3A_185 : i32 to index
    %get3A_187 = arith.constant 0 : index
    %get3A_188 = tpu.vector_load %arg17[%get3A_186, %get3A_187] {strides = array<i32>} : memref<13x16xf32, #tpu.memory_space<vmem>>, vector<16xf32>,
    %add3A_189 = arith.addf %add3A_184, %get3A_188 : vector<16xf32>
    %swap3A_190 = arith.constant 204 : index
    %swap3A_191 = tpu.vector_load %arg18[%swap3A_190] {strides = array<i32>} : memref<1020xf32, #tpu.memory_space<vmem>>, vector<16xf32>,
    tpu.vector_store %arg18[%swap3A_190], %add3A_189 {strides = array<i32>} : memref<1020xf32, #tpu.memory_space<vmem>>, vector<16xf32>,
    %get3A_192 = arith.constant 12 : i32
    %get3A_193 = arith.index_cast %get3A_192 : i32 to index
    %get3A_194 = arith.constant 0 : index
    %get3A_195 = tpu.vector_load %arg17[%get3A_193, %get3A_194] {strides = array<i32>} : memref<13x16xf32, #tpu.memory_space<vmem>>, vector<16xf32>,
    %add3A_196 = arith.addf %add3A_184, %get3A_195 : vector<16xf32>
    %swap3A_197 = arith.constant 221 : index
    %swap3A_198 = tpu.vector_load %arg18[%swap3A_197] {strides = array<i32>} : memref<1020xf32, #tpu.memory_space<vmem>>, vector<16xf32>,
    tpu.vector_store %arg18[%swap3A_197], %add3A_196 {strides = array<i32>} : memref<1020xf32, #tpu.memory_space<vmem>>, vector<16xf32>,
    %get3A_199 = arith.constant 6 : i32
    %get3A_200 = arith.index_cast %get3A_199 : i32 to index
    %get3A_201 = arith.constant 0 : index
    %get3A_202 = tpu.vector_load %arg17[%get3A_200, %get3A_201] {strides = array<i32>} : memref<13x16xf32, #tpu.memory_space<vmem>>, vector<16xf32>,
    %add3A_203 = arith.addf %get3A_179, %get3A_202 : vector<16xf32>
    %get3A_204 = arith.constant 11 : i32
    %get3A_205 = arith.index_cast %get3A_204 : i32 to index
    %get3A_206 = arith.constant 0 : index
    %get3A_207 = tpu.vector_load %arg17[%get3A_205, %get3A_206] {strides = array<i32>} : memref<13x16xf32, #tpu.memory_space<vmem>>, vector<16xf32>,
    %add3A_208 = arith.addf %add3A_203, %get3A_207 : vector<16xf32>
    %swap3A_209 = arith.constant 238 : index
    %swap3A_210 = tpu.vector_load %arg18[%swap3A_209] {strides = array<i32>} : memref<1020xf32, #tpu.memory_space<vmem>>, vector<16xf32>,
    tpu.vector_store %arg18[%swap3A_209], %add3A_208 {strides = array<i32>} : memref<1020xf32, #tpu.memory_space<vmem>>, vector<16xf32>,
    %get3A_211 = arith.constant 12 : i32
    %get3A_212 = arith.index_cast %get3A_211 : i32 to index
    %get3A_213 = arith.constant 0 : index
    %get3A_214 = tpu.vector_load %arg17[%get3A_212, %get3A_213] {strides = array<i32>} : memref<13x16xf32, #tpu.memory_space<vmem>>, vector<16xf32>,
    %add3A_215 = arith.addf %add3A_203, %get3A_214 : vector<16xf32>
    %swap3A_216 = arith.constant 255 : index
    %swap3A_217 = tpu.vector_load %arg18[%swap3A_216] {strides = array<i32>} : memref<1020xf32, #tpu.memory_space<vmem>>, vector<16xf32>,
    tpu.vector_store %arg18[%swap3A_216], %add3A_215 {strides = array<i32>} : memref<1020xf32, #tpu.memory_space<vmem>>, vector<16xf32>,
    %get3A_218 = arith.constant 7 : i32
    %get3A_219 = arith.index_cast %get3A_218 : i32 to index
    %get3A_220 = arith.constant 0 : index
    %get3A_221 = tpu.vector_load %arg17[%get3A_219, %get3A_220] {strides = array<i32>} : memref<13x16xf32, #tpu.memory_space<vmem>>, vector<16xf32>,
    %add3A_222 = arith.addf %get3A_179, %get3A_221 : vector<16xf32>
    %get3A_223 = arith.constant 11 : i32
    %get3A_224 = arith.index_cast %get3A_223 : i32 to index
    %get3A_225 = arith.constant 0 : index
    %get3A_226 = tpu.vector_load %arg17[%get3A_224, %get3A_225] {strides = array<i32>} : memref<13x16xf32, #tpu.memory_space<vmem>>, vector<16xf32>,
    %add3A_227 = arith.addf %add3A_222, %get3A_226 : vector<16xf32>
    %swap3A_228 = arith.constant 272 : index
    %swap3A_229 = tpu.vector_load %arg18[%swap3A_228] {strides = array<i32>} : memref<1020xf32, #tpu.memory_space<vmem>>, vector<16xf32>,
    tpu.vector_store %arg18[%swap3A_228], %add3A_227 {strides = array<i32>} : memref<1020xf32, #tpu.memory_space<vmem>>, vector<16xf32>,
    %get3A_230 = arith.constant 12 : i32
    %get3A_231 = arith.index_cast %get3A_230 : i32 to index
    %get3A_232 = arith.constant 0 : index
    %get3A_233 = tpu.vector_load %arg17[%get3A_231, %get3A_232] {strides = array<i32>} : memref<13x16xf32, #tpu.memory_space<vmem>>, vector<16xf32>,
    %add3A_234 = arith.addf %add3A_222, %get3A_233 : vector<16xf32>
    %swap3A_235 = arith.constant 289 : index
    %swap3A_236 = tpu.vector_load %arg18[%swap3A_235] {strides = array<i32>} : memref<1020xf32, #tpu.memory_space<vmem>>, vector<16xf32>,
    tpu.vector_store %arg18[%swap3A_235], %add3A_234 {strides = array<i32>} : memref<1020xf32, #tpu.memory_space<vmem>>, vector<16xf32>,
    %get3A_237 = arith.constant 8 : i32
    %get3A_238 = arith.index_cast %get3A_237 : i32 to index
    %get3A_239 = arith.constant 0 : index
    %get3A_240 = tpu.vector_load %arg17[%get3A_238, %get3A_239] {strides = array<i32>} : memref<13x16xf32, #tpu.memory_space<vmem>>, vector<16xf32>,
    %add3A_241 = arith.addf %get3A_179, %get3A_240 : vector<16xf32>
    %get3A_242 = arith.constant 11 : i32
    %get3A_243 = arith.index_cast %get3A_242 : i32 to index
    %get3A_244 = arith.constant 0 : index
    %get3A_245 = tpu.vector_load %arg17[%get3A_243, %get3A_244] {strides = array<i32>} : memref<13x16xf32, #tpu.memory_space<vmem>>, vector<16xf32>,
    %add3A_246 = arith.addf %add3A_241, %get3A_245 : vector<16xf32>
    %swap3A_247 = arith.constant 306 : index
    %swap3A_248 = tpu.vector_load %arg18[%swap3A_247] {strides = array<i32>} : memref<1020xf32, #tpu.memory_space<vmem>>, vector<16xf32>,
    tpu.vector_store %arg18[%swap3A_247], %add3A_246 {strides = array<i32>} : memref<1020xf32, #tpu.memory_space<vmem>>, vector<16xf32>,
    %get3A_249 = arith.constant 12 : i32
    %get3A_250 = arith.index_cast %get3A_249 : i32 to index
    %get3A_251 = arith.constant 0 : index
    %get3A_252 = tpu.vector_load %arg17[%get3A_250, %get3A_251] {strides = array<i32>} : memref<13x16xf32, #tpu.memory_space<vmem>>, vector<16xf32>,
    %add3A_253 = arith.addf %add3A_241, %get3A_252 : vector<16xf32>
    %swap3A_254 = arith.constant 323 : index
    %swap3A_255 = tpu.vector_load %arg18[%swap3A_254] {strides = array<i32>} : memref<1020xf32, #tpu.memory_space<vmem>>, vector<16xf32>,
    tpu.vector_store %arg18[%swap3A_254], %add3A_253 {strides = array<i32>} : memref<1020xf32, #tpu.memory_space<vmem>>, vector<16xf32>,
    %get3A_256 = arith.constant 9 : i32
    %get3A_257 = arith.index_cast %get3A_256 : i32 to index
    %get3A_258 = arith.constant 0 : index
    %get3A_259 = tpu.vector_load %arg17[%get3A_257, %get3A_258] {strides = array<i32>} : memref<13x16xf32, #tpu.memory_space<vmem>>, vector<16xf32>,
    %add3A_260 = arith.addf %get3A_179, %get3A_259 : vector<16xf32>
    %get3A_261 = arith.constant 11 : i32
    %get3A_262 = arith.index_cast %get3A_261 : i32 to index
    %get3A_263 = arith.constant 0 : index
    %get3A_264 = tpu.vector_load %arg17[%get3A_262, %get3A_263] {strides = array<i32>} : memref<13x16xf32, #tpu.memory_space<vmem>>, vector<16xf32>,
    %add3A_265 = arith.addf %add3A_260, %get3A_264 : vector<16xf32>
    %swap3A_266 = arith.constant 340 : index
    %swap3A_267 = tpu.vector_load %arg18[%swap3A_266] {strides = array<i32>} : memref<1020xf32, #tpu.memory_space<vmem>>, vector<16xf32>,
    tpu.vector_store %arg18[%swap3A_266], %add3A_265 {strides = array<i32>} : memref<1020xf32, #tpu.memory_space<vmem>>, vector<16xf32>,
    %get3A_268 = arith.constant 12 : i32
    %get3A_269 = arith.index_cast %get3A_268 : i32 to index
    %get3A_270 = arith.constant 0 : index
    %get3A_271 = tpu.vector_load %arg17[%get3A_269, %get3A_270] {strides = array<i32>} : memref<13x16xf32, #tpu.memory_space<vmem>>, vector<16xf32>,
    %add3A_272 = arith.addf %add3A_260, %get3A_271 : vector<16xf32>
    %swap3A_273 = arith.constant 357 : index
    %swap3A_274 = tpu.vector_load %arg18[%swap3A_273] {strides = array<i32>} : memref<1020xf32, #tpu.memory_space<vmem>>, vector<16xf32>,
    tpu.vector_store %arg18[%swap3A_273], %add3A_272 {strides = array<i32>} : memref<1020xf32, #tpu.memory_space<vmem>>, vector<16xf32>,
    %get3A_275 = arith.constant 10 : i32
    %get3A_276 = arith.index_cast %get3A_275 : i32 to index
    %get3A_277 = arith.constant 0 : index
    %get3A_278 = tpu.vector_load %arg17[%get3A_276, %get3A_277] {strides = array<i32>} : memref<13x16xf32, #tpu.memory_space<vmem>>, vector<16xf32>,
    %add3A_279 = arith.addf %get3A_179, %get3A_278 : vector<16xf32>
    %get3A_280 = arith.constant 11 : i32
    %get3A_281 = arith.index_cast %get3A_280 : i32 to index
    %get3A_282 = arith.constant 0 : index
    %get3A_283 = tpu.vector_load %arg17[%get3A_281, %get3A_282] {strides = array<i32>} : memref<13x16xf32, #tpu.memory_space<vmem>>, vector<16xf32>,
    %add3A_284 = arith.addf %add3A_279, %get3A_283 : vector<16xf32>
    %swap3A_285 = arith.constant 374 : index
    %swap3A_286 = tpu.vector_load %arg18[%swap3A_285] {strides = array<i32>} : memref<1020xf32, #tpu.memory_space<vmem>>, vector<16xf32>,
    tpu.vector_store %arg18[%swap3A_285], %add3A_284 {strides = array<i32>} : memref<1020xf32, #tpu.memory_space<vmem>>, vector<16xf32>,
    %get3A_287 = arith.constant 12 : i32
    %get3A_288 = arith.index_cast %get3A_287 : i32 to index
    %get3A_289 = arith.constant 0 : index
    %get3A_290 = tpu.vector_load %arg17[%get3A_288, %get3A_289] {strides = array<i32>} : memref<13x16xf32, #tpu.memory_space<vmem>>, vector<16xf32>,
    %add3A_291 = arith.addf %add3A_279, %get3A_290 : vector<16xf32>
    %swap3A_292 = arith.constant 391 : index
    %swap3A_293 = tpu.vector_load %arg18[%swap3A_292] {strides = array<i32>} : memref<1020xf32, #tpu.memory_space<vmem>>, vector<16xf32>,
    tpu.vector_store %arg18[%swap3A_292], %add3A_291 {strides = array<i32>} : memref<1020xf32, #tpu.memory_space<vmem>>, vector<16xf32>,
    %get3A_294 = arith.constant 2 : i32
    %get3A_295 = arith.index_cast %get3A_294 : i32 to index
    %get3A_296 = arith.constant 0 : index
    %get3A_297 = tpu.vector_load %arg17[%get3A_295, %get3A_296] {strides = array<i32>} : memref<13x16xf32, #tpu.memory_space<vmem>>, vector<16xf32>,
    %get3A_298 = arith.constant 5 : i32
    %get3A_299 = arith.index_cast %get3A_298 : i32 to index
    %get3A_300 = arith.constant 0 : index
    %get3A_301 = tpu.vector_load %arg17[%get3A_299, %get3A_300] {strides = array<i32>} : memref<13x16xf32, #tpu.memory_space<vmem>>, vector<16xf32>,
    %add3A_302 = arith.addf %get3A_297, %get3A_301 : vector<16xf32>
    %get3A_303 = arith.constant 11 : i32
    %get3A_304 = arith.index_cast %get3A_303 : i32 to index
    %get3A_305 = arith.constant 0 : index
    %get3A_306 = tpu.vector_load %arg17[%get3A_304, %get3A_305] {strides = array<i32>} : memref<13x16xf32, #tpu.memory_space<vmem>>, vector<16xf32>,
    %add3A_307 = arith.addf %add3A_302, %get3A_306 : vector<16xf32>
    %swap3A_308 = arith.constant 408 : index
    %swap3A_309 = tpu.vector_load %arg18[%swap3A_308] {strides = array<i32>} : memref<1020xf32, #tpu.memory_space<vmem>>, vector<16xf32>,
    tpu.vector_store %arg18[%swap3A_308], %add3A_307 {strides = array<i32>} : memref<1020xf32, #tpu.memory_space<vmem>>, vector<16xf32>,
    %get3A_310 = arith.constant 12 : i32
    %get3A_311 = arith.index_cast %get3A_310 : i32 to index
    %get3A_312 = arith.constant 0 : index
    %get3A_313 = tpu.vector_load %arg17[%get3A_311, %get3A_312] {strides = array<i32>} : memref<13x16xf32, #tpu.memory_space<vmem>>, vector<16xf32>,
    %add3A_314 = arith.addf %add3A_302, %get3A_313 : vector<16xf32>
    %swap3A_315 = arith.constant 425 : index
    %swap3A_316 = tpu.vector_load %arg18[%swap3A_315] {strides = array<i32>} : memref<1020xf32, #tpu.memory_space<vmem>>, vector<16xf32>,
    tpu.vector_store %arg18[%swap3A_315], %add3A_314 {strides = array<i32>} : memref<1020xf32, #tpu.memory_space<vmem>>, vector<16xf32>,
    %get3A_317 = arith.constant 6 : i32
    %get3A_318 = arith.index_cast %get3A_317 : i32 to index
    %get3A_319 = arith.constant 0 : index
    %get3A_320 = tpu.vector_load %arg17[%get3A_318, %get3A_319] {strides = array<i32>} : memref<13x16xf32, #tpu.memory_space<vmem>>, vector<16xf32>,
    %add3A_321 = arith.addf %get3A_297, %get3A_320 : vector<16xf32>
    %get3A_322 = arith.constant 11 : i32
    %get3A_323 = arith.index_cast %get3A_322 : i32 to index
    %get3A_324 = arith.constant 0 : index
    %get3A_325 = tpu.vector_load %arg17[%get3A_323, %get3A_324] {strides = array<i32>} : memref<13x16xf32, #tpu.memory_space<vmem>>, vector<16xf32>,
    %add3A_326 = arith.addf %add3A_321, %get3A_325 : vector<16xf32>
    %swap3A_327 = arith.constant 442 : index
    %swap3A_328 = tpu.vector_load %arg18[%swap3A_327] {strides = array<i32>} : memref<1020xf32, #tpu.memory_space<vmem>>, vector<16xf32>,
    tpu.vector_store %arg18[%swap3A_327], %add3A_326 {strides = array<i32>} : memref<1020xf32, #tpu.memory_space<vmem>>, vector<16xf32>,
    %get3A_329 = arith.constant 12 : i32
    %get3A_330 = arith.index_cast %get3A_329 : i32 to index
    %get3A_331 = arith.constant 0 : index
    %get3A_332 = tpu.vector_load %arg17[%get3A_330, %get3A_331] {strides = array<i32>} : memref<13x16xf32, #tpu.memory_space<vmem>>, vector<16xf32>,
    %add3A_333 = arith.addf %add3A_321, %get3A_332 : vector<16xf32>
    %swap3A_334 = arith.constant 459 : index
    %swap3A_335 = tpu.vector_load %arg18[%swap3A_334] {strides = array<i32>} : memref<1020xf32, #tpu.memory_space<vmem>>, vector<16xf32>,
    tpu.vector_store %arg18[%swap3A_334], %add3A_333 {strides = array<i32>} : memref<1020xf32, #tpu.memory_space<vmem>>, vector<16xf32>,
    %get3A_336 = arith.constant 7 : i32
    %get3A_337 = arith.index_cast %get3A_336 : i32 to index
    %get3A_338 = arith.constant 0 : index
    %get3A_339 = tpu.vector_load %arg17[%get3A_337, %get3A_338] {strides = array<i32>} : memref<13x16xf32, #tpu.memory_space<vmem>>, vector<16xf32>,
    %add3A_340 = arith.addf %get3A_297, %get3A_339 : vector<16xf32>
    %get3A_341 = arith.constant 11 : i32
    %get3A_342 = arith.index_cast %get3A_341 : i32 to index
    %get3A_343 = arith.constant 0 : index
    %get3A_344 = tpu.vector_load %arg17[%get3A_342, %get3A_343] {strides = array<i32>} : memref<13x16xf32, #tpu.memory_space<vmem>>, vector<16xf32>,
    %add3A_345 = arith.addf %add3A_340, %get3A_344 : vector<16xf32>
    %swap3A_346 = arith.constant 476 : index
    %swap3A_347 = tpu.vector_load %arg18[%swap3A_346] {strides = array<i32>} : memref<1020xf32, #tpu.memory_space<vmem>>, vector<16xf32>,
    tpu.vector_store %arg18[%swap3A_346], %add3A_345 {strides = array<i32>} : memref<1020xf32, #tpu.memory_space<vmem>>, vector<16xf32>,
    %get3A_348 = arith.constant 12 : i32
    %get3A_349 = arith.index_cast %get3A_348 : i32 to index
    %get3A_350 = arith.constant 0 : index
    %get3A_351 = tpu.vector_load %arg17[%get3A_349, %get3A_350] {strides = array<i32>} : memref<13x16xf32, #tpu.memory_space<vmem>>, vector<16xf32>,
    %add3A_352 = arith.addf %add3A_340, %get3A_351 : vector<16xf32>
    %swap3A_353 = arith.constant 493 : index
    %swap3A_354 = tpu.vector_load %arg18[%swap3A_353] {strides = array<i32>} : memref<1020xf32, #tpu.memory_space<vmem>>, vector<16xf32>,
    tpu.vector_store %arg18[%swap3A_353], %add3A_352 {strides = array<i32>} : memref<1020xf32, #tpu.memory_space<vmem>>, vector<16xf32>,
    %get3A_355 = arith.constant 8 : i32
    %get3A_356 = arith.index_cast %get3A_355 : i32 to index
    %get3A_357 = arith.constant 0 : index
    %get3A_358 = tpu.vector_load %arg17[%get3A_356, %get3A_357] {strides = array<i32>} : memref<13x16xf32, #tpu.memory_space<vmem>>, vector<16xf32>,
    %add3A_359 = arith.addf %get3A_297, %get3A_358 : vector<16xf32>
    %get3A_360 = arith.constant 11 : i32
    %get3A_361 = arith.index_cast %get3A_360 : i32 to index
    %get3A_362 = arith.constant 0 : index
    %get3A_363 = tpu.vector_load %arg17[%get3A_361, %get3A_362] {strides = array<i32>} : memref<13x16xf32, #tpu.memory_space<vmem>>, vector<16xf32>,
    %add3A_364 = arith.addf %add3A_359, %get3A_363 : vector<16xf32>
    %swap3A_365 = arith.constant 510 : index
    %swap3A_366 = tpu.vector_load %arg18[%swap3A_365] {strides = array<i32>} : memref<1020xf32, #tpu.memory_space<vmem>>, vector<16xf32>,
    tpu.vector_store %arg18[%swap3A_365], %add3A_364 {strides = array<i32>} : memref<1020xf32, #tpu.memory_space<vmem>>, vector<16xf32>,
    %get3A_367 = arith.constant 12 : i32
    %get3A_368 = arith.index_cast %get3A_367 : i32 to index
    %get3A_369 = arith.constant 0 : index
    %get3A_370 = tpu.vector_load %arg17[%get3A_368, %get3A_369] {strides = array<i32>} : memref<13x16xf32, #tpu.memory_space<vmem>>, vector<16xf32>,
    %add3A_371 = arith.addf %add3A_359, %get3A_370 : vector<16xf32>
    %swap3A_372 = arith.constant 527 : index
    %swap3A_373 = tpu.vector_load %arg18[%swap3A_372] {strides = array<i32>} : memref<1020xf32, #tpu.memory_space<vmem>>, vector<16xf32>,
    tpu.vector_store %arg18[%swap3A_372], %add3A_371 {strides = array<i32>} : memref<1020xf32, #tpu.memory_space<vmem>>, vector<16xf32>,
    %get3A_374 = arith.constant 9 : i32
    %get3A_375 = arith.index_cast %get3A_374 : i32 to index
    %get3A_376 = arith.constant 0 : index
    %get3A_377 = tpu.vector_load %arg17[%get3A_375, %get3A_376] {strides = array<i32>} : memref<13x16xf32, #tpu.memory_space<vmem>>, vector<16xf32>,
    %add3A_378 = arith.addf %get3A_297, %get3A_377 : vector<16xf32>
    %get3A_379 = arith.constant 11 : i32
    %get3A_380 = arith.index_cast %get3A_379 : i32 to index
    %get3A_381 = arith.constant 0 : index
    %get3A_382 = tpu.vector_load %arg17[%get3A_380, %get3A_381] {strides = array<i32>} : memref<13x16xf32, #tpu.memory_space<vmem>>, vector<16xf32>,
    %add3A_383 = arith.addf %add3A_378, %get3A_382 : vector<16xf32>
    %swap3A_384 = arith.constant 544 : index
    %swap3A_385 = tpu.vector_load %arg18[%swap3A_384] {strides = array<i32>} : memref<1020xf32, #tpu.memory_space<vmem>>, vector<16xf32>,
    tpu.vector_store %arg18[%swap3A_384], %add3A_383 {strides = array<i32>} : memref<1020xf32, #tpu.memory_space<vmem>>, vector<16xf32>,
    %get3A_386 = arith.constant 12 : i32
    %get3A_387 = arith.index_cast %get3A_386 : i32 to index
    %get3A_388 = arith.constant 0 : index
    %get3A_389 = tpu.vector_load %arg17[%get3A_387, %get3A_388] {strides = array<i32>} : memref<13x16xf32, #tpu.memory_space<vmem>>, vector<16xf32>,
    %add3A_390 = arith.addf %add3A_378, %get3A_389 : vector<16xf32>
    %swap3A_391 = arith.constant 561 : index
    %swap3A_392 = tpu.vector_load %arg18[%swap3A_391] {strides = array<i32>} : memref<1020xf32, #tpu.memory_space<vmem>>, vector<16xf32>,
    tpu.vector_store %arg18[%swap3A_391], %add3A_390 {strides = array<i32>} : memref<1020xf32, #tpu.memory_space<vmem>>, vector<16xf32>,
    %get3A_393 = arith.constant 10 : i32
    %get3A_394 = arith.index_cast %get3A_393 : i32 to index
    %get3A_395 = arith.constant 0 : index
    %get3A_396 = tpu.vector_load %arg17[%get3A_394, %get3A_395] {strides = array<i32>} : memref<13x16xf32, #tpu.memory_space<vmem>>, vector<16xf32>,
    %add3A_397 = arith.addf %get3A_297, %get3A_396 : vector<16xf32>
    %get3A_398 = arith.constant 11 : i32
    %get3A_399 = arith.index_cast %get3A_398 : i32 to index
    %get3A_400 = arith.constant 0 : index
    %get3A_401 = tpu.vector_load %arg17[%get3A_399, %get3A_400] {strides = array<i32>} : memref<13x16xf32, #tpu.memory_space<vmem>>, vector<16xf32>,
    %add3A_402 = arith.addf %add3A_397, %get3A_401 : vector<16xf32>
    %swap3A_403 = arith.constant 578 : index
    %swap3A_404 = tpu.vector_load %arg18[%swap3A_403] {strides = array<i32>} : memref<1020xf32, #tpu.memory_space<vmem>>, vector<16xf32>,
    tpu.vector_store %arg18[%swap3A_403], %add3A_402 {strides = array<i32>} : memref<1020xf32, #tpu.memory_space<vmem>>, vector<16xf32>,
    %get3A_405 = arith.constant 12 : i32
    %get3A_406 = arith.index_cast %get3A_405 : i32 to index
    %get3A_407 = arith.constant 0 : index
    %get3A_408 = tpu.vector_load %arg17[%get3A_406, %get3A_407] {strides = array<i32>} : memref<13x16xf32, #tpu.memory_space<vmem>>, vector<16xf32>,
    %add3A_409 = arith.addf %add3A_397, %get3A_408 : vector<16xf32>
    %swap3A_410 = arith.constant 595 : index
    %swap3A_411 = tpu.vector_load %arg18[%swap3A_410] {strides = array<i32>} : memref<1020xf32, #tpu.memory_space<vmem>>, vector<16xf32>,
    tpu.vector_store %arg18[%swap3A_410], %add3A_409 {strides = array<i32>} : memref<1020xf32, #tpu.memory_space<vmem>>, vector<16xf32>,
    %get3A_412 = arith.constant 3 : i32
    %get3A_413 = arith.index_cast %get3A_412 : i32 to index
    %get3A_414 = arith.constant 0 : index
    %get3A_415 = tpu.vector_load %arg17[%get3A_413, %get3A_414] {strides = array<i32>} : memref<13x16xf32, #tpu.memory_space<vmem>>, vector<16xf32>,
    %get3A_416 = arith.constant 5 : i32
    %get3A_417 = arith.index_cast %get3A_416 : i32 to index
    %get3A_418 = arith.constant 0 : index
    %get3A_419 = tpu.vector_load %arg17[%get3A_417, %get3A_418] {strides = array<i32>} : memref<13x16xf32, #tpu.memory_space<vmem>>, vector<16xf32>,
    %add3A_420 = arith.addf %get3A_415, %get3A_419 : vector<16xf32>
    %get3A_421 = arith.constant 11 : i32
    %get3A_422 = arith.index_cast %get3A_421 : i32 to index
    %get3A_423 = arith.constant 0 : index
    %get3A_424 = tpu.vector_load %arg17[%get3A_422, %get3A_423] {strides = array<i32>} : memref<13x16xf32, #tpu.memory_space<vmem>>, vector<16xf32>,
    %add3A_425 = arith.addf %add3A_420, %get3A_424 : vector<16xf32>
    %swap3A_426 = arith.constant 612 : index
    %swap3A_427 = tpu.vector_load %arg18[%swap3A_426] {strides = array<i32>} : memref<1020xf32, #tpu.memory_space<vmem>>, vector<16xf32>,
    tpu.vector_store %arg18[%swap3A_426], %add3A_425 {strides = array<i32>} : memref<1020xf32, #tpu.memory_space<vmem>>, vector<16xf32>,
    %get3A_428 = arith.constant 12 : i32
    %get3A_429 = arith.index_cast %get3A_428 : i32 to index
    %get3A_430 = arith.constant 0 : index
    %get3A_431 = tpu.vector_load %arg17[%get3A_429, %get3A_430] {strides = array<i32>} : memref<13x16xf32, #tpu.memory_space<vmem>>, vector<16xf32>,
    %add3A_432 = arith.addf %add3A_420, %get3A_431 : vector<16xf32>
    %swap3A_433 = arith.constant 629 : index
    %swap3A_434 = tpu.vector_load %arg18[%swap3A_433] {strides = array<i32>} : memref<1020xf32, #tpu.memory_space<vmem>>, vector<16xf32>,
    tpu.vector_store %arg18[%swap3A_433], %add3A_432 {strides = array<i32>} : memref<1020xf32, #tpu.memory_space<vmem>>, vector<16xf32>,
    %get3A_435 = arith.constant 6 : i32
    %get3A_436 = arith.index_cast %get3A_435 : i32 to index
    %get3A_437 = arith.constant 0 : index
    %get3A_438 = tpu.vector_load %arg17[%get3A_436, %get3A_437] {strides = array<i32>} : memref<13x16xf32, #tpu.memory_space<vmem>>, vector<16xf32>,
    %add3A_439 = arith.addf %get3A_415, %get3A_438 : vector<16xf32>
    %get3A_440 = arith.constant 11 : i32
    %get3A_441 = arith.index_cast %get3A_440 : i32 to index
    %get3A_442 = arith.constant 0 : index
    %get3A_443 = tpu.vector_load %arg17[%get3A_441, %get3A_442] {strides = array<i32>} : memref<13x16xf32, #tpu.memory_space<vmem>>, vector<16xf32>,
    %add3A_444 = arith.addf %add3A_439, %get3A_443 : vector<16xf32>
    %swap3A_445 = arith.constant 646 : index
    %swap3A_446 = tpu.vector_load %arg18[%swap3A_445] {strides = array<i32>} : memref<1020xf32, #tpu.memory_space<vmem>>, vector<16xf32>,
    tpu.vector_store %arg18[%swap3A_445], %add3A_444 {strides = array<i32>} : memref<1020xf32, #tpu.memory_space<vmem>>, vector<16xf32>,
    %get3A_447 = arith.constant 12 : i32
    %get3A_448 = arith.index_cast %get3A_447 : i32 to index
    %get3A_449 = arith.constant 0 : index
    %get3A_450 = tpu.vector_load %arg17[%get3A_448, %get3A_449] {strides = array<i32>} : memref<13x16xf32, #tpu.memory_space<vmem>>, vector<16xf32>,
    %add3A_451 = arith.addf %add3A_439, %get3A_450 : vector<16xf32>
    %swap3A_452 = arith.constant 663 : index
    %swap3A_453 = tpu.vector_load %arg18[%swap3A_452] {strides = array<i32>} : memref<1020xf32, #tpu.memory_space<vmem>>, vector<16xf32>,
    tpu.vector_store %arg18[%swap3A_452], %add3A_451 {strides = array<i32>} : memref<1020xf32, #tpu.memory_space<vmem>>, vector<16xf32>,
    %get3A_454 = arith.constant 7 : i32
    %get3A_455 = arith.index_cast %get3A_454 : i32 to index
    %get3A_456 = arith.constant 0 : index
    %get3A_457 = tpu.vector_load %arg17[%get3A_455, %get3A_456] {strides = array<i32>} : memref<13x16xf32, #tpu.memory_space<vmem>>, vector<16xf32>,
    %add3A_458 = arith.addf %get3A_415, %get3A_457 : vector<16xf32>
    %get3A_459 = arith.constant 11 : i32
    %get3A_460 = arith.index_cast %get3A_459 : i32 to index
    %get3A_461 = arith.constant 0 : index
    %get3A_462 = tpu.vector_load %arg17[%get3A_460, %get3A_461] {strides = array<i32>} : memref<13x16xf32, #tpu.memory_space<vmem>>, vector<16xf32>,
    %add3A_463 = arith.addf %add3A_458, %get3A_462 : vector<16xf32>
    %swap3A_464 = arith.constant 680 : index
    %swap3A_465 = tpu.vector_load %arg18[%swap3A_464] {strides = array<i32>} : memref<1020xf32, #tpu.memory_space<vmem>>, vector<16xf32>,
    tpu.vector_store %arg18[%swap3A_464], %add3A_463 {strides = array<i32>} : memref<1020xf32, #tpu.memory_space<vmem>>, vector<16xf32>,
    %get3A_466 = arith.constant 12 : i32
    %get3A_467 = arith.index_cast %get3A_466 : i32 to index
    %get3A_468 = arith.constant 0 : index
    %get3A_469 = tpu.vector_load %arg17[%get3A_467, %get3A_468] {strides = array<i32>} : memref<13x16xf32, #tpu.memory_space<vmem>>, vector<16xf32>,
    %add3A_470 = arith.addf %add3A_458, %get3A_469 : vector<16xf32>
    %swap3A_471 = arith.constant 697 : index
    %swap3A_472 = tpu.vector_load %arg18[%swap3A_471] {strides = array<i32>} : memref<1020xf32, #tpu.memory_space<vmem>>, vector<16xf32>,
    tpu.vector_store %arg18[%swap3A_471], %add3A_470 {strides = array<i32>} : memref<1020xf32, #tpu.memory_space<vmem>>, vector<16xf32>,
    %get3A_473 = arith.constant 8 : i32
    %get3A_474 = arith.index_cast %get3A_473 : i32 to index
    %get3A_475 = arith.constant 0 : index
    %get3A_476 = tpu.vector_load %arg17[%get3A_474, %get3A_475] {strides = array<i32>} : memref<13x16xf32, #tpu.memory_space<vmem>>, vector<16xf32>,
    %add3A_477 = arith.addf %get3A_415, %get3A_476 : vector<16xf32>
    %get3A_478 = arith.constant 11 : i32
    %get3A_479 = arith.index_cast %get3A_478 : i32 to index
    %get3A_480 = arith.constant 0 : index
    %get3A_481 = tpu.vector_load %arg17[%get3A_479, %get3A_480] {strides = array<i32>} : memref<13x16xf32, #tpu.memory_space<vmem>>, vector<16xf32>,
    %add3A_482 = arith.addf %add3A_477, %get3A_481 : vector<16xf32>
    %swap3A_483 = arith.constant 714 : index
    %swap3A_484 = tpu.vector_load %arg18[%swap3A_483] {strides = array<i32>} : memref<1020xf32, #tpu.memory_space<vmem>>, vector<16xf32>,
    tpu.vector_store %arg18[%swap3A_483], %add3A_482 {strides = array<i32>} : memref<1020xf32, #tpu.memory_space<vmem>>, vector<16xf32>,
    %get3A_485 = arith.constant 12 : i32
    %get3A_486 = arith.index_cast %get3A_485 : i32 to index
    %get3A_487 = arith.constant 0 : index
    %get3A_488 = tpu.vector_load %arg17[%get3A_486, %get3A_487] {strides = array<i32>} : memref<13x16xf32, #tpu.memory_space<vmem>>, vector<16xf32>,
    %add3A_489 = arith.addf %add3A_477, %get3A_488 : vector<16xf32>
    %swap3A_490 = arith.constant 731 : index
    %swap3A_491 = tpu.vector_load %arg18[%swap3A_490] {strides = array<i32>} : memref<1020xf32, #tpu.memory_space<vmem>>, vector<16xf32>,
    tpu.vector_store %arg18[%swap3A_490], %add3A_489 {strides = array<i32>} : memref<1020xf32, #tpu.memory_space<vmem>>, vector<16xf32>,
    %get3A_492 = arith.constant 9 : i32
    %get3A_493 = arith.index_cast %get3A_492 : i32 to index
    %get3A_494 = arith.constant 0 : index
    %get3A_495 = tpu.vector_load %arg17[%get3A_493, %get3A_494] {strides = array<i32>} : memref<13x16xf32, #tpu.memory_space<vmem>>, vector<16xf32>,
    %add3A_496 = arith.addf %get3A_415, %get3A_495 : vector<16xf32>
    %get3A_497 = arith.constant 11 : i32
    %get3A_498 = arith.index_cast %get3A_497 : i32 to index
    %get3A_499 = arith.constant 0 : index
    %get3A_500 = tpu.vector_load %arg17[%get3A_498, %get3A_499] {strides = array<i32>} : memref<13x16xf32, #tpu.memory_space<vmem>>, vector<16xf32>,
    %add3A_501 = arith.addf %add3A_496, %get3A_500 : vector<16xf32>
    %swap3A_502 = arith.constant 748 : index
    %swap3A_503 = tpu.vector_load %arg18[%swap3A_502] {strides = array<i32>} : memref<1020xf32, #tpu.memory_space<vmem>>, vector<16xf32>,
    tpu.vector_store %arg18[%swap3A_502], %add3A_501 {strides = array<i32>} : memref<1020xf32, #tpu.memory_space<vmem>>, vector<16xf32>,
    %get3A_504 = arith.constant 12 : i32
    %get3A_505 = arith.index_cast %get3A_504 : i32 to index
    %get3A_506 = arith.constant 0 : index
    %get3A_507 = tpu.vector_load %arg17[%get3A_505, %get3A_506] {strides = array<i32>} : memref<13x16xf32, #tpu.memory_space<vmem>>, vector<16xf32>,
    %add3A_508 = arith.addf %add3A_496, %get3A_507 : vector<16xf32>
    %swap3A_509 = arith.constant 765 : index
    %swap3A_510 = tpu.vector_load %arg18[%swap3A_509] {strides = array<i32>} : memref<1020xf32, #tpu.memory_space<vmem>>, vector<16xf32>,
    tpu.vector_store %arg18[%swap3A_509], %add3A_508 {strides = array<i32>} : memref<1020xf32, #tpu.memory_space<vmem>>, vector<16xf32>,
    %get3A_511 = arith.constant 10 : i32
    %get3A_512 = arith.index_cast %get3A_511 : i32 to index
    %get3A_513 = arith.constant 0 : index
    %get3A_514 = tpu.vector_load %arg17[%get3A_512, %get3A_513] {strides = array<i32>} : memref<13x16xf32, #tpu.memory_space<vmem>>, vector<16xf32>,
    %add3A_515 = arith.addf %get3A_415, %get3A_514 : vector<16xf32>
    %get3A_516 = arith.constant 11 : i32
    %get3A_517 = arith.index_cast %get3A_516 : i32 to index
    %get3A_518 = arith.constant 0 : index
    %get3A_519 = tpu.vector_load %arg17[%get3A_517, %get3A_518] {strides = array<i32>} : memref<13x16xf32, #tpu.memory_space<vmem>>, vector<16xf32>,
    %add3A_520 = arith.addf %add3A_515, %get3A_519 : vector<16xf32>
    %swap3A_521 = arith.constant 782 : index
    %swap3A_522 = tpu.vector_load %arg18[%swap3A_521] {strides = array<i32>} : memref<1020xf32, #tpu.memory_space<vmem>>, vector<16xf32>,
    tpu.vector_store %arg18[%swap3A_521], %add3A_520 {strides = array<i32>} : memref<1020xf32, #tpu.memory_space<vmem>>, vector<16xf32>,
    %get3A_523 = arith.constant 12 : i32
    %get3A_524 = arith.index_cast %get3A_523 : i32 to index
    %get3A_525 = arith.constant 0 : index
    %get3A_526 = tpu.vector_load %arg17[%get3A_524, %get3A_525] {strides = array<i32>} : memref<13x16xf32, #tpu.memory_space<vmem>>, vector<16xf32>,
    %add3A_527 = arith.addf %add3A_515, %get3A_526 : vector<16xf32>
    %swap3A_528 = arith.constant 799 : index
    %swap3A_529 = tpu.vector_load %arg18[%swap3A_528] {strides = array<i32>} : memref<1020xf32, #tpu.memory_space<vmem>>, vector<16xf32>,
    tpu.vector_store %arg18[%swap3A_528], %add3A_527 {strides = array<i32>} : memref<1020xf32, #tpu.memory_space<vmem>>, vector<16xf32>,
    %get3A_530 = arith.constant 4 : i32
    %get3A_531 = arith.index_cast %get3A_530 : i32 to index
    %get3A_532 = arith.constant 0 : index
    %get3A_533 = tpu.vector_load %arg17[%get3A_531, %get3A_532] {strides = array<i32>} : memref<13x16xf32, #tpu.memory_space<vmem>>, vector<16xf32>,
    %get3A_534 = arith.constant 5 : i32
    %get3A_535 = arith.index_cast %get3A_534 : i32 to index
    %get3A_536 = arith.constant 0 : index
    %get3A_537 = tpu.vector_load %arg17[%get3A_535, %get3A_536] {strides = array<i32>} : memref<13x16xf32, #tpu.memory_space<vmem>>, vector<16xf32>,
    %add3A_538 = arith.addf %get3A_533, %get3A_537 : vector<16xf32>
    %get3A_539 = arith.constant 11 : i32
    %get3A_540 = arith.index_cast %get3A_539 : i32 to index
    %get3A_541 = arith.constant 0 : index
    %get3A_542 = tpu.vector_load %arg17[%get3A_540, %get3A_541] {strides = array<i32>} : memref<13x16xf32, #tpu.memory_space<vmem>>, vector<16xf32>,
    %add3A_543 = arith.addf %add3A_538, %get3A_542 : vector<16xf32>
    %swap3A_544 = arith.constant 816 : index
    %swap3A_545 = tpu.vector_load %arg18[%swap3A_544] {strides = array<i32>} : memref<1020xf32, #tpu.memory_space<vmem>>, vector<16xf32>,
    tpu.vector_store %arg18[%swap3A_544], %add3A_543 {strides = array<i32>} : memref<1020xf32, #tpu.memory_space<vmem>>, vector<16xf32>,
    %get3A_546 = arith.constant 12 : i32
    %get3A_547 = arith.index_cast %get3A_546 : i32 to index
    %get3A_548 = arith.constant 0 : index
    %get3A_549 = tpu.vector_load %arg17[%get3A_547, %get3A_548] {strides = array<i32>} : memref<13x16xf32, #tpu.memory_space<vmem>>, vector<16xf32>,
    %add3A_550 = arith.addf %add3A_538, %get3A_549 : vector<16xf32>
    %swap3A_551 = arith.constant 833 : index
    %swap3A_552 = tpu.vector_load %arg18[%swap3A_551] {strides = array<i32>} : memref<1020xf32, #tpu.memory_space<vmem>>, vector<16xf32>,
    tpu.vector_store %arg18[%swap3A_551], %add3A_550 {strides = array<i32>} : memref<1020xf32, #tpu.memory_space<vmem>>, vector<16xf32>,
    %get3A_553 = arith.constant 6 : i32
    %get3A_554 = arith.index_cast %get3A_553 : i32 to index
    %get3A_555 = arith.constant 0 : index
    %get3A_556 = tpu.vector_load %arg17[%get3A_554, %get3A_555] {strides = array<i32>} : memref<13x16xf32, #tpu.memory_space<vmem>>, vector<16xf32>,
    %add3A_557 = arith.addf %get3A_533, %get3A_556 : vector<16xf32>
    %get3A_558 = arith.constant 11 : i32
    %get3A_559 = arith.index_cast %get3A_558 : i32 to index
    %get3A_560 = arith.constant 0 : index
    %get3A_561 = tpu.vector_load %arg17[%get3A_559, %get3A_560] {strides = array<i32>} : memref<13x16xf32, #tpu.memory_space<vmem>>, vector<16xf32>,
    %add3A_562 = arith.addf %add3A_557, %get3A_561 : vector<16xf32>
    %swap3A_563 = arith.constant 850 : index
    %swap3A_564 = tpu.vector_load %arg18[%swap3A_563] {strides = array<i32>} : memref<1020xf32, #tpu.memory_space<vmem>>, vector<16xf32>,
    tpu.vector_store %arg18[%swap3A_563], %add3A_562 {strides = array<i32>} : memref<1020xf32, #tpu.memory_space<vmem>>, vector<16xf32>,
    %get3A_565 = arith.constant 12 : i32
    %get3A_566 = arith.index_cast %get3A_565 : i32 to index
    %get3A_567 = arith.constant 0 : index
    %get3A_568 = tpu.vector_load %arg17[%get3A_566, %get3A_567] {strides = array<i32>} : memref<13x16xf32, #tpu.memory_space<vmem>>, vector<16xf32>,
    %add3A_569 = arith.addf %add3A_557, %get3A_568 : vector<16xf32>
    %swap3A_570 = arith.constant 867 : index
    %swap3A_571 = tpu.vector_load %arg18[%swap3A_570] {strides = array<i32>} : memref<1020xf32, #tpu.memory_space<vmem>>, vector<16xf32>,
    tpu.vector_store %arg18[%swap3A_570], %add3A_569 {strides = array<i32>} : memref<1020xf32, #tpu.memory_space<vmem>>, vector<16xf32>,
    %get3A_572 = arith.constant 7 : i32
    %get3A_573 = arith.index_cast %get3A_572 : i32 to index
    %get3A_574 = arith.constant 0 : index
    %get3A_575 = tpu.vector_load %arg17[%get3A_573, %get3A_574] {strides = array<i32>} : memref<13x16xf32, #tpu.memory_space<vmem>>, vector<16xf32>,
    %add3A_576 = arith.addf %get3A_533, %get3A_575 : vector<16xf32>
    %get3A_577 = arith.constant 11 : i32
    %get3A_578 = arith.index_cast %get3A_577 : i32 to index
    %get3A_579 = arith.constant 0 : index
    %get3A_580 = tpu.vector_load %arg17[%get3A_578, %get3A_579] {strides = array<i32>} : memref<13x16xf32, #tpu.memory_space<vmem>>, vector<16xf32>,
    %add3A_581 = arith.addf %add3A_576, %get3A_580 : vector<16xf32>
    %swap3A_582 = arith.constant 884 : index
    %swap3A_583 = tpu.vector_load %arg18[%swap3A_582] {strides = array<i32>} : memref<1020xf32, #tpu.memory_space<vmem>>, vector<16xf32>,
    tpu.vector_store %arg18[%swap3A_582], %add3A_581 {strides = array<i32>} : memref<1020xf32, #tpu.memory_space<vmem>>, vector<16xf32>,
    %get3A_584 = arith.constant 12 : i32
    %get3A_585 = arith.index_cast %get3A_584 : i32 to index
    %get3A_586 = arith.constant 0 : index
    %get3A_587 = tpu.vector_load %arg17[%get3A_585, %get3A_586] {strides = array<i32>} : memref<13x16xf32, #tpu.memory_space<vmem>>, vector<16xf32>,
    %add3A_588 = arith.addf %add3A_576, %get3A_587 : vector<16xf32>
    %swap3A_589 = arith.constant 901 : index
    %swap3A_590 = tpu.vector_load %arg18[%swap3A_589] {strides = array<i32>} : memref<1020xf32, #tpu.memory_space<vmem>>, vector<16xf32>,
    tpu.vector_store %arg18[%swap3A_589], %add3A_588 {strides = array<i32>} : memref<1020xf32, #tpu.memory_space<vmem>>, vector<16xf32>,
    %get3A_591 = arith.constant 8 : i32
    %get3A_592 = arith.index_cast %get3A_591 : i32 to index
    %get3A_593 = arith.constant 0 : index
    %get3A_594 = tpu.vector_load %arg17[%get3A_592, %get3A_593] {strides = array<i32>} : memref<13x16xf32, #tpu.memory_space<vmem>>, vector<16xf32>,
    %add3A_595 = arith.addf %get3A_533, %get3A_594 : vector<16xf32>
    %get3A_596 = arith.constant 11 : i32
    %get3A_597 = arith.index_cast %get3A_596 : i32 to index
    %get3A_598 = arith.constant 0 : index
    %get3A_599 = tpu.vector_load %arg17[%get3A_597, %get3A_598] {strides = array<i32>} : memref<13x16xf32, #tpu.memory_space<vmem>>, vector<16xf32>,
    %add3A_600 = arith.addf %add3A_595, %get3A_599 : vector<16xf32>
    %swap3A_601 = arith.constant 918 : index
    %swap3A_602 = tpu.vector_load %arg18[%swap3A_601] {strides = array<i32>} : memref<1020xf32, #tpu.memory_space<vmem>>, vector<16xf32>,
    tpu.vector_store %arg18[%swap3A_601], %add3A_600 {strides = array<i32>} : memref<1020xf32, #tpu.memory_space<vmem>>, vector<16xf32>,
    %get3A_603 = arith.constant 12 : i32
    %get3A_604 = arith.index_cast %get3A_603 : i32 to index
    %get3A_605 = arith.constant 0 : index
    %get3A_606 = tpu.vector_load %arg17[%get3A_604, %get3A_605] {strides = array<i32>} : memref<13x16xf32, #tpu.memory_space<vmem>>, vector<16xf32>,
    %add3A_607 = arith.addf %add3A_595, %get3A_606 : vector<16xf32>
    %swap3A_608 = arith.constant 935 : index
    %swap3A_609 = tpu.vector_load %arg18[%swap3A_608] {strides = array<i32>} : memref<1020xf32, #tpu.memory_space<vmem>>, vector<16xf32>,
    tpu.vector_store %arg18[%swap3A_608], %add3A_607 {strides = array<i32>} : memref<1020xf32, #tpu.memory_space<vmem>>, vector<16xf32>,
    %get3A_610 = arith.constant 9 : i32
    %get3A_611 = arith.index_cast %get3A_610 : i32 to index
    %get3A_612 = arith.constant 0 : index
    %get3A_613 = tpu.vector_load %arg17[%get3A_611, %get3A_612] {strides = array<i32>} : memref<13x16xf32, #tpu.memory_space<vmem>>, vector<16xf32>,
    %add3A_614 = arith.addf %get3A_533, %get3A_613 : vector<16xf32>
    %get3A_615 = arith.constant 11 : i32
    %get3A_616 = arith.index_cast %get3A_615 : i32 to index
    %get3A_617 = arith.constant 0 : index
    %get3A_618 = tpu.vector_load %arg17[%get3A_616, %get3A_617] {strides = array<i32>} : memref<13x16xf32, #tpu.memory_space<vmem>>, vector<16xf32>,
    %add3A_619 = arith.addf %add3A_614, %get3A_618 : vector<16xf32>
    %swap3A_620 = arith.constant 952 : index
    %swap3A_621 = tpu.vector_load %arg18[%swap3A_620] {strides = array<i32>} : memref<1020xf32, #tpu.memory_space<vmem>>, vector<16xf32>,
    tpu.vector_store %arg18[%swap3A_620], %add3A_619 {strides = array<i32>} : memref<1020xf32, #tpu.memory_space<vmem>>, vector<16xf32>,
    %get3A_622 = arith.constant 12 : i32
    %get3A_623 = arith.index_cast %get3A_622 : i32 to index
    %get3A_624 = arith.constant 0 : index
    %get3A_625 = tpu.vector_load %arg17[%get3A_623, %get3A_624] {strides = array<i32>} : memref<13x16xf32, #tpu.memory_space<vmem>>, vector<16xf32>,
    %add3A_626 = arith.addf %add3A_614, %get3A_625 : vector<16xf32>
    %swap3A_627 = arith.constant 969 : index
    %swap3A_628 = tpu.vector_load %arg18[%swap3A_627] {strides = array<i32>} : memref<1020xf32, #tpu.memory_space<vmem>>, vector<16xf32>,
    tpu.vector_store %arg18[%swap3A_627], %add3A_626 {strides = array<i32>} : memref<1020xf32, #tpu.memory_space<vmem>>, vector<16xf32>,
    %get3A_629 = arith.constant 10 : i32
    %get3A_630 = arith.index_cast %get3A_629 : i32 to index
    %get3A_631 = arith.constant 0 : index
    %get3A_632 = tpu.vector_load %arg17[%get3A_630, %get3A_631] {strides = array<i32>} : memref<13x16xf32, #tpu.memory_space<vmem>>, vector<16xf32>,
    %add3A_633 = arith.addf %get3A_533, %get3A_632 : vector<16xf32>
    %get3A_634 = arith.constant 11 : i32
    %get3A_635 = arith.index_cast %get3A_634 : i32 to index
    %get3A_636 = arith.constant 0 : index
    %get3A_637 = tpu.vector_load %arg17[%get3A_635, %get3A_636] {strides = array<i32>} : memref<13x16xf32, #tpu.memory_space<vmem>>, vector<16xf32>,
    %add3A_638 = arith.addf %add3A_633, %get3A_637 : vector<16xf32>
    %swap3A_639 = arith.constant 986 : index
    %swap3A_640 = tpu.vector_load %arg18[%swap3A_639] {strides = array<i32>} : memref<1020xf32, #tpu.memory_space<vmem>>, vector<16xf32>,
    tpu.vector_store %arg18[%swap3A_639], %add3A_638 {strides = array<i32>} : memref<1020xf32, #tpu.memory_space<vmem>>, vector<16xf32>,
    %get3A_641 = arith.constant 12 : i32
    %get3A_642 = arith.index_cast %get3A_641 : i32 to index
    %get3A_643 = arith.constant 0 : index
    %get3A_644 = tpu.vector_load %arg17[%get3A_642, %get3A_643] {strides = array<i32>} : memref<13x16xf32, #tpu.memory_space<vmem>>, vector<16xf32>,
    %add3A_645 = arith.addf %add3A_633, %get3A_644 : vector<16xf32>
    %swap3A_646 = arith.constant 1003 : index
    %swap3A_647 = tpu.vector_load %arg18[%swap3A_646] {strides = array<i32>} : memref<1020xf32, #tpu.memory_space<vmem>>, vector<16xf32>,
    tpu.vector_store %arg18[%swap3A_646], %add3A_645 {strides = array<i32>} : memref<1020xf32, #tpu.memory_space<vmem>>, vector<16xf32>,
    %scan3A = arith.constant 0 : i32
    %scan3A_648 = arith.constant 0 : i32
    %scan3A_649 = arith.constant 27 : i32
    %scan3A_650 = arith.addi %scan3A_648, %scan3A_649 : i32
    %scan3A_651 = arith.constant 1 : i32
    scf.for %scan3A_812 = %scan3A_648 to %scan3A_650 step %scan3A_651  : i32 {
      %mul3A_813 = arith.constant 3 : i32
      %mul3A_814 = arith.muli %mul3A_813, %scan3A_812 : i32
      %add3A_815 = arith.constant 0 : i32
      %add3A_816 = arith.addi %mul3A_814, %add3A_815 : i32
      %mul3A_817 = arith.constant 32 : i32
      %mul3A_818 = arith.muli %mul3A_817, %add3A_816 : i32
      %add3A_819 = arith.addi %add3A, %mul3A_818 : i32
      %lt3A_820 = arith.constant 2500 : i32
      %lt3A_821 = arith.cmpi slt, %add3A_819, %lt3A_820 : i32
      %convert_element_type3A = arith.extui %lt3A_821 : i1 to i32
      %cond3A = arith.constant 0 : i32
      %cond3A_822 = arith.cmpi ne, %convert_element_type3A, %cond3A : i32
      scf.if %cond3A_822 {
        %mul3A_847 = arith.constant 1280 : i32
        %mul3A_848 = arith.muli %add3A_819, %mul3A_847 : i32
        %mul3A_849 = arith.constant 1280 : i32
        %mul3A_850 = arith.muli %add3A_819, %mul3A_849 : i32
        %mul3A_851 = arith.constant 1280 : i32
        %mul3A_852 = arith.muli %add3A_819, %mul3A_851 : i32
        %dma_wait3A_853 = arith.constant 0 : i32
        %dma_wait3A_854 = tpu.memref_slice %arg2[%dma_wait3A_853, %mul3A_848] : memref<3x3200000xi32, #tpu.memory_space<hbm>> -> memref<1x1280xi32, #tpu.memory_space<hbm>>
        %dma_wait3A_855 = arith.constant 0 : i32
        %dma_wait3A_856 = tpu.memref_slice %arg2[%dma_wait3A_855, %mul3A_848] : memref<3x3200000xi32, #tpu.memory_space<hbm>> -> memref<1x1280xi32, #tpu.memory_space<hbm>>
        tpu.wait_dma2 semaphore(%arg19 : memref<!tpu.dma_semaphore, #tpu.memory_space<semaphore_mem>>) src(%dma_wait3A_856 : memref<1x1280xi32, #tpu.memory_space<hbm>>) dst(%arg5 : memref<1x1280xi32, #tpu.memory_space<vmem>>)
        %dma_wait3A_857 = arith.constant 1 : i32
        %dma_wait3A_858 = tpu.memref_slice %arg2[%dma_wait3A_857, %mul3A_850] : memref<3x3200000xi32, #tpu.memory_space<hbm>> -> memref<1x1280xi32, #tpu.memory_space<hbm>>
        %dma_wait3A_859 = arith.constant 1 : i32
        %dma_wait3A_860 = tpu.memref_slice %arg2[%dma_wait3A_859, %mul3A_850] : memref<3x3200000xi32, #tpu.memory_space<hbm>> -> memref<1x1280xi32, #tpu.memory_space<hbm>>
        tpu.wait_dma2 semaphore(%arg19 : memref<!tpu.dma_semaphore, #tpu.memory_space<semaphore_mem>>) src(%dma_wait3A_860 : memref<1x1280xi32, #tpu.memory_space<hbm>>) dst(%arg6 : memref<1x1280xi32, #tpu.memory_space<vmem>>)
        %dma_wait3A_861 = arith.constant 2 : i32
        %dma_wait3A_862 = tpu.memref_slice %arg2[%dma_wait3A_861, %mul3A_852] : memref<3x3200000xi32, #tpu.memory_space<hbm>> -> memref<1x1280xi32, #tpu.memory_space<hbm>>
        %dma_wait3A_863 = arith.constant 2 : i32
        %dma_wait3A_864 = tpu.memref_slice %arg2[%dma_wait3A_863, %mul3A_852] : memref<3x3200000xi32, #tpu.memory_space<hbm>> -> memref<1x1280xi32, #tpu.memory_space<hbm>>
        tpu.wait_dma2 semaphore(%arg19 : memref<!tpu.dma_semaphore, #tpu.memory_space<semaphore_mem>>) src(%dma_wait3A_864 : memref<1x1280xi32, #tpu.memory_space<hbm>>) dst(%arg7 : memref<1x1280xi32, #tpu.memory_space<vmem>>)
        %gt3A = arith.constant 0 : i32
        %gt3A_865 = arith.cmpi sgt, %scan3A_812, %gt3A : i32
        %convert_element_type3A_866 = arith.extui %gt3A_865 : i1 to i32
        %cond3A_867 = arith.constant 0 : i32
        %cond3A_868 = arith.cmpi ne, %convert_element_type3A_866, %cond3A_867 : i32
        scf.if %cond3A_868 {
          %sub3A_902 = arith.constant 96 : i32
          %sub3A_903 = arith.subi %add3A_819, %sub3A_902 : i32
          %mul3A_904 = arith.constant 10 : i32
          %mul3A_905 = arith.muli %sub3A_903, %mul3A_904 : i32
          %mul3A_906 = arith.constant 1024 : i32
          %mul3A_907 = arith.muli %mul3A_905, %mul3A_906 : i32
          %add3A_908 = arith.constant 0 : i32
          %add3A_909 = arith.addi %add3A_908, %mul3A_907 : i32
          %mul3A_910 = arith.constant 10 : i32
          %mul3A_911 = arith.muli %sub3A_903, %mul3A_910 : i32
          %mul3A_912 = arith.constant 1024 : i32
          %mul3A_913 = arith.muli %mul3A_911, %mul3A_912 : i32
          %add3A_914 = arith.constant 25600000 : i32
          %add3A_915 = arith.addi %add3A_914, %mul3A_913 : i32
          %dma_wait3A_916 = arith.constant 0 : i32
          %dma_wait3A_917 = tpu.memref_slice %arg14[%dma_wait3A_916] : memref<20480xf32, #tpu.memory_space<vmem>> -> memref<10240xf32, #tpu.memory_space<vmem>>
          %dma_wait3A_918 = tpu.memref_slice %arg4[%add3A_909] : memref<51200000xf32, #tpu.memory_space<hbm>> -> memref<10240xf32, #tpu.memory_space<hbm>>
          %dma_wait3A_919 = tpu.memref_slice %arg4[%add3A_909] : memref<51200000xf32, #tpu.memory_space<hbm>> -> memref<10240xf32, #tpu.memory_space<hbm>>
          %dma_wait3A_920 = arith.constant 0 : i32
          %dma_wait3A_921 = tpu.memref_slice %arg14[%dma_wait3A_920] : memref<20480xf32, #tpu.memory_space<vmem>> -> memref<10240xf32, #tpu.memory_space<vmem>>
          tpu.wait_dma2 semaphore(%arg22 : memref<!tpu.dma_semaphore, #tpu.memory_space<semaphore_mem>>) src(%dma_wait3A_921 : memref<10240xf32, #tpu.memory_space<vmem>>) dst(%dma_wait3A_919 : memref<10240xf32, #tpu.memory_space<hbm>>)
          %dma_wait3A_922 = arith.constant 10240 : i32
          %dma_wait3A_923 = tpu.memref_slice %arg14[%dma_wait3A_922] : memref<20480xf32, #tpu.memory_space<vmem>> -> memref<10240xf32, #tpu.memory_space<vmem>>
          %dma_wait3A_924 = tpu.memref_slice %arg4[%add3A_915] : memref<51200000xf32, #tpu.memory_space<hbm>> -> memref<10240xf32, #tpu.memory_space<hbm>>
          %dma_wait3A_925 = tpu.memref_slice %arg4[%add3A_915] : memref<51200000xf32, #tpu.memory_space<hbm>> -> memref<10240xf32, #tpu.memory_space<hbm>>
          %dma_wait3A_926 = arith.constant 10240 : i32
          %dma_wait3A_927 = tpu.memref_slice %arg14[%dma_wait3A_926] : memref<20480xf32, #tpu.memory_space<vmem>> -> memref<10240xf32, #tpu.memory_space<vmem>>
          tpu.wait_dma2 semaphore(%arg22 : memref<!tpu.dma_semaphore, #tpu.memory_space<semaphore_mem>>) src(%dma_wait3A_927 : memref<10240xf32, #tpu.memory_space<vmem>>) dst(%dma_wait3A_925 : memref<10240xf32, #tpu.memory_space<hbm>>)
        } else {
        }
        %parallel_loop3A = arith.constant 0 : i32
        %parallel_loop3A_869 = arith.constant 10 : i32
        %parallel_loop3A_870 = arith.constant 1 : i32
        scf.for %parallel_loop3A_902 = %parallel_loop3A to %parallel_loop3A_869 step %parallel_loop3A_870  : i32 {
          %parallel_loop3A_903 = arith.constant 128 : i32
          %parallel_loop3A_904 = arith.muli %parallel_loop3A_902, %parallel_loop3A_903 : i32
          %parallel_loop3A_905 = arith.constant 1024 : i32
          %parallel_loop3A_906 = arith.muli %parallel_loop3A_902, %parallel_loop3A_905 : i32
          %parallel_loop3A_907 = arith.constant 0 : i32
          %parallel_loop3A_908 = arith.constant 8 : i32
          %parallel_loop3A_909 = arith.constant 1 : i32
          scf.for %parallel_loop3A_910 = %parallel_loop3A_907 to %parallel_loop3A_908 step %parallel_loop3A_909  : i32 {
            %parallel_loop3A_911 = arith.constant 16 : i32
            %parallel_loop3A_912 = arith.muli %parallel_loop3A_910, %parallel_loop3A_911 : i32
            %parallel_loop3A_913 = arith.addi %parallel_loop3A_904, %parallel_loop3A_912 : i32
            %parallel_loop3A_914 = arith.constant 0 : i32
            %parallel_loop3A_915 = arith.index_cast %parallel_loop3A_914 : i32 to index
            %parallel_loop3A_916 = arith.index_cast %parallel_loop3A_913 : i32 to index
            %parallel_loop3A_917 = tpu.vector_load %arg5[%parallel_loop3A_915, %parallel_loop3A_916] {strides = array<i32>} : memref<1x1280xi32, #tpu.memory_space<vmem>>, vector<16xi32>,
            %parallel_loop3A_918 = arith.addi %parallel_loop3A_904, %parallel_loop3A_912 : i32
            %parallel_loop3A_919 = arith.constant 0 : i32
            %parallel_loop3A_920 = arith.index_cast %parallel_loop3A_919 : i32 to index
            %parallel_loop3A_921 = arith.index_cast %parallel_loop3A_918 : i32 to index
            %parallel_loop3A_922 = tpu.vector_load %arg6[%parallel_loop3A_920, %parallel_loop3A_921] {strides = array<i32>} : memref<1x1280xi32, #tpu.memory_space<vmem>>, vector<16xi32>,
            %parallel_loop3A_923 = arith.addi %parallel_loop3A_904, %parallel_loop3A_912 : i32
            %parallel_loop3A_924 = arith.constant 0 : i32
            %parallel_loop3A_925 = arith.index_cast %parallel_loop3A_924 : i32 to index
            %parallel_loop3A_926 = arith.index_cast %parallel_loop3A_923 : i32 to index
            %parallel_loop3A_927 = tpu.vector_load %arg7[%parallel_loop3A_925, %parallel_loop3A_926] {strides = array<i32>} : memref<1x1280xi32, #tpu.memory_space<vmem>>, vector<16xi32>,
            %parallel_loop3A_928 = arith.constant 204 : i32
            %parallel_loop3A_929 = vector.broadcast %parallel_loop3A_928 : i32 to vector<16xi32>
            %parallel_loop3A_930 = arith.muli %parallel_loop3A_917, %parallel_loop3A_929 : vector<16xi32>
            %parallel_loop3A_931 = arith.constant 34 : i32
            %parallel_loop3A_932 = vector.broadcast %parallel_loop3A_931 : i32 to vector<16xi32>
            %parallel_loop3A_933 = arith.muli %parallel_loop3A_922, %parallel_loop3A_932 : vector<16xi32>
            %parallel_loop3A_934 = arith.addi %parallel_loop3A_930, %parallel_loop3A_933 : vector<16xi32>
            %parallel_loop3A_935 = arith.constant 17 : i32
            %parallel_loop3A_936 = vector.broadcast %parallel_loop3A_935 : i32 to vector<16xi32>
            %parallel_loop3A_937 = arith.muli %parallel_loop3A_927, %parallel_loop3A_936 : vector<16xi32>
            %parallel_loop3A_938 = arith.addi %parallel_loop3A_934, %parallel_loop3A_937 : vector<16xi32>
            %parallel_loop3A_939 = arith.constant 0 : i32
            %parallel_loop3A_940 = vector.broadcast %parallel_loop3A_939 : i32 to vector<16xi32>
            %parallel_loop3A_941 = arith.addi %parallel_loop3A_938, %parallel_loop3A_940 : vector<16xi32>
            %parallel_loop3A_942 = tpu.vector_load_idx %arg18[%parallel_loop3A_941] : memref<1020xf32, #tpu.memory_space<vmem>>[vector<16xi32>], vector<16xf32>,
            %parallel_loop3A_943 = arith.constant 1 : i32
            %parallel_loop3A_944 = vector.broadcast %parallel_loop3A_943 : i32 to vector<16xi32>
            %parallel_loop3A_945 = arith.addi %parallel_loop3A_938, %parallel_loop3A_944 : vector<16xi32>
            %parallel_loop3A_946 = tpu.vector_load_idx %arg18[%parallel_loop3A_945] : memref<1020xf32, #tpu.memory_space<vmem>>[vector<16xi32>], vector<16xf32>,
            %parallel_loop3A_947 = arith.constant 2 : i32
            %parallel_loop3A_948 = vector.broadcast %parallel_loop3A_947 : i32 to vector<16xi32>
            %parallel_loop3A_949 = arith.addi %parallel_loop3A_938, %parallel_loop3A_948 : vector<16xi32>
            %parallel_loop3A_950 = tpu.vector_load_idx %arg18[%parallel_loop3A_949] : memref<1020xf32, #tpu.memory_space<vmem>>[vector<16xi32>], vector<16xf32>,
            %parallel_loop3A_951 = arith.constant 3 : i32
            %parallel_loop3A_952 = vector.broadcast %parallel_loop3A_951 : i32 to vector<16xi32>
            %parallel_loop3A_953 = arith.addi %parallel_loop3A_938, %parallel_loop3A_952 : vector<16xi32>
            %parallel_loop3A_954 = tpu.vector_load_idx %arg18[%parallel_loop3A_953] : memref<1020xf32, #tpu.memory_space<vmem>>[vector<16xi32>], vector<16xf32>,
            %parallel_loop3A_955 = arith.constant 4 : i32
            %parallel_loop3A_956 = vector.broadcast %parallel_loop3A_955 : i32 to vector<16xi32>
            %parallel_loop3A_957 = arith.addi %parallel_loop3A_938, %parallel_loop3A_956 : vector<16xi32>
            %parallel_loop3A_958 = tpu.vector_load_idx %arg18[%parallel_loop3A_957] : memref<1020xf32, #tpu.memory_space<vmem>>[vector<16xi32>], vector<16xf32>,
            %parallel_loop3A_959 = arith.constant 5 : i32
            %parallel_loop3A_960 = vector.broadcast %parallel_loop3A_959 : i32 to vector<16xi32>
            %parallel_loop3A_961 = arith.addi %parallel_loop3A_938, %parallel_loop3A_960 : vector<16xi32>
            %parallel_loop3A_962 = tpu.vector_load_idx %arg18[%parallel_loop3A_961] : memref<1020xf32, #tpu.memory_space<vmem>>[vector<16xi32>], vector<16xf32>,
            %parallel_loop3A_963 = arith.constant 6 : i32
            %parallel_loop3A_964 = vector.broadcast %parallel_loop3A_963 : i32 to vector<16xi32>
            %parallel_loop3A_965 = arith.addi %parallel_loop3A_938, %parallel_loop3A_964 : vector<16xi32>
            %parallel_loop3A_966 = tpu.vector_load_idx %arg18[%parallel_loop3A_965] : memref<1020xf32, #tpu.memory_space<vmem>>[vector<16xi32>], vector<16xf32>,
            %parallel_loop3A_967 = arith.constant 7 : i32
            %parallel_loop3A_968 = vector.broadcast %parallel_loop3A_967 : i32 to vector<16xi32>
            %parallel_loop3A_969 = arith.addi %parallel_loop3A_938, %parallel_loop3A_968 : vector<16xi32>
            %parallel_loop3A_970 = tpu.vector_load_idx %arg18[%parallel_loop3A_969] : memref<1020xf32, #tpu.memory_space<vmem>>[vector<16xi32>], vector<16xf32>,
            %parallel_loop3A_971 = arith.constant 8 : i32
            %parallel_loop3A_972 = vector.broadcast %parallel_loop3A_971 : i32 to vector<16xi32>
            %parallel_loop3A_973 = arith.addi %parallel_loop3A_938, %parallel_loop3A_972 : vector<16xi32>
            %parallel_loop3A_974 = tpu.vector_load_idx %arg18[%parallel_loop3A_973] : memref<1020xf32, #tpu.memory_space<vmem>>[vector<16xi32>], vector<16xf32>,
            %parallel_loop3A_975 = arith.constant 9 : i32
            %parallel_loop3A_976 = vector.broadcast %parallel_loop3A_975 : i32 to vector<16xi32>
            %parallel_loop3A_977 = arith.addi %parallel_loop3A_938, %parallel_loop3A_976 : vector<16xi32>
            %parallel_loop3A_978 = tpu.vector_load_idx %arg18[%parallel_loop3A_977] : memref<1020xf32, #tpu.memory_space<vmem>>[vector<16xi32>], vector<16xf32>,
            %parallel_loop3A_979 = arith.constant 10 : i32
            %parallel_loop3A_980 = vector.broadcast %parallel_loop3A_979 : i32 to vector<16xi32>
            %parallel_loop3A_981 = arith.addi %parallel_loop3A_938, %parallel_loop3A_980 : vector<16xi32>
            %parallel_loop3A_982 = tpu.vector_load_idx %arg18[%parallel_loop3A_981] : memref<1020xf32, #tpu.memory_space<vmem>>[vector<16xi32>], vector<16xf32>,
            %parallel_loop3A_983 = arith.constant 11 : i32
            %parallel_loop3A_984 = vector.broadcast %parallel_loop3A_983 : i32 to vector<16xi32>
            %parallel_loop3A_985 = arith.addi %parallel_loop3A_938, %parallel_loop3A_984 : vector<16xi32>
            %parallel_loop3A_986 = tpu.vector_load_idx %arg18[%parallel_loop3A_985] : memref<1020xf32, #tpu.memory_space<vmem>>[vector<16xi32>], vector<16xf32>,
            %parallel_loop3A_987 = arith.constant 12 : i32
            %parallel_loop3A_988 = vector.broadcast %parallel_loop3A_987 : i32 to vector<16xi32>
            %parallel_loop3A_989 = arith.addi %parallel_loop3A_938, %parallel_loop3A_988 : vector<16xi32>
            %parallel_loop3A_990 = tpu.vector_load_idx %arg18[%parallel_loop3A_989] : memref<1020xf32, #tpu.memory_space<vmem>>[vector<16xi32>], vector<16xf32>,
            %parallel_loop3A_991 = arith.constant 13 : i32
            %parallel_loop3A_992 = vector.broadcast %parallel_loop3A_991 : i32 to vector<16xi32>
            %parallel_loop3A_993 = arith.addi %parallel_loop3A_938, %parallel_loop3A_992 : vector<16xi32>
            %parallel_loop3A_994 = tpu.vector_load_idx %arg18[%parallel_loop3A_993] : memref<1020xf32, #tpu.memory_space<vmem>>[vector<16xi32>], vector<16xf32>,
            %parallel_loop3A_995 = arith.constant 14 : i32
            %parallel_loop3A_996 = vector.broadcast %parallel_loop3A_995 : i32 to vector<16xi32>
            %parallel_loop3A_997 = arith.addi %parallel_loop3A_938, %parallel_loop3A_996 : vector<16xi32>
            %parallel_loop3A_998 = tpu.vector_load_idx %arg18[%parallel_loop3A_997] : memref<1020xf32, #tpu.memory_space<vmem>>[vector<16xi32>], vector<16xf32>,
            %parallel_loop3A_999 = arith.constant 15 : i32
            %parallel_loop3A_1000 = vector.broadcast %parallel_loop3A_999 : i32 to vector<16xi32>
            %parallel_loop3A_1001 = arith.addi %parallel_loop3A_938, %parallel_loop3A_1000 : vector<16xi32>
            %parallel_loop3A_1002 = tpu.vector_load_idx %arg18[%parallel_loop3A_1001] : memref<1020xf32, #tpu.memory_space<vmem>>[vector<16xi32>], vector<16xf32>,
            %parallel_loop3A_1003 = arith.constant 0 : i32
            %parallel_loop3A_1004 = arith.addi %parallel_loop3A_1003, %parallel_loop3A_906 : i32
            %parallel_loop3A_1005 = arith.constant 0 : i32
            %parallel_loop3A_1006 = arith.addi %parallel_loop3A_1004, %parallel_loop3A_1005 : i32
            %parallel_loop3A_1007 = arith.addi %parallel_loop3A_1006, %parallel_loop3A_912 : i32
            %parallel_loop3A_1008 = arith.index_cast %parallel_loop3A_1007 : i32 to index
            %parallel_loop3A_1009 = tpu.vector_load %arg14[%parallel_loop3A_1008] {strides = array<i32>} : memref<20480xf32, #tpu.memory_space<vmem>>, vector<16xf32>,
            tpu.vector_store %arg14[%parallel_loop3A_1008], %parallel_loop3A_942 {strides = array<i32>} : memref<20480xf32, #tpu.memory_space<vmem>>, vector<16xf32>,
            %parallel_loop3A_1010 = arith.constant 0 : i32
            %parallel_loop3A_1011 = arith.addi %parallel_loop3A_1010, %parallel_loop3A_906 : i32
            %parallel_loop3A_1012 = arith.constant 128 : i32
            %parallel_loop3A_1013 = arith.addi %parallel_loop3A_1011, %parallel_loop3A_1012 : i32
            %parallel_loop3A_1014 = arith.addi %parallel_loop3A_1013, %parallel_loop3A_912 : i32
            %parallel_loop3A_1015 = arith.index_cast %parallel_loop3A_1014 : i32 to index
            %parallel_loop3A_1016 = tpu.vector_load %arg14[%parallel_loop3A_1015] {strides = array<i32>} : memref<20480xf32, #tpu.memory_space<vmem>>, vector<16xf32>,
            tpu.vector_store %arg14[%parallel_loop3A_1015], %parallel_loop3A_946 {strides = array<i32>} : memref<20480xf32, #tpu.memory_space<vmem>>, vector<16xf32>,
            %parallel_loop3A_1017 = arith.constant 0 : i32
            %parallel_loop3A_1018 = arith.addi %parallel_loop3A_1017, %parallel_loop3A_906 : i32
            %parallel_loop3A_1019 = arith.constant 256 : i32
            %parallel_loop3A_1020 = arith.addi %parallel_loop3A_1018, %parallel_loop3A_1019 : i32
            %parallel_loop3A_1021 = arith.addi %parallel_loop3A_1020, %parallel_loop3A_912 : i32
            %parallel_loop3A_1022 = arith.index_cast %parallel_loop3A_1021 : i32 to index
            %parallel_loop3A_1023 = tpu.vector_load %arg14[%parallel_loop3A_1022] {strides = array<i32>} : memref<20480xf32, #tpu.memory_space<vmem>>, vector<16xf32>,
            tpu.vector_store %arg14[%parallel_loop3A_1022], %parallel_loop3A_950 {strides = array<i32>} : memref<20480xf32, #tpu.memory_space<vmem>>, vector<16xf32>,
            %parallel_loop3A_1024 = arith.constant 0 : i32
            %parallel_loop3A_1025 = arith.addi %parallel_loop3A_1024, %parallel_loop3A_906 : i32
            %parallel_loop3A_1026 = arith.constant 384 : i32
            %parallel_loop3A_1027 = arith.addi %parallel_loop3A_1025, %parallel_loop3A_1026 : i32
            %parallel_loop3A_1028 = arith.addi %parallel_loop3A_1027, %parallel_loop3A_912 : i32
            %parallel_loop3A_1029 = arith.index_cast %parallel_loop3A_1028 : i32 to index
            %parallel_loop3A_1030 = tpu.vector_load %arg14[%parallel_loop3A_1029] {strides = array<i32>} : memref<20480xf32, #tpu.memory_space<vmem>>, vector<16xf32>,
            tpu.vector_store %arg14[%parallel_loop3A_1029], %parallel_loop3A_954 {strides = array<i32>} : memref<20480xf32, #tpu.memory_space<vmem>>, vector<16xf32>,
            %parallel_loop3A_1031 = arith.constant 0 : i32
            %parallel_loop3A_1032 = arith.addi %parallel_loop3A_1031, %parallel_loop3A_906 : i32
            %parallel_loop3A_1033 = arith.constant 512 : i32
            %parallel_loop3A_1034 = arith.addi %parallel_loop3A_1032, %parallel_loop3A_1033 : i32
            %parallel_loop3A_1035 = arith.addi %parallel_loop3A_1034, %parallel_loop3A_912 : i32
            %parallel_loop3A_1036 = arith.index_cast %parallel_loop3A_1035 : i32 to index
            %parallel_loop3A_1037 = tpu.vector_load %arg14[%parallel_loop3A_1036] {strides = array<i32>} : memref<20480xf32, #tpu.memory_space<vmem>>, vector<16xf32>,
            tpu.vector_store %arg14[%parallel_loop3A_1036], %parallel_loop3A_958 {strides = array<i32>} : memref<20480xf32, #tpu.memory_space<vmem>>, vector<16xf32>,
            %parallel_loop3A_1038 = arith.constant 0 : i32
            %parallel_loop3A_1039 = arith.addi %parallel_loop3A_1038, %parallel_loop3A_906 : i32
            %parallel_loop3A_1040 = arith.constant 640 : i32
            %parallel_loop3A_1041 = arith.addi %parallel_loop3A_1039, %parallel_loop3A_1040 : i32
            %parallel_loop3A_1042 = arith.addi %parallel_loop3A_1041, %parallel_loop3A_912 : i32
            %parallel_loop3A_1043 = arith.index_cast %parallel_loop3A_1042 : i32 to index
            %parallel_loop3A_1044 = tpu.vector_load %arg14[%parallel_loop3A_1043] {strides = array<i32>} : memref<20480xf32, #tpu.memory_space<vmem>>, vector<16xf32>,
            tpu.vector_store %arg14[%parallel_loop3A_1043], %parallel_loop3A_962 {strides = array<i32>} : memref<20480xf32, #tpu.memory_space<vmem>>, vector<16xf32>,
            %parallel_loop3A_1045 = arith.constant 0 : i32
            %parallel_loop3A_1046 = arith.addi %parallel_loop3A_1045, %parallel_loop3A_906 : i32
            %parallel_loop3A_1047 = arith.constant 768 : i32
            %parallel_loop3A_1048 = arith.addi %parallel_loop3A_1046, %parallel_loop3A_1047 : i32
            %parallel_loop3A_1049 = arith.addi %parallel_loop3A_1048, %parallel_loop3A_912 : i32
            %parallel_loop3A_1050 = arith.index_cast %parallel_loop3A_1049 : i32 to index
            %parallel_loop3A_1051 = tpu.vector_load %arg14[%parallel_loop3A_1050] {strides = array<i32>} : memref<20480xf32, #tpu.memory_space<vmem>>, vector<16xf32>,
            tpu.vector_store %arg14[%parallel_loop3A_1050], %parallel_loop3A_966 {strides = array<i32>} : memref<20480xf32, #tpu.memory_space<vmem>>, vector<16xf32>,
            %parallel_loop3A_1052 = arith.constant 0 : i32
            %parallel_loop3A_1053 = arith.addi %parallel_loop3A_1052, %parallel_loop3A_906 : i32
            %parallel_loop3A_1054 = arith.constant 896 : i32
            %parallel_loop3A_1055 = arith.addi %parallel_loop3A_1053, %parallel_loop3A_1054 : i32
            %parallel_loop3A_1056 = arith.addi %parallel_loop3A_1055, %parallel_loop3A_912 : i32
            %parallel_loop3A_1057 = arith.index_cast %parallel_loop3A_1056 : i32 to index
            %parallel_loop3A_1058 = tpu.vector_load %arg14[%parallel_loop3A_1057] {strides = array<i32>} : memref<20480xf32, #tpu.memory_space<vmem>>, vector<16xf32>,
            tpu.vector_store %arg14[%parallel_loop3A_1057], %parallel_loop3A_970 {strides = array<i32>} : memref<20480xf32, #tpu.memory_space<vmem>>, vector<16xf32>,
            %parallel_loop3A_1059 = arith.constant 10240 : i32
            %parallel_loop3A_1060 = arith.addi %parallel_loop3A_1059, %parallel_loop3A_906 : i32
            %parallel_loop3A_1061 = arith.constant 0 : i32
            %parallel_loop3A_1062 = arith.addi %parallel_loop3A_1060, %parallel_loop3A_1061 : i32
            %parallel_loop3A_1063 = arith.addi %parallel_loop3A_1062, %parallel_loop3A_912 : i32
            %parallel_loop3A_1064 = arith.index_cast %parallel_loop3A_1063 : i32 to index
            %parallel_loop3A_1065 = tpu.vector_load %arg14[%parallel_loop3A_1064] {strides = array<i32>} : memref<20480xf32, #tpu.memory_space<vmem>>, vector<16xf32>,
            tpu.vector_store %arg14[%parallel_loop3A_1064], %parallel_loop3A_974 {strides = array<i32>} : memref<20480xf32, #tpu.memory_space<vmem>>, vector<16xf32>,
            %parallel_loop3A_1066 = arith.constant 10240 : i32
            %parallel_loop3A_1067 = arith.addi %parallel_loop3A_1066, %parallel_loop3A_906 : i32
            %parallel_loop3A_1068 = arith.constant 128 : i32
            %parallel_loop3A_1069 = arith.addi %parallel_loop3A_1067, %parallel_loop3A_1068 : i32
            %parallel_loop3A_1070 = arith.addi %parallel_loop3A_1069, %parallel_loop3A_912 : i32
            %parallel_loop3A_1071 = arith.index_cast %parallel_loop3A_1070 : i32 to index
            %parallel_loop3A_1072 = tpu.vector_load %arg14[%parallel_loop3A_1071] {strides = array<i32>} : memref<20480xf32, #tpu.memory_space<vmem>>, vector<16xf32>,
            tpu.vector_store %arg14[%parallel_loop3A_1071], %parallel_loop3A_978 {strides = array<i32>} : memref<20480xf32, #tpu.memory_space<vmem>>, vector<16xf32>,
            %parallel_loop3A_1073 = arith.constant 10240 : i32
            %parallel_loop3A_1074 = arith.addi %parallel_loop3A_1073, %parallel_loop3A_906 : i32
            %parallel_loop3A_1075 = arith.constant 256 : i32
            %parallel_loop3A_1076 = arith.addi %parallel_loop3A_1074, %parallel_loop3A_1075 : i32
            %parallel_loop3A_1077 = arith.addi %parallel_loop3A_1076, %parallel_loop3A_912 : i32
            %parallel_loop3A_1078 = arith.index_cast %parallel_loop3A_1077 : i32 to index
            %parallel_loop3A_1079 = tpu.vector_load %arg14[%parallel_loop3A_1078] {strides = array<i32>} : memref<20480xf32, #tpu.memory_space<vmem>>, vector<16xf32>,
            tpu.vector_store %arg14[%parallel_loop3A_1078], %parallel_loop3A_982 {strides = array<i32>} : memref<20480xf32, #tpu.memory_space<vmem>>, vector<16xf32>,
            %parallel_loop3A_1080 = arith.constant 10240 : i32
            %parallel_loop3A_1081 = arith.addi %parallel_loop3A_1080, %parallel_loop3A_906 : i32
            %parallel_loop3A_1082 = arith.constant 384 : i32
            %parallel_loop3A_1083 = arith.addi %parallel_loop3A_1081, %parallel_loop3A_1082 : i32
            %parallel_loop3A_1084 = arith.addi %parallel_loop3A_1083, %parallel_loop3A_912 : i32
            %parallel_loop3A_1085 = arith.index_cast %parallel_loop3A_1084 : i32 to index
            %parallel_loop3A_1086 = tpu.vector_load %arg14[%parallel_loop3A_1085] {strides = array<i32>} : memref<20480xf32, #tpu.memory_space<vmem>>, vector<16xf32>,
            tpu.vector_store %arg14[%parallel_loop3A_1085], %parallel_loop3A_986 {strides = array<i32>} : memref<20480xf32, #tpu.memory_space<vmem>>, vector<16xf32>,
            %parallel_loop3A_1087 = arith.constant 10240 : i32
            %parallel_loop3A_1088 = arith.addi %parallel_loop3A_1087, %parallel_loop3A_906 : i32
            %parallel_loop3A_1089 = arith.constant 512 : i32
            %parallel_loop3A_1090 = arith.addi %parallel_loop3A_1088, %parallel_loop3A_1089 : i32
            %parallel_loop3A_1091 = arith.addi %parallel_loop3A_1090, %parallel_loop3A_912 : i32
            %parallel_loop3A_1092 = arith.index_cast %parallel_loop3A_1091 : i32 to index
            %parallel_loop3A_1093 = tpu.vector_load %arg14[%parallel_loop3A_1092] {strides = array<i32>} : memref<20480xf32, #tpu.memory_space<vmem>>, vector<16xf32>,
            tpu.vector_store %arg14[%parallel_loop3A_1092], %parallel_loop3A_990 {strides = array<i32>} : memref<20480xf32, #tpu.memory_space<vmem>>, vector<16xf32>,
            %parallel_loop3A_1094 = arith.constant 10240 : i32
            %parallel_loop3A_1095 = arith.addi %parallel_loop3A_1094, %parallel_loop3A_906 : i32
            %parallel_loop3A_1096 = arith.constant 640 : i32
            %parallel_loop3A_1097 = arith.addi %parallel_loop3A_1095, %parallel_loop3A_1096 : i32
            %parallel_loop3A_1098 = arith.addi %parallel_loop3A_1097, %parallel_loop3A_912 : i32
            %parallel_loop3A_1099 = arith.index_cast %parallel_loop3A_1098 : i32 to index
            %parallel_loop3A_1100 = tpu.vector_load %arg14[%parallel_loop3A_1099] {strides = array<i32>} : memref<20480xf32, #tpu.memory_space<vmem>>, vector<16xf32>,
            tpu.vector_store %arg14[%parallel_loop3A_1099], %parallel_loop3A_994 {strides = array<i32>} : memref<20480xf32, #tpu.memory_space<vmem>>, vector<16xf32>,
            %parallel_loop3A_1101 = arith.constant 10240 : i32
            %parallel_loop3A_1102 = arith.addi %parallel_loop3A_1101, %parallel_loop3A_906 : i32
            %parallel_loop3A_1103 = arith.constant 768 : i32
            %parallel_loop3A_1104 = arith.addi %parallel_loop3A_1102, %parallel_loop3A_1103 : i32
            %parallel_loop3A_1105 = arith.addi %parallel_loop3A_1104, %parallel_loop3A_912 : i32
            %parallel_loop3A_1106 = arith.index_cast %parallel_loop3A_1105 : i32 to index
            %parallel_loop3A_1107 = tpu.vector_load %arg14[%parallel_loop3A_1106] {strides = array<i32>} : memref<20480xf32, #tpu.memory_space<vmem>>, vector<16xf32>,
            tpu.vector_store %arg14[%parallel_loop3A_1106], %parallel_loop3A_998 {strides = array<i32>} : memref<20480xf32, #tpu.memory_space<vmem>>, vector<16xf32>,
            %parallel_loop3A_1108 = arith.constant 10240 : i32
            %parallel_loop3A_1109 = arith.addi %parallel_loop3A_1108, %parallel_loop3A_906 : i32
            %parallel_loop3A_1110 = arith.constant 896 : i32
            %parallel_loop3A_1111 = arith.addi %parallel_loop3A_1109, %parallel_loop3A_1110 : i32
            %parallel_loop3A_1112 = arith.addi %parallel_loop3A_1111, %parallel_loop3A_912 : i32
            %parallel_loop3A_1113 = arith.index_cast %parallel_loop3A_1112 : i32 to index
            %parallel_loop3A_1114 = tpu.vector_load %arg14[%parallel_loop3A_1113] {strides = array<i32>} : memref<20480xf32, #tpu.memory_space<vmem>>, vector<16xf32>,
            tpu.vector_store %arg14[%parallel_loop3A_1113], %parallel_loop3A_1002 {strides = array<i32>} : memref<20480xf32, #tpu.memory_space<vmem>>, vector<16xf32>,
          } {sc.loop_unroll_factor = 8 : i64, sc.parallel_access}
        } {sc.loop_unroll_factor = 2 : i64, sc.parallel_access}
        %mul3A_871 = arith.constant 10 : i32
        %mul3A_872 = arith.muli %add3A_819, %mul3A_871 : i32
        %mul3A_873 = arith.constant 1024 : i32
        %mul3A_874 = arith.muli %mul3A_872, %mul3A_873 : i32
        %add3A_875 = arith.constant 0 : i32
        %add3A_876 = arith.addi %add3A_875, %mul3A_874 : i32
        %mul3A_877 = arith.constant 10 : i32
        %mul3A_878 = arith.muli %add3A_819, %mul3A_877 : i32
        %mul3A_879 = arith.constant 1024 : i32
        %mul3A_880 = arith.muli %mul3A_878, %mul3A_879 : i32
        %add3A_881 = arith.constant 25600000 : i32
        %add3A_882 = arith.addi %add3A_881, %mul3A_880 : i32
        %dma_start3A_883 = arith.constant 0 : i32
        %dma_start3A_884 = tpu.memref_slice %arg14[%dma_start3A_883] : memref<20480xf32, #tpu.memory_space<vmem>> -> memref<10240xf32, #tpu.memory_space<vmem>>
        %dma_start3A_885 = tpu.memref_slice %arg4[%add3A_876] : memref<51200000xf32, #tpu.memory_space<hbm>> -> memref<10240xf32, #tpu.memory_space<hbm>>
        %dma_start3A_886 = tpu.memref_slice %arg4[%add3A_876] : memref<51200000xf32, #tpu.memory_space<hbm>> -> memref<10240xf32, #tpu.memory_space<hbm>>
        %dma_start3A_887 = arith.constant 0 : i32
        %dma_start3A_888 = tpu.memref_slice %arg14[%dma_start3A_887] : memref<20480xf32, #tpu.memory_space<vmem>> -> memref<10240xf32, #tpu.memory_space<vmem>>
        tpu.enqueue_dma source(%dma_start3A_888 : memref<10240xf32, #tpu.memory_space<vmem>>) target(%dma_start3A_886 : memref<10240xf32, #tpu.memory_space<hbm>>) target_semaphore(%arg22 : memref<!tpu.dma_semaphore, #tpu.memory_space<semaphore_mem>>)
        %dma_start3A_889 = arith.constant 10240 : i32
        %dma_start3A_890 = tpu.memref_slice %arg14[%dma_start3A_889] : memref<20480xf32, #tpu.memory_space<vmem>> -> memref<10240xf32, #tpu.memory_space<vmem>>
        %dma_start3A_891 = tpu.memref_slice %arg4[%add3A_882] : memref<51200000xf32, #tpu.memory_space<hbm>> -> memref<10240xf32, #tpu.memory_space<hbm>>
        %dma_start3A_892 = tpu.memref_slice %arg4[%add3A_882] : memref<51200000xf32, #tpu.memory_space<hbm>> -> memref<10240xf32, #tpu.memory_space<hbm>>
        %dma_start3A_893 = arith.constant 10240 : i32
        %dma_start3A_894 = tpu.memref_slice %arg14[%dma_start3A_893] : memref<20480xf32, #tpu.memory_space<vmem>> -> memref<10240xf32, #tpu.memory_space<vmem>>
        tpu.enqueue_dma source(%dma_start3A_894 : memref<10240xf32, #tpu.memory_space<vmem>>) target(%dma_start3A_892 : memref<10240xf32, #tpu.memory_space<hbm>>) target_semaphore(%arg22 : memref<!tpu.dma_semaphore, #tpu.memory_space<semaphore_mem>>)
        %add3A_895 = arith.constant 96 : i32
        %add3A_896 = arith.addi %add3A_819, %add3A_895 : i32
        %lt3A_897 = arith.constant 2500 : i32
        %lt3A_898 = arith.cmpi slt, %add3A_896, %lt3A_897 : i32
        %convert_element_type3A_899 = arith.extui %lt3A_898 : i1 to i32
        %cond3A_900 = arith.constant 0 : i32
        %cond3A_901 = arith.cmpi ne, %convert_element_type3A_899, %cond3A_900 : i32
        scf.if %cond3A_901 {
          %add3A_902 = arith.constant 96 : i32
          %add3A_903 = arith.addi %add3A_819, %add3A_902 : i32
          %mul3A_904 = arith.constant 1280 : i32
          %mul3A_905 = arith.muli %add3A_903, %mul3A_904 : i32
          %mul3A_906 = arith.constant 1280 : i32
          %mul3A_907 = arith.muli %add3A_903, %mul3A_906 : i32
          %mul3A_908 = arith.constant 1280 : i32
          %mul3A_909 = arith.muli %add3A_903, %mul3A_908 : i32
          %dma_start3A_910 = arith.constant 0 : i32
          %dma_start3A_911 = tpu.memref_slice %arg2[%dma_start3A_910, %mul3A_905] : memref<3x3200000xi32, #tpu.memory_space<hbm>> -> memref<1x1280xi32, #tpu.memory_space<hbm>>
          %dma_start3A_912 = arith.constant 0 : i32
          %dma_start3A_913 = tpu.memref_slice %arg2[%dma_start3A_912, %mul3A_905] : memref<3x3200000xi32, #tpu.memory_space<hbm>> -> memref<1x1280xi32, #tpu.memory_space<hbm>>
          tpu.enqueue_dma source(%dma_start3A_913 : memref<1x1280xi32, #tpu.memory_space<hbm>>) target(%arg5 : memref<1x1280xi32, #tpu.memory_space<vmem>>) target_semaphore(%arg19 : memref<!tpu.dma_semaphore, #tpu.memory_space<semaphore_mem>>)
          %dma_start3A_914 = arith.constant 1 : i32
          %dma_start3A_915 = tpu.memref_slice %arg2[%dma_start3A_914, %mul3A_907] : memref<3x3200000xi32, #tpu.memory_space<hbm>> -> memref<1x1280xi32, #tpu.memory_space<hbm>>
          %dma_start3A_916 = arith.constant 1 : i32
          %dma_start3A_917 = tpu.memref_slice %arg2[%dma_start3A_916, %mul3A_907] : memref<3x3200000xi32, #tpu.memory_space<hbm>> -> memref<1x1280xi32, #tpu.memory_space<hbm>>
          tpu.enqueue_dma source(%dma_start3A_917 : memref<1x1280xi32, #tpu.memory_space<hbm>>) target(%arg6 : memref<1x1280xi32, #tpu.memory_space<vmem>>) target_semaphore(%arg19 : memref<!tpu.dma_semaphore, #tpu.memory_space<semaphore_mem>>)
          %dma_start3A_918 = arith.constant 2 : i32
          %dma_start3A_919 = tpu.memref_slice %arg2[%dma_start3A_918, %mul3A_909] : memref<3x3200000xi32, #tpu.memory_space<hbm>> -> memref<1x1280xi32, #tpu.memory_space<hbm>>
          %dma_start3A_920 = arith.constant 2 : i32
          %dma_start3A_921 = tpu.memref_slice %arg2[%dma_start3A_920, %mul3A_909] : memref<3x3200000xi32, #tpu.memory_space<hbm>> -> memref<1x1280xi32, #tpu.memory_space<hbm>>
          tpu.enqueue_dma source(%dma_start3A_921 : memref<1x1280xi32, #tpu.memory_space<hbm>>) target(%arg7 : memref<1x1280xi32, #tpu.memory_space<vmem>>) target_semaphore(%arg19 : memref<!tpu.dma_semaphore, #tpu.memory_space<semaphore_mem>>)
        } else {
        }
      } else {
      }
      %mul3A_823 = arith.constant 3 : i32
      %mul3A_824 = arith.muli %mul3A_823, %scan3A_812 : i32
      %add3A_825 = arith.constant 1 : i32
      %add3A_826 = arith.addi %mul3A_824, %add3A_825 : i32
      %mul3A_827 = arith.constant 32 : i32
      %mul3A_828 = arith.muli %mul3A_827, %add3A_826 : i32
      %add3A_829 = arith.addi %add3A, %mul3A_828 : i32
      %lt3A_830 = arith.constant 2500 : i32
      %lt3A_831 = arith.cmpi slt, %add3A_829, %lt3A_830 : i32
      %convert_element_type3A_832 = arith.extui %lt3A_831 : i1 to i32
      %cond3A_833 = arith.constant 0 : i32
      %cond3A_834 = arith.cmpi ne, %convert_element_type3A_832, %cond3A_833 : i32
      scf.if %cond3A_834 {
        %mul3A_847 = arith.constant 1280 : i32
        %mul3A_848 = arith.muli %add3A_829, %mul3A_847 : i32
        %mul3A_849 = arith.constant 1280 : i32
        %mul3A_850 = arith.muli %add3A_829, %mul3A_849 : i32
        %mul3A_851 = arith.constant 1280 : i32
        %mul3A_852 = arith.muli %add3A_829, %mul3A_851 : i32
        %dma_wait3A_853 = arith.constant 0 : i32
        %dma_wait3A_854 = tpu.memref_slice %arg2[%dma_wait3A_853, %mul3A_848] : memref<3x3200000xi32, #tpu.memory_space<hbm>> -> memref<1x1280xi32, #tpu.memory_space<hbm>>
        %dma_wait3A_855 = arith.constant 0 : i32
        %dma_wait3A_856 = tpu.memref_slice %arg2[%dma_wait3A_855, %mul3A_848] : memref<3x3200000xi32, #tpu.memory_space<hbm>> -> memref<1x1280xi32, #tpu.memory_space<hbm>>
        tpu.wait_dma2 semaphore(%arg20 : memref<!tpu.dma_semaphore, #tpu.memory_space<semaphore_mem>>) src(%dma_wait3A_856 : memref<1x1280xi32, #tpu.memory_space<hbm>>) dst(%arg8 : memref<1x1280xi32, #tpu.memory_space<vmem>>)
        %dma_wait3A_857 = arith.constant 1 : i32
        %dma_wait3A_858 = tpu.memref_slice %arg2[%dma_wait3A_857, %mul3A_850] : memref<3x3200000xi32, #tpu.memory_space<hbm>> -> memref<1x1280xi32, #tpu.memory_space<hbm>>
        %dma_wait3A_859 = arith.constant 1 : i32
        %dma_wait3A_860 = tpu.memref_slice %arg2[%dma_wait3A_859, %mul3A_850] : memref<3x3200000xi32, #tpu.memory_space<hbm>> -> memref<1x1280xi32, #tpu.memory_space<hbm>>
        tpu.wait_dma2 semaphore(%arg20 : memref<!tpu.dma_semaphore, #tpu.memory_space<semaphore_mem>>) src(%dma_wait3A_860 : memref<1x1280xi32, #tpu.memory_space<hbm>>) dst(%arg9 : memref<1x1280xi32, #tpu.memory_space<vmem>>)
        %dma_wait3A_861 = arith.constant 2 : i32
        %dma_wait3A_862 = tpu.memref_slice %arg2[%dma_wait3A_861, %mul3A_852] : memref<3x3200000xi32, #tpu.memory_space<hbm>> -> memref<1x1280xi32, #tpu.memory_space<hbm>>
        %dma_wait3A_863 = arith.constant 2 : i32
        %dma_wait3A_864 = tpu.memref_slice %arg2[%dma_wait3A_863, %mul3A_852] : memref<3x3200000xi32, #tpu.memory_space<hbm>> -> memref<1x1280xi32, #tpu.memory_space<hbm>>
        tpu.wait_dma2 semaphore(%arg20 : memref<!tpu.dma_semaphore, #tpu.memory_space<semaphore_mem>>) src(%dma_wait3A_864 : memref<1x1280xi32, #tpu.memory_space<hbm>>) dst(%arg10 : memref<1x1280xi32, #tpu.memory_space<vmem>>)
        %gt3A = arith.constant 0 : i32
        %gt3A_865 = arith.cmpi sgt, %scan3A_812, %gt3A : i32
        %convert_element_type3A_866 = arith.extui %gt3A_865 : i1 to i32
        %cond3A_867 = arith.constant 0 : i32
        %cond3A_868 = arith.cmpi ne, %convert_element_type3A_866, %cond3A_867 : i32
        scf.if %cond3A_868 {
          %sub3A_902 = arith.constant 96 : i32
          %sub3A_903 = arith.subi %add3A_829, %sub3A_902 : i32
          %mul3A_904 = arith.constant 10 : i32
          %mul3A_905 = arith.muli %sub3A_903, %mul3A_904 : i32
          %mul3A_906 = arith.constant 1024 : i32
          %mul3A_907 = arith.muli %mul3A_905, %mul3A_906 : i32
          %add3A_908 = arith.constant 0 : i32
          %add3A_909 = arith.addi %add3A_908, %mul3A_907 : i32
          %mul3A_910 = arith.constant 10 : i32
          %mul3A_911 = arith.muli %sub3A_903, %mul3A_910 : i32
          %mul3A_912 = arith.constant 1024 : i32
          %mul3A_913 = arith.muli %mul3A_911, %mul3A_912 : i32
          %add3A_914 = arith.constant 25600000 : i32
          %add3A_915 = arith.addi %add3A_914, %mul3A_913 : i32
          %dma_wait3A_916 = arith.constant 0 : i32
          %dma_wait3A_917 = tpu.memref_slice %arg15[%dma_wait3A_916] : memref<20480xf32, #tpu.memory_space<vmem>> -> memref<10240xf32, #tpu.memory_space<vmem>>
          %dma_wait3A_918 = tpu.memref_slice %arg4[%add3A_909] : memref<51200000xf32, #tpu.memory_space<hbm>> -> memref<10240xf32, #tpu.memory_space<hbm>>
          %dma_wait3A_919 = tpu.memref_slice %arg4[%add3A_909] : memref<51200000xf32, #tpu.memory_space<hbm>> -> memref<10240xf32, #tpu.memory_space<hbm>>
          %dma_wait3A_920 = arith.constant 0 : i32
          %dma_wait3A_921 = tpu.memref_slice %arg15[%dma_wait3A_920] : memref<20480xf32, #tpu.memory_space<vmem>> -> memref<10240xf32, #tpu.memory_space<vmem>>
          tpu.wait_dma2 semaphore(%arg23 : memref<!tpu.dma_semaphore, #tpu.memory_space<semaphore_mem>>) src(%dma_wait3A_921 : memref<10240xf32, #tpu.memory_space<vmem>>) dst(%dma_wait3A_919 : memref<10240xf32, #tpu.memory_space<hbm>>)
          %dma_wait3A_922 = arith.constant 10240 : i32
          %dma_wait3A_923 = tpu.memref_slice %arg15[%dma_wait3A_922] : memref<20480xf32, #tpu.memory_space<vmem>> -> memref<10240xf32, #tpu.memory_space<vmem>>
          %dma_wait3A_924 = tpu.memref_slice %arg4[%add3A_915] : memref<51200000xf32, #tpu.memory_space<hbm>> -> memref<10240xf32, #tpu.memory_space<hbm>>
          %dma_wait3A_925 = tpu.memref_slice %arg4[%add3A_915] : memref<51200000xf32, #tpu.memory_space<hbm>> -> memref<10240xf32, #tpu.memory_space<hbm>>
          %dma_wait3A_926 = arith.constant 10240 : i32
          %dma_wait3A_927 = tpu.memref_slice %arg15[%dma_wait3A_926] : memref<20480xf32, #tpu.memory_space<vmem>> -> memref<10240xf32, #tpu.memory_space<vmem>>
          tpu.wait_dma2 semaphore(%arg23 : memref<!tpu.dma_semaphore, #tpu.memory_space<semaphore_mem>>) src(%dma_wait3A_927 : memref<10240xf32, #tpu.memory_space<vmem>>) dst(%dma_wait3A_925 : memref<10240xf32, #tpu.memory_space<hbm>>)
        } else {
        }
        %parallel_loop3A = arith.constant 0 : i32
        %parallel_loop3A_869 = arith.constant 10 : i32
        %parallel_loop3A_870 = arith.constant 1 : i32
        scf.for %parallel_loop3A_902 = %parallel_loop3A to %parallel_loop3A_869 step %parallel_loop3A_870  : i32 {
          %parallel_loop3A_903 = arith.constant 128 : i32
          %parallel_loop3A_904 = arith.muli %parallel_loop3A_902, %parallel_loop3A_903 : i32
          %parallel_loop3A_905 = arith.constant 1024 : i32
          %parallel_loop3A_906 = arith.muli %parallel_loop3A_902, %parallel_loop3A_905 : i32
          %parallel_loop3A_907 = arith.constant 0 : i32
          %parallel_loop3A_908 = arith.constant 8 : i32
          %parallel_loop3A_909 = arith.constant 1 : i32
          scf.for %parallel_loop3A_910 = %parallel_loop3A_907 to %parallel_loop3A_908 step %parallel_loop3A_909  : i32 {
            %parallel_loop3A_911 = arith.constant 16 : i32
            %parallel_loop3A_912 = arith.muli %parallel_loop3A_910, %parallel_loop3A_911 : i32
            %parallel_loop3A_913 = arith.addi %parallel_loop3A_904, %parallel_loop3A_912 : i32
            %parallel_loop3A_914 = arith.constant 0 : i32
            %parallel_loop3A_915 = arith.index_cast %parallel_loop3A_914 : i32 to index
            %parallel_loop3A_916 = arith.index_cast %parallel_loop3A_913 : i32 to index
            %parallel_loop3A_917 = tpu.vector_load %arg8[%parallel_loop3A_915, %parallel_loop3A_916] {strides = array<i32>} : memref<1x1280xi32, #tpu.memory_space<vmem>>, vector<16xi32>,
            %parallel_loop3A_918 = arith.addi %parallel_loop3A_904, %parallel_loop3A_912 : i32
            %parallel_loop3A_919 = arith.constant 0 : i32
            %parallel_loop3A_920 = arith.index_cast %parallel_loop3A_919 : i32 to index
            %parallel_loop3A_921 = arith.index_cast %parallel_loop3A_918 : i32 to index
            %parallel_loop3A_922 = tpu.vector_load %arg9[%parallel_loop3A_920, %parallel_loop3A_921] {strides = array<i32>} : memref<1x1280xi32, #tpu.memory_space<vmem>>, vector<16xi32>,
            %parallel_loop3A_923 = arith.addi %parallel_loop3A_904, %parallel_loop3A_912 : i32
            %parallel_loop3A_924 = arith.constant 0 : i32
            %parallel_loop3A_925 = arith.index_cast %parallel_loop3A_924 : i32 to index
            %parallel_loop3A_926 = arith.index_cast %parallel_loop3A_923 : i32 to index
            %parallel_loop3A_927 = tpu.vector_load %arg10[%parallel_loop3A_925, %parallel_loop3A_926] {strides = array<i32>} : memref<1x1280xi32, #tpu.memory_space<vmem>>, vector<16xi32>,
            %parallel_loop3A_928 = arith.constant 204 : i32
            %parallel_loop3A_929 = vector.broadcast %parallel_loop3A_928 : i32 to vector<16xi32>
            %parallel_loop3A_930 = arith.muli %parallel_loop3A_917, %parallel_loop3A_929 : vector<16xi32>
            %parallel_loop3A_931 = arith.constant 34 : i32
            %parallel_loop3A_932 = vector.broadcast %parallel_loop3A_931 : i32 to vector<16xi32>
            %parallel_loop3A_933 = arith.muli %parallel_loop3A_922, %parallel_loop3A_932 : vector<16xi32>
            %parallel_loop3A_934 = arith.addi %parallel_loop3A_930, %parallel_loop3A_933 : vector<16xi32>
            %parallel_loop3A_935 = arith.constant 17 : i32
            %parallel_loop3A_936 = vector.broadcast %parallel_loop3A_935 : i32 to vector<16xi32>
            %parallel_loop3A_937 = arith.muli %parallel_loop3A_927, %parallel_loop3A_936 : vector<16xi32>
            %parallel_loop3A_938 = arith.addi %parallel_loop3A_934, %parallel_loop3A_937 : vector<16xi32>
            %parallel_loop3A_939 = arith.constant 0 : i32
            %parallel_loop3A_940 = vector.broadcast %parallel_loop3A_939 : i32 to vector<16xi32>
            %parallel_loop3A_941 = arith.addi %parallel_loop3A_938, %parallel_loop3A_940 : vector<16xi32>
            %parallel_loop3A_942 = tpu.vector_load_idx %arg18[%parallel_loop3A_941] : memref<1020xf32, #tpu.memory_space<vmem>>[vector<16xi32>], vector<16xf32>,
            %parallel_loop3A_943 = arith.constant 1 : i32
            %parallel_loop3A_944 = vector.broadcast %parallel_loop3A_943 : i32 to vector<16xi32>
            %parallel_loop3A_945 = arith.addi %parallel_loop3A_938, %parallel_loop3A_944 : vector<16xi32>
            %parallel_loop3A_946 = tpu.vector_load_idx %arg18[%parallel_loop3A_945] : memref<1020xf32, #tpu.memory_space<vmem>>[vector<16xi32>], vector<16xf32>,
            %parallel_loop3A_947 = arith.constant 2 : i32
            %parallel_loop3A_948 = vector.broadcast %parallel_loop3A_947 : i32 to vector<16xi32>
            %parallel_loop3A_949 = arith.addi %parallel_loop3A_938, %parallel_loop3A_948 : vector<16xi32>
            %parallel_loop3A_950 = tpu.vector_load_idx %arg18[%parallel_loop3A_949] : memref<1020xf32, #tpu.memory_space<vmem>>[vector<16xi32>], vector<16xf32>,
            %parallel_loop3A_951 = arith.constant 3 : i32
            %parallel_loop3A_952 = vector.broadcast %parallel_loop3A_951 : i32 to vector<16xi32>
            %parallel_loop3A_953 = arith.addi %parallel_loop3A_938, %parallel_loop3A_952 : vector<16xi32>
            %parallel_loop3A_954 = tpu.vector_load_idx %arg18[%parallel_loop3A_953] : memref<1020xf32, #tpu.memory_space<vmem>>[vector<16xi32>], vector<16xf32>,
            %parallel_loop3A_955 = arith.constant 4 : i32
            %parallel_loop3A_956 = vector.broadcast %parallel_loop3A_955 : i32 to vector<16xi32>
            %parallel_loop3A_957 = arith.addi %parallel_loop3A_938, %parallel_loop3A_956 : vector<16xi32>
            %parallel_loop3A_958 = tpu.vector_load_idx %arg18[%parallel_loop3A_957] : memref<1020xf32, #tpu.memory_space<vmem>>[vector<16xi32>], vector<16xf32>,
            %parallel_loop3A_959 = arith.constant 5 : i32
            %parallel_loop3A_960 = vector.broadcast %parallel_loop3A_959 : i32 to vector<16xi32>
            %parallel_loop3A_961 = arith.addi %parallel_loop3A_938, %parallel_loop3A_960 : vector<16xi32>
            %parallel_loop3A_962 = tpu.vector_load_idx %arg18[%parallel_loop3A_961] : memref<1020xf32, #tpu.memory_space<vmem>>[vector<16xi32>], vector<16xf32>,
            %parallel_loop3A_963 = arith.constant 6 : i32
            %parallel_loop3A_964 = vector.broadcast %parallel_loop3A_963 : i32 to vector<16xi32>
            %parallel_loop3A_965 = arith.addi %parallel_loop3A_938, %parallel_loop3A_964 : vector<16xi32>
            %parallel_loop3A_966 = tpu.vector_load_idx %arg18[%parallel_loop3A_965] : memref<1020xf32, #tpu.memory_space<vmem>>[vector<16xi32>], vector<16xf32>,
            %parallel_loop3A_967 = arith.constant 7 : i32
            %parallel_loop3A_968 = vector.broadcast %parallel_loop3A_967 : i32 to vector<16xi32>
            %parallel_loop3A_969 = arith.addi %parallel_loop3A_938, %parallel_loop3A_968 : vector<16xi32>
            %parallel_loop3A_970 = tpu.vector_load_idx %arg18[%parallel_loop3A_969] : memref<1020xf32, #tpu.memory_space<vmem>>[vector<16xi32>], vector<16xf32>,
            %parallel_loop3A_971 = arith.constant 8 : i32
            %parallel_loop3A_972 = vector.broadcast %parallel_loop3A_971 : i32 to vector<16xi32>
            %parallel_loop3A_973 = arith.addi %parallel_loop3A_938, %parallel_loop3A_972 : vector<16xi32>
            %parallel_loop3A_974 = tpu.vector_load_idx %arg18[%parallel_loop3A_973] : memref<1020xf32, #tpu.memory_space<vmem>>[vector<16xi32>], vector<16xf32>,
            %parallel_loop3A_975 = arith.constant 9 : i32
            %parallel_loop3A_976 = vector.broadcast %parallel_loop3A_975 : i32 to vector<16xi32>
            %parallel_loop3A_977 = arith.addi %parallel_loop3A_938, %parallel_loop3A_976 : vector<16xi32>
            %parallel_loop3A_978 = tpu.vector_load_idx %arg18[%parallel_loop3A_977] : memref<1020xf32, #tpu.memory_space<vmem>>[vector<16xi32>], vector<16xf32>,
            %parallel_loop3A_979 = arith.constant 10 : i32
            %parallel_loop3A_980 = vector.broadcast %parallel_loop3A_979 : i32 to vector<16xi32>
            %parallel_loop3A_981 = arith.addi %parallel_loop3A_938, %parallel_loop3A_980 : vector<16xi32>
            %parallel_loop3A_982 = tpu.vector_load_idx %arg18[%parallel_loop3A_981] : memref<1020xf32, #tpu.memory_space<vmem>>[vector<16xi32>], vector<16xf32>,
            %parallel_loop3A_983 = arith.constant 11 : i32
            %parallel_loop3A_984 = vector.broadcast %parallel_loop3A_983 : i32 to vector<16xi32>
            %parallel_loop3A_985 = arith.addi %parallel_loop3A_938, %parallel_loop3A_984 : vector<16xi32>
            %parallel_loop3A_986 = tpu.vector_load_idx %arg18[%parallel_loop3A_985] : memref<1020xf32, #tpu.memory_space<vmem>>[vector<16xi32>], vector<16xf32>,
            %parallel_loop3A_987 = arith.constant 12 : i32
            %parallel_loop3A_988 = vector.broadcast %parallel_loop3A_987 : i32 to vector<16xi32>
            %parallel_loop3A_989 = arith.addi %parallel_loop3A_938, %parallel_loop3A_988 : vector<16xi32>
            %parallel_loop3A_990 = tpu.vector_load_idx %arg18[%parallel_loop3A_989] : memref<1020xf32, #tpu.memory_space<vmem>>[vector<16xi32>], vector<16xf32>,
            %parallel_loop3A_991 = arith.constant 13 : i32
            %parallel_loop3A_992 = vector.broadcast %parallel_loop3A_991 : i32 to vector<16xi32>
            %parallel_loop3A_993 = arith.addi %parallel_loop3A_938, %parallel_loop3A_992 : vector<16xi32>
            %parallel_loop3A_994 = tpu.vector_load_idx %arg18[%parallel_loop3A_993] : memref<1020xf32, #tpu.memory_space<vmem>>[vector<16xi32>], vector<16xf32>,
            %parallel_loop3A_995 = arith.constant 14 : i32
            %parallel_loop3A_996 = vector.broadcast %parallel_loop3A_995 : i32 to vector<16xi32>
            %parallel_loop3A_997 = arith.addi %parallel_loop3A_938, %parallel_loop3A_996 : vector<16xi32>
            %parallel_loop3A_998 = tpu.vector_load_idx %arg18[%parallel_loop3A_997] : memref<1020xf32, #tpu.memory_space<vmem>>[vector<16xi32>], vector<16xf32>,
            %parallel_loop3A_999 = arith.constant 15 : i32
            %parallel_loop3A_1000 = vector.broadcast %parallel_loop3A_999 : i32 to vector<16xi32>
            %parallel_loop3A_1001 = arith.addi %parallel_loop3A_938, %parallel_loop3A_1000 : vector<16xi32>
            %parallel_loop3A_1002 = tpu.vector_load_idx %arg18[%parallel_loop3A_1001] : memref<1020xf32, #tpu.memory_space<vmem>>[vector<16xi32>], vector<16xf32>,
            %parallel_loop3A_1003 = arith.constant 0 : i32
            %parallel_loop3A_1004 = arith.addi %parallel_loop3A_1003, %parallel_loop3A_906 : i32
            %parallel_loop3A_1005 = arith.constant 0 : i32
            %parallel_loop3A_1006 = arith.addi %parallel_loop3A_1004, %parallel_loop3A_1005 : i32
            %parallel_loop3A_1007 = arith.addi %parallel_loop3A_1006, %parallel_loop3A_912 : i32
            %parallel_loop3A_1008 = arith.index_cast %parallel_loop3A_1007 : i32 to index
            %parallel_loop3A_1009 = tpu.vector_load %arg15[%parallel_loop3A_1008] {strides = array<i32>} : memref<20480xf32, #tpu.memory_space<vmem>>, vector<16xf32>,
            tpu.vector_store %arg15[%parallel_loop3A_1008], %parallel_loop3A_942 {strides = array<i32>} : memref<20480xf32, #tpu.memory_space<vmem>>, vector<16xf32>,
            %parallel_loop3A_1010 = arith.constant 0 : i32
            %parallel_loop3A_1011 = arith.addi %parallel_loop3A_1010, %parallel_loop3A_906 : i32
            %parallel_loop3A_1012 = arith.constant 128 : i32
            %parallel_loop3A_1013 = arith.addi %parallel_loop3A_1011, %parallel_loop3A_1012 : i32
            %parallel_loop3A_1014 = arith.addi %parallel_loop3A_1013, %parallel_loop3A_912 : i32
            %parallel_loop3A_1015 = arith.index_cast %parallel_loop3A_1014 : i32 to index
            %parallel_loop3A_1016 = tpu.vector_load %arg15[%parallel_loop3A_1015] {strides = array<i32>} : memref<20480xf32, #tpu.memory_space<vmem>>, vector<16xf32>,
            tpu.vector_store %arg15[%parallel_loop3A_1015], %parallel_loop3A_946 {strides = array<i32>} : memref<20480xf32, #tpu.memory_space<vmem>>, vector<16xf32>,
            %parallel_loop3A_1017 = arith.constant 0 : i32
            %parallel_loop3A_1018 = arith.addi %parallel_loop3A_1017, %parallel_loop3A_906 : i32
            %parallel_loop3A_1019 = arith.constant 256 : i32
            %parallel_loop3A_1020 = arith.addi %parallel_loop3A_1018, %parallel_loop3A_1019 : i32
            %parallel_loop3A_1021 = arith.addi %parallel_loop3A_1020, %parallel_loop3A_912 : i32
            %parallel_loop3A_1022 = arith.index_cast %parallel_loop3A_1021 : i32 to index
            %parallel_loop3A_1023 = tpu.vector_load %arg15[%parallel_loop3A_1022] {strides = array<i32>} : memref<20480xf32, #tpu.memory_space<vmem>>, vector<16xf32>,
            tpu.vector_store %arg15[%parallel_loop3A_1022], %parallel_loop3A_950 {strides = array<i32>} : memref<20480xf32, #tpu.memory_space<vmem>>, vector<16xf32>,
            %parallel_loop3A_1024 = arith.constant 0 : i32
            %parallel_loop3A_1025 = arith.addi %parallel_loop3A_1024, %parallel_loop3A_906 : i32
            %parallel_loop3A_1026 = arith.constant 384 : i32
            %parallel_loop3A_1027 = arith.addi %parallel_loop3A_1025, %parallel_loop3A_1026 : i32
            %parallel_loop3A_1028 = arith.addi %parallel_loop3A_1027, %parallel_loop3A_912 : i32
            %parallel_loop3A_1029 = arith.index_cast %parallel_loop3A_1028 : i32 to index
            %parallel_loop3A_1030 = tpu.vector_load %arg15[%parallel_loop3A_1029] {strides = array<i32>} : memref<20480xf32, #tpu.memory_space<vmem>>, vector<16xf32>,
            tpu.vector_store %arg15[%parallel_loop3A_1029], %parallel_loop3A_954 {strides = array<i32>} : memref<20480xf32, #tpu.memory_space<vmem>>, vector<16xf32>,
            %parallel_loop3A_1031 = arith.constant 0 : i32
            %parallel_loop3A_1032 = arith.addi %parallel_loop3A_1031, %parallel_loop3A_906 : i32
            %parallel_loop3A_1033 = arith.constant 512 : i32
            %parallel_loop3A_1034 = arith.addi %parallel_loop3A_1032, %parallel_loop3A_1033 : i32
            %parallel_loop3A_1035 = arith.addi %parallel_loop3A_1034, %parallel_loop3A_912 : i32
            %parallel_loop3A_1036 = arith.index_cast %parallel_loop3A_1035 : i32 to index
            %parallel_loop3A_1037 = tpu.vector_load %arg15[%parallel_loop3A_1036] {strides = array<i32>} : memref<20480xf32, #tpu.memory_space<vmem>>, vector<16xf32>,
            tpu.vector_store %arg15[%parallel_loop3A_1036], %parallel_loop3A_958 {strides = array<i32>} : memref<20480xf32, #tpu.memory_space<vmem>>, vector<16xf32>,
            %parallel_loop3A_1038 = arith.constant 0 : i32
            %parallel_loop3A_1039 = arith.addi %parallel_loop3A_1038, %parallel_loop3A_906 : i32
            %parallel_loop3A_1040 = arith.constant 640 : i32
            %parallel_loop3A_1041 = arith.addi %parallel_loop3A_1039, %parallel_loop3A_1040 : i32
            %parallel_loop3A_1042 = arith.addi %parallel_loop3A_1041, %parallel_loop3A_912 : i32
            %parallel_loop3A_1043 = arith.index_cast %parallel_loop3A_1042 : i32 to index
            %parallel_loop3A_1044 = tpu.vector_load %arg15[%parallel_loop3A_1043] {strides = array<i32>} : memref<20480xf32, #tpu.memory_space<vmem>>, vector<16xf32>,
            tpu.vector_store %arg15[%parallel_loop3A_1043], %parallel_loop3A_962 {strides = array<i32>} : memref<20480xf32, #tpu.memory_space<vmem>>, vector<16xf32>,
            %parallel_loop3A_1045 = arith.constant 0 : i32
            %parallel_loop3A_1046 = arith.addi %parallel_loop3A_1045, %parallel_loop3A_906 : i32
            %parallel_loop3A_1047 = arith.constant 768 : i32
            %parallel_loop3A_1048 = arith.addi %parallel_loop3A_1046, %parallel_loop3A_1047 : i32
            %parallel_loop3A_1049 = arith.addi %parallel_loop3A_1048, %parallel_loop3A_912 : i32
            %parallel_loop3A_1050 = arith.index_cast %parallel_loop3A_1049 : i32 to index
            %parallel_loop3A_1051 = tpu.vector_load %arg15[%parallel_loop3A_1050] {strides = array<i32>} : memref<20480xf32, #tpu.memory_space<vmem>>, vector<16xf32>,
            tpu.vector_store %arg15[%parallel_loop3A_1050], %parallel_loop3A_966 {strides = array<i32>} : memref<20480xf32, #tpu.memory_space<vmem>>, vector<16xf32>,
            %parallel_loop3A_1052 = arith.constant 0 : i32
            %parallel_loop3A_1053 = arith.addi %parallel_loop3A_1052, %parallel_loop3A_906 : i32
            %parallel_loop3A_1054 = arith.constant 896 : i32
            %parallel_loop3A_1055 = arith.addi %parallel_loop3A_1053, %parallel_loop3A_1054 : i32
            %parallel_loop3A_1056 = arith.addi %parallel_loop3A_1055, %parallel_loop3A_912 : i32
            %parallel_loop3A_1057 = arith.index_cast %parallel_loop3A_1056 : i32 to index
            %parallel_loop3A_1058 = tpu.vector_load %arg15[%parallel_loop3A_1057] {strides = array<i32>} : memref<20480xf32, #tpu.memory_space<vmem>>, vector<16xf32>,
            tpu.vector_store %arg15[%parallel_loop3A_1057], %parallel_loop3A_970 {strides = array<i32>} : memref<20480xf32, #tpu.memory_space<vmem>>, vector<16xf32>,
            %parallel_loop3A_1059 = arith.constant 10240 : i32
            %parallel_loop3A_1060 = arith.addi %parallel_loop3A_1059, %parallel_loop3A_906 : i32
            %parallel_loop3A_1061 = arith.constant 0 : i32
            %parallel_loop3A_1062 = arith.addi %parallel_loop3A_1060, %parallel_loop3A_1061 : i32
            %parallel_loop3A_1063 = arith.addi %parallel_loop3A_1062, %parallel_loop3A_912 : i32
            %parallel_loop3A_1064 = arith.index_cast %parallel_loop3A_1063 : i32 to index
            %parallel_loop3A_1065 = tpu.vector_load %arg15[%parallel_loop3A_1064] {strides = array<i32>} : memref<20480xf32, #tpu.memory_space<vmem>>, vector<16xf32>,
            tpu.vector_store %arg15[%parallel_loop3A_1064], %parallel_loop3A_974 {strides = array<i32>} : memref<20480xf32, #tpu.memory_space<vmem>>, vector<16xf32>,
            %parallel_loop3A_1066 = arith.constant 10240 : i32
            %parallel_loop3A_1067 = arith.addi %parallel_loop3A_1066, %parallel_loop3A_906 : i32
            %parallel_loop3A_1068 = arith.constant 128 : i32
            %parallel_loop3A_1069 = arith.addi %parallel_loop3A_1067, %parallel_loop3A_1068 : i32
            %parallel_loop3A_1070 = arith.addi %parallel_loop3A_1069, %parallel_loop3A_912 : i32
            %parallel_loop3A_1071 = arith.index_cast %parallel_loop3A_1070 : i32 to index
            %parallel_loop3A_1072 = tpu.vector_load %arg15[%parallel_loop3A_1071] {strides = array<i32>} : memref<20480xf32, #tpu.memory_space<vmem>>, vector<16xf32>,
            tpu.vector_store %arg15[%parallel_loop3A_1071], %parallel_loop3A_978 {strides = array<i32>} : memref<20480xf32, #tpu.memory_space<vmem>>, vector<16xf32>,
            %parallel_loop3A_1073 = arith.constant 10240 : i32
            %parallel_loop3A_1074 = arith.addi %parallel_loop3A_1073, %parallel_loop3A_906 : i32
            %parallel_loop3A_1075 = arith.constant 256 : i32
            %parallel_loop3A_1076 = arith.addi %parallel_loop3A_1074, %parallel_loop3A_1075 : i32
            %parallel_loop3A_1077 = arith.addi %parallel_loop3A_1076, %parallel_loop3A_912 : i32
            %parallel_loop3A_1078 = arith.index_cast %parallel_loop3A_1077 : i32 to index
            %parallel_loop3A_1079 = tpu.vector_load %arg15[%parallel_loop3A_1078] {strides = array<i32>} : memref<20480xf32, #tpu.memory_space<vmem>>, vector<16xf32>,
            tpu.vector_store %arg15[%parallel_loop3A_1078], %parallel_loop3A_982 {strides = array<i32>} : memref<20480xf32, #tpu.memory_space<vmem>>, vector<16xf32>,
            %parallel_loop3A_1080 = arith.constant 10240 : i32
            %parallel_loop3A_1081 = arith.addi %parallel_loop3A_1080, %parallel_loop3A_906 : i32
            %parallel_loop3A_1082 = arith.constant 384 : i32
            %parallel_loop3A_1083 = arith.addi %parallel_loop3A_1081, %parallel_loop3A_1082 : i32
            %parallel_loop3A_1084 = arith.addi %parallel_loop3A_1083, %parallel_loop3A_912 : i32
            %parallel_loop3A_1085 = arith.index_cast %parallel_loop3A_1084 : i32 to index
            %parallel_loop3A_1086 = tpu.vector_load %arg15[%parallel_loop3A_1085] {strides = array<i32>} : memref<20480xf32, #tpu.memory_space<vmem>>, vector<16xf32>,
            tpu.vector_store %arg15[%parallel_loop3A_1085], %parallel_loop3A_986 {strides = array<i32>} : memref<20480xf32, #tpu.memory_space<vmem>>, vector<16xf32>,
            %parallel_loop3A_1087 = arith.constant 10240 : i32
            %parallel_loop3A_1088 = arith.addi %parallel_loop3A_1087, %parallel_loop3A_906 : i32
            %parallel_loop3A_1089 = arith.constant 512 : i32
            %parallel_loop3A_1090 = arith.addi %parallel_loop3A_1088, %parallel_loop3A_1089 : i32
            %parallel_loop3A_1091 = arith.addi %parallel_loop3A_1090, %parallel_loop3A_912 : i32
            %parallel_loop3A_1092 = arith.index_cast %parallel_loop3A_1091 : i32 to index
            %parallel_loop3A_1093 = tpu.vector_load %arg15[%parallel_loop3A_1092] {strides = array<i32>} : memref<20480xf32, #tpu.memory_space<vmem>>, vector<16xf32>,
            tpu.vector_store %arg15[%parallel_loop3A_1092], %parallel_loop3A_990 {strides = array<i32>} : memref<20480xf32, #tpu.memory_space<vmem>>, vector<16xf32>,
            %parallel_loop3A_1094 = arith.constant 10240 : i32
            %parallel_loop3A_1095 = arith.addi %parallel_loop3A_1094, %parallel_loop3A_906 : i32
            %parallel_loop3A_1096 = arith.constant 640 : i32
            %parallel_loop3A_1097 = arith.addi %parallel_loop3A_1095, %parallel_loop3A_1096 : i32
            %parallel_loop3A_1098 = arith.addi %parallel_loop3A_1097, %parallel_loop3A_912 : i32
            %parallel_loop3A_1099 = arith.index_cast %parallel_loop3A_1098 : i32 to index
            %parallel_loop3A_1100 = tpu.vector_load %arg15[%parallel_loop3A_1099] {strides = array<i32>} : memref<20480xf32, #tpu.memory_space<vmem>>, vector<16xf32>,
            tpu.vector_store %arg15[%parallel_loop3A_1099], %parallel_loop3A_994 {strides = array<i32>} : memref<20480xf32, #tpu.memory_space<vmem>>, vector<16xf32>,
            %parallel_loop3A_1101 = arith.constant 10240 : i32
            %parallel_loop3A_1102 = arith.addi %parallel_loop3A_1101, %parallel_loop3A_906 : i32
            %parallel_loop3A_1103 = arith.constant 768 : i32
            %parallel_loop3A_1104 = arith.addi %parallel_loop3A_1102, %parallel_loop3A_1103 : i32
            %parallel_loop3A_1105 = arith.addi %parallel_loop3A_1104, %parallel_loop3A_912 : i32
            %parallel_loop3A_1106 = arith.index_cast %parallel_loop3A_1105 : i32 to index
            %parallel_loop3A_1107 = tpu.vector_load %arg15[%parallel_loop3A_1106] {strides = array<i32>} : memref<20480xf32, #tpu.memory_space<vmem>>, vector<16xf32>,
            tpu.vector_store %arg15[%parallel_loop3A_1106], %parallel_loop3A_998 {strides = array<i32>} : memref<20480xf32, #tpu.memory_space<vmem>>, vector<16xf32>,
            %parallel_loop3A_1108 = arith.constant 10240 : i32
            %parallel_loop3A_1109 = arith.addi %parallel_loop3A_1108, %parallel_loop3A_906 : i32
            %parallel_loop3A_1110 = arith.constant 896 : i32
            %parallel_loop3A_1111 = arith.addi %parallel_loop3A_1109, %parallel_loop3A_1110 : i32
            %parallel_loop3A_1112 = arith.addi %parallel_loop3A_1111, %parallel_loop3A_912 : i32
            %parallel_loop3A_1113 = arith.index_cast %parallel_loop3A_1112 : i32 to index
            %parallel_loop3A_1114 = tpu.vector_load %arg15[%parallel_loop3A_1113] {strides = array<i32>} : memref<20480xf32, #tpu.memory_space<vmem>>, vector<16xf32>,
            tpu.vector_store %arg15[%parallel_loop3A_1113], %parallel_loop3A_1002 {strides = array<i32>} : memref<20480xf32, #tpu.memory_space<vmem>>, vector<16xf32>,
          } {sc.loop_unroll_factor = 8 : i64, sc.parallel_access}
        } {sc.loop_unroll_factor = 2 : i64, sc.parallel_access}
        %mul3A_871 = arith.constant 10 : i32
        %mul3A_872 = arith.muli %add3A_829, %mul3A_871 : i32
        %mul3A_873 = arith.constant 1024 : i32
        %mul3A_874 = arith.muli %mul3A_872, %mul3A_873 : i32
        %add3A_875 = arith.constant 0 : i32
        %add3A_876 = arith.addi %add3A_875, %mul3A_874 : i32
        %mul3A_877 = arith.constant 10 : i32
        %mul3A_878 = arith.muli %add3A_829, %mul3A_877 : i32
        %mul3A_879 = arith.constant 1024 : i32
        %mul3A_880 = arith.muli %mul3A_878, %mul3A_879 : i32
        %add3A_881 = arith.constant 25600000 : i32
        %add3A_882 = arith.addi %add3A_881, %mul3A_880 : i32
        %dma_start3A_883 = arith.constant 0 : i32
        %dma_start3A_884 = tpu.memref_slice %arg15[%dma_start3A_883] : memref<20480xf32, #tpu.memory_space<vmem>> -> memref<10240xf32, #tpu.memory_space<vmem>>
        %dma_start3A_885 = tpu.memref_slice %arg4[%add3A_876] : memref<51200000xf32, #tpu.memory_space<hbm>> -> memref<10240xf32, #tpu.memory_space<hbm>>
        %dma_start3A_886 = tpu.memref_slice %arg4[%add3A_876] : memref<51200000xf32, #tpu.memory_space<hbm>> -> memref<10240xf32, #tpu.memory_space<hbm>>
        %dma_start3A_887 = arith.constant 0 : i32
        %dma_start3A_888 = tpu.memref_slice %arg15[%dma_start3A_887] : memref<20480xf32, #tpu.memory_space<vmem>> -> memref<10240xf32, #tpu.memory_space<vmem>>
        tpu.enqueue_dma source(%dma_start3A_888 : memref<10240xf32, #tpu.memory_space<vmem>>) target(%dma_start3A_886 : memref<10240xf32, #tpu.memory_space<hbm>>) target_semaphore(%arg23 : memref<!tpu.dma_semaphore, #tpu.memory_space<semaphore_mem>>)
        %dma_start3A_889 = arith.constant 10240 : i32
        %dma_start3A_890 = tpu.memref_slice %arg15[%dma_start3A_889] : memref<20480xf32, #tpu.memory_space<vmem>> -> memref<10240xf32, #tpu.memory_space<vmem>>
        %dma_start3A_891 = tpu.memref_slice %arg4[%add3A_882] : memref<51200000xf32, #tpu.memory_space<hbm>> -> memref<10240xf32, #tpu.memory_space<hbm>>
        %dma_start3A_892 = tpu.memref_slice %arg4[%add3A_882] : memref<51200000xf32, #tpu.memory_space<hbm>> -> memref<10240xf32, #tpu.memory_space<hbm>>
        %dma_start3A_893 = arith.constant 10240 : i32
        %dma_start3A_894 = tpu.memref_slice %arg15[%dma_start3A_893] : memref<20480xf32, #tpu.memory_space<vmem>> -> memref<10240xf32, #tpu.memory_space<vmem>>
        tpu.enqueue_dma source(%dma_start3A_894 : memref<10240xf32, #tpu.memory_space<vmem>>) target(%dma_start3A_892 : memref<10240xf32, #tpu.memory_space<hbm>>) target_semaphore(%arg23 : memref<!tpu.dma_semaphore, #tpu.memory_space<semaphore_mem>>)
        %add3A_895 = arith.constant 96 : i32
        %add3A_896 = arith.addi %add3A_829, %add3A_895 : i32
        %lt3A_897 = arith.constant 2500 : i32
        %lt3A_898 = arith.cmpi slt, %add3A_896, %lt3A_897 : i32
        %convert_element_type3A_899 = arith.extui %lt3A_898 : i1 to i32
        %cond3A_900 = arith.constant 0 : i32
        %cond3A_901 = arith.cmpi ne, %convert_element_type3A_899, %cond3A_900 : i32
        scf.if %cond3A_901 {
          %add3A_902 = arith.constant 96 : i32
          %add3A_903 = arith.addi %add3A_829, %add3A_902 : i32
          %mul3A_904 = arith.constant 1280 : i32
          %mul3A_905 = arith.muli %add3A_903, %mul3A_904 : i32
          %mul3A_906 = arith.constant 1280 : i32
          %mul3A_907 = arith.muli %add3A_903, %mul3A_906 : i32
          %mul3A_908 = arith.constant 1280 : i32
          %mul3A_909 = arith.muli %add3A_903, %mul3A_908 : i32
          %dma_start3A_910 = arith.constant 0 : i32
          %dma_start3A_911 = tpu.memref_slice %arg2[%dma_start3A_910, %mul3A_905] : memref<3x3200000xi32, #tpu.memory_space<hbm>> -> memref<1x1280xi32, #tpu.memory_space<hbm>>
          %dma_start3A_912 = arith.constant 0 : i32
          %dma_start3A_913 = tpu.memref_slice %arg2[%dma_start3A_912, %mul3A_905] : memref<3x3200000xi32, #tpu.memory_space<hbm>> -> memref<1x1280xi32, #tpu.memory_space<hbm>>
          tpu.enqueue_dma source(%dma_start3A_913 : memref<1x1280xi32, #tpu.memory_space<hbm>>) target(%arg8 : memref<1x1280xi32, #tpu.memory_space<vmem>>) target_semaphore(%arg20 : memref<!tpu.dma_semaphore, #tpu.memory_space<semaphore_mem>>)
          %dma_start3A_914 = arith.constant 1 : i32
          %dma_start3A_915 = tpu.memref_slice %arg2[%dma_start3A_914, %mul3A_907] : memref<3x3200000xi32, #tpu.memory_space<hbm>> -> memref<1x1280xi32, #tpu.memory_space<hbm>>
          %dma_start3A_916 = arith.constant 1 : i32
          %dma_start3A_917 = tpu.memref_slice %arg2[%dma_start3A_916, %mul3A_907] : memref<3x3200000xi32, #tpu.memory_space<hbm>> -> memref<1x1280xi32, #tpu.memory_space<hbm>>
          tpu.enqueue_dma source(%dma_start3A_917 : memref<1x1280xi32, #tpu.memory_space<hbm>>) target(%arg9 : memref<1x1280xi32, #tpu.memory_space<vmem>>) target_semaphore(%arg20 : memref<!tpu.dma_semaphore, #tpu.memory_space<semaphore_mem>>)
          %dma_start3A_918 = arith.constant 2 : i32
          %dma_start3A_919 = tpu.memref_slice %arg2[%dma_start3A_918, %mul3A_909] : memref<3x3200000xi32, #tpu.memory_space<hbm>> -> memref<1x1280xi32, #tpu.memory_space<hbm>>
          %dma_start3A_920 = arith.constant 2 : i32
          %dma_start3A_921 = tpu.memref_slice %arg2[%dma_start3A_920, %mul3A_909] : memref<3x3200000xi32, #tpu.memory_space<hbm>> -> memref<1x1280xi32, #tpu.memory_space<hbm>>
          tpu.enqueue_dma source(%dma_start3A_921 : memref<1x1280xi32, #tpu.memory_space<hbm>>) target(%arg10 : memref<1x1280xi32, #tpu.memory_space<vmem>>) target_semaphore(%arg20 : memref<!tpu.dma_semaphore, #tpu.memory_space<semaphore_mem>>)
        } else {
        }
      } else {
      }
      %mul3A_835 = arith.constant 3 : i32
      %mul3A_836 = arith.muli %mul3A_835, %scan3A_812 : i32
      %add3A_837 = arith.constant 2 : i32
      %add3A_838 = arith.addi %mul3A_836, %add3A_837 : i32
      %mul3A_839 = arith.constant 32 : i32
      %mul3A_840 = arith.muli %mul3A_839, %add3A_838 : i32
      %add3A_841 = arith.addi %add3A, %mul3A_840 : i32
      %lt3A_842 = arith.constant 2500 : i32
      %lt3A_843 = arith.cmpi slt, %add3A_841, %lt3A_842 : i32
      %convert_element_type3A_844 = arith.extui %lt3A_843 : i1 to i32
      %cond3A_845 = arith.constant 0 : i32
      %cond3A_846 = arith.cmpi ne, %convert_element_type3A_844, %cond3A_845 : i32
      scf.if %cond3A_846 {
        %mul3A_847 = arith.constant 1280 : i32
        %mul3A_848 = arith.muli %add3A_841, %mul3A_847 : i32
        %mul3A_849 = arith.constant 1280 : i32
        %mul3A_850 = arith.muli %add3A_841, %mul3A_849 : i32
        %mul3A_851 = arith.constant 1280 : i32
        %mul3A_852 = arith.muli %add3A_841, %mul3A_851 : i32
        %dma_wait3A_853 = arith.constant 0 : i32
        %dma_wait3A_854 = tpu.memref_slice %arg2[%dma_wait3A_853, %mul3A_848] : memref<3x3200000xi32, #tpu.memory_space<hbm>> -> memref<1x1280xi32, #tpu.memory_space<hbm>>
        %dma_wait3A_855 = arith.constant 0 : i32
        %dma_wait3A_856 = tpu.memref_slice %arg2[%dma_wait3A_855, %mul3A_848] : memref<3x3200000xi32, #tpu.memory_space<hbm>> -> memref<1x1280xi32, #tpu.memory_space<hbm>>
        tpu.wait_dma2 semaphore(%arg21 : memref<!tpu.dma_semaphore, #tpu.memory_space<semaphore_mem>>) src(%dma_wait3A_856 : memref<1x1280xi32, #tpu.memory_space<hbm>>) dst(%arg11 : memref<1x1280xi32, #tpu.memory_space<vmem>>)
        %dma_wait3A_857 = arith.constant 1 : i32
        %dma_wait3A_858 = tpu.memref_slice %arg2[%dma_wait3A_857, %mul3A_850] : memref<3x3200000xi32, #tpu.memory_space<hbm>> -> memref<1x1280xi32, #tpu.memory_space<hbm>>
        %dma_wait3A_859 = arith.constant 1 : i32
        %dma_wait3A_860 = tpu.memref_slice %arg2[%dma_wait3A_859, %mul3A_850] : memref<3x3200000xi32, #tpu.memory_space<hbm>> -> memref<1x1280xi32, #tpu.memory_space<hbm>>
        tpu.wait_dma2 semaphore(%arg21 : memref<!tpu.dma_semaphore, #tpu.memory_space<semaphore_mem>>) src(%dma_wait3A_860 : memref<1x1280xi32, #tpu.memory_space<hbm>>) dst(%arg12 : memref<1x1280xi32, #tpu.memory_space<vmem>>)
        %dma_wait3A_861 = arith.constant 2 : i32
        %dma_wait3A_862 = tpu.memref_slice %arg2[%dma_wait3A_861, %mul3A_852] : memref<3x3200000xi32, #tpu.memory_space<hbm>> -> memref<1x1280xi32, #tpu.memory_space<hbm>>
        %dma_wait3A_863 = arith.constant 2 : i32
        %dma_wait3A_864 = tpu.memref_slice %arg2[%dma_wait3A_863, %mul3A_852] : memref<3x3200000xi32, #tpu.memory_space<hbm>> -> memref<1x1280xi32, #tpu.memory_space<hbm>>
        tpu.wait_dma2 semaphore(%arg21 : memref<!tpu.dma_semaphore, #tpu.memory_space<semaphore_mem>>) src(%dma_wait3A_864 : memref<1x1280xi32, #tpu.memory_space<hbm>>) dst(%arg13 : memref<1x1280xi32, #tpu.memory_space<vmem>>)
        %gt3A = arith.constant 0 : i32
        %gt3A_865 = arith.cmpi sgt, %scan3A_812, %gt3A : i32
        %convert_element_type3A_866 = arith.extui %gt3A_865 : i1 to i32
        %cond3A_867 = arith.constant 0 : i32
        %cond3A_868 = arith.cmpi ne, %convert_element_type3A_866, %cond3A_867 : i32
        scf.if %cond3A_868 {
          %sub3A_902 = arith.constant 96 : i32
          %sub3A_903 = arith.subi %add3A_841, %sub3A_902 : i32
          %mul3A_904 = arith.constant 10 : i32
          %mul3A_905 = arith.muli %sub3A_903, %mul3A_904 : i32
          %mul3A_906 = arith.constant 1024 : i32
          %mul3A_907 = arith.muli %mul3A_905, %mul3A_906 : i32
          %add3A_908 = arith.constant 0 : i32
          %add3A_909 = arith.addi %add3A_908, %mul3A_907 : i32
          %mul3A_910 = arith.constant 10 : i32
          %mul3A_911 = arith.muli %sub3A_903, %mul3A_910 : i32
          %mul3A_912 = arith.constant 1024 : i32
          %mul3A_913 = arith.muli %mul3A_911, %mul3A_912 : i32
          %add3A_914 = arith.constant 25600000 : i32
          %add3A_915 = arith.addi %add3A_914, %mul3A_913 : i32
          %dma_wait3A_916 = arith.constant 0 : i32
          %dma_wait3A_917 = tpu.memref_slice %arg16[%dma_wait3A_916] : memref<20480xf32, #tpu.memory_space<vmem>> -> memref<10240xf32, #tpu.memory_space<vmem>>
          %dma_wait3A_918 = tpu.memref_slice %arg4[%add3A_909] : memref<51200000xf32, #tpu.memory_space<hbm>> -> memref<10240xf32, #tpu.memory_space<hbm>>
          %dma_wait3A_919 = tpu.memref_slice %arg4[%add3A_909] : memref<51200000xf32, #tpu.memory_space<hbm>> -> memref<10240xf32, #tpu.memory_space<hbm>>
          %dma_wait3A_920 = arith.constant 0 : i32
          %dma_wait3A_921 = tpu.memref_slice %arg16[%dma_wait3A_920] : memref<20480xf32, #tpu.memory_space<vmem>> -> memref<10240xf32, #tpu.memory_space<vmem>>
          tpu.wait_dma2 semaphore(%arg24 : memref<!tpu.dma_semaphore, #tpu.memory_space<semaphore_mem>>) src(%dma_wait3A_921 : memref<10240xf32, #tpu.memory_space<vmem>>) dst(%dma_wait3A_919 : memref<10240xf32, #tpu.memory_space<hbm>>)
          %dma_wait3A_922 = arith.constant 10240 : i32
          %dma_wait3A_923 = tpu.memref_slice %arg16[%dma_wait3A_922] : memref<20480xf32, #tpu.memory_space<vmem>> -> memref<10240xf32, #tpu.memory_space<vmem>>
          %dma_wait3A_924 = tpu.memref_slice %arg4[%add3A_915] : memref<51200000xf32, #tpu.memory_space<hbm>> -> memref<10240xf32, #tpu.memory_space<hbm>>
          %dma_wait3A_925 = tpu.memref_slice %arg4[%add3A_915] : memref<51200000xf32, #tpu.memory_space<hbm>> -> memref<10240xf32, #tpu.memory_space<hbm>>
          %dma_wait3A_926 = arith.constant 10240 : i32
          %dma_wait3A_927 = tpu.memref_slice %arg16[%dma_wait3A_926] : memref<20480xf32, #tpu.memory_space<vmem>> -> memref<10240xf32, #tpu.memory_space<vmem>>
          tpu.wait_dma2 semaphore(%arg24 : memref<!tpu.dma_semaphore, #tpu.memory_space<semaphore_mem>>) src(%dma_wait3A_927 : memref<10240xf32, #tpu.memory_space<vmem>>) dst(%dma_wait3A_925 : memref<10240xf32, #tpu.memory_space<hbm>>)
        } else {
        }
        %parallel_loop3A = arith.constant 0 : i32
        %parallel_loop3A_869 = arith.constant 10 : i32
        %parallel_loop3A_870 = arith.constant 1 : i32
        scf.for %parallel_loop3A_902 = %parallel_loop3A to %parallel_loop3A_869 step %parallel_loop3A_870  : i32 {
          %parallel_loop3A_903 = arith.constant 128 : i32
          %parallel_loop3A_904 = arith.muli %parallel_loop3A_902, %parallel_loop3A_903 : i32
          %parallel_loop3A_905 = arith.constant 1024 : i32
          %parallel_loop3A_906 = arith.muli %parallel_loop3A_902, %parallel_loop3A_905 : i32
          %parallel_loop3A_907 = arith.constant 0 : i32
          %parallel_loop3A_908 = arith.constant 8 : i32
          %parallel_loop3A_909 = arith.constant 1 : i32
          scf.for %parallel_loop3A_910 = %parallel_loop3A_907 to %parallel_loop3A_908 step %parallel_loop3A_909  : i32 {
            %parallel_loop3A_911 = arith.constant 16 : i32
            %parallel_loop3A_912 = arith.muli %parallel_loop3A_910, %parallel_loop3A_911 : i32
            %parallel_loop3A_913 = arith.addi %parallel_loop3A_904, %parallel_loop3A_912 : i32
            %parallel_loop3A_914 = arith.constant 0 : i32
            %parallel_loop3A_915 = arith.index_cast %parallel_loop3A_914 : i32 to index
            %parallel_loop3A_916 = arith.index_cast %parallel_loop3A_913 : i32 to index
            %parallel_loop3A_917 = tpu.vector_load %arg11[%parallel_loop3A_915, %parallel_loop3A_916] {strides = array<i32>} : memref<1x1280xi32, #tpu.memory_space<vmem>>, vector<16xi32>,
            %parallel_loop3A_918 = arith.addi %parallel_loop3A_904, %parallel_loop3A_912 : i32
            %parallel_loop3A_919 = arith.constant 0 : i32
            %parallel_loop3A_920 = arith.index_cast %parallel_loop3A_919 : i32 to index
            %parallel_loop3A_921 = arith.index_cast %parallel_loop3A_918 : i32 to index
            %parallel_loop3A_922 = tpu.vector_load %arg12[%parallel_loop3A_920, %parallel_loop3A_921] {strides = array<i32>} : memref<1x1280xi32, #tpu.memory_space<vmem>>, vector<16xi32>,
            %parallel_loop3A_923 = arith.addi %parallel_loop3A_904, %parallel_loop3A_912 : i32
            %parallel_loop3A_924 = arith.constant 0 : i32
            %parallel_loop3A_925 = arith.index_cast %parallel_loop3A_924 : i32 to index
            %parallel_loop3A_926 = arith.index_cast %parallel_loop3A_923 : i32 to index
            %parallel_loop3A_927 = tpu.vector_load %arg13[%parallel_loop3A_925, %parallel_loop3A_926] {strides = array<i32>} : memref<1x1280xi32, #tpu.memory_space<vmem>>, vector<16xi32>,
            %parallel_loop3A_928 = arith.constant 204 : i32
            %parallel_loop3A_929 = vector.broadcast %parallel_loop3A_928 : i32 to vector<16xi32>
            %parallel_loop3A_930 = arith.muli %parallel_loop3A_917, %parallel_loop3A_929 : vector<16xi32>
            %parallel_loop3A_931 = arith.constant 34 : i32
            %parallel_loop3A_932 = vector.broadcast %parallel_loop3A_931 : i32 to vector<16xi32>
            %parallel_loop3A_933 = arith.muli %parallel_loop3A_922, %parallel_loop3A_932 : vector<16xi32>
            %parallel_loop3A_934 = arith.addi %parallel_loop3A_930, %parallel_loop3A_933 : vector<16xi32>
            %parallel_loop3A_935 = arith.constant 17 : i32
            %parallel_loop3A_936 = vector.broadcast %parallel_loop3A_935 : i32 to vector<16xi32>
            %parallel_loop3A_937 = arith.muli %parallel_loop3A_927, %parallel_loop3A_936 : vector<16xi32>
            %parallel_loop3A_938 = arith.addi %parallel_loop3A_934, %parallel_loop3A_937 : vector<16xi32>
            %parallel_loop3A_939 = arith.constant 0 : i32
            %parallel_loop3A_940 = vector.broadcast %parallel_loop3A_939 : i32 to vector<16xi32>
            %parallel_loop3A_941 = arith.addi %parallel_loop3A_938, %parallel_loop3A_940 : vector<16xi32>
            %parallel_loop3A_942 = tpu.vector_load_idx %arg18[%parallel_loop3A_941] : memref<1020xf32, #tpu.memory_space<vmem>>[vector<16xi32>], vector<16xf32>,
            %parallel_loop3A_943 = arith.constant 1 : i32
            %parallel_loop3A_944 = vector.broadcast %parallel_loop3A_943 : i32 to vector<16xi32>
            %parallel_loop3A_945 = arith.addi %parallel_loop3A_938, %parallel_loop3A_944 : vector<16xi32>
            %parallel_loop3A_946 = tpu.vector_load_idx %arg18[%parallel_loop3A_945] : memref<1020xf32, #tpu.memory_space<vmem>>[vector<16xi32>], vector<16xf32>,
            %parallel_loop3A_947 = arith.constant 2 : i32
            %parallel_loop3A_948 = vector.broadcast %parallel_loop3A_947 : i32 to vector<16xi32>
            %parallel_loop3A_949 = arith.addi %parallel_loop3A_938, %parallel_loop3A_948 : vector<16xi32>
            %parallel_loop3A_950 = tpu.vector_load_idx %arg18[%parallel_loop3A_949] : memref<1020xf32, #tpu.memory_space<vmem>>[vector<16xi32>], vector<16xf32>,
            %parallel_loop3A_951 = arith.constant 3 : i32
            %parallel_loop3A_952 = vector.broadcast %parallel_loop3A_951 : i32 to vector<16xi32>
            %parallel_loop3A_953 = arith.addi %parallel_loop3A_938, %parallel_loop3A_952 : vector<16xi32>
            %parallel_loop3A_954 = tpu.vector_load_idx %arg18[%parallel_loop3A_953] : memref<1020xf32, #tpu.memory_space<vmem>>[vector<16xi32>], vector<16xf32>,
            %parallel_loop3A_955 = arith.constant 4 : i32
            %parallel_loop3A_956 = vector.broadcast %parallel_loop3A_955 : i32 to vector<16xi32>
            %parallel_loop3A_957 = arith.addi %parallel_loop3A_938, %parallel_loop3A_956 : vector<16xi32>
            %parallel_loop3A_958 = tpu.vector_load_idx %arg18[%parallel_loop3A_957] : memref<1020xf32, #tpu.memory_space<vmem>>[vector<16xi32>], vector<16xf32>,
            %parallel_loop3A_959 = arith.constant 5 : i32
            %parallel_loop3A_960 = vector.broadcast %parallel_loop3A_959 : i32 to vector<16xi32>
            %parallel_loop3A_961 = arith.addi %parallel_loop3A_938, %parallel_loop3A_960 : vector<16xi32>
            %parallel_loop3A_962 = tpu.vector_load_idx %arg18[%parallel_loop3A_961] : memref<1020xf32, #tpu.memory_space<vmem>>[vector<16xi32>], vector<16xf32>,
            %parallel_loop3A_963 = arith.constant 6 : i32
            %parallel_loop3A_964 = vector.broadcast %parallel_loop3A_963 : i32 to vector<16xi32>
            %parallel_loop3A_965 = arith.addi %parallel_loop3A_938, %parallel_loop3A_964 : vector<16xi32>
            %parallel_loop3A_966 = tpu.vector_load_idx %arg18[%parallel_loop3A_965] : memref<1020xf32, #tpu.memory_space<vmem>>[vector<16xi32>], vector<16xf32>,
            %parallel_loop3A_967 = arith.constant 7 : i32
            %parallel_loop3A_968 = vector.broadcast %parallel_loop3A_967 : i32 to vector<16xi32>
            %parallel_loop3A_969 = arith.addi %parallel_loop3A_938, %parallel_loop3A_968 : vector<16xi32>
            %parallel_loop3A_970 = tpu.vector_load_idx %arg18[%parallel_loop3A_969] : memref<1020xf32, #tpu.memory_space<vmem>>[vector<16xi32>], vector<16xf32>,
            %parallel_loop3A_971 = arith.constant 8 : i32
            %parallel_loop3A_972 = vector.broadcast %parallel_loop3A_971 : i32 to vector<16xi32>
            %parallel_loop3A_973 = arith.addi %parallel_loop3A_938, %parallel_loop3A_972 : vector<16xi32>
            %parallel_loop3A_974 = tpu.vector_load_idx %arg18[%parallel_loop3A_973] : memref<1020xf32, #tpu.memory_space<vmem>>[vector<16xi32>], vector<16xf32>,
            %parallel_loop3A_975 = arith.constant 9 : i32
            %parallel_loop3A_976 = vector.broadcast %parallel_loop3A_975 : i32 to vector<16xi32>
            %parallel_loop3A_977 = arith.addi %parallel_loop3A_938, %parallel_loop3A_976 : vector<16xi32>
            %parallel_loop3A_978 = tpu.vector_load_idx %arg18[%parallel_loop3A_977] : memref<1020xf32, #tpu.memory_space<vmem>>[vector<16xi32>], vector<16xf32>,
            %parallel_loop3A_979 = arith.constant 10 : i32
            %parallel_loop3A_980 = vector.broadcast %parallel_loop3A_979 : i32 to vector<16xi32>
            %parallel_loop3A_981 = arith.addi %parallel_loop3A_938, %parallel_loop3A_980 : vector<16xi32>
            %parallel_loop3A_982 = tpu.vector_load_idx %arg18[%parallel_loop3A_981] : memref<1020xf32, #tpu.memory_space<vmem>>[vector<16xi32>], vector<16xf32>,
            %parallel_loop3A_983 = arith.constant 11 : i32
            %parallel_loop3A_984 = vector.broadcast %parallel_loop3A_983 : i32 to vector<16xi32>
            %parallel_loop3A_985 = arith.addi %parallel_loop3A_938, %parallel_loop3A_984 : vector<16xi32>
            %parallel_loop3A_986 = tpu.vector_load_idx %arg18[%parallel_loop3A_985] : memref<1020xf32, #tpu.memory_space<vmem>>[vector<16xi32>], vector<16xf32>,
            %parallel_loop3A_987 = arith.constant 12 : i32
            %parallel_loop3A_988 = vector.broadcast %parallel_loop3A_987 : i32 to vector<16xi32>
            %parallel_loop3A_989 = arith.addi %parallel_loop3A_938, %parallel_loop3A_988 : vector<16xi32>
            %parallel_loop3A_990 = tpu.vector_load_idx %arg18[%parallel_loop3A_989] : memref<1020xf32, #tpu.memory_space<vmem>>[vector<16xi32>], vector<16xf32>,
            %parallel_loop3A_991 = arith.constant 13 : i32
            %parallel_loop3A_992 = vector.broadcast %parallel_loop3A_991 : i32 to vector<16xi32>
            %parallel_loop3A_993 = arith.addi %parallel_loop3A_938, %parallel_loop3A_992 : vector<16xi32>
            %parallel_loop3A_994 = tpu.vector_load_idx %arg18[%parallel_loop3A_993] : memref<1020xf32, #tpu.memory_space<vmem>>[vector<16xi32>], vector<16xf32>,
            %parallel_loop3A_995 = arith.constant 14 : i32
            %parallel_loop3A_996 = vector.broadcast %parallel_loop3A_995 : i32 to vector<16xi32>
            %parallel_loop3A_997 = arith.addi %parallel_loop3A_938, %parallel_loop3A_996 : vector<16xi32>
            %parallel_loop3A_998 = tpu.vector_load_idx %arg18[%parallel_loop3A_997] : memref<1020xf32, #tpu.memory_space<vmem>>[vector<16xi32>], vector<16xf32>,
            %parallel_loop3A_999 = arith.constant 15 : i32
            %parallel_loop3A_1000 = vector.broadcast %parallel_loop3A_999 : i32 to vector<16xi32>
            %parallel_loop3A_1001 = arith.addi %parallel_loop3A_938, %parallel_loop3A_1000 : vector<16xi32>
            %parallel_loop3A_1002 = tpu.vector_load_idx %arg18[%parallel_loop3A_1001] : memref<1020xf32, #tpu.memory_space<vmem>>[vector<16xi32>], vector<16xf32>,
            %parallel_loop3A_1003 = arith.constant 0 : i32
            %parallel_loop3A_1004 = arith.addi %parallel_loop3A_1003, %parallel_loop3A_906 : i32
            %parallel_loop3A_1005 = arith.constant 0 : i32
            %parallel_loop3A_1006 = arith.addi %parallel_loop3A_1004, %parallel_loop3A_1005 : i32
            %parallel_loop3A_1007 = arith.addi %parallel_loop3A_1006, %parallel_loop3A_912 : i32
            %parallel_loop3A_1008 = arith.index_cast %parallel_loop3A_1007 : i32 to index
            %parallel_loop3A_1009 = tpu.vector_load %arg16[%parallel_loop3A_1008] {strides = array<i32>} : memref<20480xf32, #tpu.memory_space<vmem>>, vector<16xf32>,
            tpu.vector_store %arg16[%parallel_loop3A_1008], %parallel_loop3A_942 {strides = array<i32>} : memref<20480xf32, #tpu.memory_space<vmem>>, vector<16xf32>,
            %parallel_loop3A_1010 = arith.constant 0 : i32
            %parallel_loop3A_1011 = arith.addi %parallel_loop3A_1010, %parallel_loop3A_906 : i32
            %parallel_loop3A_1012 = arith.constant 128 : i32
            %parallel_loop3A_1013 = arith.addi %parallel_loop3A_1011, %parallel_loop3A_1012 : i32
            %parallel_loop3A_1014 = arith.addi %parallel_loop3A_1013, %parallel_loop3A_912 : i32
            %parallel_loop3A_1015 = arith.index_cast %parallel_loop3A_1014 : i32 to index
            %parallel_loop3A_1016 = tpu.vector_load %arg16[%parallel_loop3A_1015] {strides = array<i32>} : memref<20480xf32, #tpu.memory_space<vmem>>, vector<16xf32>,
            tpu.vector_store %arg16[%parallel_loop3A_1015], %parallel_loop3A_946 {strides = array<i32>} : memref<20480xf32, #tpu.memory_space<vmem>>, vector<16xf32>,
            %parallel_loop3A_1017 = arith.constant 0 : i32
            %parallel_loop3A_1018 = arith.addi %parallel_loop3A_1017, %parallel_loop3A_906 : i32
            %parallel_loop3A_1019 = arith.constant 256 : i32
            %parallel_loop3A_1020 = arith.addi %parallel_loop3A_1018, %parallel_loop3A_1019 : i32
            %parallel_loop3A_1021 = arith.addi %parallel_loop3A_1020, %parallel_loop3A_912 : i32
            %parallel_loop3A_1022 = arith.index_cast %parallel_loop3A_1021 : i32 to index
            %parallel_loop3A_1023 = tpu.vector_load %arg16[%parallel_loop3A_1022] {strides = array<i32>} : memref<20480xf32, #tpu.memory_space<vmem>>, vector<16xf32>,
            tpu.vector_store %arg16[%parallel_loop3A_1022], %parallel_loop3A_950 {strides = array<i32>} : memref<20480xf32, #tpu.memory_space<vmem>>, vector<16xf32>,
            %parallel_loop3A_1024 = arith.constant 0 : i32
            %parallel_loop3A_1025 = arith.addi %parallel_loop3A_1024, %parallel_loop3A_906 : i32
            %parallel_loop3A_1026 = arith.constant 384 : i32
            %parallel_loop3A_1027 = arith.addi %parallel_loop3A_1025, %parallel_loop3A_1026 : i32
            %parallel_loop3A_1028 = arith.addi %parallel_loop3A_1027, %parallel_loop3A_912 : i32
            %parallel_loop3A_1029 = arith.index_cast %parallel_loop3A_1028 : i32 to index
            %parallel_loop3A_1030 = tpu.vector_load %arg16[%parallel_loop3A_1029] {strides = array<i32>} : memref<20480xf32, #tpu.memory_space<vmem>>, vector<16xf32>,
            tpu.vector_store %arg16[%parallel_loop3A_1029], %parallel_loop3A_954 {strides = array<i32>} : memref<20480xf32, #tpu.memory_space<vmem>>, vector<16xf32>,
            %parallel_loop3A_1031 = arith.constant 0 : i32
            %parallel_loop3A_1032 = arith.addi %parallel_loop3A_1031, %parallel_loop3A_906 : i32
            %parallel_loop3A_1033 = arith.constant 512 : i32
            %parallel_loop3A_1034 = arith.addi %parallel_loop3A_1032, %parallel_loop3A_1033 : i32
            %parallel_loop3A_1035 = arith.addi %parallel_loop3A_1034, %parallel_loop3A_912 : i32
            %parallel_loop3A_1036 = arith.index_cast %parallel_loop3A_1035 : i32 to index
            %parallel_loop3A_1037 = tpu.vector_load %arg16[%parallel_loop3A_1036] {strides = array<i32>} : memref<20480xf32, #tpu.memory_space<vmem>>, vector<16xf32>,
            tpu.vector_store %arg16[%parallel_loop3A_1036], %parallel_loop3A_958 {strides = array<i32>} : memref<20480xf32, #tpu.memory_space<vmem>>, vector<16xf32>,
            %parallel_loop3A_1038 = arith.constant 0 : i32
            %parallel_loop3A_1039 = arith.addi %parallel_loop3A_1038, %parallel_loop3A_906 : i32
            %parallel_loop3A_1040 = arith.constant 640 : i32
            %parallel_loop3A_1041 = arith.addi %parallel_loop3A_1039, %parallel_loop3A_1040 : i32
            %parallel_loop3A_1042 = arith.addi %parallel_loop3A_1041, %parallel_loop3A_912 : i32
            %parallel_loop3A_1043 = arith.index_cast %parallel_loop3A_1042 : i32 to index
            %parallel_loop3A_1044 = tpu.vector_load %arg16[%parallel_loop3A_1043] {strides = array<i32>} : memref<20480xf32, #tpu.memory_space<vmem>>, vector<16xf32>,
            tpu.vector_store %arg16[%parallel_loop3A_1043], %parallel_loop3A_962 {strides = array<i32>} : memref<20480xf32, #tpu.memory_space<vmem>>, vector<16xf32>,
            %parallel_loop3A_1045 = arith.constant 0 : i32
            %parallel_loop3A_1046 = arith.addi %parallel_loop3A_1045, %parallel_loop3A_906 : i32
            %parallel_loop3A_1047 = arith.constant 768 : i32
            %parallel_loop3A_1048 = arith.addi %parallel_loop3A_1046, %parallel_loop3A_1047 : i32
            %parallel_loop3A_1049 = arith.addi %parallel_loop3A_1048, %parallel_loop3A_912 : i32
            %parallel_loop3A_1050 = arith.index_cast %parallel_loop3A_1049 : i32 to index
            %parallel_loop3A_1051 = tpu.vector_load %arg16[%parallel_loop3A_1050] {strides = array<i32>} : memref<20480xf32, #tpu.memory_space<vmem>>, vector<16xf32>,
            tpu.vector_store %arg16[%parallel_loop3A_1050], %parallel_loop3A_966 {strides = array<i32>} : memref<20480xf32, #tpu.memory_space<vmem>>, vector<16xf32>,
            %parallel_loop3A_1052 = arith.constant 0 : i32
            %parallel_loop3A_1053 = arith.addi %parallel_loop3A_1052, %parallel_loop3A_906 : i32
            %parallel_loop3A_1054 = arith.constant 896 : i32
            %parallel_loop3A_1055 = arith.addi %parallel_loop3A_1053, %parallel_loop3A_1054 : i32
            %parallel_loop3A_1056 = arith.addi %parallel_loop3A_1055, %parallel_loop3A_912 : i32
            %parallel_loop3A_1057 = arith.index_cast %parallel_loop3A_1056 : i32 to index
            %parallel_loop3A_1058 = tpu.vector_load %arg16[%parallel_loop3A_1057] {strides = array<i32>} : memref<20480xf32, #tpu.memory_space<vmem>>, vector<16xf32>,
            tpu.vector_store %arg16[%parallel_loop3A_1057], %parallel_loop3A_970 {strides = array<i32>} : memref<20480xf32, #tpu.memory_space<vmem>>, vector<16xf32>,
            %parallel_loop3A_1059 = arith.constant 10240 : i32
            %parallel_loop3A_1060 = arith.addi %parallel_loop3A_1059, %parallel_loop3A_906 : i32
            %parallel_loop3A_1061 = arith.constant 0 : i32
            %parallel_loop3A_1062 = arith.addi %parallel_loop3A_1060, %parallel_loop3A_1061 : i32
            %parallel_loop3A_1063 = arith.addi %parallel_loop3A_1062, %parallel_loop3A_912 : i32
            %parallel_loop3A_1064 = arith.index_cast %parallel_loop3A_1063 : i32 to index
            %parallel_loop3A_1065 = tpu.vector_load %arg16[%parallel_loop3A_1064] {strides = array<i32>} : memref<20480xf32, #tpu.memory_space<vmem>>, vector<16xf32>,
            tpu.vector_store %arg16[%parallel_loop3A_1064], %parallel_loop3A_974 {strides = array<i32>} : memref<20480xf32, #tpu.memory_space<vmem>>, vector<16xf32>,
            %parallel_loop3A_1066 = arith.constant 10240 : i32
            %parallel_loop3A_1067 = arith.addi %parallel_loop3A_1066, %parallel_loop3A_906 : i32
            %parallel_loop3A_1068 = arith.constant 128 : i32
            %parallel_loop3A_1069 = arith.addi %parallel_loop3A_1067, %parallel_loop3A_1068 : i32
            %parallel_loop3A_1070 = arith.addi %parallel_loop3A_1069, %parallel_loop3A_912 : i32
            %parallel_loop3A_1071 = arith.index_cast %parallel_loop3A_1070 : i32 to index
            %parallel_loop3A_1072 = tpu.vector_load %arg16[%parallel_loop3A_1071] {strides = array<i32>} : memref<20480xf32, #tpu.memory_space<vmem>>, vector<16xf32>,
            tpu.vector_store %arg16[%parallel_loop3A_1071], %parallel_loop3A_978 {strides = array<i32>} : memref<20480xf32, #tpu.memory_space<vmem>>, vector<16xf32>,
            %parallel_loop3A_1073 = arith.constant 10240 : i32
            %parallel_loop3A_1074 = arith.addi %parallel_loop3A_1073, %parallel_loop3A_906 : i32
            %parallel_loop3A_1075 = arith.constant 256 : i32
            %parallel_loop3A_1076 = arith.addi %parallel_loop3A_1074, %parallel_loop3A_1075 : i32
            %parallel_loop3A_1077 = arith.addi %parallel_loop3A_1076, %parallel_loop3A_912 : i32
            %parallel_loop3A_1078 = arith.index_cast %parallel_loop3A_1077 : i32 to index
            %parallel_loop3A_1079 = tpu.vector_load %arg16[%parallel_loop3A_1078] {strides = array<i32>} : memref<20480xf32, #tpu.memory_space<vmem>>, vector<16xf32>,
            tpu.vector_store %arg16[%parallel_loop3A_1078], %parallel_loop3A_982 {strides = array<i32>} : memref<20480xf32, #tpu.memory_space<vmem>>, vector<16xf32>,
            %parallel_loop3A_1080 = arith.constant 10240 : i32
            %parallel_loop3A_1081 = arith.addi %parallel_loop3A_1080, %parallel_loop3A_906 : i32
            %parallel_loop3A_1082 = arith.constant 384 : i32
            %parallel_loop3A_1083 = arith.addi %parallel_loop3A_1081, %parallel_loop3A_1082 : i32
            %parallel_loop3A_1084 = arith.addi %parallel_loop3A_1083, %parallel_loop3A_912 : i32
            %parallel_loop3A_1085 = arith.index_cast %parallel_loop3A_1084 : i32 to index
            %parallel_loop3A_1086 = tpu.vector_load %arg16[%parallel_loop3A_1085] {strides = array<i32>} : memref<20480xf32, #tpu.memory_space<vmem>>, vector<16xf32>,
            tpu.vector_store %arg16[%parallel_loop3A_1085], %parallel_loop3A_986 {strides = array<i32>} : memref<20480xf32, #tpu.memory_space<vmem>>, vector<16xf32>,
            %parallel_loop3A_1087 = arith.constant 10240 : i32
            %parallel_loop3A_1088 = arith.addi %parallel_loop3A_1087, %parallel_loop3A_906 : i32
            %parallel_loop3A_1089 = arith.constant 512 : i32
            %parallel_loop3A_1090 = arith.addi %parallel_loop3A_1088, %parallel_loop3A_1089 : i32
            %parallel_loop3A_1091 = arith.addi %parallel_loop3A_1090, %parallel_loop3A_912 : i32
            %parallel_loop3A_1092 = arith.index_cast %parallel_loop3A_1091 : i32 to index
            %parallel_loop3A_1093 = tpu.vector_load %arg16[%parallel_loop3A_1092] {strides = array<i32>} : memref<20480xf32, #tpu.memory_space<vmem>>, vector<16xf32>,
            tpu.vector_store %arg16[%parallel_loop3A_1092], %parallel_loop3A_990 {strides = array<i32>} : memref<20480xf32, #tpu.memory_space<vmem>>, vector<16xf32>,
            %parallel_loop3A_1094 = arith.constant 10240 : i32
            %parallel_loop3A_1095 = arith.addi %parallel_loop3A_1094, %parallel_loop3A_906 : i32
            %parallel_loop3A_1096 = arith.constant 640 : i32
            %parallel_loop3A_1097 = arith.addi %parallel_loop3A_1095, %parallel_loop3A_1096 : i32
            %parallel_loop3A_1098 = arith.addi %parallel_loop3A_1097, %parallel_loop3A_912 : i32
            %parallel_loop3A_1099 = arith.index_cast %parallel_loop3A_1098 : i32 to index
            %parallel_loop3A_1100 = tpu.vector_load %arg16[%parallel_loop3A_1099] {strides = array<i32>} : memref<20480xf32, #tpu.memory_space<vmem>>, vector<16xf32>,
            tpu.vector_store %arg16[%parallel_loop3A_1099], %parallel_loop3A_994 {strides = array<i32>} : memref<20480xf32, #tpu.memory_space<vmem>>, vector<16xf32>,
            %parallel_loop3A_1101 = arith.constant 10240 : i32
            %parallel_loop3A_1102 = arith.addi %parallel_loop3A_1101, %parallel_loop3A_906 : i32
            %parallel_loop3A_1103 = arith.constant 768 : i32
            %parallel_loop3A_1104 = arith.addi %parallel_loop3A_1102, %parallel_loop3A_1103 : i32
            %parallel_loop3A_1105 = arith.addi %parallel_loop3A_1104, %parallel_loop3A_912 : i32
            %parallel_loop3A_1106 = arith.index_cast %parallel_loop3A_1105 : i32 to index
            %parallel_loop3A_1107 = tpu.vector_load %arg16[%parallel_loop3A_1106] {strides = array<i32>} : memref<20480xf32, #tpu.memory_space<vmem>>, vector<16xf32>,
            tpu.vector_store %arg16[%parallel_loop3A_1106], %parallel_loop3A_998 {strides = array<i32>} : memref<20480xf32, #tpu.memory_space<vmem>>, vector<16xf32>,
            %parallel_loop3A_1108 = arith.constant 10240 : i32
            %parallel_loop3A_1109 = arith.addi %parallel_loop3A_1108, %parallel_loop3A_906 : i32
            %parallel_loop3A_1110 = arith.constant 896 : i32
            %parallel_loop3A_1111 = arith.addi %parallel_loop3A_1109, %parallel_loop3A_1110 : i32
            %parallel_loop3A_1112 = arith.addi %parallel_loop3A_1111, %parallel_loop3A_912 : i32
            %parallel_loop3A_1113 = arith.index_cast %parallel_loop3A_1112 : i32 to index
            %parallel_loop3A_1114 = tpu.vector_load %arg16[%parallel_loop3A_1113] {strides = array<i32>} : memref<20480xf32, #tpu.memory_space<vmem>>, vector<16xf32>,
            tpu.vector_store %arg16[%parallel_loop3A_1113], %parallel_loop3A_1002 {strides = array<i32>} : memref<20480xf32, #tpu.memory_space<vmem>>, vector<16xf32>,
          } {sc.loop_unroll_factor = 8 : i64, sc.parallel_access}
        } {sc.loop_unroll_factor = 2 : i64, sc.parallel_access}
        %mul3A_871 = arith.constant 10 : i32
        %mul3A_872 = arith.muli %add3A_841, %mul3A_871 : i32
        %mul3A_873 = arith.constant 1024 : i32
        %mul3A_874 = arith.muli %mul3A_872, %mul3A_873 : i32
        %add3A_875 = arith.constant 0 : i32
        %add3A_876 = arith.addi %add3A_875, %mul3A_874 : i32
        %mul3A_877 = arith.constant 10 : i32
        %mul3A_878 = arith.muli %add3A_841, %mul3A_877 : i32
        %mul3A_879 = arith.constant 1024 : i32
        %mul3A_880 = arith.muli %mul3A_878, %mul3A_879 : i32
        %add3A_881 = arith.constant 25600000 : i32
        %add3A_882 = arith.addi %add3A_881, %mul3A_880 : i32
        %dma_start3A_883 = arith.constant 0 : i32
        %dma_start3A_884 = tpu.memref_slice %arg16[%dma_start3A_883] : memref<20480xf32, #tpu.memory_space<vmem>> -> memref<10240xf32, #tpu.memory_space<vmem>>
        %dma_start3A_885 = tpu.memref_slice %arg4[%add3A_876] : memref<51200000xf32, #tpu.memory_space<hbm>> -> memref<10240xf32, #tpu.memory_space<hbm>>
        %dma_start3A_886 = tpu.memref_slice %arg4[%add3A_876] : memref<51200000xf32, #tpu.memory_space<hbm>> -> memref<10240xf32, #tpu.memory_space<hbm>>
        %dma_start3A_887 = arith.constant 0 : i32
        %dma_start3A_888 = tpu.memref_slice %arg16[%dma_start3A_887] : memref<20480xf32, #tpu.memory_space<vmem>> -> memref<10240xf32, #tpu.memory_space<vmem>>
        tpu.enqueue_dma source(%dma_start3A_888 : memref<10240xf32, #tpu.memory_space<vmem>>) target(%dma_start3A_886 : memref<10240xf32, #tpu.memory_space<hbm>>) target_semaphore(%arg24 : memref<!tpu.dma_semaphore, #tpu.memory_space<semaphore_mem>>)
        %dma_start3A_889 = arith.constant 10240 : i32
        %dma_start3A_890 = tpu.memref_slice %arg16[%dma_start3A_889] : memref<20480xf32, #tpu.memory_space<vmem>> -> memref<10240xf32, #tpu.memory_space<vmem>>
        %dma_start3A_891 = tpu.memref_slice %arg4[%add3A_882] : memref<51200000xf32, #tpu.memory_space<hbm>> -> memref<10240xf32, #tpu.memory_space<hbm>>
        %dma_start3A_892 = tpu.memref_slice %arg4[%add3A_882] : memref<51200000xf32, #tpu.memory_space<hbm>> -> memref<10240xf32, #tpu.memory_space<hbm>>
        %dma_start3A_893 = arith.constant 10240 : i32
        %dma_start3A_894 = tpu.memref_slice %arg16[%dma_start3A_893] : memref<20480xf32, #tpu.memory_space<vmem>> -> memref<10240xf32, #tpu.memory_space<vmem>>
        tpu.enqueue_dma source(%dma_start3A_894 : memref<10240xf32, #tpu.memory_space<vmem>>) target(%dma_start3A_892 : memref<10240xf32, #tpu.memory_space<hbm>>) target_semaphore(%arg24 : memref<!tpu.dma_semaphore, #tpu.memory_space<semaphore_mem>>)
        %add3A_895 = arith.constant 96 : i32
        %add3A_896 = arith.addi %add3A_841, %add3A_895 : i32
        %lt3A_897 = arith.constant 2500 : i32
        %lt3A_898 = arith.cmpi slt, %add3A_896, %lt3A_897 : i32
        %convert_element_type3A_899 = arith.extui %lt3A_898 : i1 to i32
        %cond3A_900 = arith.constant 0 : i32
        %cond3A_901 = arith.cmpi ne, %convert_element_type3A_899, %cond3A_900 : i32
        scf.if %cond3A_901 {
          %add3A_902 = arith.constant 96 : i32
          %add3A_903 = arith.addi %add3A_841, %add3A_902 : i32
          %mul3A_904 = arith.constant 1280 : i32
          %mul3A_905 = arith.muli %add3A_903, %mul3A_904 : i32
          %mul3A_906 = arith.constant 1280 : i32
          %mul3A_907 = arith.muli %add3A_903, %mul3A_906 : i32
          %mul3A_908 = arith.constant 1280 : i32
          %mul3A_909 = arith.muli %add3A_903, %mul3A_908 : i32
          %dma_start3A_910 = arith.constant 0 : i32
          %dma_start3A_911 = tpu.memref_slice %arg2[%dma_start3A_910, %mul3A_905] : memref<3x3200000xi32, #tpu.memory_space<hbm>> -> memref<1x1280xi32, #tpu.memory_space<hbm>>
          %dma_start3A_912 = arith.constant 0 : i32
          %dma_start3A_913 = tpu.memref_slice %arg2[%dma_start3A_912, %mul3A_905] : memref<3x3200000xi32, #tpu.memory_space<hbm>> -> memref<1x1280xi32, #tpu.memory_space<hbm>>
          tpu.enqueue_dma source(%dma_start3A_913 : memref<1x1280xi32, #tpu.memory_space<hbm>>) target(%arg11 : memref<1x1280xi32, #tpu.memory_space<vmem>>) target_semaphore(%arg21 : memref<!tpu.dma_semaphore, #tpu.memory_space<semaphore_mem>>)
          %dma_start3A_914 = arith.constant 1 : i32
          %dma_start3A_915 = tpu.memref_slice %arg2[%dma_start3A_914, %mul3A_907] : memref<3x3200000xi32, #tpu.memory_space<hbm>> -> memref<1x1280xi32, #tpu.memory_space<hbm>>
          %dma_start3A_916 = arith.constant 1 : i32
          %dma_start3A_917 = tpu.memref_slice %arg2[%dma_start3A_916, %mul3A_907] : memref<3x3200000xi32, #tpu.memory_space<hbm>> -> memref<1x1280xi32, #tpu.memory_space<hbm>>
          tpu.enqueue_dma source(%dma_start3A_917 : memref<1x1280xi32, #tpu.memory_space<hbm>>) target(%arg12 : memref<1x1280xi32, #tpu.memory_space<vmem>>) target_semaphore(%arg21 : memref<!tpu.dma_semaphore, #tpu.memory_space<semaphore_mem>>)
          %dma_start3A_918 = arith.constant 2 : i32
          %dma_start3A_919 = tpu.memref_slice %arg2[%dma_start3A_918, %mul3A_909] : memref<3x3200000xi32, #tpu.memory_space<hbm>> -> memref<1x1280xi32, #tpu.memory_space<hbm>>
          %dma_start3A_920 = arith.constant 2 : i32
          %dma_start3A_921 = tpu.memref_slice %arg2[%dma_start3A_920, %mul3A_909] : memref<3x3200000xi32, #tpu.memory_space<hbm>> -> memref<1x1280xi32, #tpu.memory_space<hbm>>
          tpu.enqueue_dma source(%dma_start3A_921 : memref<1x1280xi32, #tpu.memory_space<hbm>>) target(%arg13 : memref<1x1280xi32, #tpu.memory_space<vmem>>) target_semaphore(%arg21 : memref<!tpu.dma_semaphore, #tpu.memory_space<semaphore_mem>>)
        } else {
        }
      } else {
      }
    }
    %scan3A_652 = arith.constant 27 : i32
    %sub3A = arith.constant 2500 : i32
    %sub3A_653 = arith.subi %sub3A, %add3A : i32
    %add3A_654 = arith.constant 32 : i32
    %add3A_655 = arith.addi %sub3A_653, %add3A_654 : i32
    %sub3A_656 = arith.constant 1 : i32
    %sub3A_657 = arith.subi %add3A_655, %sub3A_656 : i32
    %jit3A = arith.constant 32 : i32
    %div3A = arith.divsi %sub3A_657, %jit3A : i32
    %sign3A = arith.constant 0 : i32
    %sign3A_658 = arith.cmpi sgt, %sub3A_657, %sign3A : i32
    %sign3A_659 = arith.extui %sign3A_658 : i1 to i32
    %sign3A_660 = arith.constant 0 : i32
    %sign3A_661 = arith.cmpi slt, %sub3A_657, %sign3A_660 : i32
    %sign3A_662 = arith.extui %sign3A_661 : i1 to i32
    %sign3A_663 = arith.subi %sign3A_659, %sign3A_662 : i32
    %sign3A_664 = arith.constant 0 : i32
    %sign3A_665 = arith.cmpi sgt, %jit3A, %sign3A_664 : i32
    %sign3A_666 = arith.extui %sign3A_665 : i1 to i32
    %sign3A_667 = arith.constant 0 : i32
    %sign3A_668 = arith.cmpi slt, %jit3A, %sign3A_667 : i32
    %sign3A_669 = arith.extui %sign3A_668 : i1 to i32
    %sign3A_670 = arith.subi %sign3A_666, %sign3A_669 : i32
    %ne3A = arith.cmpi ne, %sign3A_663, %sign3A_670 : i32
    %rem3A = arith.remsi %sub3A_657, %jit3A : i32
    %ne3A_671 = arith.constant 0 : i32
    %ne3A_672 = arith.cmpi ne, %rem3A, %ne3A_671 : i32
    %and3A = arith.andi %ne3A, %ne3A_672 : i1
    %sub3A_673 = arith.constant 1 : i32
    %sub3A_674 = arith.subi %div3A, %sub3A_673 : i32
    %select_n3A = arith.select %and3A, %sub3A_674, %div3A : i32
    %sub3A_675 = arith.constant 1 : i32
    %sub3A_676 = arith.subi %select_n3A, %sub3A_675 : i32
    %sub3A_677 = arith.constant 0 : i32
    %sub3A_678 = arith.subi %sub3A_676, %sub3A_677 : i32
    %jit3A_679 = arith.constant 3 : i32
    %eq3A = arith.constant 0 : i32
    %eq3A_680 = arith.cmpi eq, %jit3A_679, %eq3A : i32
    %jit3A_681 = arith.constant 1 : i32
    %select_n3A_682 = arith.select %eq3A_680, %jit3A_681, %jit3A_679 : i32
    %rem3A_683 = arith.remsi %sub3A_678, %select_n3A_682 : i32
    %ne3A_684 = arith.constant 0 : i32
    %ne3A_685 = arith.cmpi ne, %rem3A_683, %ne3A_684 : i32
    %lt3A = arith.constant 0 : i32
    %lt3A_686 = arith.cmpi slt, %rem3A_683, %lt3A : i32
    %lt3A_687 = arith.constant 0 : i32
    %lt3A_688 = arith.cmpi slt, %select_n3A_682, %lt3A_687 : i32
    %ne3A_689 = arith.xori %lt3A_686, %lt3A_688 : i1
    %and3A_690 = arith.andi %ne3A_689, %ne3A_685 : i1
    %add3A_691 = arith.addi %rem3A_683, %select_n3A_682 : i32
    %select_n3A_692 = arith.select %and3A_690, %add3A_691, %rem3A_683 : i32
    %sub3A_693 = arith.subi %sub3A_676, %select_n3A_692 : i32
    %mul3A_694 = arith.constant 32 : i32
    %mul3A_695 = arith.muli %mul3A_694, %sub3A_693 : i32
    %add3A_696 = arith.addi %add3A, %mul3A_695 : i32
    %mul3A_697 = arith.constant 10 : i32
    %mul3A_698 = arith.muli %add3A_696, %mul3A_697 : i32
    %mul3A_699 = arith.constant 1024 : i32
    %mul3A_700 = arith.muli %mul3A_698, %mul3A_699 : i32
    %add3A_701 = arith.constant 0 : i32
    %add3A_702 = arith.addi %add3A_701, %mul3A_700 : i32
    %mul3A_703 = arith.constant 10 : i32
    %mul3A_704 = arith.muli %add3A_696, %mul3A_703 : i32
    %mul3A_705 = arith.constant 1024 : i32
    %mul3A_706 = arith.muli %mul3A_704, %mul3A_705 : i32
    %add3A_707 = arith.constant 25600000 : i32
    %add3A_708 = arith.addi %add3A_707, %mul3A_706 : i32
    %dma_wait3A = arith.constant 0 : i32
    %dma_wait3A_709 = tpu.memref_slice %arg14[%dma_wait3A] : memref<20480xf32, #tpu.memory_space<vmem>> -> memref<10240xf32, #tpu.memory_space<vmem>>
    %dma_wait3A_710 = tpu.memref_slice %arg4[%add3A_702] : memref<51200000xf32, #tpu.memory_space<hbm>> -> memref<10240xf32, #tpu.memory_space<hbm>>
    %dma_wait3A_711 = tpu.memref_slice %arg4[%add3A_702] : memref<51200000xf32, #tpu.memory_space<hbm>> -> memref<10240xf32, #tpu.memory_space<hbm>>
    %dma_wait3A_712 = arith.constant 0 : i32
    %dma_wait3A_713 = tpu.memref_slice %arg14[%dma_wait3A_712] : memref<20480xf32, #tpu.memory_space<vmem>> -> memref<10240xf32, #tpu.memory_space<vmem>>
    tpu.wait_dma2 semaphore(%arg22 : memref<!tpu.dma_semaphore, #tpu.memory_space<semaphore_mem>>) src(%dma_wait3A_713 : memref<10240xf32, #tpu.memory_space<vmem>>) dst(%dma_wait3A_711 : memref<10240xf32, #tpu.memory_space<hbm>>)
    %dma_wait3A_714 = arith.constant 10240 : i32
    %dma_wait3A_715 = tpu.memref_slice %arg14[%dma_wait3A_714] : memref<20480xf32, #tpu.memory_space<vmem>> -> memref<10240xf32, #tpu.memory_space<vmem>>
    %dma_wait3A_716 = tpu.memref_slice %arg4[%add3A_708] : memref<51200000xf32, #tpu.memory_space<hbm>> -> memref<10240xf32, #tpu.memory_space<hbm>>
    %dma_wait3A_717 = tpu.memref_slice %arg4[%add3A_708] : memref<51200000xf32, #tpu.memory_space<hbm>> -> memref<10240xf32, #tpu.memory_space<hbm>>
    %dma_wait3A_718 = arith.constant 10240 : i32
    %dma_wait3A_719 = tpu.memref_slice %arg14[%dma_wait3A_718] : memref<20480xf32, #tpu.memory_space<vmem>> -> memref<10240xf32, #tpu.memory_space<vmem>>
    tpu.wait_dma2 semaphore(%arg22 : memref<!tpu.dma_semaphore, #tpu.memory_space<semaphore_mem>>) src(%dma_wait3A_719 : memref<10240xf32, #tpu.memory_space<vmem>>) dst(%dma_wait3A_717 : memref<10240xf32, #tpu.memory_space<hbm>>)
    %sub3A_720 = arith.constant 1 : i32
    %sub3A_721 = arith.subi %sub3A_676, %sub3A_720 : i32
    %jit3A_722 = arith.constant 3 : i32
    %eq3A_723 = arith.constant 0 : i32
    %eq3A_724 = arith.cmpi eq, %jit3A_722, %eq3A_723 : i32
    %jit3A_725 = arith.constant 1 : i32
    %select_n3A_726 = arith.select %eq3A_724, %jit3A_725, %jit3A_722 : i32
    %rem3A_727 = arith.remsi %sub3A_721, %select_n3A_726 : i32
    %ne3A_728 = arith.constant 0 : i32
    %ne3A_729 = arith.cmpi ne, %rem3A_727, %ne3A_728 : i32
    %lt3A_730 = arith.constant 0 : i32
    %lt3A_731 = arith.cmpi slt, %rem3A_727, %lt3A_730 : i32
    %lt3A_732 = arith.constant 0 : i32
    %lt3A_733 = arith.cmpi slt, %select_n3A_726, %lt3A_732 : i32
    %ne3A_734 = arith.xori %lt3A_731, %lt3A_733 : i1
    %and3A_735 = arith.andi %ne3A_734, %ne3A_729 : i1
    %add3A_736 = arith.addi %rem3A_727, %select_n3A_726 : i32
    %select_n3A_737 = arith.select %and3A_735, %add3A_736, %rem3A_727 : i32
    %sub3A_738 = arith.subi %sub3A_676, %select_n3A_737 : i32
    %mul3A_739 = arith.constant 32 : i32
    %mul3A_740 = arith.muli %mul3A_739, %sub3A_738 : i32
    %add3A_741 = arith.addi %add3A, %mul3A_740 : i32
    %mul3A_742 = arith.constant 10 : i32
    %mul3A_743 = arith.muli %add3A_741, %mul3A_742 : i32
    %mul3A_744 = arith.constant 1024 : i32
    %mul3A_745 = arith.muli %mul3A_743, %mul3A_744 : i32
    %add3A_746 = arith.constant 0 : i32
    %add3A_747 = arith.addi %add3A_746, %mul3A_745 : i32
    %mul3A_748 = arith.constant 10 : i32
    %mul3A_749 = arith.muli %add3A_741, %mul3A_748 : i32
    %mul3A_750 = arith.constant 1024 : i32
    %mul3A_751 = arith.muli %mul3A_749, %mul3A_750 : i32
    %add3A_752 = arith.constant 25600000 : i32
    %add3A_753 = arith.addi %add3A_752, %mul3A_751 : i32
    %dma_wait3A_754 = arith.constant 0 : i32
    %dma_wait3A_755 = tpu.memref_slice %arg15[%dma_wait3A_754] : memref<20480xf32, #tpu.memory_space<vmem>> -> memref<10240xf32, #tpu.memory_space<vmem>>
    %dma_wait3A_756 = tpu.memref_slice %arg4[%add3A_747] : memref<51200000xf32, #tpu.memory_space<hbm>> -> memref<10240xf32, #tpu.memory_space<hbm>>
    %dma_wait3A_757 = tpu.memref_slice %arg4[%add3A_747] : memref<51200000xf32, #tpu.memory_space<hbm>> -> memref<10240xf32, #tpu.memory_space<hbm>>
    %dma_wait3A_758 = arith.constant 0 : i32
    %dma_wait3A_759 = tpu.memref_slice %arg15[%dma_wait3A_758] : memref<20480xf32, #tpu.memory_space<vmem>> -> memref<10240xf32, #tpu.memory_space<vmem>>
    tpu.wait_dma2 semaphore(%arg23 : memref<!tpu.dma_semaphore, #tpu.memory_space<semaphore_mem>>) src(%dma_wait3A_759 : memref<10240xf32, #tpu.memory_space<vmem>>) dst(%dma_wait3A_757 : memref<10240xf32, #tpu.memory_space<hbm>>)
    %dma_wait3A_760 = arith.constant 10240 : i32
    %dma_wait3A_761 = tpu.memref_slice %arg15[%dma_wait3A_760] : memref<20480xf32, #tpu.memory_space<vmem>> -> memref<10240xf32, #tpu.memory_space<vmem>>
    %dma_wait3A_762 = tpu.memref_slice %arg4[%add3A_753] : memref<51200000xf32, #tpu.memory_space<hbm>> -> memref<10240xf32, #tpu.memory_space<hbm>>
    %dma_wait3A_763 = tpu.memref_slice %arg4[%add3A_753] : memref<51200000xf32, #tpu.memory_space<hbm>> -> memref<10240xf32, #tpu.memory_space<hbm>>
    %dma_wait3A_764 = arith.constant 10240 : i32
    %dma_wait3A_765 = tpu.memref_slice %arg15[%dma_wait3A_764] : memref<20480xf32, #tpu.memory_space<vmem>> -> memref<10240xf32, #tpu.memory_space<vmem>>
    tpu.wait_dma2 semaphore(%arg23 : memref<!tpu.dma_semaphore, #tpu.memory_space<semaphore_mem>>) src(%dma_wait3A_765 : memref<10240xf32, #tpu.memory_space<vmem>>) dst(%dma_wait3A_763 : memref<10240xf32, #tpu.memory_space<hbm>>)
    %sub3A_766 = arith.constant 2 : i32
    %sub3A_767 = arith.subi %sub3A_676, %sub3A_766 : i32
    %jit3A_768 = arith.constant 3 : i32
    %eq3A_769 = arith.constant 0 : i32
    %eq3A_770 = arith.cmpi eq, %jit3A_768, %eq3A_769 : i32
    %jit3A_771 = arith.constant 1 : i32
    %select_n3A_772 = arith.select %eq3A_770, %jit3A_771, %jit3A_768 : i32
    %rem3A_773 = arith.remsi %sub3A_767, %select_n3A_772 : i32
    %ne3A_774 = arith.constant 0 : i32
    %ne3A_775 = arith.cmpi ne, %rem3A_773, %ne3A_774 : i32
    %lt3A_776 = arith.constant 0 : i32
    %lt3A_777 = arith.cmpi slt, %rem3A_773, %lt3A_776 : i32
    %lt3A_778 = arith.constant 0 : i32
    %lt3A_779 = arith.cmpi slt, %select_n3A_772, %lt3A_778 : i32
    %ne3A_780 = arith.xori %lt3A_777, %lt3A_779 : i1
    %and3A_781 = arith.andi %ne3A_780, %ne3A_775 : i1
    %add3A_782 = arith.addi %rem3A_773, %select_n3A_772 : i32
    %select_n3A_783 = arith.select %and3A_781, %add3A_782, %rem3A_773 : i32
    %sub3A_784 = arith.subi %sub3A_676, %select_n3A_783 : i32
    %mul3A_785 = arith.constant 32 : i32
    %mul3A_786 = arith.muli %mul3A_785, %sub3A_784 : i32
    %add3A_787 = arith.addi %add3A, %mul3A_786 : i32
    %mul3A_788 = arith.constant 10 : i32
    %mul3A_789 = arith.muli %add3A_787, %mul3A_788 : i32
    %mul3A_790 = arith.constant 1024 : i32
    %mul3A_791 = arith.muli %mul3A_789, %mul3A_790 : i32
    %add3A_792 = arith.constant 0 : i32
    %add3A_793 = arith.addi %add3A_792, %mul3A_791 : i32
    %mul3A_794 = arith.constant 10 : i32
    %mul3A_795 = arith.muli %add3A_787, %mul3A_794 : i32
    %mul3A_796 = arith.constant 1024 : i32
    %mul3A_797 = arith.muli %mul3A_795, %mul3A_796 : i32
    %add3A_798 = arith.constant 25600000 : i32
    %add3A_799 = arith.addi %add3A_798, %mul3A_797 : i32
    %dma_wait3A_800 = arith.constant 0 : i32
    %dma_wait3A_801 = tpu.memref_slice %arg16[%dma_wait3A_800] : memref<20480xf32, #tpu.memory_space<vmem>> -> memref<10240xf32, #tpu.memory_space<vmem>>
    %dma_wait3A_802 = tpu.memref_slice %arg4[%add3A_793] : memref<51200000xf32, #tpu.memory_space<hbm>> -> memref<10240xf32, #tpu.memory_space<hbm>>
    %dma_wait3A_803 = tpu.memref_slice %arg4[%add3A_793] : memref<51200000xf32, #tpu.memory_space<hbm>> -> memref<10240xf32, #tpu.memory_space<hbm>>
    %dma_wait3A_804 = arith.constant 0 : i32
    %dma_wait3A_805 = tpu.memref_slice %arg16[%dma_wait3A_804] : memref<20480xf32, #tpu.memory_space<vmem>> -> memref<10240xf32, #tpu.memory_space<vmem>>
    tpu.wait_dma2 semaphore(%arg24 : memref<!tpu.dma_semaphore, #tpu.memory_space<semaphore_mem>>) src(%dma_wait3A_805 : memref<10240xf32, #tpu.memory_space<vmem>>) dst(%dma_wait3A_803 : memref<10240xf32, #tpu.memory_space<hbm>>)
    %dma_wait3A_806 = arith.constant 10240 : i32
    %dma_wait3A_807 = tpu.memref_slice %arg16[%dma_wait3A_806] : memref<20480xf32, #tpu.memory_space<vmem>> -> memref<10240xf32, #tpu.memory_space<vmem>>
    %dma_wait3A_808 = tpu.memref_slice %arg4[%add3A_799] : memref<51200000xf32, #tpu.memory_space<hbm>> -> memref<10240xf32, #tpu.memory_space<hbm>>
    %dma_wait3A_809 = tpu.memref_slice %arg4[%add3A_799] : memref<51200000xf32, #tpu.memory_space<hbm>> -> memref<10240xf32, #tpu.memory_space<hbm>>
    %dma_wait3A_810 = arith.constant 10240 : i32
    %dma_wait3A_811 = tpu.memref_slice %arg16[%dma_wait3A_810] : memref<20480xf32, #tpu.memory_space<vmem>> -> memref<10240xf32, #tpu.memory_space<vmem>>
    tpu.wait_dma2 semaphore(%arg24 : memref<!tpu.dma_semaphore, #tpu.memory_space<semaphore_mem>>) src(%dma_wait3A_811 : memref<10240xf32, #tpu.memory_space<vmem>>) dst(%dma_wait3A_809 : memref<10240xf32, #tpu.memory_space<hbm>>)
    return
  }
}

</mosaic_0001>

<sc_bundles>
// kernel: kernel.3.cloned.1.call-start
scs
__scs_entry_jumppad:
0x0: {  	(pc) =	sbr.rel $0x88, $3  }
0x1: {  	(tag) =	ssettag $0x0;
	lr =	simm.s32 $0x1  }
0x2: {  	[smem:$0x3F9D] =	sst lr;
	_ =	strace $0xD0000000  }
0x3: {  	_ = 	snop  }
0x4: {  	_ = 	snop  }
0x5: {  	_ = 	snop  }
0x6: {  	_ = 	snop  }
0x7: {  	_ = 	snop  }
__scs_overlays_trampoline_lowered:
0x8: {  	[smem:$0x3FAC] =	sst s0  }
0x9: {  	[smem:$0x3FAD] =	sst s1  }
0xa: {  	[smem:$0x3FAE] =	sst s2  }
0xb: {  	[smem:$0x3FAF] =	sst s3  }
0xc: {  	[smem:$0x3FB0] =	sst s4  }
0xd: {  	[smem:$0x3FB1] =	sst s5  }
0xe: {  	[smem:$0x3FB2] =	sst s6  }
0xf: {  	[smem:$0x3FB3] =	sst s7  }
0x10: {  	[smem:$0x3FB4] =	sst s8  }
0x11: {  	[smem:$0x3FB5] =	sst s9;
	s0 =	simm.s32 @!p0 $0x0  }
0x12: {  	s1 =	sld [smem:$0x3F9B];
	s0 =	simm.s32 @p0 $0x1  }
0x13: {  	[smem:$0x3FB6] =	sst s0;
	s0 =	simm.s32 @!p1 $0x0  }
0x14: {  	s2 =	sld [smem:$0x3F9A];
	s0 =	simm.s32 @p1 $0x1  }
0x15: {  	[smem:$0x3FB7] =	sst s0;
	s0 =	simm.s32 @!p2 $0x0  }
0x16: {  	s3 =	sld [smem:$0x3FDB];
	s0 =	simm.s32 @p2 $0x1  }
0x17: {  	s4 =	simm.s32 $0x1BF5;
	[smem:$0x3FB9] =	sst s0  }
0x18: {  	s0 =	sld [smem:$0x3F9C];
	_ =	swait.ge [sflag:s4], $0x0  }
0x19: {  	s7 =	sld [smem:$0x3F9D]  }
0x1a: {  	s8 =	sadd.s32 $0xFFFFE003, lr  }
0x1b: {  	s9 =	sadd.s32 $0xFFFFFEF7, lr;
	s5 =	simm.s32 $0xFFFFFFFF;
	p2 =	slt.u32 s8, $0xFFFFF086  }
0x1c: {  	p1 =	slt.u32 s9, $0xF7A;
	s5 =	simm.s32 @!p2 $0x0  }
0x1d: {  	s5 =	simm.s32 @p1 $0x1;
	p0 =	seq.s32 s7, s2  }
0x1e: {  	s7 =	smul.u32 @!p0 $0xF7A, s2;
	p2 =	seq.s32 @!p0 s5, $0x0  }
0x1f: {  	s9 =	smul.u32 $0xF7A, s1;
	s8 =	simm.s32 @!p0 $0x1BF5;
	p2 =	por !p2, p0  }
0x20: {  	[sflag:s8] =	ssyncset.s32 @!p0 $0xFFFFF086;
	s6 =	sadd.s32 @!p0 s3, s7;
	s7 =	simm.s32 @!p0 $0x108  }
0x21: {  	s3 =	sadd.s32 s3, s9;
	s6 =	sadd.s32 @!p0 $0x88, s6;
	s7 =	simm.s32 @p2 $0x1082  }
0x22: {  	[simem:s7], [sflag:s8] =	dma.local @!p0 [hbm:s6], $0xF7A  }
0x23: {  	s9 =	sor.u32 $0xD0000000, s2;
	s6 =	simm.s32 $0x108;
	_ =	swait.ge @!p0 [sflag:s8], $0x0  }
0x24: {  	s3 =	sadd.s32 $0x88, s3;
	s6 =	simm.s32 @!p1 $0x1082;
	[sflag:s4] =	ssyncset.s32 $0xFFFFF086  }
0x25: {  	[simem:s6], [sflag:s4] =	dma.local [hbm:s3], $0xF7A  }
0x26: {  	[smem:$0x3F9D] =	sst s1;
	(tag) =	ssettag s2;
	_ =	strace s9  }
0x27: {  	s1 =	sld [smem:$0x3FAD]  }
0x28: {  	s2 =	sld [smem:$0x3FAE]  }
0x29: {  	s4 =	sld [smem:$0x3FB0]  }
0x2a: {  	p0 =	seq.s32 s5, $0x0;
	s5 =	sld [smem:$0x3FB1]  }
0x2b: {  	s6 =	sld [smem:$0x3FB2]  }
0x2c: {  	s7 =	sld [smem:$0x3FB3]  }
0x2d: {  	s3 =	simm.s32 $0x108;
	s8 =	sld [smem:$0x3FB4]  }
0x2e: {  	s3 =	simm.s32 @!p0 $0x1082;
	s9 =	sld [smem:$0x3FB5]  }
0x2f: {  	lr =	sadd.s32 s0, s3;
	s0 =	sld [smem:$0x3FAC]  }
0x30: {  	s3 =	sld [smem:$0x3FAF]  }
0x31: {  	[smem:$0x3FB8] =	sst s10  }
0x32: {  	s10 =	sld [smem:$0x3FB6];
	_ =	sdelay $0x3  }
0x33: {  	p0 =	seq.s32 s10, $0x1;
	s10 =	sld [smem:$0x3FB8];
	_ =	sdelay $0x3  }
0x34: {  	[smem:$0x3FB8] =	sst s10  }
0x35: {  	s10 =	sld [smem:$0x3FB7];
	_ =	sdelay $0x3  }
0x36: {  	p1 =	seq.s32 s10, $0x1;
	s10 =	sld [smem:$0x3FB8];
	_ =	sdelay $0x3  }
0x37: {  	[smem:$0x3FB8] =	sst s10  }
0x38: {  	s10 =	sld [smem:$0x3FB9]  }
0x39: {  	_ = 	snop;
	(pc) =	sbr.ind lr, $3  }
0x3a: {  	_ = 	snop  }
0x3b: {  	_ = 	snop  }
0x3c: {  	p2 =	seq.s32 s10, $0x1;
	s10 =	sld [smem:$0x3FB8]  }
0x3d: {  	_ =	shalt  }
0x3e: {  	_ =	shalt  }
0x3f: {  	_ =	shalt  }
0x40: {  	_ =	shalt  }
0x41: {  	_ =	shalt  }
0x42: {  	_ =	shalt  }
0x43: {  	_ =	shalt  }
0x44: {  	_ =	shalt  }
0x45: {  	_ =	shalt  }
0x46: {  	_ =	shalt  }
0x47: {  	_ =	shalt  }
0x48: {  	_ =	shalt  }
0x49: {  	_ =	shalt  }
0x4a: {  	_ =	shalt  }
0x4b: {  	_ =	shalt  }
0x4c: {  	_ =	shalt  }
0x4d: {  	_ =	shalt  }
0x4e: {  	_ =	shalt  }
0x4f: {  	_ =	shalt  }
0x50: {  	_ =	shalt  }
0x51: {  	_ =	shalt  }
0x52: {  	_ =	shalt  }
0x53: {  	_ =	shalt  }
0x54: {  	_ =	shalt  }
0x55: {  	_ =	shalt  }
0x56: {  	_ =	shalt  }
0x57: {  	_ =	shalt  }
0x58: {  	_ =	shalt  }
0x59: {  	_ =	shalt  }
0x5a: {  	_ =	shalt  }
0x5b: {  	_ =	shalt  }
0x5c: {  	_ =	shalt  }
0x5d: {  	_ =	shalt  }
0x5e: {  	_ =	shalt  }
0x5f: {  	_ =	shalt  }
0x60: {  	_ =	shalt  }
0x61: {  	_ =	shalt  }
0x62: {  	_ =	shalt  }
0x63: {  	_ =	shalt  }
0x64: {  	_ =	shalt  }
0x65: {  	_ =	shalt  }
0x66: {  	_ =	shalt  }
0x67: {  	_ =	shalt  }
0x68: {  	_ =	shalt  }
0x69: {  	_ =	shalt  }
0x6a: {  	_ =	shalt  }
0x6b: {  	_ =	shalt  }
0x6c: {  	_ =	shalt  }
0x6d: {  	_ =	shalt  }
0x6e: {  	_ =	shalt  }
0x6f: {  	_ =	shalt  }
0x70: {  	_ =	shalt  }
0x71: {  	_ =	shalt  }
0x72: {  	_ =	shalt  }
0x73: {  	_ =	shalt  }
0x74: {  	_ =	shalt  }
0x75: {  	_ =	shalt  }
0x76: {  	_ =	shalt  }
0x77: {  	_ =	shalt  }
0x78: {  	_ =	shalt  }
0x79: {  	_ =	shalt  }
0x7a: {  	_ =	shalt  }
0x7b: {  	_ =	shalt  }
0x7c: {  	_ =	shalt  }
0x7d: {  	_ =	shalt  }
0x7e: {  	_ =	shalt  }
0x7f: {  	_ =	shalt  }
0x80: {  	_ =	shalt  }
0x81: {  	_ =	shalt  }
0x82: {  	_ =	shalt  }
0x83: {  	_ =	shalt  }
0x84: {  	_ =	shalt  }
0x85: {  	_ =	shalt  }
0x86: {  	_ =	shalt  }
0x87: {  	_ =	shalt  }
.Lfunc_end0:
.L_simem_size_0:
called_computation_lowered:
.L_overlay_start_0:
0x88: {  	s2 =	sld [smem:$0x3FD9]  }
0x89: {  	s3 =	sld [smem:$0x3FFE];
	_ =	sdelay $0x1  }
0x8a: {  	s1 =	srdreg.scid  }
0x8b: {  	s0 =	sand.u32 $0x1, s1  }
0x8c: {  	s17 =	sshll.u32 s0, $0xA;
	s2 =	sadd.s32 s3, s2  }
0x8d: {  	s2 =	sadd.s32 s2, s17  }
0x8e: {  	[smem:$0x3FC4] =	sst s2  }
0x8f: {  	_ = 	snop  }
0x90: {  	s2 =	sld [smem:$0x3FC9]  }
0x91: {  	s18 =	sld [smem:$0x3FD0];
	(tm) =	ssettm $0x1  }
0x92: {  	s4 =	sld [smem:$0x3FFB];
	_ =	sdelay $0x3  }
0x93: {  	_ =	strace s4  }
0x94: {  	s4 =	sld [smem:$0x3FFC];
	_ =	sdelay $0x3  }
0x95: {  	_ =	strace s4  }
0x96: {  	s4 =	sld [smem:$0x3FFD];
	_ =	sdelay $0x3  }
0x97: {  	_ =	strace s4  }
0x98: {  	_ =	strace $0x8FFFFFFF  }
0x99: {  	s19 =	sld [smem:$0x3FDB];
	_ =	sdelay $0x1  }
0x9a: {  	s5 =	simm.s32 $_scs_section_size  }
0x9b: {  	s6 =	simm.s32 $_size__tile_overlayer_lowered;
	s7 =	simm.s32 $_tile_overlayer_lowered  }
0x9c: {  	s22 =	simm.s32 $0x1BFF;
	s21 =	sshll.u32 s7, $0x1;
	s4 =	sadd.s32 s5, s19  }
0x9d: {  	s8 =	simm.s32 $0x0;
	s20 =	sshll.u32 s6, $0x1;
	s6 =	sadd.s32 s21, s4  }
0x9e: {  	[timem:s8], [sflag:s22] =	dma.local [hbm:s6], s20  }
0x9f: {  	_ =	swait.ge [sflag:s22], s20  }
0xa0: {  	s5 =	ssub.s32 $0x0, s20;
	[sflag:s22] =	ssyncset.done $0x0  }
0xa1: {  	[sflag:s22] =	ssyncadd.s32 s5;
	_ =	sdelay $0x1  }
0xa2: {  	s23 =	simm.s32 $0x1B8B  }
0xa3: {  	_ =	swait.ge [sflag:s23], $0x1  }
0xa4: {  	[sflag:s23] =	ssyncset.done $0x0  }
0xa5: {  	s25 =	simm.s32 $0x1B8E;
	s24 =	sld [smem:$0x3FFE];
	[sflag:s23] =	ssyncadd.s32 $0xFFFFFFFF  }
0xa6: {  	s26 =	simm.s32 $execute0_lowered;
	[smem:$0x3FD2] =	sst s25  }
0xa7: {  	s6 =	sshll.u32 s26, $0x1;
	_ =	strace $0x80000046;
	[dreg:$0x1] =	wrdreg $0xFFFFFFFF  }
0xa8: {  	s28 =	simm.s32 $_size_execute0_lowered;
	s4 =	sadd.s32 s4, s6;
	[dreg:$0x0] =	wrdreg $0x0  }
0xa9: {  	s6 =	sshll.u32 s28, $0x1;
	[dreg:$0x2] =	wrdreg s4  }
0xaa: {  	[dreg:$0x3] =	wrdreg s6  }
0xab: {  	[dreg:$0x4] =	wrdreg $0xC0  }
0xac: {  	_ =	task [dreg:s8], $0x5FFFF  }
0xad: {  	[dreg:$0x1] =	wrdreg $0xFFFFFFFF  }
0xae: {  	[dreg:$0x0] =	wrdreg $0x60  }
0xaf: {  	[dreg:$0x2] =	wrdreg s2  }
0xb0: {  	[dreg:$0x3] =	wrdreg s24  }
0xb1: {  	[dreg:$0x4] =	wrdreg s18  }
0xb2: {  	[dreg:$0x5] =	wrdreg $0x9  }
0xb3: {  	_ =	task.clear_ibuf [dreg:s8], $0x6FFFF;
	_ =	strace $0x90000046  }
0xb4: {  	s29 =	simm.s32 $0x9;
	_ =	strace $0x80000048  }
0xb5: {  	_ =	swait.ge [sflag:s29], $0x1  }
0xb6: {  	[sflag:s29] =	ssyncadd.s32 $0xFFFFFFFF  }
0xb7: {  	_ =	strace $0x90000048  }
0xb8: {  	_ =	sfence  }
0xb9: {  	s30 =	sld [smem:$0x0];
	_ =	sdelay $0x2  }
0xba: {  	s31 =	sshll.u32 s1, $0xD;
	s1 =	sshrl.u32 s1, $0x2  }
0xbb: {  	s3 =	sand.u32 $0x4000, s31;
	s1 =	sadd.s32 s1, s30  }
0xbc: {  	s0 =	sor.u32 s3, s0;
	s1 =	sshll.u32 s1, $0x11  }
0xbd: {  	s0 =	sor.u32 s1, s0  }
0xbe: {  	s0 =	sadd.s32 $0x8F2B, s0  }
0xbf: {  	[sflag:s0] =	ssyncadd.remote.s32 $0x1  }
0xc0: {  	_ =	sfence.sel $0xFFFF  }
0xc1: {  	[dreg:$0x0] =	wrdreg $0xFFFFFFFF;
	(pc) =	sbr.abs _section_cstart, $3  }
0xc2: {  	[dreg:$0x1] =	wrdreg $0xFFFFFFFF  }
0xc3: {  	_ =	task.clear_ibuf [dreg:s8], $0x2FFFF;
	_ =	strace $0x9FFFFFFF  }
0xc4: {  	(tm) =	ssettm $0x7FFFFFFF  }
0xc5: {  	_ =	shalt  }
tec
execute0_lowered:
.L_overlay_start_1:
0x0: {  	(tag) =	ssettag $0x1  }
0x1: {  	s1 =	rddreg [dreg:$0x0]  }
0x2: {  	s0 =	rddreg [dreg:$0x1];
	s2 =	srdreg.scid  }
0x3: {  	s4 =	stileid.u32;
	s3 =	rddreg [dreg:$0x2]  }
0x4: {  	s28 =	simm.s32 $0x2;
	s29 =	simm.s32 $0x7D00;
	s30 =	simm.s32 $0xA500  }
0x5: {  	s2 =	sand.u32 $0x1, s2;
	s5 =	sshll.u32 s4, $0x1;
	s4 =	simm.s32 $0x0  }
0x6: {  	s0 =	sadd.s32 $0x400, s0;
	s5 =	sor.u32 s2, s5;
	s2 =	ssub.s32 $0x2, s2  }
0x7: {  	[smem:$0x7FF] =	sst s4;
	s6 =	smul.u32 $0x1400, s5;
	s19 =	sshrl.u32 s2, $0x1  }
0x8: {  	_ =	strace $0x80000047;
	[dreg:$0x4] =	wrdreg s0;
	s0 =	ssub.s32 s2, s19  }
0x9: {  	s7 =	sadd.s32 $0x10, s1;
	s20 =	sshrl.u32 s6, $0x3;
	s0 =	smax.u32 s0, $0x1  }
0xa: {  	s10 =	sadd.s32 $0x20, s1;
	s8 =	sadd.s32 s20, s7;
	[dreg:$0xe] =	wrdreg s0  }
0xb: {  	s31 =	simm.s32 $0x3;
	s2 =	sadd.s32 s20, s10;
	[dreg:$0x6] =	wrdreg s8  }
0xc: {  	s9 =	simm.s32 $0x4;
	s6 =	sadd.s32 s1, s20;
	[dreg:$0x7] =	wrdreg s2  }
0xd: {  	s11 =	simm.s32 $0x5;
	s21 =	sadd.s32 $0x5000, s6;
	[dreg:$0x5] =	wrdreg s6  }
0xe: {  	s12 =	simm.s32 $0x6;
	s22 =	sadd.s32 $0x5010, s6;
	[dreg:$0x8] =	wrdreg s21  }
0xf: {  	s13 =	simm.s32 $0x0;
	s23 =	sadd.s32 $0x5020, s6;
	[dreg:$0x9] =	wrdreg s22  }
0x10: {  	s18 =	sor.u32 $0x20, s5;
	s24 =	sadd.s32 $0xA000, s6;
	[dreg:$0xa] =	wrdreg s23  }
.Ltmp0:
0x11: {  	s25 =	sadd.s32 $0xA010, s6;
	[dreg:$0xb] =	wrdreg s24;
	(pc) =	sbr.rel .LBB2_1-.Ltmp0, $4  }
0x12: {  	s19 =	sor.u32 $0x40, s5;
	s26 =	sadd.s32 $0xA020, s6;
	[dreg:$0xc] =	wrdreg s25  }
0x13: {  	s2 =	simm.s32 $0xCD00;
	s6 =	simm.s32 $0xF500;
	[dreg:$0xd] =	wrdreg s26  }
0x14: {  	s21 =	simm.s32 $0x80;
	s22 =	simm.s32 $0x200;
	s23 =	simm.s32 $0x1  }
0x15: {  	s24 =	simm.s32 $0x12500;
	s25 =	simm.s32 $0x2D00;
	s26 =	simm.s32 $0x5500  }
.LBB2_15:
0x16: {  	_ =	swait.ge [sflag:s9], $0x2800  }
0x17: {  	[sflag:s9] =	ssyncset.done $0x0  }
0x18: {  	[sflag:s9] =	ssyncadd.s32 $0xFFFFD800  }
0x19: {  	_ =	swait.ge [sflag:s9], $0x2800  }
0x1a: {  	[sflag:s9] =	ssyncset.done $0x0  }
0x1b: {  	[sflag:s9] =	ssyncadd.s32 $0xFFFFD800  }
0x1c: {  	_ =	swait.ge [sflag:s11], $0x2800  }
0x1d: {  	[sflag:s11] =	ssyncset.done $0x0  }
0x1e: {  	[sflag:s11] =	ssyncadd.s32 $0xFFFFD800  }
0x1f: {  	_ =	swait.ge [sflag:s11], $0x2800  }
0x20: {  	[sflag:s11] =	ssyncset.done $0x0  }
0x21: {  	[sflag:s11] =	ssyncadd.s32 $0xFFFFD800  }
0x22: {  	_ =	swait.ge [sflag:s12], $0x2800  }
0x23: {  	[sflag:s12] =	ssyncset.done $0x0  }
0x24: {  	[sflag:s12] =	ssyncadd.s32 $0xFFFFD800  }
0x25: {  	_ =	swait.ge [sflag:s12], $0x2800  }
0x26: {  	s13 =	sadd.s32 $0x1, s13;
	s0 =	rddreg [dreg:$0xe]  }
0x27: {  	p0 =	sne.s32 s13, s0  }
.Ltmp1:
0x28: {  	_ = 	snop;
	(pc) =	sbr.rel @!p0 .LBB2_16-.Ltmp1, $3  }
0x29: {  	_ =	sdelay $0x1  }
0x2a: {  	[sflag:s12] =	ssyncset.done $0x0  }
0x2b: {  	[sflag:s12] =	ssyncadd.s32 $0xFFFFD800  }
.LBB2_1:
0x2c: {  	s0 =	rddreg [dreg:$0x5]  }
0x2d: {  	[tilespmem:s4], [sflag:$0x1] =	stream.strided.gather [hbm4b:s0+s21], $0x500, s22, s21, $0x38;
	[tilespmem:$0x12900] =	vst v63  }
0x2e: {  	s20 =	rddreg [dreg:$0x6];
	s8 =	simm.s32 $0x500  }
0x2f: {  	[tilespmem:s8], [sflag:$0x1] =	stream.strided.gather [hbm4b:s20+s21], $0x500, s22, s21, $0x38;
	[tilespmem:$0x12900] =	vst v63  }
0x30: {  	s14 =	simm.s32 $0xA00;
	s8 =	rddreg [dreg:$0x7]  }
0x31: {  	[tilespmem:s14], [sflag:$0x1] =	stream.strided.gather [hbm4b:s8+s21], $0x500, s22, s21, $0x38;
	[tilespmem:$0x12900] =	vst v63  }
0x32: {  	s15 =	rddreg [dreg:$0x8];
	s16 =	simm.s32 $0xF00  }
0x33: {  	[tilespmem:s16], [sflag:$0x2] =	stream.strided.gather [hbm4b:s15+s21], $0x500, s22, s21, $0x38;
	[tilespmem:$0x12900] =	vst v63  }
0x34: {  	s17 =	rddreg [dreg:$0x9];
	s20 =	simm.s32 $0x1400  }
0x35: {  	[tilespmem:s20], [sflag:$0x2] =	stream.strided.gather [hbm4b:s17+s21], $0x500, s22, s21, $0x38;
	[tilespmem:$0x12900] =	vst v63  }
0x36: {  	s8 =	rddreg [dreg:$0xa];
	s14 =	simm.s32 $0x1900  }
0x37: {  	[tilespmem:s14], [sflag:$0x2] =	stream.strided.gather [hbm4b:s8+s21], $0x500, s22, s21, $0x38;
	[tilespmem:$0x12900] =	vst v63  }
0x38: {  	s15 =	rddreg [dreg:$0xb];
	s16 =	simm.s32 $0x1E00  }
0x39: {  	[tilespmem:s16], [sflag:$0x3] =	stream.strided.gather [hbm4b:s15+s21], $0x500, s22, s21, $0x38;
	[tilespmem:$0x12900] =	vst v63  }
0x3a: {  	s17 =	rddreg [dreg:$0xc];
	s20 =	simm.s32 $0x2300  }
0x3b: {  	[tilespmem:s20], [sflag:$0x3] =	stream.strided.gather [hbm4b:s17+s21], $0x500, s22, s21, $0x38;
	[tilespmem:$0x12900] =	vst v63  }
0x3c: {  	s14 =	rddreg [dreg:$0xd];
	s15 =	simm.s32 $0x2800  }
0x3d: {  	[tilespmem:s15], [sflag:$0x3] =	stream.strided.gather [hbm4b:s14+s21], $0x500, s22, s21, $0x38;
	[tilespmem:$0x12900] =	vst v63  }
0x3e: {  	s16 =	rddreg [dreg:$0x4];
	s17 =	simm.s32 $0x11D00;
	s20 =	simm.s32 $0x7  }
0x3f: {  	[tilespmem:s17], [sflag:$0x7] =	stream.linear.gather [hbm4b:s16+s4], $0x680, $0x38;
	[tilespmem:$0x12900] =	vst v63  }
0x40: {  	_ =	swait.ge [sflag:s20], $0x680  }
0x41: {  	[sflag:s20] =	ssyncset.done $0x0  }
0x42: {  	[sflag:s20] =	ssyncadd.s32 $0xFFFFF980  }
0x43: {  	v0 =	vld [tilespmem:$0x11D00]  }
0x44: {  	v1 =	vld [tilespmem:$0x11F80]  }
0x45: {  	v2 =	vld [tilespmem:$0x12280]  }
0x46: {  	v3 =	vld [tilespmem:$0x12300]  }
0x47: {  	v4 =	vld [tilespmem:$0x12000]  }
0x48: {  	v5 =	vld [tilespmem:$0x12280]  }
0x49: {  	v6 =	vld [tilespmem:$0x12300]  }
0x4a: {  	v7 =	vld [tilespmem:$0x12080]  }
0x4b: {  	v8 =	vld [tilespmem:$0x12280]  }
0x4c: {  	v9 =	vld [tilespmem:$0x12300]  }
0x4d: {  	v10 =	vld [tilespmem:$0x12100]  }
0x4e: {  	v11 =	vld [tilespmem:$0x12280]  }
0x4f: {  	v12 =	vld [tilespmem:$0x12300]  }
0x50: {  	v13 =	vld [tilespmem:$0x12180]  }
0x51: {  	v14 =	vld [tilespmem:$0x12280]  }
0x52: {  	v15 =	vld [tilespmem:$0x12300]  }
0x53: {  	v16 =	vld [tilespmem:$0x12200]  }
0x54: {  	v17 =	vld [tilespmem:$0x12280]  }
0x55: {  	v18 =	vld [tilespmem:$0x12300]  }
0x56: {  	v19 =	vld [tilespmem:$0x11D80]  }
0x57: {  	v20 =	vld [tilespmem:$0x11F80]  }
0x58: {  	v21 =	vld [tilespmem:$0x12280]  }
0x59: {  	v22 =	vld [tilespmem:$0x12300]  }
0x5a: {  	v23 =	vld [tilespmem:$0x12000]  }
0x5b: {  	v24 =	vld [tilespmem:$0x12280]  }
0x5c: {  	v25 =	vld [tilespmem:$0x12300]  }
0x5d: {  	v26 =	vld [tilespmem:$0x12080]  }
0x5e: {  	v27 =	vld [tilespmem:$0x12280]  }
0x5f: {  	v28 =	vld [tilespmem:$0x12300]  }
0x60: {  	v29 =	vld [tilespmem:$0x12100]  }
0x61: {  	v30 =	vld [tilespmem:$0x12280]  }
0x62: {  	v31 =	vld [tilespmem:$0x12300]  }
0x63: {  	v32 =	vld [tilespmem:$0x12180]  }
0x64: {  	v33 =	vld [tilespmem:$0x12280]  }
0x65: {  	v34 =	vld [tilespmem:$0x12300]  }
0x66: {  	v35 =	vld [tilespmem:$0x12200]  }
0x67: {  	v36 =	vld [tilespmem:$0x12280]  }
0x68: {  	v37 =	vld [tilespmem:$0x12300]  }
0x69: {  	v38 =	vld [tilespmem:$0x11E00];
	v1 =	vadd.f32 v1, v0  }
0x6a: {  	v39 =	vld [tilespmem:$0x11F80];
	v4 =	vadd.f32 v4, v0;
	v57 =	vadd.f32 v7, v0  }
0x6b: {  	v40 =	vld [tilespmem:$0x12280];
	v60 =	vadd.f32 v10, v0;
	v2 =	vadd.f32 v2, v1  }
0x6c: {  	v49 =	vld [tilespmem:$0x12200];
	v63 =	vadd.f32 v13, v0;
	v1 =	vadd.f32 v3, v1  }
0x6d: {  	v7 =	vld [tilespmem:$0x12000];
	v0 =	vadd.f32 v16, v0;
	v56 =	vadd.f32 v5, v4;
	[tilespmem:$0x12500] =	vst v2  }
0x6e: {  	v10 =	vld [tilespmem:$0x12280];
	v43 =	vadd.f32 v20, v19;
	v58 =	vadd.f32 v6, v4;
	[tilespmem:$0x12511] =	vst v1  }
0x6f: {  	v45 =	vadd.f32 v23, v19;
	v20 =	vld [tilespmem:$0x12300];
	v59 =	vadd.f32 v8, v57;
	[tilespmem:$0x12522] =	vst v56  }
0x70: {  	v48 =	vadd.f32 v26, v19;
	v16 =	vld [tilespmem:$0x11E80];
	v61 =	vadd.f32 v9, v57;
	[tilespmem:$0x12533] =	vst v58  }
0x71: {  	v52 =	vadd.f32 v29, v19;
	v23 =	vld [tilespmem:$0x12300];
	v62 =	vadd.f32 v11, v60;
	[tilespmem:$0x12544] =	vst v59  }
0x72: {  	v55 =	vadd.f32 v32, v19;
	v32 =	vld [tilespmem:$0x12280];
	v13 =	vadd.f32 v12, v60;
	[tilespmem:$0x12555] =	vst v61  }
0x73: {  	v19 =	vadd.f32 v35, v19;
	v35 =	vld [tilespmem:$0x12300];
	v14 =	vadd.f32 v14, v63;
	[tilespmem:$0x12566] =	vst v62  }
0x74: {  	v3 =	vld [tilespmem:$0x12300];
	v41 =	vadd.f32 v15, v63;
	[tilespmem:$0x12577] =	vst v13  }
0x75: {  	v4 =	vld [tilespmem:$0x12280];
	v42 =	vadd.f32 v17, v0;
	[tilespmem:$0x12588] =	vst v14  }
0x76: {  	v8 =	vld [tilespmem:$0x12300];
	v0 =	vadd.f32 v18, v0;
	[tilespmem:$0x12599] =	vst v41  }
0x77: {  	v5 =	vld [tilespmem:$0x12080];
	v44 =	vadd.f32 v21, v43;
	[tilespmem:$0x125AA] =	vst v42  }
0x78: {  	v6 =	vld [tilespmem:$0x12300];
	v46 =	vadd.f32 v22, v43;
	[tilespmem:$0x125BB] =	vst v0  }
0x79: {  	v11 =	vld [tilespmem:$0x12100];
	v47 =	vadd.f32 v24, v45;
	[tilespmem:$0x125CC] =	vst v44  }
0x7a: {  	v9 =	vld [tilespmem:$0x12280];
	v50 =	vadd.f32 v25, v45;
	[tilespmem:$0x125DD] =	vst v46  }
0x7b: {  	v15 =	vld [tilespmem:$0x12280];
	v51 =	vadd.f32 v27, v48;
	[tilespmem:$0x125EE] =	vst v47  }
0x7c: {  	v12 =	vld [tilespmem:$0x12300];
	v53 =	vadd.f32 v28, v48;
	[tilespmem:$0x125FF] =	vst v50  }
0x7d: {  	v54 =	vadd.f32 v30, v52;
	v18 =	vld [tilespmem:$0x12280];
	[tilespmem:$0x12610] =	vst v51  }
0x7e: {  	v57 =	vadd.f32 v31, v52;
	v60 =	vld [tilespmem:$0x12000];
	[tilespmem:$0x12621] =	vst v53  }
0x7f: {  	v25 =	vld [tilespmem:$0x12280];
	v63 =	vadd.f32 v37, v19;
	[tilespmem:$0x12632] =	vst v54  }
0x80: {  	v28 =	vld [tilespmem:$0x12300];
	v58 =	vadd.f32 v33, v55;
	[tilespmem:$0x12643] =	vst v57  }
0x81: {  	v30 =	vld [tilespmem:$0x12080];
	v59 =	vadd.f32 v34, v55;
	v62 =	vadd.f32 v39, v38;
	[tilespmem:$0x12687] =	vst v63  }
0x82: {  	v37 =	vld [tilespmem:$0x12100];
	v61 =	vadd.f32 v36, v19;
	[tilespmem:$0x12654] =	vst v58  }
0x83: {  	v43 =	vld [tilespmem:$0x12300];
	v7 =	vadd.f32 v7, v38;
	[tilespmem:$0x12665] =	vst v59;
	v29 =	vadd.f32 v40, v62  }
0x84: {  	v45 =	vld [tilespmem:$0x12180];
	[tilespmem:$0x12676] =	vst v61;
	v31 =	vadd.f32 v3, v62  }
0x85: {  	v13 =	vld [tilespmem:$0x12300];
	v33 =	vadd.f32 v4, v7;
	v34 =	vadd.f32 v5, v38;
	[tilespmem:$0x12698] =	vst v29  }
0x86: {  	v14 =	vld [tilespmem:$0x12280];
	v36 =	vadd.f32 v8, v7;
	[tilespmem:$0x126A9] =	vst v31  }
0x87: {  	v56 =	vld [tilespmem:$0x11F80];
	v40 =	vadd.f32 v11, v38;
	[tilespmem:$0x126BA] =	vst v33;
	v39 =	vadd.f32 v10, v34  }
0x88: {  	v52 =	vld [tilespmem:$0x12200];
	[tilespmem:$0x126CB] =	vst v36;
	v42 =	vadd.f32 v6, v34  }
0x89: {  	v49 =	vadd.f32 v49, v38;
	v1 =	vld [tilespmem:$0x12180];
	v44 =	vadd.f32 v9, v40;
	[tilespmem:$0x126DC] =	vst v39  }
0x8a: {  	v41 =	vld [tilespmem:$0x12280];
	v59 =	vadd.f32 v60, v16;
	v46 =	vadd.f32 v13, v40;
	[tilespmem:$0x126ED] =	vst v42  }
0x8b: {  	v22 =	vld [tilespmem:$0x12280];
	v21 =	vadd.f32 v30, v16;
	v53 =	vadd.f32 v14, v49;
	[tilespmem:$0x126FE] =	vst v44  }
0x8c: {  	v24 =	vld [tilespmem:$0x12300];
	v54 =	vadd.f32 v56, v16;
	v56 =	vadd.f32 v20, v49;
	[tilespmem:$0x1270F] =	vst v46  }
0x8d: {  	v27 =	vld [tilespmem:$0x12000];
	v26 =	vadd.f32 v37, v16;
	v63 =	vadd.f32 v25, v59;
	[tilespmem:$0x12742] =	vst v53  }
0x8e: {  	v47 =	vld [tilespmem:$0x12280];
	v25 =	vadd.f32 v32, v21;
	[tilespmem:$0x12753] =	vst v56  }
0x8f: {  	v50 =	vld [tilespmem:$0x12300];
	v1 =	vadd.f32 v1, v38;
	v30 =	vadd.f32 v41, v26;
	[tilespmem:$0x12786] =	vst v63  }
0x90: {  	v55 =	vld [tilespmem:$0x12280];
	v32 =	vadd.f32 v43, v26;
	[tilespmem:$0x127A8] =	vst v25  }
0x91: {  	v57 =	vld [tilespmem:$0x12300];
	v48 =	vadd.f32 v15, v1;
	[tilespmem:$0x127CA] =	vst v30  }
0x92: {  	v60 =	vld [tilespmem:$0x11F00];
	v51 =	vadd.f32 v12, v1;
	[tilespmem:$0x127DB] =	vst v32  }
0x93: {  	v62 =	vld [tilespmem:$0x11F80];
	v58 =	vadd.f32 v18, v54;
	[tilespmem:$0x12720] =	vst v48  }
0x94: {  	v37 =	vld [tilespmem:$0x12300];
	v61 =	vadd.f32 v23, v54;
	[tilespmem:$0x12731] =	vst v51  }
0x95: {  	v29 =	vld [tilespmem:$0x12280];
	v6 =	vadd.f32 v45, v16;
	v23 =	vadd.f32 v28, v59;
	[tilespmem:$0x12764] =	vst v58  }
0x96: {  	v31 =	vld [tilespmem:$0x12300];
	v28 =	vadd.f32 v35, v21;
	[tilespmem:$0x12775] =	vst v61  }
0x97: {  	v33 =	vld [tilespmem:$0x12080];
	v34 =	vadd.f32 v47, v6;
	v1 =	vadd.f32 v52, v16;
	[tilespmem:$0x12797] =	vst v23  }
0x98: {  	v40 =	vld [tilespmem:$0x12100];
	v36 =	vadd.f32 v50, v6;
	[tilespmem:$0x127B9] =	vst v28  }
0x99: {  	v35 =	vld [tilespmem:$0x12280];
	v39 =	vadd.f32 v62, v60;
	[tilespmem:$0x127EC] =	vst v34;
	v38 =	vadd.f32 v55, v1  }
0x9a: {  	v42 =	vld [tilespmem:$0x12280];
	[tilespmem:$0x127FD] =	vst v36;
	v41 =	vadd.f32 v57, v1  }
0x9b: {  	v44 =	vld [tilespmem:$0x12300];
	v7 =	vadd.f32 v27, v60;
	v43 =	vadd.f32 v22, v39;
	[tilespmem:$0x1280E] =	vst v38  }
0x9c: {  	v46 =	vld [tilespmem:$0x12180];
	v45 =	vadd.f32 v24, v39;
	[tilespmem:$0x1281F] =	vst v41  }
0x9d: {  	v50 =	vld [tilespmem:$0x12200];
	v47 =	vadd.f32 v29, v7;
	v3 =	vadd.f32 v33, v60;
	[tilespmem:$0x12830] =	vst v43  }
0x9e: {  	v48 =	vld [tilespmem:$0x12280];
	v49 =	vadd.f32 v31, v7;
	[tilespmem:$0x12841] =	vst v45  }
0x9f: {  	v53 =	vld [tilespmem:$0x12300];
	v52 =	vadd.f32 v40, v60;
	[tilespmem:$0x12852] =	vst v47;
	v51 =	vadd.f32 v35, v3  }
0xa0: {  	v55 =	vld [tilespmem:$0x12280];
	[tilespmem:$0x12863] =	vst v49;
	v54 =	vadd.f32 v37, v3  }
0xa1: {  	v57 =	vld [tilespmem:$0x12300];
	v1 =	vadd.f32 v42, v52;
	v56 =	vadd.f32 v46, v60;
	[tilespmem:$0x12874] =	vst v51  }
0xa2: {  	v58 =	vadd.f32 v44, v52;
	[tilespmem:$0x12885] =	vst v54  }
0xa3: {  	v59 =	vadd.f32 v50, v60;
	[tilespmem:$0x12896] =	vst v1;
	v60 =	vadd.f32 v48, v56  }
.Ltmp2:
0xa4: {  	[tilespmem:$0x128A7] =	vst v58;
	v61 =	vadd.f32 v53, v56;
	(pc) =	sbr.rel .LBB2_2-.Ltmp2, $4  }
0xa5: {  	v62 =	vadd.f32 v55, v59;
	[tilespmem:$0x128B8] =	vst v60  }
0xa6: {  	v63 =	vadd.f32 v57, v59;
	[tilespmem:$0x128C9] =	vst v61  }
0xa7: {  	[tilespmem:$0x128DA] =	vst v62  }
0xa8: {  	s14 =	simm.s32 $0x0;
	[tilespmem:$0x128EB] =	vst v63  }
.LBB2_14:
0xa9: {  	s14 =	sadd.s32 $0x1, s14  }
0xaa: {  	p0 =	sne.s32 s14, $0x1B  }
.Ltmp3:
0xab: {  	_ = 	snop;
	(pc) =	sbr.rel @!p0 .LBB2_15-.Ltmp3, $1  }
0xac: {  	_ =	sdelay $0x3  }
.LBB2_2:
0xad: {  	s15 =	smul.u32 $0x60, s14;
	_ =	sdelay $0x1  }
0xae: {  	s16 =	sor.u32 s5, s15  }
0xaf: {  	p0 =	sgt.u32 s16, $0x9C3  }
.Ltmp4:
0xb0: {  	_ = 	snop;
	(pc) =	sbr.rel @p0 .LBB2_6-.Ltmp4, $1  }
0xb1: {  	_ =	sdelay $0x3  }
0xb2: {  	_ =	swait.ge [sflag:s23], $0x500  }
0xb3: {  	[sflag:s23] =	ssyncset.done $0x0  }
0xb4: {  	[sflag:s23] =	ssyncadd.s32 $0xFFFFFB00  }
0xb5: {  	_ =	swait.ge [sflag:s23], $0x500  }
0xb6: {  	[sflag:s23] =	ssyncset.done $0x0  }
0xb7: {  	[sflag:s23] =	ssyncadd.s32 $0xFFFFFB00  }
0xb8: {  	_ =	swait.ge [sflag:s23], $0x500  }
0xb9: {  	p0 =	seq.s32 s14, $0x0;
	[sflag:s23] =	ssyncset.done $0x0  }
0xba: {  	s0 =	simm.s32 @!p0 $0x4;
	[sflag:s23] =	ssyncadd.s32 $0xFFFFFB00  }
0xbb: {  	_ =	swait.ge @!p0 [sflag:s0], $0x2800  }
0xbc: {  	[sflag:s0] =	ssyncset.done @!p0 $0x0  }
0xbd: {  	[sflag:s0] =	ssyncadd.s32 @!p0 $0xFFFFD800  }
0xbe: {  	_ =	swait.ge @!p0 [sflag:s0], $0x2800  }
0xbf: {  	[sflag:s0] =	ssyncset.done @!p0 $0x0  }
0xc0: {  	s17 =	simm.s32 $0x0;
	[sflag:s0] =	ssyncadd.s32 @!p0 $0xFFFFD800  }
.LBB2_4:
0xc1: {  	s8 =	sshll.u32 s17, $0x7  }
0xc2: {  	v0 =	vld [tilespmem:s8+$0x0]  }
0xc3: {  	v1 =	vld [tilespmem:s8+$0x500]  }
0xc4: {  	v2 =	vld [tilespmem:s8+$0xA00]  }
0xc5: {  	v9 =	vld [tilespmem:s8+$0x10]  }
0xc6: {  	v11 =	vld [tilespmem:s8+$0x510]  }
0xc7: {  	v13 =	vld [tilespmem:s8+$0xA10];
	_ =	sdelay $0x2  }
0xc8: {  	v0 =	vmul.u32 $0xCC, v0;
	v1 =	vmul.u32 $0x22, v1  }
0xc9: {  	v2 =	vmul.u32 $0x11, v2;
	v9 =	vmul.u32 $0xCC, v9;
	v11 =	vmul.u32 $0x22, v11  }
0xca: {  	v13 =	vmul.u32 $0x11, v13;
	v0 =	vadd.s32 v0, v1  }
0xcb: {  	v9 =	vadd.s32 v9, v11;
	v0 =	vadd.s32 v2, v0  }
0xcc: {  	v9 =	vadd.s32 v13, v9  }
0xcd: {  	v62 =	vadd.s32 $0x1, v0  }
0xce: {  	v2 =	vadd.s32 $0x2, v0  }
0xcf: {  	v3 =	vadd.s32 $0x3, v0  }
0xd0: {  	v4 =	vadd.s32 $0x4, v0;
	v5 =	vld.idx.msk [tilespmem:v0+s24+$0x0], $0xffff  }
0xd1: {  	v6 =	vadd.s32 $0x5, v0;
	v21 =	vld.idx.msk [tilespmem:v9+s24+$0x0], $0xffff  }
0xd2: {  	v7 =	vadd.s32 $0x6, v0;
	v1 =	vld.idx.msk [tilespmem:v62+s24+$0x0], $0xffff  }
0xd3: {  	v8 =	vadd.s32 $0x7, v0;
	v2 =	vld.idx.msk [tilespmem:v2+s24+$0x0], $0xffff  }
0xd4: {  	v10 =	vadd.s32 $0x8, v0;
	v3 =	vld.idx.msk [tilespmem:v3+s24+$0x0], $0xffff  }
0xd5: {  	v12 =	vadd.s32 $0x9, v0;
	v4 =	vld.idx.msk [tilespmem:v4+s24+$0x0], $0xffff  }
0xd6: {  	v14 =	vadd.s32 $0xA, v0;
	v6 =	vld.idx.msk [tilespmem:v6+s24+$0x0], $0xffff  }
0xd7: {  	v15 =	vadd.s32 $0xB, v0;
	v7 =	vld.idx.msk [tilespmem:v7+s24+$0x0], $0xffff  }
0xd8: {  	v16 =	vadd.s32 $0xC, v0;
	v8 =	vld.idx.msk [tilespmem:v8+s24+$0x0], $0xffff  }
0xd9: {  	v17 =	vadd.s32 $0xD, v0;
	v10 =	vld.idx.msk [tilespmem:v10+s24+$0x0], $0xffff  }
0xda: {  	v18 =	vadd.s32 $0xE, v0;
	v12 =	vld.idx.msk [tilespmem:v12+s24+$0x0], $0xffff  }
0xdb: {  	v0 =	vadd.s32 $0xF, v0;
	v14 =	vld.idx.msk [tilespmem:v14+s24+$0x0], $0xffff  }
0xdc: {  	v29 =	vadd.s32 $0x1, v9;
	v63 =	vld.idx.msk [tilespmem:v15+s24+$0x0], $0xffff  }
0xdd: {  	v31 =	vadd.s32 $0x2, v9;
	v28 =	vld.idx.msk [tilespmem:v16+s24+$0x0], $0xffff  }
0xde: {  	s0 =	sshll.u32 s17, $0xA;
	v19 =	vadd.s32 $0x3, v9;
	v30 =	vld.idx.msk [tilespmem:v17+s24+$0x0], $0xffff  }
0xdf: {  	s20 =	sand.u32 $0x3FFFFC00, s0;
	v20 =	vadd.s32 $0x4, v9;
	v18 =	vld.idx.msk [tilespmem:v18+s24+$0x0], $0xffff  }
0xe0: {  	v32 =	vadd.s32 $0x5, v9;
	v0 =	vld.idx.msk [tilespmem:v0+s24+$0x0], $0xffff;
	[tilespmem:s20+$0x2D00] =	vst v5  }
0xe1: {  	v34 =	vadd.s32 $0x6, v9;
	v33 =	vld.idx.msk [tilespmem:v29+s24+$0x0], $0xffff;
	[tilespmem:s20+$0x2D80] =	vst v1  }
0xe2: {  	v39 =	vadd.s32 $0xC, v9;
	v35 =	vld.idx.msk [tilespmem:v31+s24+$0x0], $0xffff;
	[tilespmem:s20+$0x2E00] =	vst v2  }
0xe3: {  	v40 =	vadd.s32 $0xD, v9;
	v19 =	vld.idx.msk [tilespmem:v19+s24+$0x0], $0xffff;
	[tilespmem:s20+$0x2E80] =	vst v3  }
0xe4: {  	v41 =	vadd.s32 $0xE, v9;
	v20 =	vld.idx.msk [tilespmem:v20+s24+$0x0], $0xffff;
	[tilespmem:s20+$0x2F00] =	vst v4  }
0xe5: {  	v23 =	vadd.s32 $0x9, v9;
	v24 =	vld.idx.msk [tilespmem:v32+s24+$0x0], $0xffff;
	[tilespmem:s20+$0x2F80] =	vst v6  }
0xe6: {  	v36 =	vadd.s32 $0x7, v9;
	v15 =	vld.idx.msk [tilespmem:v34+s24+$0x0], $0xffff;
	[tilespmem:s20+$0x3000] =	vst v7  }
0xe7: {  	v22 =	vadd.s32 $0x8, v9;
	v13 =	vld.idx.msk [tilespmem:v39+s24+$0x0], $0xffff;
	[tilespmem:s20+$0x3080] =	vst v8  }
0xe8: {  	v37 =	vadd.s32 $0xA, v9;
	v11 =	vld.idx.msk [tilespmem:v40+s24+$0x0], $0xffff;
	[tilespmem:s20+$0x5500] =	vst v10  }
0xe9: {  	v38 =	vadd.s32 $0xB, v9;
	v42 =	vadd.s32 $0xF, v9;
	v9 =	vld.idx.msk [tilespmem:v41+s24+$0x0], $0xffff;
	[tilespmem:s20+$0x5580] =	vst v12  }
0xea: {  	v5 =	vld.idx.msk [tilespmem:v23+s24+$0x0], $0xffff;
	[tilespmem:s20+$0x5600] =	vst v14  }
0xeb: {  	v3 =	vld.idx.msk [tilespmem:v36+s24+$0x0], $0xffff;
	[tilespmem:s20+$0x5680] =	vst v63  }
0xec: {  	v4 =	vld.idx.msk [tilespmem:v22+s24+$0x0], $0xffff;
	[tilespmem:s20+$0x5700] =	vst v28  }
0xed: {  	v6 =	vld.idx.msk [tilespmem:v37+s24+$0x0], $0xffff;
	[tilespmem:s20+$0x5780] =	vst v30  }
0xee: {  	v10 =	vld.idx.msk [tilespmem:v38+s24+$0x0], $0xffff;
	[tilespmem:s20+$0x5800] =	vst v18  }
0xef: {  	v7 =	vld.idx.msk [tilespmem:v42+s24+$0x0], $0xffff;
	[tilespmem:s20+$0x2D10] =	vst v21  }
0xf0: {  	[tilespmem:s20+$0x2D90] =	vst v33  }
0xf1: {  	[tilespmem:s20+$0x2E10] =	vst v35  }
0xf2: {  	[tilespmem:s20+$0x2E90] =	vst v19  }
0xf3: {  	[tilespmem:s20+$0x2F10] =	vst v20  }
0xf4: {  	[tilespmem:s20+$0x2F90] =	vst v24  }
0xf5: {  	[tilespmem:s20+$0x5880] =	vst v0  }
0xf6: {  	[tilespmem:s20+$0x3010] =	vst v15  }
0xf7: {  	v43 =	vld [tilespmem:s8+$0x20]  }
0xf8: {  	v44 =	vld [tilespmem:s8+$0x520]  }
0xf9: {  	v45 =	vld [tilespmem:s8+$0xA20]  }
0xfa: {  	v52 =	vld [tilespmem:s8+$0x30]  }
0xfb: {  	v15 =	vld [tilespmem:s8+$0x530]  }
0xfc: {  	v55 =	vld [tilespmem:s8+$0xA30];
	_ =	sdelay $0x2  }
0xfd: {  	v0 =	vmul.u32 $0xCC, v43;
	v1 =	vmul.u32 $0x22, v44  }
0xfe: {  	v2 =	vmul.u32 $0x11, v45;
	v12 =	vmul.u32 $0xCC, v52;
	v15 =	vmul.u32 $0x22, v15  }
0xff: {  	v20 =	vmul.u32 $0x11, v55;
	v0 =	vadd.s32 v0, v1  }
0x100: {  	v61 =	vadd.s32 v12, v15;
	v0 =	vadd.s32 v2, v0  }
0x101: {  	v1 =	vadd.s32 v20, v61  }
0x102: {  	v46 =	vadd.s32 $0x1, v0  }
0x103: {  	v38 =	vld [tilespmem:s8+$0x40];
	v2 =	vadd.s32 $0x2, v0  }
0x104: {  	v40 =	vld [tilespmem:s8+$0x540];
	v47 =	vadd.s32 $0x3, v0  }
0x105: {  	v48 =	vadd.s32 $0x4, v0;
	v17 =	vld.idx.msk [tilespmem:v0+s24+$0x0], $0xffff  }
0x106: {  	v49 =	vadd.s32 $0x5, v0;
	v41 =	vld.idx.msk [tilespmem:v1+s24+$0x0], $0xffff  }
0x107: {  	v50 =	vadd.s32 $0x6, v0;
	v18 =	vld.idx.msk [tilespmem:v46+s24+$0x0], $0xffff  }
0x108: {  	v51 =	vadd.s32 $0x7, v0;
	v19 =	vld.idx.msk [tilespmem:v2+s24+$0x0], $0xffff  }
0x109: {  	v53 =	vadd.s32 $0x8, v0;
	v26 =	vld.idx.msk [tilespmem:v47+s24+$0x0], $0xffff  }
0x10a: {  	v54 =	vadd.s32 $0x9, v0;
	v27 =	vld.idx.msk [tilespmem:v48+s24+$0x0], $0xffff  }
0x10b: {  	v56 =	vadd.s32 $0xA, v0;
	v28 =	vld.idx.msk [tilespmem:v49+s24+$0x0], $0xffff  }
0x10c: {  	v57 =	vadd.s32 $0xB, v0;
	v30 =	vld.idx.msk [tilespmem:v50+s24+$0x0], $0xffff  }
0x10d: {  	v58 =	vadd.s32 $0xC, v0;
	v37 =	vld.idx.msk [tilespmem:v51+s24+$0x0], $0xffff  }
0x10e: {  	v59 =	vadd.s32 $0xD, v0;
	v43 =	vld.idx.msk [tilespmem:v53+s24+$0x0], $0xffff  }
0x10f: {  	v60 =	vadd.s32 $0xE, v0;
	v44 =	vld.idx.msk [tilespmem:v54+s24+$0x0], $0xffff  }
0x110: {  	v62 =	vadd.s32 $0x1, v1;
	v45 =	vld.idx.msk [tilespmem:v56+s24+$0x0], $0xffff  }
0x111: {  	v63 =	vadd.s32 $0x2, v1;
	v46 =	vld.idx.msk [tilespmem:v57+s24+$0x0], $0xffff  }
0x112: {  	v16 =	vadd.s32 $0x3, v1;
	v47 =	vld.idx.msk [tilespmem:v58+s24+$0x0], $0xffff  }
0x113: {  	v24 =	vadd.s32 $0x4, v1;
	v48 =	vld.idx.msk [tilespmem:v59+s24+$0x0], $0xffff  }
0x114: {  	v49 =	vld.idx.msk [tilespmem:v60+s24+$0x0], $0xffff  }
0x115: {  	v25 =	vadd.s32 $0x5, v1;
	v31 =	vld.idx.msk [tilespmem:v62+s24+$0x0], $0xffff  }
0x116: {  	v29 =	vadd.s32 $0x6, v1;
	v23 =	vld.idx.msk [tilespmem:v63+s24+$0x0], $0xffff  }
0x117: {  	v36 =	vadd.s32 $0x7, v1;
	v14 =	vld.idx.msk [tilespmem:v16+s24+$0x0], $0xffff  }
0x118: {  	v39 =	vadd.s32 $0x8, v1;
	v12 =	vld.idx.msk [tilespmem:v24+s24+$0x0], $0xffff  }
0x119: {  	v52 =	vadd.s32 $0xA, v1;
	v51 =	vld [tilespmem:s8+$0xA40]  }
0x11a: {  	v55 =	vadd.s32 $0xD, v1;
	v32 =	vld.idx.msk [tilespmem:v25+s24+$0x0], $0xffff  }
0x11b: {  	v33 =	vld.idx.msk [tilespmem:v29+s24+$0x0], $0xffff  }
0x11c: {  	v0 =	vadd.s32 $0xF, v0;
	v34 =	vld.idx.msk [tilespmem:v36+s24+$0x0], $0xffff  }
0x11d: {  	v50 =	vadd.s32 $0x9, v1;
	v35 =	vld.idx.msk [tilespmem:v39+s24+$0x0], $0xffff  }
0x11e: {  	v53 =	vadd.s32 $0xB, v1;
	v39 =	vld.idx.msk [tilespmem:v52+s24+$0x0], $0xffff  }
0x11f: {  	v54 =	vadd.s32 $0xC, v1;
	v29 =	vld.idx.msk [tilespmem:v55+s24+$0x0], $0xffff  }
0x120: {  	v56 =	vadd.s32 $0xE, v1;
	v52 =	vld [tilespmem:s8+$0x550]  }
0x121: {  	v15 =	vmul.u32 $0xCC, v38;
	v20 =	vmul.u32 $0x22, v40;
	v1 =	vadd.s32 $0xF, v1;
	v42 =	vld.idx.msk [tilespmem:v0+s24+$0x0], $0xffff  }
0x122: {  	v38 =	vld.idx.msk [tilespmem:v50+s24+$0x0], $0xffff;
	v22 =	vmul.u32 $0x11, v51  }
0x123: {  	v57 =	vadd.s32 v15, v20;
	v40 =	vld.idx.msk [tilespmem:v53+s24+$0x0], $0xffff  }
0x124: {  	v36 =	vld.idx.msk [tilespmem:v54+s24+$0x0], $0xffff;
	v22 =	vadd.s32 v22, v57  }
0x125: {  	v24 =	vld.idx.msk [tilespmem:v56+s24+$0x0], $0xffff;
	v58 =	vadd.s32 $0x1, v22  }
0x126: {  	v20 =	vld.idx.msk [tilespmem:v1+s24+$0x0], $0xffff;
	v2 =	vadd.s32 $0x2, v22  }
0x127: {  	v50 =	vld [tilespmem:s8+$0x50];
	v59 =	vadd.s32 $0x3, v22  }
0x128: {  	v54 =	vld [tilespmem:s8+$0xA50];
	v60 =	vadd.s32 $0x4, v22  }
0x129: {  	v61 =	vadd.s32 $0x5, v22;
	v15 =	vld.idx.msk [tilespmem:v22+s24+$0x0], $0xffff  }
0x12a: {  	v62 =	vadd.s32 $0x6, v22;
	v8 =	vld.idx.msk [tilespmem:v58+s24+$0x0], $0xffff  }
0x12b: {  	v25 =	vadd.s32 $0x7, v22;
	v2 =	vld.idx.msk [tilespmem:v2+s24+$0x0], $0xffff  }
0x12c: {  	v51 =	vadd.s32 $0x8, v22;
	v1 =	vld.idx.msk [tilespmem:v59+s24+$0x0], $0xffff  }
0x12d: {  	[tilespmem:s20+$0x5590] =	vst v5;
	v53 =	vadd.s32 $0x9, v22;
	v0 =	vld.idx.msk [tilespmem:v60+s24+$0x0], $0xffff  }
0x12e: {  	[tilespmem:s20+$0x3090] =	vst v3;
	v63 =	vadd.s32 $0xA, v22;
	v3 =	vld.idx.msk [tilespmem:v61+s24+$0x0], $0xffff  }
0x12f: {  	[tilespmem:s20+$0x5510] =	vst v4;
	v55 =	vadd.s32 $0xB, v22;
	v4 =	vld.idx.msk [tilespmem:v62+s24+$0x0], $0xffff  }
0x130: {  	[tilespmem:s20+$0x5710] =	vst v13;
	v56 =	vadd.s32 $0xC, v22;
	v5 =	vld.idx.msk [tilespmem:v25+s24+$0x0], $0xffff  }
0x131: {  	[tilespmem:s20+$0x5610] =	vst v6;
	v6 =	vld.idx.msk [tilespmem:v51+s24+$0x0], $0xffff  }
0x132: {  	[tilespmem:s20+$0x5690] =	vst v10;
	v51 =	vadd.s32 $0xD, v22;
	v10 =	vld.idx.msk [tilespmem:v53+s24+$0x0], $0xffff  }
0x133: {  	[tilespmem:s20+$0x5790] =	vst v11;
	v57 =	vmul.u32 $0xCC, v50;
	v58 =	vmul.u32 $0x22, v52;
	v59 =	vadd.s32 $0xE, v22;
	v21 =	vld.idx.msk [tilespmem:v63+s24+$0x0], $0xffff  }
0x134: {  	[tilespmem:s20+$0x5810] =	vst v9;
	v60 =	vmul.u32 $0x11, v54;
	v62 =	vadd.s32 $0xF, v22;
	v25 =	vld.idx.msk [tilespmem:v55+s24+$0x0], $0xffff  }
0x135: {  	[tilespmem:s20+$0x5890] =	vst v7;
	v22 =	vld.idx.msk [tilespmem:v56+s24+$0x0], $0xffff;
	v61 =	vadd.s32 v57, v58  }
0x136: {  	[tilespmem:s20+$0x2D20] =	vst v17;
	v52 =	vadd.s32 v60, v61;
	v61 =	vld [tilespmem:s8+$0x560]  }
0x137: {  	[tilespmem:s20+$0x2DA0] =	vst v18;
	v63 =	vadd.s32 $0x1, v52;
	v16 =	vld.idx.msk [tilespmem:v51+s24+$0x0], $0xffff  }
0x138: {  	[tilespmem:s20+$0x2E20] =	vst v19;
	v11 =	vadd.s32 $0x2, v52;
	v17 =	vld.idx.msk [tilespmem:v59+s24+$0x0], $0xffff  }
0x139: {  	[tilespmem:s20+$0x2EA0] =	vst v26;
	v54 =	vadd.s32 $0x3, v52;
	v18 =	vld.idx.msk [tilespmem:v62+s24+$0x0], $0xffff  }
0x13a: {  	[tilespmem:s20+$0x2F20] =	vst v27;
	v55 =	vadd.s32 $0x4, v52;
	v59 =	vld [tilespmem:s8+$0x60]  }
0x13b: {  	[tilespmem:s20+$0x2FA0] =	vst v28;
	v19 =	vld.idx.msk [tilespmem:v52+s24+$0x0], $0xffff  }
0x13c: {  	[tilespmem:s20+$0x3020] =	vst v30;
	v56 =	vadd.s32 $0x5, v52;
	v13 =	vld.idx.msk [tilespmem:v63+s24+$0x0], $0xffff  }
0x13d: {  	[tilespmem:s20+$0x30A0] =	vst v37;
	v57 =	vadd.s32 $0x6, v52;
	v11 =	vld.idx.msk [tilespmem:v11+s24+$0x0], $0xffff  }
0x13e: {  	[tilespmem:s20+$0x5520] =	vst v43;
	v58 =	vadd.s32 $0x7, v52;
	v9 =	vld.idx.msk [tilespmem:v54+s24+$0x0], $0xffff  }
0x13f: {  	[tilespmem:s20+$0x55A0] =	vst v44;
	v60 =	vadd.s32 $0x8, v52;
	v7 =	vld.idx.msk [tilespmem:v55+s24+$0x0], $0xffff  }
0x140: {  	[tilespmem:s20+$0x5620] =	vst v45;
	v53 =	vadd.s32 $0xA, v52;
	v63 =	vld [tilespmem:s8+$0xA60]  }
0x141: {  	[tilespmem:s20+$0x56A0] =	vst v46;
	v62 =	vadd.s32 $0x9, v52;
	v30 =	vld.idx.msk [tilespmem:v56+s24+$0x0], $0xffff  }
0x142: {  	[tilespmem:s20+$0x5720] =	vst v47;
	v26 =	vld.idx.msk [tilespmem:v57+s24+$0x0], $0xffff  }
0x143: {  	[tilespmem:s20+$0x57A0] =	vst v48;
	v54 =	vadd.s32 $0xB, v52;
	v27 =	vld.idx.msk [tilespmem:v58+s24+$0x0], $0xffff  }
0x144: {  	[tilespmem:s20+$0x5820] =	vst v49;
	v55 =	vadd.s32 $0xC, v52;
	v28 =	vld.idx.msk [tilespmem:v60+s24+$0x0], $0xffff  }
0x145: {  	[tilespmem:s20+$0x58A0] =	vst v42;
	v50 =	vmul.u32 $0x22, v61;
	v56 =	vadd.s32 $0xD, v52;
	v42 =	vld.idx.msk [tilespmem:v53+s24+$0x0], $0xffff;
	v57 =	vmul.u32 $0xCC, v59  }
0x146: {  	[tilespmem:s20+$0x2D30] =	vst v41;
	v37 =	vld.idx.msk [tilespmem:v62+s24+$0x0], $0xffff  }
0x147: {  	[tilespmem:s20+$0x2DB0] =	vst v31;
	v58 =	vadd.s32 $0xE, v52;
	v48 =	vadd.s32 v57, v50;
	v57 =	vld [tilespmem:s8+$0x570]  }
0x148: {  	[tilespmem:s20+$0x2E30] =	vst v23;
	v60 =	vadd.s32 $0xF, v52;
	v59 =	vmul.u32 $0x11, v63;
	v41 =	vld.idx.msk [tilespmem:v54+s24+$0x0], $0xffff  }
0x149: {  	[tilespmem:s20+$0x2EB0] =	vst v14;
	v31 =	vld.idx.msk [tilespmem:v55+s24+$0x0], $0xffff  }
0x14a: {  	[tilespmem:s20+$0x2F30] =	vst v12;
	v43 =	vld.idx.msk [tilespmem:v56+s24+$0x0], $0xffff;
	v48 =	vadd.s32 v59, v48  }
0x14b: {  	[tilespmem:s20+$0x2FB0] =	vst v32;
	v59 =	vld [tilespmem:s8+$0xA70]  }
0x14c: {  	[tilespmem:s20+$0x3030] =	vst v33;
	v44 =	vld.idx.msk [tilespmem:v58+s24+$0x0], $0xffff;
	v61 =	vadd.s32 $0x1, v48  }
0x14d: {  	[tilespmem:s20+$0x30B0] =	vst v34;
	v45 =	vld.idx.msk [tilespmem:v60+s24+$0x0], $0xffff;
	v62 =	vadd.s32 $0x2, v48  }
0x14e: {  	s0 =	sor.u32 $0x1, s17;
	[tilespmem:s20+$0x5530] =	vst v35;
	v55 =	vld [tilespmem:s8+$0x70];
	v63 =	vadd.s32 $0x3, v48  }
0x14f: {  	[tilespmem:s20+$0x5630] =	vst v39;
	s8 =	sshll.u32 s0, $0x7;
	v49 =	vadd.s32 $0x4, v48;
	v46 =	vld.idx.msk [tilespmem:v48+s24+$0x0], $0xffff  }
0x150: {  	[tilespmem:s20+$0x57B0] =	vst v29;
	v52 =	vadd.s32 $0x5, v48;
	v47 =	vmul.u32 $0x11, v59;
	v59 =	vld [tilespmem:s8+$0x0]  }
0x151: {  	[tilespmem:s20+$0x55B0] =	vst v38;
	v53 =	vadd.s32 $0x6, v48;
	v32 =	vld.idx.msk [tilespmem:v61+s24+$0x0], $0xffff  }
0x152: {  	[tilespmem:s20+$0x56B0] =	vst v40;
	v54 =	vadd.s32 $0x7, v48;
	v23 =	vld.idx.msk [tilespmem:v62+s24+$0x0], $0xffff  }
0x153: {  	[tilespmem:s20+$0x5730] =	vst v36;
	v56 =	vadd.s32 $0x8, v48;
	v12 =	vld.idx.msk [tilespmem:v63+s24+$0x0], $0xffff  }
0x154: {  	[tilespmem:s20+$0x5830] =	vst v24;
	v58 =	vadd.s32 $0x9, v48;
	v14 =	vld.idx.msk [tilespmem:v49+s24+$0x0], $0xffff  }
0x155: {  	[tilespmem:s20+$0x58B0] =	vst v20;
	v60 =	vadd.s32 $0xA, v48;
	v29 =	vld.idx.msk [tilespmem:v52+s24+$0x0], $0xffff  }
0x156: {  	[tilespmem:s20+$0x2D40] =	vst v15;
	v51 =	vadd.s32 $0xF, v48;
	v24 =	vld.idx.msk [tilespmem:v53+s24+$0x0], $0xffff  }
0x157: {  	[tilespmem:s20+$0x2DC0] =	vst v8;
	v20 =	vld.idx.msk [tilespmem:v54+s24+$0x0], $0xffff  }
0x158: {  	[tilespmem:s20+$0x2E40] =	vst v2;
	v61 =	vadd.s32 $0xB, v48;
	v15 =	vld.idx.msk [tilespmem:v56+s24+$0x0], $0xffff  }
0x159: {  	[tilespmem:s20+$0x2EC0] =	vst v1;
	v62 =	vadd.s32 $0xC, v48;
	v8 =	vld.idx.msk [tilespmem:v58+s24+$0x0], $0xffff  }
0x15a: {  	[tilespmem:s20+$0x2F40] =	vst v0;
	v63 =	vadd.s32 $0xD, v48;
	v33 =	vld.idx.msk [tilespmem:v60+s24+$0x0], $0xffff  }
0x15b: {  	[tilespmem:s20+$0x30C0] =	vst v5;
	v40 =	vmul.u32 $0x22, v57;
	v38 =	vmul.u32 $0xCC, v55;
	v49 =	vadd.s32 $0xE, v48;
	v5 =	vld.idx.msk [tilespmem:v51+s24+$0x0], $0xffff  }
0x15c: {  	[tilespmem:s20+$0x2FC0] =	vst v3;
	v36 =	vmul.u32 $0xCC, v59;
	v59 =	vld [tilespmem:s8+$0x10]  }
0x15d: {  	[tilespmem:s20+$0x3040] =	vst v4;
	v50 =	vadd.s32 v38, v40;
	v1 =	vld.idx.msk [tilespmem:v61+s24+$0x0], $0xffff  }
0x15e: {  	[tilespmem:s20+$0x5540] =	vst v6;
	v2 =	vadd.s32 v47, v50;
	v0 =	vld.idx.msk [tilespmem:v62+s24+$0x0], $0xffff  }
0x15f: {  	[tilespmem:s20+$0x55C0] =	vst v10;
	v52 =	vadd.s32 $0x1, v2;
	v3 =	vld.idx.msk [tilespmem:v63+s24+$0x0], $0xffff  }
0x160: {  	[tilespmem:s20+$0x5640] =	vst v21;
	v53 =	vadd.s32 $0x2, v2;
	v4 =	vld.idx.msk [tilespmem:v49+s24+$0x0], $0xffff  }
0x161: {  	[tilespmem:s20+$0x56C0] =	vst v25;
	v54 =	vadd.s32 $0x3, v2;
	v61 =	vld [tilespmem:s8+$0x500]  }
0x162: {  	[tilespmem:s20+$0x5740] =	vst v22;
	v55 =	vadd.s32 $0x4, v2;
	v63 =	vld [tilespmem:s8+$0xA00]  }
0x163: {  	[tilespmem:s20+$0x57C0] =	vst v16;
	v56 =	vadd.s32 $0x5, v2;
	v6 =	vld.idx.msk [tilespmem:v2+s24+$0x0], $0xffff  }
0x164: {  	[tilespmem:s20+$0x5840] =	vst v17;
	v57 =	vadd.s32 $0x6, v2;
	v10 =	vld.idx.msk [tilespmem:v52+s24+$0x0], $0xffff  }
0x165: {  	[tilespmem:s20+$0x58C0] =	vst v18;
	v58 =	vadd.s32 $0x7, v2;
	v21 =	vld.idx.msk [tilespmem:v53+s24+$0x0], $0xffff  }
0x166: {  	[tilespmem:s20+$0x2D50] =	vst v19;
	v60 =	vadd.s32 $0x8, v2;
	v25 =	vld.idx.msk [tilespmem:v54+s24+$0x0], $0xffff  }
0x167: {  	[tilespmem:s20+$0x2DD0] =	vst v13;
	v47 =	vadd.s32 $0xA, v2;
	v22 =	vld.idx.msk [tilespmem:v55+s24+$0x0], $0xffff  }
0x168: {  	[tilespmem:s20+$0x2E50] =	vst v11;
	v48 =	vadd.s32 $0xB, v2;
	v19 =	vld.idx.msk [tilespmem:v56+s24+$0x0], $0xffff  }
0x169: {  	[tilespmem:s20+$0x2ED0] =	vst v9;
	v50 =	vadd.s32 $0xD, v2;
	v13 =	vld.idx.msk [tilespmem:v57+s24+$0x0], $0xffff  }
0x16a: {  	[tilespmem:s20+$0x2F50] =	vst v7;
	v51 =	vadd.s32 $0xE, v2;
	v11 =	vld.idx.msk [tilespmem:v58+s24+$0x0], $0xffff  }
0x16b: {  	[tilespmem:s20+$0x2FD0] =	vst v30;
	v62 =	vadd.s32 $0x9, v2;
	v9 =	vld.idx.msk [tilespmem:v60+s24+$0x0], $0xffff  }
0x16c: {  	[tilespmem:s20+$0x3050] =	vst v26;
	v49 =	vadd.s32 $0xC, v2;
	v34 =	vld.idx.msk [tilespmem:v47+s24+$0x0], $0xffff  }
0x16d: {  	[tilespmem:s20+$0x30D0] =	vst v27;
	v26 =	vld.idx.msk [tilespmem:v48+s24+$0x0], $0xffff;
	v38 =	vmul.u32 $0x22, v61  }
0x16e: {  	[tilespmem:s20+$0x5550] =	vst v28;
	v17 =	vld.idx.msk [tilespmem:v50+s24+$0x0], $0xffff;
	v39 =	vmul.u32 $0x11, v63  }
0x16f: {  	[tilespmem:s20+$0x5650] =	vst v42;
	v2 =	vadd.s32 $0xF, v2;
	v18 =	vld.idx.msk [tilespmem:v51+s24+$0x0], $0xffff;
	v52 =	vadd.s32 v36, v38  }
0x170: {  	[tilespmem:s20+$0x55D0] =	vst v37;
	v7 =	vld.idx.msk [tilespmem:v62+s24+$0x0], $0xffff;
	v30 =	vadd.s32 v39, v52  }
0x171: {  	[tilespmem:s20+$0x56D0] =	vst v41;
	v16 =	vld.idx.msk [tilespmem:v49+s24+$0x0], $0xffff;
	v53 =	vadd.s32 $0x1, v30  }
0x172: {  	[tilespmem:s20+$0x5750] =	vst v31;
	v61 =	vld [tilespmem:s8+$0x510];
	v54 =	vadd.s32 $0x2, v30  }
0x173: {  	[tilespmem:s20+$0x57D0] =	vst v43;
	v63 =	vld [tilespmem:s8+$0xA10];
	v55 =	vadd.s32 $0x3, v30  }
0x174: {  	[tilespmem:s20+$0x5850] =	vst v44;
	v2 =	vld.idx.msk [tilespmem:v2+s24+$0x0], $0xffff;
	v56 =	vadd.s32 $0x4, v30  }
0x175: {  	[tilespmem:s20+$0x58D0] =	vst v45;
	v57 =	vadd.s32 $0x5, v30;
	v37 =	vld.idx.msk [tilespmem:v30+s24+$0x0], $0xffff  }
0x176: {  	[tilespmem:s20+$0x2D60] =	vst v46;
	v58 =	vadd.s32 $0x6, v30;
	v27 =	vld.idx.msk [tilespmem:v53+s24+$0x0], $0xffff  }
0x177: {  	[tilespmem:s20+$0x2DE0] =	vst v32;
	v39 =	vadd.s32 $0x7, v30;
	v28 =	vld.idx.msk [tilespmem:v54+s24+$0x0], $0xffff  }
0x178: {  	[tilespmem:s20+$0x2E60] =	vst v23;
	v60 =	vadd.s32 $0x8, v30;
	v31 =	vld.idx.msk [tilespmem:v55+s24+$0x0], $0xffff  }
0x179: {  	[tilespmem:s20+$0x2EE0] =	vst v12;
	v62 =	vadd.s32 $0x9, v30;
	v36 =	vld.idx.msk [tilespmem:v56+s24+$0x0], $0xffff  }
0x17a: {  	[tilespmem:s20+$0x2F60] =	vst v14;
	v45 =	vadd.s32 $0xA, v30;
	v12 =	vld.idx.msk [tilespmem:v57+s24+$0x0], $0xffff  }
0x17b: {  	[tilespmem:s20+$0x2FE0] =	vst v29;
	v46 =	vadd.s32 $0xB, v30;
	v14 =	vld.idx.msk [tilespmem:v58+s24+$0x0], $0xffff  }
0x17c: {  	[tilespmem:s20+$0x3060] =	vst v24;
	v47 =	vadd.s32 $0xC, v30;
	v29 =	vld.idx.msk [tilespmem:v39+s24+$0x0], $0xffff  }
0x17d: {  	[tilespmem:s20+$0x30E0] =	vst v20;
	v48 =	vadd.s32 $0xD, v30;
	v24 =	vld.idx.msk [tilespmem:v60+s24+$0x0], $0xffff  }
0x17e: {  	[tilespmem:s20+$0x5560] =	vst v15;
	v49 =	vadd.s32 $0xE, v30;
	v20 =	vld.idx.msk [tilespmem:v62+s24+$0x0], $0xffff  }
0x17f: {  	[tilespmem:s20+$0x55E0] =	vst v8;
	v35 =	vld.idx.msk [tilespmem:v45+s24+$0x0], $0xffff  }
0x180: {  	[tilespmem:s20+$0x5660] =	vst v33;
	v40 =	vmul.u32 $0xCC, v59;
	v41 =	vmul.u32 $0x22, v61;
	v8 =	vld.idx.msk [tilespmem:v46+s24+$0x0], $0xffff  }
0x181: {  	[tilespmem:s20+$0x58E0] =	vst v5;
	v42 =	vmul.u32 $0x11, v63;
	v33 =	vld.idx.msk [tilespmem:v47+s24+$0x0], $0xffff  }
0x182: {  	[tilespmem:s20+$0x56E0] =	vst v1;
	v50 =	vadd.s32 v40, v41;
	v30 =	vadd.s32 $0xF, v30;
	v1 =	vld.idx.msk [tilespmem:v48+s24+$0x0], $0xffff  }
0x183: {  	[tilespmem:s20+$0x5760] =	vst v0;
	v15 =	vadd.s32 v42, v50;
	v0 =	vld.idx.msk [tilespmem:v49+s24+$0x0], $0xffff  }
0x184: {  	[tilespmem:s20+$0x57E0] =	vst v3;
	v51 =	vadd.s32 $0x1, v15;
	v58 =	vld [tilespmem:s8+$0x20]  }
0x185: {  	[tilespmem:s20+$0x5860] =	vst v4;
	v52 =	vadd.s32 $0x2, v15;
	v60 =	vld [tilespmem:s8+$0x520]  }
0x186: {  	[tilespmem:s20+$0x2D70] =	vst v6;
	v53 =	vadd.s32 $0x3, v15;
	v62 =	vld [tilespmem:s8+$0xA20]  }
0x187: {  	[tilespmem:s20+$0x2DF0] =	vst v10;
	v54 =	vadd.s32 $0x4, v15;
	v3 =	vld.idx.msk [tilespmem:v30+s24+$0x0], $0xffff  }
0x188: {  	[tilespmem:s20+$0x2E70] =	vst v21;
	v55 =	vadd.s32 $0x5, v15;
	v4 =	vld.idx.msk [tilespmem:v15+s24+$0x0], $0xffff  }
0x189: {  	[tilespmem:s20+$0x2EF0] =	vst v25;
	v56 =	vadd.s32 $0x6, v15;
	v5 =	vld.idx.msk [tilespmem:v51+s24+$0x0], $0xffff  }
0x18a: {  	[tilespmem:s20+$0x2F70] =	vst v22;
	v57 =	vadd.s32 $0x7, v15;
	v6 =	vld.idx.msk [tilespmem:v52+s24+$0x0], $0xffff  }
0x18b: {  	[tilespmem:s20+$0x2FF0] =	vst v19;
	v59 =	vadd.s32 $0x8, v15;
	v10 =	vld.idx.msk [tilespmem:v53+s24+$0x0], $0xffff  }
0x18c: {  	[tilespmem:s20+$0x3070] =	vst v13;
	v61 =	vadd.s32 $0x9, v15;
	v21 =	vld.idx.msk [tilespmem:v54+s24+$0x0], $0xffff  }
0x18d: {  	[tilespmem:s20+$0x30F0] =	vst v11;
	v63 =	vadd.s32 $0xA, v15;
	v13 =	vld.idx.msk [tilespmem:v55+s24+$0x0], $0xffff  }
0x18e: {  	[tilespmem:s20+$0x5570] =	vst v9;
	v42 =	vadd.s32 $0xB, v15;
	v11 =	vld.idx.msk [tilespmem:v56+s24+$0x0], $0xffff  }
0x18f: {  	[tilespmem:s20+$0x5670] =	vst v34;
	v43 =	vadd.s32 $0xC, v15;
	v9 =	vld.idx.msk [tilespmem:v57+s24+$0x0], $0xffff  }
0x190: {  	[tilespmem:s20+$0x55F0] =	vst v7;
	v44 =	vadd.s32 $0xD, v15;
	v7 =	vld.idx.msk [tilespmem:v59+s24+$0x0], $0xffff  }
0x191: {  	[tilespmem:s20+$0x56F0] =	vst v26;
	v45 =	vadd.s32 $0xE, v15;
	v19 =	vld.idx.msk [tilespmem:v61+s24+$0x0], $0xffff  }
0x192: {  	[tilespmem:s20+$0x57F0] =	vst v17;
	v23 =	vld.idx.msk [tilespmem:v63+s24+$0x0], $0xffff  }
0x193: {  	[tilespmem:s20+$0x5770] =	vst v16;
	v16 =	vld.idx.msk [tilespmem:v42+s24+$0x0], $0xffff  }
0x194: {  	s0 =	sshll.u32 s0, $0xA;
	[tilespmem:s20+$0x5870] =	vst v18;
	v32 =	vmul.u32 $0xCC, v58;
	v38 =	vmul.u32 $0x22, v60;
	v17 =	vld.idx.msk [tilespmem:v43+s24+$0x0], $0xffff  }
0x195: {  	s0 =	sand.u32 $0x3FFFFC00, s0;
	[tilespmem:s20+$0x58F0] =	vst v2;
	v39 =	vmul.u32 $0x11, v62;
	v18 =	vld.idx.msk [tilespmem:v44+s24+$0x0], $0xffff  }
0x196: {  	v15 =	vadd.s32 $0xF, v15;
	[tilespmem:s0+$0x2D00] =	vst v37;
	v2 =	vld.idx.msk [tilespmem:v45+s24+$0x0], $0xffff;
	v46 =	vadd.s32 v32, v38  }
0x197: {  	[tilespmem:s0+$0x2D80] =	vst v27;
	v54 =	vld [tilespmem:s8+$0x30];
	v26 =	vadd.s32 v39, v46  }
0x198: {  	[tilespmem:s0+$0x2E00] =	vst v28;
	v56 =	vld [tilespmem:s8+$0x530];
	v47 =	vadd.s32 $0x1, v26  }
0x199: {  	[tilespmem:s0+$0x2E80] =	vst v31;
	v58 =	vld [tilespmem:s8+$0xA30];
	v48 =	vadd.s32 $0x2, v26  }
0x19a: {  	[tilespmem:s0+$0x2F00] =	vst v36;
	v46 =	vld [tilespmem:s8+$0x40];
	v49 =	vadd.s32 $0x3, v26  }
0x19b: {  	[tilespmem:s0+$0x2F80] =	vst v12;
	v15 =	vld.idx.msk [tilespmem:v15+s24+$0x0], $0xffff;
	v50 =	vadd.s32 $0x4, v26  }
0x19c: {  	[tilespmem:s0+$0x3000] =	vst v14;
	v51 =	vadd.s32 $0x5, v26;
	v27 =	vld.idx.msk [tilespmem:v26+s24+$0x0], $0xffff  }
0x19d: {  	[tilespmem:s0+$0x3080] =	vst v29;
	v52 =	vadd.s32 $0x6, v26;
	v25 =	vld.idx.msk [tilespmem:v47+s24+$0x0], $0xffff  }
0x19e: {  	[tilespmem:s0+$0x5500] =	vst v24;
	v53 =	vadd.s32 $0x7, v26;
	v22 =	vld.idx.msk [tilespmem:v48+s24+$0x0], $0xffff  }
0x19f: {  	[tilespmem:s0+$0x5580] =	vst v20;
	v55 =	vadd.s32 $0x8, v26;
	v28 =	vld.idx.msk [tilespmem:v49+s24+$0x0], $0xffff  }
0x1a0: {  	[tilespmem:s0+$0x5600] =	vst v35;
	v57 =	vadd.s32 $0x9, v26;
	v12 =	vld.idx.msk [tilespmem:v50+s24+$0x0], $0xffff  }
0x1a1: {  	[tilespmem:s0+$0x5680] =	vst v8;
	v59 =	vadd.s32 $0xA, v26;
	v20 =	vld.idx.msk [tilespmem:v51+s24+$0x0], $0xffff  }
0x1a2: {  	[tilespmem:s0+$0x5700] =	vst v33;
	v60 =	vadd.s32 $0xB, v26;
	v31 =	vld.idx.msk [tilespmem:v52+s24+$0x0], $0xffff  }
0x1a3: {  	[tilespmem:s0+$0x5780] =	vst v1;
	v61 =	vadd.s32 $0xC, v26;
	v8 =	vld.idx.msk [tilespmem:v53+s24+$0x0], $0xffff  }
0x1a4: {  	[tilespmem:s0+$0x5800] =	vst v0;
	v62 =	vadd.s32 $0xD, v26;
	v29 =	vld.idx.msk [tilespmem:v55+s24+$0x0], $0xffff  }
0x1a5: {  	v63 =	vadd.s32 $0xE, v26;
	[tilespmem:s0+$0x5880] =	vst v3;
	v1 =	vld.idx.msk [tilespmem:v57+s24+$0x0], $0xffff  }
0x1a6: {  	[tilespmem:s0+$0x2D10] =	vst v4;
	v32 =	vmul.u32 $0xCC, v54;
	v34 =	vmul.u32 $0x22, v56;
	v30 =	vld.idx.msk [tilespmem:v59+s24+$0x0], $0xffff  }
0x1a7: {  	v36 =	vmul.u32 $0x11, v58;
	[tilespmem:s0+$0x2D90] =	vst v5;
	v3 =	vld.idx.msk [tilespmem:v60+s24+$0x0], $0xffff  }
0x1a8: {  	[tilespmem:s0+$0x2E10] =	vst v6;
	v34 =	vadd.s32 v32, v34;
	v26 =	vadd.s32 $0xF, v26;
	v37 =	vld.idx.msk [tilespmem:v61+s24+$0x0], $0xffff  }
0x1a9: {  	[tilespmem:s0+$0x2E90] =	vst v10;
	v0 =	vadd.s32 v36, v34;
	v39 =	vld.idx.msk [tilespmem:v62+s24+$0x0], $0xffff  }
0x1aa: {  	[tilespmem:s0+$0x2F10] =	vst v21;
	v38 =	vadd.s32 $0x1, v0;
	v6 =	vld.idx.msk [tilespmem:v63+s24+$0x0], $0xffff  }
0x1ab: {  	[tilespmem:s0+$0x2F90] =	vst v13;
	v40 =	vadd.s32 $0x2, v0;
	v48 =	vld [tilespmem:s8+$0x540]  }
0x1ac: {  	[tilespmem:s0+$0x3010] =	vst v11;
	v41 =	vadd.s32 $0x3, v0;
	v50 =	vld [tilespmem:s8+$0xA40]  }
0x1ad: {  	[tilespmem:s0+$0x3090] =	vst v9;
	v42 =	vadd.s32 $0x4, v0;
	v10 =	vld.idx.msk [tilespmem:v26+s24+$0x0], $0xffff  }
0x1ae: {  	[tilespmem:s0+$0x5510] =	vst v7;
	v43 =	vadd.s32 $0x5, v0;
	v21 =	vld.idx.msk [tilespmem:v0+s24+$0x0], $0xffff  }
0x1af: {  	[tilespmem:s0+$0x5590] =	vst v19;
	v44 =	vadd.s32 $0x6, v0;
	v13 =	vld.idx.msk [tilespmem:v38+s24+$0x0], $0xffff  }
0x1b0: {  	[tilespmem:s0+$0x5610] =	vst v23;
	v45 =	vadd.s32 $0x7, v0;
	v11 =	vld.idx.msk [tilespmem:v40+s24+$0x0], $0xffff  }
0x1b1: {  	[tilespmem:s0+$0x5690] =	vst v16;
	v47 =	vadd.s32 $0x8, v0;
	v9 =	vld.idx.msk [tilespmem:v41+s24+$0x0], $0xffff  }
0x1b2: {  	[tilespmem:s0+$0x5710] =	vst v17;
	v49 =	vadd.s32 $0x9, v0;
	v7 =	vld.idx.msk [tilespmem:v42+s24+$0x0], $0xffff  }
0x1b3: {  	[tilespmem:s0+$0x5790] =	vst v18;
	v51 =	vadd.s32 $0xA, v0;
	v14 =	vld.idx.msk [tilespmem:v43+s24+$0x0], $0xffff  }
0x1b4: {  	[tilespmem:s0+$0x5810] =	vst v2;
	v18 =	vld.idx.msk [tilespmem:v44+s24+$0x0], $0xffff  }
0x1b5: {  	[tilespmem:s0+$0x5890] =	vst v15;
	v53 =	vld.idx.msk [tilespmem:v45+s24+$0x0], $0xffff  }
0x1b6: {  	[tilespmem:s0+$0x2D20] =	vst v27;
	v55 =	vld.idx.msk [tilespmem:v47+s24+$0x0], $0xffff  }
0x1b7: {  	v52 =	vadd.s32 $0xB, v0;
	v16 =	vld.idx.msk [tilespmem:v49+s24+$0x0], $0xffff;
	[tilespmem:s0+$0x2DA0] =	vst v25  }
0x1b8: {  	v54 =	vadd.s32 $0xC, v0;
	v17 =	vld.idx.msk [tilespmem:v51+s24+$0x0], $0xffff;
	[tilespmem:s0+$0x2E20] =	vst v22  }
0x1b9: {  	v56 =	vadd.s32 $0xD, v0;
	v26 =	vmul.u32 $0xCC, v46;
	v32 =	vmul.u32 $0x22, v48;
	[tilespmem:s0+$0x2EA0] =	vst v28;
	v38 =	vld [tilespmem:s8+$0x50]  }
0x1ba: {  	v57 =	vadd.s32 $0xE, v0;
	v33 =	vmul.u32 $0x11, v50;
	[tilespmem:s0+$0x2F20] =	vst v12;
	v40 =	vld [tilespmem:s8+$0x550]  }
0x1bb: {  	v0 =	vadd.s32 $0xF, v0;
	[tilespmem:s0+$0x2FA0] =	vst v20;
	v42 =	vld [tilespmem:s8+$0xA50];
	v58 =	vadd.s32 v26, v32  }
0x1bc: {  	v59 =	vld.idx.msk [tilespmem:v52+s24+$0x0], $0xffff;
	[tilespmem:s0+$0x3020] =	vst v31;
	v60 =	vadd.s32 v33, v58  }
0x1bd: {  	v19 =	vld.idx.msk [tilespmem:v54+s24+$0x0], $0xffff;
	[tilespmem:s0+$0x30A0] =	vst v8  }
0x1be: {  	v61 =	vld.idx.msk [tilespmem:v56+s24+$0x0], $0xffff;
	[tilespmem:s0+$0x5520] =	vst v29;
	v25 =	vadd.s32 $0x1, v60  }
0x1bf: {  	v63 =	vld.idx.msk [tilespmem:v57+s24+$0x0], $0xffff;
	[tilespmem:s0+$0x55A0] =	vst v1;
	v62 =	vadd.s32 $0x2, v60;
	v28 =	vmul.u32 $0xCC, v38;
	v29 =	vmul.u32 $0x22, v40  }
0x1c0: {  	[tilespmem:s0+$0x5620] =	vst v30;
	v32 =	vadd.s32 $0x3, v60;
	v0 =	vld.idx.msk [tilespmem:v0+s24+$0x0], $0xffff;
	v30 =	vmul.u32 $0x11, v42  }
0x1c1: {  	[tilespmem:s0+$0x56A0] =	vst v3;
	v33 =	vadd.s32 $0x4, v60;
	v50 =	vadd.s32 v28, v29;
	v34 =	vld.idx.msk [tilespmem:v60+s24+$0x0], $0xffff  }
0x1c2: {  	v35 =	vadd.s32 $0x5, v60;
	[tilespmem:s0+$0x2F30] =	vst v7;
	v7 =	vadd.s32 v30, v50;
	v30 =	vld [tilespmem:s8+$0x60]  }
0x1c3: {  	[tilespmem:s0+$0x5720] =	vst v37;
	v36 =	vadd.s32 $0x6, v60;
	v25 =	vld.idx.msk [tilespmem:v25+s24+$0x0], $0xffff  }
0x1c4: {  	[tilespmem:s0+$0x57A0] =	vst v39;
	v37 =	vadd.s32 $0x7, v60;
	v1 =	vld.idx.msk [tilespmem:v62+s24+$0x0], $0xffff  }
0x1c5: {  	[tilespmem:s0+$0x5820] =	vst v6;
	v39 =	vadd.s32 $0x8, v60;
	v23 =	vld.idx.msk [tilespmem:v32+s24+$0x0], $0xffff  }
0x1c6: {  	v41 =	vadd.s32 $0x9, v60;
	[tilespmem:s0+$0x58A0] =	vst v10;
	v3 =	vld.idx.msk [tilespmem:v33+s24+$0x0], $0xffff  }
0x1c7: {  	v44 =	vadd.s32 $0xA, v60;
	[tilespmem:s0+$0x2D30] =	vst v21;
	v43 =	vld.idx.msk [tilespmem:v35+s24+$0x0], $0xffff  }
0x1c8: {  	v46 =	vadd.s32 $0xB, v60;
	[tilespmem:s0+$0x2DB0] =	vst v13;
	v45 =	vld.idx.msk [tilespmem:v36+s24+$0x0], $0xffff  }
0x1c9: {  	v47 =	vadd.s32 $0xC, v60;
	[tilespmem:s0+$0x2E30] =	vst v11;
	v4 =	vld.idx.msk [tilespmem:v37+s24+$0x0], $0xffff  }
0x1ca: {  	v48 =	vadd.s32 $0xD, v60;
	[tilespmem:s0+$0x2EB0] =	vst v9;
	v5 =	vld.idx.msk [tilespmem:v39+s24+$0x0], $0xffff  }
0x1cb: {  	v49 =	vadd.s32 $0xE, v60;
	[tilespmem:s0+$0x2FB0] =	vst v14;
	v6 =	vld.idx.msk [tilespmem:v41+s24+$0x0], $0xffff  }
0x1cc: {  	v24 =	vadd.s32 $0xF, v60;
	[tilespmem:s0+$0x3030] =	vst v18;
	v26 =	vld.idx.msk [tilespmem:v44+s24+$0x0], $0xffff  }
0x1cd: {  	[tilespmem:s0+$0x30B0] =	vst v53;
	v51 =	vld.idx.msk [tilespmem:v46+s24+$0x0], $0xffff  }
0x1ce: {  	[tilespmem:s0+$0x5530] =	vst v55;
	v13 =	vld.idx.msk [tilespmem:v47+s24+$0x0], $0xffff  }
0x1cf: {  	[tilespmem:s0+$0x55B0] =	vst v16;
	v53 =	vld.idx.msk [tilespmem:v48+s24+$0x0], $0xffff  }
0x1d0: {  	[tilespmem:s0+$0x5630] =	vst v17;
	v52 =	vadd.s32 $0x1, v7;
	v9 =	vld.idx.msk [tilespmem:v49+s24+$0x0], $0xffff  }
0x1d1: {  	[tilespmem:s0+$0x56B0] =	vst v59;
	v54 =	vadd.s32 $0x2, v7;
	v56 =	vld.idx.msk [tilespmem:v24+s24+$0x0], $0xffff  }
0x1d2: {  	[tilespmem:s0+$0x5730] =	vst v19;
	v55 =	vadd.s32 $0x3, v7;
	v32 =	vld [tilespmem:s8+$0x560]  }
0x1d3: {  	[tilespmem:s0+$0x57B0] =	vst v61;
	v57 =	vadd.s32 $0x4, v7;
	v58 =	vld.idx.msk [tilespmem:v7+s24+$0x0], $0xffff  }
0x1d4: {  	v60 =	vadd.s32 $0x5, v7;
	[tilespmem:s0+$0x2D40] =	vst v34;
	v34 =	vld [tilespmem:s8+$0xA60]  }
0x1d5: {  	[tilespmem:s0+$0x5830] =	vst v63;
	v62 =	vadd.s32 $0x6, v7;
	v18 =	vld.idx.msk [tilespmem:v52+s24+$0x0], $0xffff  }
0x1d6: {  	[tilespmem:s0+$0x58B0] =	vst v0;
	v63 =	vadd.s32 $0x7, v7;
	v11 =	vld.idx.msk [tilespmem:v54+s24+$0x0], $0xffff  }
0x1d7: {  	v31 =	vadd.s32 $0x8, v7;
	v59 =	vld.idx.msk [tilespmem:v55+s24+$0x0], $0xffff;
	[tilespmem:s0+$0x2DC0] =	vst v25  }
0x1d8: {  	v33 =	vadd.s32 $0x9, v7;
	v61 =	vld.idx.msk [tilespmem:v57+s24+$0x0], $0xffff;
	[tilespmem:s0+$0x2E40] =	vst v1  }
0x1d9: {  	v36 =	vadd.s32 $0xA, v7;
	v35 =	vld.idx.msk [tilespmem:v60+s24+$0x0], $0xffff;
	[tilespmem:s0+$0x2EC0] =	vst v23  }
0x1da: {  	v37 =	vadd.s32 $0xB, v7;
	v20 =	vld.idx.msk [tilespmem:v62+s24+$0x0], $0xffff;
	[tilespmem:s0+$0x2F40] =	vst v3  }
0x1db: {  	v38 =	vadd.s32 $0xC, v7;
	v0 =	vld.idx.msk [tilespmem:v63+s24+$0x0], $0xffff;
	[tilespmem:s0+$0x2FC0] =	vst v43  }
0x1dc: {  	v39 =	vadd.s32 $0xD, v7;
	v8 =	vld.idx.msk [tilespmem:v31+s24+$0x0], $0xffff;
	[tilespmem:s0+$0x3040] =	vst v45  }
0x1dd: {  	v41 =	vadd.s32 $0xE, v7;
	v40 =	vld.idx.msk [tilespmem:v33+s24+$0x0], $0xffff;
	[tilespmem:s0+$0x30C0] =	vst v4  }
0x1de: {  	v15 =	vld.idx.msk [tilespmem:v36+s24+$0x0], $0xffff;
	[tilespmem:s0+$0x5540] =	vst v5  }
0x1df: {  	v22 =	vmul.u32 $0xCC, v30;
	v24 =	vmul.u32 $0x22, v32;
	v43 =	vld.idx.msk [tilespmem:v37+s24+$0x0], $0xffff;
	[tilespmem:s0+$0x55C0] =	vst v6  }
0x1e0: {  	v7 =	vadd.s32 $0xF, v7;
	v3 =	vld.idx.msk [tilespmem:v38+s24+$0x0], $0xffff;
	[tilespmem:s0+$0x5640] =	vst v26;
	v27 =	vmul.u32 $0x11, v34  }
0x1e1: {  	v10 =	vld.idx.msk [tilespmem:v39+s24+$0x0], $0xffff;
	[tilespmem:s0+$0x56C0] =	vst v51;
	v42 =	vadd.s32 v22, v24  }
0x1e2: {  	v46 =	vld.idx.msk [tilespmem:v41+s24+$0x0], $0xffff;
	[tilespmem:s0+$0x5740] =	vst v13;
	v4 =	vadd.s32 v27, v42  }
0x1e3: {  	[tilespmem:s0+$0x57C0] =	vst v53;
	v55 =	vld [tilespmem:s8+$0x70];
	v44 =	vadd.s32 $0x1, v4  }
0x1e4: {  	[tilespmem:s0+$0x5840] =	vst v9;
	v57 =	vld [tilespmem:s8+$0x570];
	v45 =	vadd.s32 $0x2, v4  }
0x1e5: {  	[tilespmem:s0+$0x58C0] =	vst v56;
	v7 =	vld.idx.msk [tilespmem:v7+s24+$0x0], $0xffff;
	v47 =	vadd.s32 $0x3, v4  }
0x1e6: {  	[tilespmem:s0+$0x2ED0] =	vst v59;
	v59 =	vld [tilespmem:s8+$0xA70];
	v48 =	vadd.s32 $0x4, v4  }
0x1e7: {  	[tilespmem:s0+$0x2D50] =	vst v58;
	v52 =	vadd.s32 $0x5, v4;
	v49 =	vld.idx.msk [tilespmem:v4+s24+$0x0], $0xffff  }
0x1e8: {  	[tilespmem:s0+$0x2DD0] =	vst v18;
	v53 =	vadd.s32 $0x6, v4;
	v6 =	vld.idx.msk [tilespmem:v44+s24+$0x0], $0xffff  }
0x1e9: {  	[tilespmem:s0+$0x2E50] =	vst v11;
	v54 =	vadd.s32 $0x7, v4;
	v50 =	vld.idx.msk [tilespmem:v45+s24+$0x0], $0xffff  }
0x1ea: {  	[tilespmem:s0+$0x2F50] =	vst v61;
	v56 =	vadd.s32 $0x8, v4;
	v51 =	vld.idx.msk [tilespmem:v47+s24+$0x0], $0xffff  }
0x1eb: {  	[tilespmem:s0+$0x2FD0] =	vst v35;
	v58 =	vadd.s32 $0x9, v4;
	v13 =	vld.idx.msk [tilespmem:v48+s24+$0x0], $0xffff  }
0x1ec: {  	[tilespmem:s0+$0x3050] =	vst v20;
	v61 =	vadd.s32 $0xA, v4;
	v60 =	vld.idx.msk [tilespmem:v52+s24+$0x0], $0xffff  }
0x1ed: {  	[tilespmem:s0+$0x30D0] =	vst v0;
	v62 =	vadd.s32 $0xB, v4;
	v18 =	vld.idx.msk [tilespmem:v53+s24+$0x0], $0xffff  }
0x1ee: {  	[tilespmem:s0+$0x5550] =	vst v8;
	v28 =	vadd.s32 $0xC, v4;
	v63 =	vld.idx.msk [tilespmem:v54+s24+$0x0], $0xffff  }
0x1ef: {  	v22 =	vmul.u32 $0xCC, v55;
	v23 =	vmul.u32 $0x22, v57;
	[tilespmem:s0+$0x55D0] =	vst v40;
	v30 =	vadd.s32 $0xD, v4;
	v29 =	vld.idx.msk [tilespmem:v56+s24+$0x0], $0xffff  }
0x1f0: {  	[tilespmem:s0+$0x5650] =	vst v15;
	v31 =	vadd.s32 $0xE, v4;
	v24 =	vmul.u32 $0x11, v59;
	v19 =	vld.idx.msk [tilespmem:v58+s24+$0x0], $0xffff  }
0x1f1: {  	[tilespmem:s0+$0x56D0] =	vst v43;
	v32 =	vadd.s32 v22, v23;
	v4 =	vadd.s32 $0xF, v4;
	v17 =	vld.idx.msk [tilespmem:v61+s24+$0x0], $0xffff  }
0x1f2: {  	[tilespmem:s0+$0x5750] =	vst v3;
	v33 =	vld.idx.msk [tilespmem:v62+s24+$0x0], $0xffff;
	v15 =	vadd.s32 v24, v32  }
0x1f3: {  	[tilespmem:s0+$0x57D0] =	vst v10;
	v34 =	vld.idx.msk [tilespmem:v28+s24+$0x0], $0xffff;
	v35 =	vadd.s32 $0x1, v15  }
0x1f4: {  	[tilespmem:s0+$0x5850] =	vst v46;
	v36 =	vld.idx.msk [tilespmem:v30+s24+$0x0], $0xffff;
	v37 =	vadd.s32 $0x2, v15  }
0x1f5: {  	[tilespmem:s0+$0x58D0] =	vst v7;
	v38 =	vld.idx.msk [tilespmem:v31+s24+$0x0], $0xffff;
	v39 =	vadd.s32 $0x3, v15  }
0x1f6: {  	v40 =	vadd.s32 $0x4, v15;
	v4 =	vld.idx.msk [tilespmem:v4+s24+$0x0], $0xffff;
	[tilespmem:s0+$0x2D60] =	vst v49  }
0x1f7: {  	v42 =	vadd.s32 $0x5, v15;
	v41 =	vld.idx.msk [tilespmem:v15+s24+$0x0], $0xffff;
	[tilespmem:s0+$0x2DE0] =	vst v6  }
0x1f8: {  	v44 =	vadd.s32 $0x6, v15;
	[tilespmem:s0+$0x2E60] =	vst v50;
	v43 =	vld.idx.msk [tilespmem:v35+s24+$0x0], $0xffff  }
0x1f9: {  	v46 =	vadd.s32 $0x7, v15;
	[tilespmem:s0+$0x2EE0] =	vst v51;
	v45 =	vld.idx.msk [tilespmem:v37+s24+$0x0], $0xffff  }
0x1fa: {  	v48 =	vadd.s32 $0x8, v15;
	[tilespmem:s0+$0x2F60] =	vst v13;
	v47 =	vld.idx.msk [tilespmem:v39+s24+$0x0], $0xffff  }
0x1fb: {  	v52 =	vadd.s32 $0xB, v15;
	[tilespmem:s0+$0x2FE0] =	vst v60;
	v7 =	vld.idx.msk [tilespmem:v40+s24+$0x0], $0xffff  }
0x1fc: {  	v54 =	vadd.s32 $0xC, v15;
	[tilespmem:s0+$0x3060] =	vst v18;
	v50 =	vld.idx.msk [tilespmem:v42+s24+$0x0], $0xffff  }
0x1fd: {  	v56 =	vadd.s32 $0xD, v15;
	[tilespmem:s0+$0x30E0] =	vst v63;
	v11 =	vld.idx.msk [tilespmem:v44+s24+$0x0], $0xffff  }
0x1fe: {  	v57 =	vadd.s32 $0xE, v15;
	[tilespmem:s0+$0x5560] =	vst v29;
	v53 =	vld.idx.msk [tilespmem:v46+s24+$0x0], $0xffff  }
0x1ff: {  	v49 =	vadd.s32 $0x9, v15;
	[tilespmem:s0+$0x55E0] =	vst v19;
	v55 =	vld.idx.msk [tilespmem:v48+s24+$0x0], $0xffff  }
0x200: {  	v51 =	vadd.s32 $0xA, v15;
	[tilespmem:s0+$0x5660] =	vst v17;
	v59 =	vld.idx.msk [tilespmem:v52+s24+$0x0], $0xffff  }
0x201: {  	v15 =	vadd.s32 $0xF, v15;
	[tilespmem:s0+$0x56E0] =	vst v33;
	v60 =	vld.idx.msk [tilespmem:v54+s24+$0x0], $0xffff  }
0x202: {  	[tilespmem:s0+$0x5760] =	vst v34;
	v61 =	vld.idx.msk [tilespmem:v56+s24+$0x0], $0xffff  }
0x203: {  	[tilespmem:s0+$0x57E0] =	vst v36;
	v62 =	vld.idx.msk [tilespmem:v57+s24+$0x0], $0xffff  }
0x204: {  	[tilespmem:s0+$0x5860] =	vst v38;
	v13 =	vld.idx.msk [tilespmem:v49+s24+$0x0], $0xffff  }
0x205: {  	[tilespmem:s0+$0x58E0] =	vst v4;
	v58 =	vld.idx.msk [tilespmem:v51+s24+$0x0], $0xffff  }
0x206: {  	v63 =	vld.idx.msk [tilespmem:v15+s24+$0x0], $0xffff;
	[tilespmem:s0+$0x2D70] =	vst v41  }
0x207: {  	[tilespmem:s0+$0x2DF0] =	vst v43  }
0x208: {  	[tilespmem:s0+$0x2E70] =	vst v45  }
0x209: {  	[tilespmem:s0+$0x2EF0] =	vst v47  }
0x20a: {  	[tilespmem:s0+$0x2F70] =	vst v7  }
0x20b: {  	[tilespmem:s0+$0x2FF0] =	vst v50  }
0x20c: {  	[tilespmem:s0+$0x3070] =	vst v11  }
0x20d: {  	[tilespmem:s0+$0x30F0] =	vst v53  }
0x20e: {  	[tilespmem:s0+$0x5570] =	vst v55  }
0x20f: {  	[tilespmem:s0+$0x56F0] =	vst v59  }
0x210: {  	p0 =	slt.u32 s17, $0x8;
	[tilespmem:s0+$0x5770] =	vst v60  }
.Ltmp5:
0x211: {  	[tilespmem:s0+$0x57F0] =	vst v61;
	(pc) =	sbr.rel @p0 .LBB2_4-.Ltmp5, $4  }
0x212: {  	[tilespmem:s0+$0x5870] =	vst v62  }
0x213: {  	[tilespmem:s0+$0x55F0] =	vst v13  }
0x214: {  	s8 =	sadd.s32 $0x2, s17;
	[tilespmem:s0+$0x5670] =	vst v58  }
0x215: {  	s17 =	smov.u32 s8;
	[tilespmem:s0+$0x58F0] =	vst v63  }
0x216: {  	s0 =	smul.u32 $0x2800, s16;
	_ =	sdelay $0x1  }
0x217: {  	s0 =	sshrl.u32 s0, $0x3  }
0x218: {  	p0 =	sgt.u32 s16, $0x963;
	s0 =	sadd.s32 s3, s0  }
0x219: {  	[hbm4b:s0+s4] =	stream.linear.scatter [tilespmem:s25], [sflag:$0x4], $0x2800, $0x38;
	[tilespmem:$0x12900] =	vst v63  }
0x21a: {  	s8 =	smul.u32 @!p0 $0x1400, s16;
	s0 =	sadd.s32 $0x30D400, s0  }
0x21b: {  	[hbm4b:s0+s4] =	stream.linear.scatter [tilespmem:s26], [sflag:$0x4], $0x2800, $0x38;
	[tilespmem:$0x12900] =	vst v63  }
0x21c: {  	s0 =	sshrl.u32 @!p0 s8, $0x3  }
0x21d: {  	s16 =	simm.s32 @!p0 $0x80;
	s0 =	sadd.s32 @!p0 $0xF000, s0  }
0x21e: {  	s17 =	simm.s32 @!p0 $0x200;
	s20 =	simm.s32 @!p0 $0x0;
	s8 =	sadd.s32 @!p0 s1, s0  }
0x21f: {  	[tilespmem:s20], [sflag:$0x1] =	stream.strided.gather @!p0 [hbm4b:s8+s16], $0x500, s17, s16, $0x38;
	[tilespmem:$0x12900] =	vst v63  }
0x220: {  	s8 =	sadd.s32 @!p0 s0, s7;
	s20 =	simm.s32 @!p0 $0x500  }
0x221: {  	[tilespmem:s20], [sflag:$0x1] =	stream.strided.gather @!p0 [hbm4b:s8+s16], $0x500, s17, s16, $0x38;
	[tilespmem:$0x12900] =	vst v63  }
0x222: {  	s0 =	sadd.s32 @!p0 s0, s10;
	s8 =	simm.s32 @!p0 $0xA00  }
0x223: {  	[tilespmem:s8], [sflag:$0x1] =	stream.strided.gather @!p0 [hbm4b:s0+s16], $0x500, s17, s16, $0x38;
	[tilespmem:$0x12900] =	vst v63  }
.LBB2_6:
0x224: {  	s16 =	sadd.s32 s18, s15  }
0x225: {  	p0 =	sgt.u32 s16, $0x9C3  }
.Ltmp6:
0x226: {  	_ = 	snop;
	(pc) =	sbr.rel @p0 .LBB2_10-.Ltmp6, $1  }
0x227: {  	_ =	sdelay $0x3  }
0x228: {  	_ =	swait.ge [sflag:s28], $0x500  }
0x229: {  	[sflag:s28] =	ssyncset.done $0x0  }
0x22a: {  	[sflag:s28] =	ssyncadd.s32 $0xFFFFFB00  }
0x22b: {  	_ =	swait.ge [sflag:s28], $0x500  }
0x22c: {  	[sflag:s28] =	ssyncset.done $0x0  }
0x22d: {  	[sflag:s28] =	ssyncadd.s32 $0xFFFFFB00  }
0x22e: {  	_ =	swait.ge [sflag:s28], $0x500  }
0x22f: {  	p0 =	seq.s32 s14, $0x0;
	[sflag:s28] =	ssyncset.done $0x0  }
0x230: {  	s0 =	simm.s32 @!p0 $0x5;
	[sflag:s28] =	ssyncadd.s32 $0xFFFFFB00  }
0x231: {  	_ =	swait.ge @!p0 [sflag:s0], $0x2800  }
0x232: {  	[sflag:s0] =	ssyncset.done @!p0 $0x0  }
0x233: {  	[sflag:s0] =	ssyncadd.s32 @!p0 $0xFFFFD800  }
0x234: {  	_ =	swait.ge @!p0 [sflag:s0], $0x2800  }
0x235: {  	[sflag:s0] =	ssyncset.done @!p0 $0x0  }
0x236: {  	s17 =	simm.s32 $0x0;
	[sflag:s0] =	ssyncadd.s32 @!p0 $0xFFFFD800  }
.LBB2_8:
0x237: {  	s8 =	sshll.u32 s17, $0x7  }
0x238: {  	v0 =	vld [tilespmem:s8+$0xF00]  }
0x239: {  	v1 =	vld [tilespmem:s8+$0x1400]  }
0x23a: {  	v2 =	vld [tilespmem:s8+$0x1900]  }
0x23b: {  	v9 =	vld [tilespmem:s8+$0xF10]  }
0x23c: {  	v11 =	vld [tilespmem:s8+$0x1410]  }
0x23d: {  	v13 =	vld [tilespmem:s8+$0x1910];
	_ =	sdelay $0x2  }
0x23e: {  	v0 =	vmul.u32 $0xCC, v0;
	v1 =	vmul.u32 $0x22, v1  }
0x23f: {  	v2 =	vmul.u32 $0x11, v2;
	v9 =	vmul.u32 $0xCC, v9;
	v11 =	vmul.u32 $0x22, v11  }
0x240: {  	v13 =	vmul.u32 $0x11, v13;
	v0 =	vadd.s32 v0, v1  }
0x241: {  	v9 =	vadd.s32 v9, v11;
	v0 =	vadd.s32 v2, v0  }
0x242: {  	v9 =	vadd.s32 v13, v9  }
0x243: {  	v62 =	vadd.s32 $0x1, v0  }
0x244: {  	v2 =	vadd.s32 $0x2, v0  }
0x245: {  	v3 =	vadd.s32 $0x3, v0  }
0x246: {  	v4 =	vadd.s32 $0x4, v0;
	v5 =	vld.idx.msk [tilespmem:v0+s24+$0x0], $0xffff  }
0x247: {  	v6 =	vadd.s32 $0x5, v0;
	v21 =	vld.idx.msk [tilespmem:v9+s24+$0x0], $0xffff  }
0x248: {  	v7 =	vadd.s32 $0x6, v0;
	v1 =	vld.idx.msk [tilespmem:v62+s24+$0x0], $0xffff  }
0x249: {  	v8 =	vadd.s32 $0x7, v0;
	v2 =	vld.idx.msk [tilespmem:v2+s24+$0x0], $0xffff  }
0x24a: {  	v10 =	vadd.s32 $0x8, v0;
	v3 =	vld.idx.msk [tilespmem:v3+s24+$0x0], $0xffff  }
0x24b: {  	v12 =	vadd.s32 $0x9, v0;
	v4 =	vld.idx.msk [tilespmem:v4+s24+$0x0], $0xffff  }
0x24c: {  	v14 =	vadd.s32 $0xA, v0;
	v6 =	vld.idx.msk [tilespmem:v6+s24+$0x0], $0xffff  }
0x24d: {  	v15 =	vadd.s32 $0xB, v0;
	v7 =	vld.idx.msk [tilespmem:v7+s24+$0x0], $0xffff  }
0x24e: {  	v16 =	vadd.s32 $0xC, v0;
	v8 =	vld.idx.msk [tilespmem:v8+s24+$0x0], $0xffff  }
0x24f: {  	v17 =	vadd.s32 $0xD, v0;
	v10 =	vld.idx.msk [tilespmem:v10+s24+$0x0], $0xffff  }
0x250: {  	v18 =	vadd.s32 $0xE, v0;
	v12 =	vld.idx.msk [tilespmem:v12+s24+$0x0], $0xffff  }
0x251: {  	v0 =	vadd.s32 $0xF, v0;
	v14 =	vld.idx.msk [tilespmem:v14+s24+$0x0], $0xffff  }
0x252: {  	v29 =	vadd.s32 $0x1, v9;
	v63 =	vld.idx.msk [tilespmem:v15+s24+$0x0], $0xffff  }
0x253: {  	v31 =	vadd.s32 $0x2, v9;
	v28 =	vld.idx.msk [tilespmem:v16+s24+$0x0], $0xffff  }
0x254: {  	s0 =	sshll.u32 s17, $0xA;
	v19 =	vadd.s32 $0x3, v9;
	v30 =	vld.idx.msk [tilespmem:v17+s24+$0x0], $0xffff  }
0x255: {  	s20 =	sand.u32 $0x3FFFFC00, s0;
	v20 =	vadd.s32 $0x4, v9;
	v18 =	vld.idx.msk [tilespmem:v18+s24+$0x0], $0xffff  }
0x256: {  	v32 =	vadd.s32 $0x5, v9;
	v0 =	vld.idx.msk [tilespmem:v0+s24+$0x0], $0xffff;
	[tilespmem:s20+$0x7D00] =	vst v5  }
0x257: {  	v34 =	vadd.s32 $0x6, v9;
	v33 =	vld.idx.msk [tilespmem:v29+s24+$0x0], $0xffff;
	[tilespmem:s20+$0x7D80] =	vst v1  }
0x258: {  	v39 =	vadd.s32 $0xC, v9;
	v35 =	vld.idx.msk [tilespmem:v31+s24+$0x0], $0xffff;
	[tilespmem:s20+$0x7E00] =	vst v2  }
0x259: {  	v40 =	vadd.s32 $0xD, v9;
	v19 =	vld.idx.msk [tilespmem:v19+s24+$0x0], $0xffff;
	[tilespmem:s20+$0x7E80] =	vst v3  }
0x25a: {  	v41 =	vadd.s32 $0xE, v9;
	v20 =	vld.idx.msk [tilespmem:v20+s24+$0x0], $0xffff;
	[tilespmem:s20+$0x7F00] =	vst v4  }
0x25b: {  	v23 =	vadd.s32 $0x9, v9;
	v24 =	vld.idx.msk [tilespmem:v32+s24+$0x0], $0xffff;
	[tilespmem:s20+$0x7F80] =	vst v6  }
0x25c: {  	v36 =	vadd.s32 $0x7, v9;
	v15 =	vld.idx.msk [tilespmem:v34+s24+$0x0], $0xffff;
	[tilespmem:s20+$0x8000] =	vst v7  }
0x25d: {  	v22 =	vadd.s32 $0x8, v9;
	v13 =	vld.idx.msk [tilespmem:v39+s24+$0x0], $0xffff;
	[tilespmem:s20+$0x8080] =	vst v8  }
0x25e: {  	v37 =	vadd.s32 $0xA, v9;
	v11 =	vld.idx.msk [tilespmem:v40+s24+$0x0], $0xffff;
	[tilespmem:s20+$0xA500] =	vst v10  }
0x25f: {  	v38 =	vadd.s32 $0xB, v9;
	v42 =	vadd.s32 $0xF, v9;
	v9 =	vld.idx.msk [tilespmem:v41+s24+$0x0], $0xffff;
	[tilespmem:s20+$0xA580] =	vst v12  }
0x260: {  	v5 =	vld.idx.msk [tilespmem:v23+s24+$0x0], $0xffff;
	[tilespmem:s20+$0xA600] =	vst v14  }
0x261: {  	v3 =	vld.idx.msk [tilespmem:v36+s24+$0x0], $0xffff;
	[tilespmem:s20+$0xA680] =	vst v63  }
0x262: {  	v4 =	vld.idx.msk [tilespmem:v22+s24+$0x0], $0xffff;
	[tilespmem:s20+$0xA700] =	vst v28  }
0x263: {  	v6 =	vld.idx.msk [tilespmem:v37+s24+$0x0], $0xffff;
	[tilespmem:s20+$0xA780] =	vst v30  }
0x264: {  	v10 =	vld.idx.msk [tilespmem:v38+s24+$0x0], $0xffff;
	[tilespmem:s20+$0xA800] =	vst v18  }
0x265: {  	v7 =	vld.idx.msk [tilespmem:v42+s24+$0x0], $0xffff;
	[tilespmem:s20+$0x7D10] =	vst v21  }
0x266: {  	[tilespmem:s20+$0x7D90] =	vst v33  }
0x267: {  	[tilespmem:s20+$0x7E10] =	vst v35  }
0x268: {  	[tilespmem:s20+$0x7E90] =	vst v19  }
0x269: {  	[tilespmem:s20+$0x7F10] =	vst v20  }
0x26a: {  	[tilespmem:s20+$0x7F90] =	vst v24  }
0x26b: {  	[tilespmem:s20+$0xA880] =	vst v0  }
0x26c: {  	[tilespmem:s20+$0x8010] =	vst v15  }
0x26d: {  	v43 =	vld [tilespmem:s8+$0xF20]  }
0x26e: {  	v44 =	vld [tilespmem:s8+$0x1420]  }
0x26f: {  	v45 =	vld [tilespmem:s8+$0x1920]  }
0x270: {  	v52 =	vld [tilespmem:s8+$0xF30]  }
0x271: {  	v15 =	vld [tilespmem:s8+$0x1430]  }
0x272: {  	v55 =	vld [tilespmem:s8+$0x1930];
	_ =	sdelay $0x2  }
0x273: {  	v0 =	vmul.u32 $0xCC, v43;
	v1 =	vmul.u32 $0x22, v44  }
0x274: {  	v2 =	vmul.u32 $0x11, v45;
	v12 =	vmul.u32 $0xCC, v52;
	v15 =	vmul.u32 $0x22, v15  }
0x275: {  	v20 =	vmul.u32 $0x11, v55;
	v0 =	vadd.s32 v0, v1  }
0x276: {  	v61 =	vadd.s32 v12, v15;
	v0 =	vadd.s32 v2, v0  }
0x277: {  	v1 =	vadd.s32 v20, v61  }
0x278: {  	v46 =	vadd.s32 $0x1, v0  }
0x279: {  	v38 =	vld [tilespmem:s8+$0xF40];
	v2 =	vadd.s32 $0x2, v0  }
0x27a: {  	v40 =	vld [tilespmem:s8+$0x1440];
	v47 =	vadd.s32 $0x3, v0  }
0x27b: {  	v48 =	vadd.s32 $0x4, v0;
	v17 =	vld.idx.msk [tilespmem:v0+s24+$0x0], $0xffff  }
0x27c: {  	v49 =	vadd.s32 $0x5, v0;
	v41 =	vld.idx.msk [tilespmem:v1+s24+$0x0], $0xffff  }
0x27d: {  	v50 =	vadd.s32 $0x6, v0;
	v18 =	vld.idx.msk [tilespmem:v46+s24+$0x0], $0xffff  }
0x27e: {  	v51 =	vadd.s32 $0x7, v0;
	v19 =	vld.idx.msk [tilespmem:v2+s24+$0x0], $0xffff  }
0x27f: {  	v53 =	vadd.s32 $0x8, v0;
	v26 =	vld.idx.msk [tilespmem:v47+s24+$0x0], $0xffff  }
0x280: {  	v54 =	vadd.s32 $0x9, v0;
	v27 =	vld.idx.msk [tilespmem:v48+s24+$0x0], $0xffff  }
0x281: {  	v56 =	vadd.s32 $0xA, v0;
	v28 =	vld.idx.msk [tilespmem:v49+s24+$0x0], $0xffff  }
0x282: {  	v57 =	vadd.s32 $0xB, v0;
	v30 =	vld.idx.msk [tilespmem:v50+s24+$0x0], $0xffff  }
0x283: {  	v58 =	vadd.s32 $0xC, v0;
	v37 =	vld.idx.msk [tilespmem:v51+s24+$0x0], $0xffff  }
0x284: {  	v59 =	vadd.s32 $0xD, v0;
	v43 =	vld.idx.msk [tilespmem:v53+s24+$0x0], $0xffff  }
0x285: {  	v60 =	vadd.s32 $0xE, v0;
	v44 =	vld.idx.msk [tilespmem:v54+s24+$0x0], $0xffff  }
0x286: {  	v62 =	vadd.s32 $0x1, v1;
	v45 =	vld.idx.msk [tilespmem:v56+s24+$0x0], $0xffff  }
0x287: {  	v63 =	vadd.s32 $0x2, v1;
	v46 =	vld.idx.msk [tilespmem:v57+s24+$0x0], $0xffff  }
0x288: {  	v16 =	vadd.s32 $0x3, v1;
	v47 =	vld.idx.msk [tilespmem:v58+s24+$0x0], $0xffff  }
0x289: {  	v24 =	vadd.s32 $0x4, v1;
	v48 =	vld.idx.msk [tilespmem:v59+s24+$0x0], $0xffff  }
0x28a: {  	v49 =	vld.idx.msk [tilespmem:v60+s24+$0x0], $0xffff  }
0x28b: {  	v25 =	vadd.s32 $0x5, v1;
	v31 =	vld.idx.msk [tilespmem:v62+s24+$0x0], $0xffff  }
0x28c: {  	v29 =	vadd.s32 $0x6, v1;
	v23 =	vld.idx.msk [tilespmem:v63+s24+$0x0], $0xffff  }
0x28d: {  	v36 =	vadd.s32 $0x7, v1;
	v14 =	vld.idx.msk [tilespmem:v16+s24+$0x0], $0xffff  }
0x28e: {  	v39 =	vadd.s32 $0x8, v1;
	v12 =	vld.idx.msk [tilespmem:v24+s24+$0x0], $0xffff  }
0x28f: {  	v52 =	vadd.s32 $0xA, v1;
	v51 =	vld [tilespmem:s8+$0x1940]  }
0x290: {  	v55 =	vadd.s32 $0xD, v1;
	v32 =	vld.idx.msk [tilespmem:v25+s24+$0x0], $0xffff  }
0x291: {  	v33 =	vld.idx.msk [tilespmem:v29+s24+$0x0], $0xffff  }
0x292: {  	v0 =	vadd.s32 $0xF, v0;
	v34 =	vld.idx.msk [tilespmem:v36+s24+$0x0], $0xffff  }
0x293: {  	v50 =	vadd.s32 $0x9, v1;
	v35 =	vld.idx.msk [tilespmem:v39+s24+$0x0], $0xffff  }
0x294: {  	v53 =	vadd.s32 $0xB, v1;
	v39 =	vld.idx.msk [tilespmem:v52+s24+$0x0], $0xffff  }
0x295: {  	v54 =	vadd.s32 $0xC, v1;
	v29 =	vld.idx.msk [tilespmem:v55+s24+$0x0], $0xffff  }
0x296: {  	v56 =	vadd.s32 $0xE, v1;
	v52 =	vld [tilespmem:s8+$0x1450]  }
0x297: {  	v15 =	vmul.u32 $0xCC, v38;
	v20 =	vmul.u32 $0x22, v40;
	v1 =	vadd.s32 $0xF, v1;
	v42 =	vld.idx.msk [tilespmem:v0+s24+$0x0], $0xffff  }
0x298: {  	v38 =	vld.idx.msk [tilespmem:v50+s24+$0x0], $0xffff;
	v22 =	vmul.u32 $0x11, v51  }
0x299: {  	v57 =	vadd.s32 v15, v20;
	v40 =	vld.idx.msk [tilespmem:v53+s24+$0x0], $0xffff  }
0x29a: {  	v36 =	vld.idx.msk [tilespmem:v54+s24+$0x0], $0xffff;
	v22 =	vadd.s32 v22, v57  }
0x29b: {  	v24 =	vld.idx.msk [tilespmem:v56+s24+$0x0], $0xffff;
	v58 =	vadd.s32 $0x1, v22  }
0x29c: {  	v20 =	vld.idx.msk [tilespmem:v1+s24+$0x0], $0xffff;
	v2 =	vadd.s32 $0x2, v22  }
0x29d: {  	v50 =	vld [tilespmem:s8+$0xF50];
	v59 =	vadd.s32 $0x3, v22  }
0x29e: {  	v54 =	vld [tilespmem:s8+$0x1950];
	v60 =	vadd.s32 $0x4, v22  }
0x29f: {  	v61 =	vadd.s32 $0x5, v22;
	v15 =	vld.idx.msk [tilespmem:v22+s24+$0x0], $0xffff  }
0x2a0: {  	v62 =	vadd.s32 $0x6, v22;
	v8 =	vld.idx.msk [tilespmem:v58+s24+$0x0], $0xffff  }
0x2a1: {  	v25 =	vadd.s32 $0x7, v22;
	v2 =	vld.idx.msk [tilespmem:v2+s24+$0x0], $0xffff  }
0x2a2: {  	v51 =	vadd.s32 $0x8, v22;
	v1 =	vld.idx.msk [tilespmem:v59+s24+$0x0], $0xffff  }
0x2a3: {  	[tilespmem:s20+$0xA590] =	vst v5;
	v53 =	vadd.s32 $0x9, v22;
	v0 =	vld.idx.msk [tilespmem:v60+s24+$0x0], $0xffff  }
0x2a4: {  	[tilespmem:s20+$0x8090] =	vst v3;
	v63 =	vadd.s32 $0xA, v22;
	v3 =	vld.idx.msk [tilespmem:v61+s24+$0x0], $0xffff  }
0x2a5: {  	[tilespmem:s20+$0xA510] =	vst v4;
	v55 =	vadd.s32 $0xB, v22;
	v4 =	vld.idx.msk [tilespmem:v62+s24+$0x0], $0xffff  }
0x2a6: {  	[tilespmem:s20+$0xA710] =	vst v13;
	v56 =	vadd.s32 $0xC, v22;
	v5 =	vld.idx.msk [tilespmem:v25+s24+$0x0], $0xffff  }
0x2a7: {  	[tilespmem:s20+$0xA610] =	vst v6;
	v6 =	vld.idx.msk [tilespmem:v51+s24+$0x0], $0xffff  }
0x2a8: {  	[tilespmem:s20+$0xA690] =	vst v10;
	v51 =	vadd.s32 $0xD, v22;
	v10 =	vld.idx.msk [tilespmem:v53+s24+$0x0], $0xffff  }
0x2a9: {  	[tilespmem:s20+$0xA790] =	vst v11;
	v57 =	vmul.u32 $0xCC, v50;
	v58 =	vmul.u32 $0x22, v52;
	v59 =	vadd.s32 $0xE, v22;
	v21 =	vld.idx.msk [tilespmem:v63+s24+$0x0], $0xffff  }
0x2aa: {  	[tilespmem:s20+$0xA810] =	vst v9;
	v60 =	vmul.u32 $0x11, v54;
	v62 =	vadd.s32 $0xF, v22;
	v25 =	vld.idx.msk [tilespmem:v55+s24+$0x0], $0xffff  }
0x2ab: {  	[tilespmem:s20+$0xA890] =	vst v7;
	v22 =	vld.idx.msk [tilespmem:v56+s24+$0x0], $0xffff;
	v61 =	vadd.s32 v57, v58  }
0x2ac: {  	[tilespmem:s20+$0x7D20] =	vst v17;
	v52 =	vadd.s32 v60, v61;
	v61 =	vld [tilespmem:s8+$0x1460]  }
0x2ad: {  	[tilespmem:s20+$0x7DA0] =	vst v18;
	v63 =	vadd.s32 $0x1, v52;
	v16 =	vld.idx.msk [tilespmem:v51+s24+$0x0], $0xffff  }
0x2ae: {  	[tilespmem:s20+$0x7E20] =	vst v19;
	v11 =	vadd.s32 $0x2, v52;
	v17 =	vld.idx.msk [tilespmem:v59+s24+$0x0], $0xffff  }
0x2af: {  	[tilespmem:s20+$0x7EA0] =	vst v26;
	v54 =	vadd.s32 $0x3, v52;
	v18 =	vld.idx.msk [tilespmem:v62+s24+$0x0], $0xffff  }
0x2b0: {  	[tilespmem:s20+$0x7F20] =	vst v27;
	v55 =	vadd.s32 $0x4, v52;
	v59 =	vld [tilespmem:s8+$0xF60]  }
0x2b1: {  	[tilespmem:s20+$0x7FA0] =	vst v28;
	v19 =	vld.idx.msk [tilespmem:v52+s24+$0x0], $0xffff  }
0x2b2: {  	[tilespmem:s20+$0x8020] =	vst v30;
	v56 =	vadd.s32 $0x5, v52;
	v13 =	vld.idx.msk [tilespmem:v63+s24+$0x0], $0xffff  }
0x2b3: {  	[tilespmem:s20+$0x80A0] =	vst v37;
	v57 =	vadd.s32 $0x6, v52;
	v11 =	vld.idx.msk [tilespmem:v11+s24+$0x0], $0xffff  }
0x2b4: {  	[tilespmem:s20+$0xA520] =	vst v43;
	v58 =	vadd.s32 $0x7, v52;
	v9 =	vld.idx.msk [tilespmem:v54+s24+$0x0], $0xffff  }
0x2b5: {  	[tilespmem:s20+$0xA5A0] =	vst v44;
	v60 =	vadd.s32 $0x8, v52;
	v7 =	vld.idx.msk [tilespmem:v55+s24+$0x0], $0xffff  }
0x2b6: {  	[tilespmem:s20+$0xA620] =	vst v45;
	v53 =	vadd.s32 $0xA, v52;
	v63 =	vld [tilespmem:s8+$0x1960]  }
0x2b7: {  	[tilespmem:s20+$0xA6A0] =	vst v46;
	v62 =	vadd.s32 $0x9, v52;
	v30 =	vld.idx.msk [tilespmem:v56+s24+$0x0], $0xffff  }
0x2b8: {  	[tilespmem:s20+$0xA720] =	vst v47;
	v26 =	vld.idx.msk [tilespmem:v57+s24+$0x0], $0xffff  }
0x2b9: {  	[tilespmem:s20+$0xA7A0] =	vst v48;
	v54 =	vadd.s32 $0xB, v52;
	v27 =	vld.idx.msk [tilespmem:v58+s24+$0x0], $0xffff  }
0x2ba: {  	[tilespmem:s20+$0xA820] =	vst v49;
	v55 =	vadd.s32 $0xC, v52;
	v28 =	vld.idx.msk [tilespmem:v60+s24+$0x0], $0xffff  }
0x2bb: {  	[tilespmem:s20+$0xA8A0] =	vst v42;
	v50 =	vmul.u32 $0x22, v61;
	v56 =	vadd.s32 $0xD, v52;
	v42 =	vld.idx.msk [tilespmem:v53+s24+$0x0], $0xffff;
	v57 =	vmul.u32 $0xCC, v59  }
0x2bc: {  	[tilespmem:s20+$0x7D30] =	vst v41;
	v37 =	vld.idx.msk [tilespmem:v62+s24+$0x0], $0xffff  }
0x2bd: {  	[tilespmem:s20+$0x7DB0] =	vst v31;
	v58 =	vadd.s32 $0xE, v52;
	v48 =	vadd.s32 v57, v50;
	v57 =	vld [tilespmem:s8+$0x1470]  }
0x2be: {  	[tilespmem:s20+$0x7E30] =	vst v23;
	v60 =	vadd.s32 $0xF, v52;
	v59 =	vmul.u32 $0x11, v63;
	v41 =	vld.idx.msk [tilespmem:v54+s24+$0x0], $0xffff  }
0x2bf: {  	[tilespmem:s20+$0x7EB0] =	vst v14;
	v31 =	vld.idx.msk [tilespmem:v55+s24+$0x0], $0xffff  }
0x2c0: {  	[tilespmem:s20+$0x7F30] =	vst v12;
	v43 =	vld.idx.msk [tilespmem:v56+s24+$0x0], $0xffff;
	v48 =	vadd.s32 v59, v48  }
0x2c1: {  	[tilespmem:s20+$0x7FB0] =	vst v32;
	v59 =	vld [tilespmem:s8+$0x1970]  }
0x2c2: {  	[tilespmem:s20+$0x8030] =	vst v33;
	v44 =	vld.idx.msk [tilespmem:v58+s24+$0x0], $0xffff;
	v61 =	vadd.s32 $0x1, v48  }
0x2c3: {  	[tilespmem:s20+$0x80B0] =	vst v34;
	v45 =	vld.idx.msk [tilespmem:v60+s24+$0x0], $0xffff;
	v62 =	vadd.s32 $0x2, v48  }
0x2c4: {  	s0 =	sor.u32 $0x1, s17;
	[tilespmem:s20+$0xA530] =	vst v35;
	v55 =	vld [tilespmem:s8+$0xF70];
	v63 =	vadd.s32 $0x3, v48  }
0x2c5: {  	[tilespmem:s20+$0xA630] =	vst v39;
	s8 =	sshll.u32 s0, $0x7;
	v49 =	vadd.s32 $0x4, v48;
	v46 =	vld.idx.msk [tilespmem:v48+s24+$0x0], $0xffff  }
0x2c6: {  	[tilespmem:s20+$0xA7B0] =	vst v29;
	v52 =	vadd.s32 $0x5, v48;
	v47 =	vmul.u32 $0x11, v59;
	v59 =	vld [tilespmem:s8+$0xF00]  }
0x2c7: {  	[tilespmem:s20+$0xA5B0] =	vst v38;
	v53 =	vadd.s32 $0x6, v48;
	v32 =	vld.idx.msk [tilespmem:v61+s24+$0x0], $0xffff  }
0x2c8: {  	[tilespmem:s20+$0xA6B0] =	vst v40;
	v54 =	vadd.s32 $0x7, v48;
	v23 =	vld.idx.msk [tilespmem:v62+s24+$0x0], $0xffff  }
0x2c9: {  	[tilespmem:s20+$0xA730] =	vst v36;
	v56 =	vadd.s32 $0x8, v48;
	v12 =	vld.idx.msk [tilespmem:v63+s24+$0x0], $0xffff  }
0x2ca: {  	[tilespmem:s20+$0xA830] =	vst v24;
	v58 =	vadd.s32 $0x9, v48;
	v14 =	vld.idx.msk [tilespmem:v49+s24+$0x0], $0xffff  }
0x2cb: {  	[tilespmem:s20+$0xA8B0] =	vst v20;
	v60 =	vadd.s32 $0xA, v48;
	v29 =	vld.idx.msk [tilespmem:v52+s24+$0x0], $0xffff  }
0x2cc: {  	[tilespmem:s20+$0x7D40] =	vst v15;
	v51 =	vadd.s32 $0xF, v48;
	v24 =	vld.idx.msk [tilespmem:v53+s24+$0x0], $0xffff  }
0x2cd: {  	[tilespmem:s20+$0x7DC0] =	vst v8;
	v20 =	vld.idx.msk [tilespmem:v54+s24+$0x0], $0xffff  }
0x2ce: {  	[tilespmem:s20+$0x7E40] =	vst v2;
	v61 =	vadd.s32 $0xB, v48;
	v15 =	vld.idx.msk [tilespmem:v56+s24+$0x0], $0xffff  }
0x2cf: {  	[tilespmem:s20+$0x7EC0] =	vst v1;
	v62 =	vadd.s32 $0xC, v48;
	v8 =	vld.idx.msk [tilespmem:v58+s24+$0x0], $0xffff  }
0x2d0: {  	[tilespmem:s20+$0x7F40] =	vst v0;
	v63 =	vadd.s32 $0xD, v48;
	v33 =	vld.idx.msk [tilespmem:v60+s24+$0x0], $0xffff  }
0x2d1: {  	[tilespmem:s20+$0x80C0] =	vst v5;
	v40 =	vmul.u32 $0x22, v57;
	v38 =	vmul.u32 $0xCC, v55;
	v49 =	vadd.s32 $0xE, v48;
	v5 =	vld.idx.msk [tilespmem:v51+s24+$0x0], $0xffff  }
0x2d2: {  	[tilespmem:s20+$0x7FC0] =	vst v3;
	v36 =	vmul.u32 $0xCC, v59;
	v59 =	vld [tilespmem:s8+$0xF10]  }
0x2d3: {  	[tilespmem:s20+$0x8040] =	vst v4;
	v50 =	vadd.s32 v38, v40;
	v1 =	vld.idx.msk [tilespmem:v61+s24+$0x0], $0xffff  }
0x2d4: {  	[tilespmem:s20+$0xA540] =	vst v6;
	v2 =	vadd.s32 v47, v50;
	v0 =	vld.idx.msk [tilespmem:v62+s24+$0x0], $0xffff  }
0x2d5: {  	[tilespmem:s20+$0xA5C0] =	vst v10;
	v52 =	vadd.s32 $0x1, v2;
	v3 =	vld.idx.msk [tilespmem:v63+s24+$0x0], $0xffff  }
0x2d6: {  	[tilespmem:s20+$0xA640] =	vst v21;
	v53 =	vadd.s32 $0x2, v2;
	v4 =	vld.idx.msk [tilespmem:v49+s24+$0x0], $0xffff  }
0x2d7: {  	[tilespmem:s20+$0xA6C0] =	vst v25;
	v54 =	vadd.s32 $0x3, v2;
	v61 =	vld [tilespmem:s8+$0x1400]  }
0x2d8: {  	[tilespmem:s20+$0xA740] =	vst v22;
	v55 =	vadd.s32 $0x4, v2;
	v63 =	vld [tilespmem:s8+$0x1900]  }
0x2d9: {  	[tilespmem:s20+$0xA7C0] =	vst v16;
	v56 =	vadd.s32 $0x5, v2;
	v6 =	vld.idx.msk [tilespmem:v2+s24+$0x0], $0xffff  }
0x2da: {  	[tilespmem:s20+$0xA840] =	vst v17;
	v57 =	vadd.s32 $0x6, v2;
	v10 =	vld.idx.msk [tilespmem:v52+s24+$0x0], $0xffff  }
0x2db: {  	[tilespmem:s20+$0xA8C0] =	vst v18;
	v58 =	vadd.s32 $0x7, v2;
	v21 =	vld.idx.msk [tilespmem:v53+s24+$0x0], $0xffff  }
0x2dc: {  	[tilespmem:s20+$0x7D50] =	vst v19;
	v60 =	vadd.s32 $0x8, v2;
	v25 =	vld.idx.msk [tilespmem:v54+s24+$0x0], $0xffff  }
0x2dd: {  	[tilespmem:s20+$0x7DD0] =	vst v13;
	v47 =	vadd.s32 $0xA, v2;
	v22 =	vld.idx.msk [tilespmem:v55+s24+$0x0], $0xffff  }
0x2de: {  	[tilespmem:s20+$0x7E50] =	vst v11;
	v48 =	vadd.s32 $0xB, v2;
	v19 =	vld.idx.msk [tilespmem:v56+s24+$0x0], $0xffff  }
0x2df: {  	[tilespmem:s20+$0x7ED0] =	vst v9;
	v50 =	vadd.s32 $0xD, v2;
	v13 =	vld.idx.msk [tilespmem:v57+s24+$0x0], $0xffff  }
0x2e0: {  	[tilespmem:s20+$0x7F50] =	vst v7;
	v51 =	vadd.s32 $0xE, v2;
	v11 =	vld.idx.msk [tilespmem:v58+s24+$0x0], $0xffff  }
0x2e1: {  	[tilespmem:s20+$0x7FD0] =	vst v30;
	v62 =	vadd.s32 $0x9, v2;
	v9 =	vld.idx.msk [tilespmem:v60+s24+$0x0], $0xffff  }
0x2e2: {  	[tilespmem:s20+$0x8050] =	vst v26;
	v49 =	vadd.s32 $0xC, v2;
	v34 =	vld.idx.msk [tilespmem:v47+s24+$0x0], $0xffff  }
0x2e3: {  	[tilespmem:s20+$0x80D0] =	vst v27;
	v26 =	vld.idx.msk [tilespmem:v48+s24+$0x0], $0xffff;
	v38 =	vmul.u32 $0x22, v61  }
0x2e4: {  	[tilespmem:s20+$0xA550] =	vst v28;
	v17 =	vld.idx.msk [tilespmem:v50+s24+$0x0], $0xffff;
	v39 =	vmul.u32 $0x11, v63  }
0x2e5: {  	[tilespmem:s20+$0xA650] =	vst v42;
	v2 =	vadd.s32 $0xF, v2;
	v18 =	vld.idx.msk [tilespmem:v51+s24+$0x0], $0xffff;
	v52 =	vadd.s32 v36, v38  }
0x2e6: {  	[tilespmem:s20+$0xA5D0] =	vst v37;
	v7 =	vld.idx.msk [tilespmem:v62+s24+$0x0], $0xffff;
	v30 =	vadd.s32 v39, v52  }
0x2e7: {  	[tilespmem:s20+$0xA6D0] =	vst v41;
	v16 =	vld.idx.msk [tilespmem:v49+s24+$0x0], $0xffff;
	v53 =	vadd.s32 $0x1, v30  }
0x2e8: {  	[tilespmem:s20+$0xA750] =	vst v31;
	v61 =	vld [tilespmem:s8+$0x1410];
	v54 =	vadd.s32 $0x2, v30  }
0x2e9: {  	[tilespmem:s20+$0xA7D0] =	vst v43;
	v63 =	vld [tilespmem:s8+$0x1910];
	v55 =	vadd.s32 $0x3, v30  }
0x2ea: {  	[tilespmem:s20+$0xA850] =	vst v44;
	v2 =	vld.idx.msk [tilespmem:v2+s24+$0x0], $0xffff;
	v56 =	vadd.s32 $0x4, v30  }
0x2eb: {  	[tilespmem:s20+$0xA8D0] =	vst v45;
	v57 =	vadd.s32 $0x5, v30;
	v37 =	vld.idx.msk [tilespmem:v30+s24+$0x0], $0xffff  }
0x2ec: {  	[tilespmem:s20+$0x7D60] =	vst v46;
	v58 =	vadd.s32 $0x6, v30;
	v27 =	vld.idx.msk [tilespmem:v53+s24+$0x0], $0xffff  }
0x2ed: {  	[tilespmem:s20+$0x7DE0] =	vst v32;
	v39 =	vadd.s32 $0x7, v30;
	v28 =	vld.idx.msk [tilespmem:v54+s24+$0x0], $0xffff  }
0x2ee: {  	[tilespmem:s20+$0x7E60] =	vst v23;
	v60 =	vadd.s32 $0x8, v30;
	v31 =	vld.idx.msk [tilespmem:v55+s24+$0x0], $0xffff  }
0x2ef: {  	[tilespmem:s20+$0x7EE0] =	vst v12;
	v62 =	vadd.s32 $0x9, v30;
	v36 =	vld.idx.msk [tilespmem:v56+s24+$0x0], $0xffff  }
0x2f0: {  	[tilespmem:s20+$0x7F60] =	vst v14;
	v45 =	vadd.s32 $0xA, v30;
	v12 =	vld.idx.msk [tilespmem:v57+s24+$0x0], $0xffff  }
0x2f1: {  	[tilespmem:s20+$0x7FE0] =	vst v29;
	v46 =	vadd.s32 $0xB, v30;
	v14 =	vld.idx.msk [tilespmem:v58+s24+$0x0], $0xffff  }
0x2f2: {  	[tilespmem:s20+$0x8060] =	vst v24;
	v47 =	vadd.s32 $0xC, v30;
	v29 =	vld.idx.msk [tilespmem:v39+s24+$0x0], $0xffff  }
0x2f3: {  	[tilespmem:s20+$0x80E0] =	vst v20;
	v48 =	vadd.s32 $0xD, v30;
	v24 =	vld.idx.msk [tilespmem:v60+s24+$0x0], $0xffff  }
0x2f4: {  	[tilespmem:s20+$0xA560] =	vst v15;
	v49 =	vadd.s32 $0xE, v30;
	v20 =	vld.idx.msk [tilespmem:v62+s24+$0x0], $0xffff  }
0x2f5: {  	[tilespmem:s20+$0xA5E0] =	vst v8;
	v35 =	vld.idx.msk [tilespmem:v45+s24+$0x0], $0xffff  }
0x2f6: {  	[tilespmem:s20+$0xA660] =	vst v33;
	v40 =	vmul.u32 $0xCC, v59;
	v41 =	vmul.u32 $0x22, v61;
	v8 =	vld.idx.msk [tilespmem:v46+s24+$0x0], $0xffff  }
0x2f7: {  	[tilespmem:s20+$0xA8E0] =	vst v5;
	v42 =	vmul.u32 $0x11, v63;
	v33 =	vld.idx.msk [tilespmem:v47+s24+$0x0], $0xffff  }
0x2f8: {  	[tilespmem:s20+$0xA6E0] =	vst v1;
	v50 =	vadd.s32 v40, v41;
	v30 =	vadd.s32 $0xF, v30;
	v1 =	vld.idx.msk [tilespmem:v48+s24+$0x0], $0xffff  }
0x2f9: {  	[tilespmem:s20+$0xA760] =	vst v0;
	v15 =	vadd.s32 v42, v50;
	v0 =	vld.idx.msk [tilespmem:v49+s24+$0x0], $0xffff  }
0x2fa: {  	[tilespmem:s20+$0xA7E0] =	vst v3;
	v51 =	vadd.s32 $0x1, v15;
	v58 =	vld [tilespmem:s8+$0xF20]  }
0x2fb: {  	[tilespmem:s20+$0xA860] =	vst v4;
	v52 =	vadd.s32 $0x2, v15;
	v60 =	vld [tilespmem:s8+$0x1420]  }
0x2fc: {  	[tilespmem:s20+$0x7D70] =	vst v6;
	v53 =	vadd.s32 $0x3, v15;
	v62 =	vld [tilespmem:s8+$0x1920]  }
0x2fd: {  	[tilespmem:s20+$0x7DF0] =	vst v10;
	v54 =	vadd.s32 $0x4, v15;
	v3 =	vld.idx.msk [tilespmem:v30+s24+$0x0], $0xffff  }
0x2fe: {  	[tilespmem:s20+$0x7E70] =	vst v21;
	v55 =	vadd.s32 $0x5, v15;
	v4 =	vld.idx.msk [tilespmem:v15+s24+$0x0], $0xffff  }
0x2ff: {  	[tilespmem:s20+$0x7EF0] =	vst v25;
	v56 =	vadd.s32 $0x6, v15;
	v5 =	vld.idx.msk [tilespmem:v51+s24+$0x0], $0xffff  }
0x300: {  	[tilespmem:s20+$0x7F70] =	vst v22;
	v57 =	vadd.s32 $0x7, v15;
	v6 =	vld.idx.msk [tilespmem:v52+s24+$0x0], $0xffff  }
0x301: {  	[tilespmem:s20+$0x7FF0] =	vst v19;
	v59 =	vadd.s32 $0x8, v15;
	v10 =	vld.idx.msk [tilespmem:v53+s24+$0x0], $0xffff  }
0x302: {  	[tilespmem:s20+$0x8070] =	vst v13;
	v61 =	vadd.s32 $0x9, v15;
	v21 =	vld.idx.msk [tilespmem:v54+s24+$0x0], $0xffff  }
0x303: {  	[tilespmem:s20+$0x80F0] =	vst v11;
	v63 =	vadd.s32 $0xA, v15;
	v13 =	vld.idx.msk [tilespmem:v55+s24+$0x0], $0xffff  }
0x304: {  	[tilespmem:s20+$0xA570] =	vst v9;
	v42 =	vadd.s32 $0xB, v15;
	v11 =	vld.idx.msk [tilespmem:v56+s24+$0x0], $0xffff  }
0x305: {  	[tilespmem:s20+$0xA670] =	vst v34;
	v43 =	vadd.s32 $0xC, v15;
	v9 =	vld.idx.msk [tilespmem:v57+s24+$0x0], $0xffff  }
0x306: {  	[tilespmem:s20+$0xA5F0] =	vst v7;
	v44 =	vadd.s32 $0xD, v15;
	v7 =	vld.idx.msk [tilespmem:v59+s24+$0x0], $0xffff  }
0x307: {  	[tilespmem:s20+$0xA6F0] =	vst v26;
	v45 =	vadd.s32 $0xE, v15;
	v19 =	vld.idx.msk [tilespmem:v61+s24+$0x0], $0xffff  }
0x308: {  	[tilespmem:s20+$0xA7F0] =	vst v17;
	v23 =	vld.idx.msk [tilespmem:v63+s24+$0x0], $0xffff  }
0x309: {  	[tilespmem:s20+$0xA770] =	vst v16;
	v16 =	vld.idx.msk [tilespmem:v42+s24+$0x0], $0xffff  }
0x30a: {  	s0 =	sshll.u32 s0, $0xA;
	[tilespmem:s20+$0xA870] =	vst v18;
	v32 =	vmul.u32 $0xCC, v58;
	v38 =	vmul.u32 $0x22, v60;
	v17 =	vld.idx.msk [tilespmem:v43+s24+$0x0], $0xffff  }
0x30b: {  	s0 =	sand.u32 $0x3FFFFC00, s0;
	[tilespmem:s20+$0xA8F0] =	vst v2;
	v39 =	vmul.u32 $0x11, v62;
	v18 =	vld.idx.msk [tilespmem:v44+s24+$0x0], $0xffff  }
0x30c: {  	v15 =	vadd.s32 $0xF, v15;
	[tilespmem:s0+$0x7D00] =	vst v37;
	v2 =	vld.idx.msk [tilespmem:v45+s24+$0x0], $0xffff;
	v46 =	vadd.s32 v32, v38  }
0x30d: {  	[tilespmem:s0+$0x7D80] =	vst v27;
	v54 =	vld [tilespmem:s8+$0xF30];
	v26 =	vadd.s32 v39, v46  }
0x30e: {  	[tilespmem:s0+$0x7E00] =	vst v28;
	v56 =	vld [tilespmem:s8+$0x1430];
	v47 =	vadd.s32 $0x1, v26  }
0x30f: {  	[tilespmem:s0+$0x7E80] =	vst v31;
	v58 =	vld [tilespmem:s8+$0x1930];
	v48 =	vadd.s32 $0x2, v26  }
0x310: {  	[tilespmem:s0+$0x7F00] =	vst v36;
	v46 =	vld [tilespmem:s8+$0xF40];
	v49 =	vadd.s32 $0x3, v26  }
0x311: {  	[tilespmem:s0+$0x7F80] =	vst v12;
	v15 =	vld.idx.msk [tilespmem:v15+s24+$0x0], $0xffff;
	v50 =	vadd.s32 $0x4, v26  }
0x312: {  	[tilespmem:s0+$0x8000] =	vst v14;
	v51 =	vadd.s32 $0x5, v26;
	v27 =	vld.idx.msk [tilespmem:v26+s24+$0x0], $0xffff  }
0x313: {  	[tilespmem:s0+$0x8080] =	vst v29;
	v52 =	vadd.s32 $0x6, v26;
	v25 =	vld.idx.msk [tilespmem:v47+s24+$0x0], $0xffff  }
0x314: {  	[tilespmem:s0+$0xA500] =	vst v24;
	v53 =	vadd.s32 $0x7, v26;
	v22 =	vld.idx.msk [tilespmem:v48+s24+$0x0], $0xffff  }
0x315: {  	[tilespmem:s0+$0xA580] =	vst v20;
	v55 =	vadd.s32 $0x8, v26;
	v28 =	vld.idx.msk [tilespmem:v49+s24+$0x0], $0xffff  }
0x316: {  	[tilespmem:s0+$0xA600] =	vst v35;
	v57 =	vadd.s32 $0x9, v26;
	v12 =	vld.idx.msk [tilespmem:v50+s24+$0x0], $0xffff  }
0x317: {  	[tilespmem:s0+$0xA680] =	vst v8;
	v59 =	vadd.s32 $0xA, v26;
	v20 =	vld.idx.msk [tilespmem:v51+s24+$0x0], $0xffff  }
0x318: {  	[tilespmem:s0+$0xA700] =	vst v33;
	v60 =	vadd.s32 $0xB, v26;
	v31 =	vld.idx.msk [tilespmem:v52+s24+$0x0], $0xffff  }
0x319: {  	[tilespmem:s0+$0xA780] =	vst v1;
	v61 =	vadd.s32 $0xC, v26;
	v8 =	vld.idx.msk [tilespmem:v53+s24+$0x0], $0xffff  }
0x31a: {  	[tilespmem:s0+$0xA800] =	vst v0;
	v62 =	vadd.s32 $0xD, v26;
	v29 =	vld.idx.msk [tilespmem:v55+s24+$0x0], $0xffff  }
0x31b: {  	v63 =	vadd.s32 $0xE, v26;
	[tilespmem:s0+$0xA880] =	vst v3;
	v1 =	vld.idx.msk [tilespmem:v57+s24+$0x0], $0xffff  }
0x31c: {  	[tilespmem:s0+$0x7D10] =	vst v4;
	v32 =	vmul.u32 $0xCC, v54;
	v34 =	vmul.u32 $0x22, v56;
	v30 =	vld.idx.msk [tilespmem:v59+s24+$0x0], $0xffff  }
0x31d: {  	v36 =	vmul.u32 $0x11, v58;
	[tilespmem:s0+$0x7D90] =	vst v5;
	v3 =	vld.idx.msk [tilespmem:v60+s24+$0x0], $0xffff  }
0x31e: {  	[tilespmem:s0+$0x7E10] =	vst v6;
	v34 =	vadd.s32 v32, v34;
	v26 =	vadd.s32 $0xF, v26;
	v37 =	vld.idx.msk [tilespmem:v61+s24+$0x0], $0xffff  }
0x31f: {  	[tilespmem:s0+$0x7E90] =	vst v10;
	v0 =	vadd.s32 v36, v34;
	v39 =	vld.idx.msk [tilespmem:v62+s24+$0x0], $0xffff  }
0x320: {  	[tilespmem:s0+$0x7F10] =	vst v21;
	v38 =	vadd.s32 $0x1, v0;
	v6 =	vld.idx.msk [tilespmem:v63+s24+$0x0], $0xffff  }
0x321: {  	[tilespmem:s0+$0x7F90] =	vst v13;
	v40 =	vadd.s32 $0x2, v0;
	v48 =	vld [tilespmem:s8+$0x1440]  }
0x322: {  	[tilespmem:s0+$0x8010] =	vst v11;
	v41 =	vadd.s32 $0x3, v0;
	v50 =	vld [tilespmem:s8+$0x1940]  }
0x323: {  	[tilespmem:s0+$0x8090] =	vst v9;
	v42 =	vadd.s32 $0x4, v0;
	v10 =	vld.idx.msk [tilespmem:v26+s24+$0x0], $0xffff  }
0x324: {  	[tilespmem:s0+$0xA510] =	vst v7;
	v43 =	vadd.s32 $0x5, v0;
	v21 =	vld.idx.msk [tilespmem:v0+s24+$0x0], $0xffff  }
0x325: {  	[tilespmem:s0+$0xA590] =	vst v19;
	v44 =	vadd.s32 $0x6, v0;
	v13 =	vld.idx.msk [tilespmem:v38+s24+$0x0], $0xffff  }
0x326: {  	[tilespmem:s0+$0xA610] =	vst v23;
	v45 =	vadd.s32 $0x7, v0;
	v11 =	vld.idx.msk [tilespmem:v40+s24+$0x0], $0xffff  }
0x327: {  	[tilespmem:s0+$0xA690] =	vst v16;
	v47 =	vadd.s32 $0x8, v0;
	v9 =	vld.idx.msk [tilespmem:v41+s24+$0x0], $0xffff  }
0x328: {  	[tilespmem:s0+$0xA710] =	vst v17;
	v49 =	vadd.s32 $0x9, v0;
	v7 =	vld.idx.msk [tilespmem:v42+s24+$0x0], $0xffff  }
0x329: {  	[tilespmem:s0+$0xA790] =	vst v18;
	v51 =	vadd.s32 $0xA, v0;
	v14 =	vld.idx.msk [tilespmem:v43+s24+$0x0], $0xffff  }
0x32a: {  	[tilespmem:s0+$0xA810] =	vst v2;
	v18 =	vld.idx.msk [tilespmem:v44+s24+$0x0], $0xffff  }
0x32b: {  	[tilespmem:s0+$0xA890] =	vst v15;
	v53 =	vld.idx.msk [tilespmem:v45+s24+$0x0], $0xffff  }
0x32c: {  	[tilespmem:s0+$0x7D20] =	vst v27;
	v55 =	vld.idx.msk [tilespmem:v47+s24+$0x0], $0xffff  }
0x32d: {  	v52 =	vadd.s32 $0xB, v0;
	v16 =	vld.idx.msk [tilespmem:v49+s24+$0x0], $0xffff;
	[tilespmem:s0+$0x7DA0] =	vst v25  }
0x32e: {  	v54 =	vadd.s32 $0xC, v0;
	v17 =	vld.idx.msk [tilespmem:v51+s24+$0x0], $0xffff;
	[tilespmem:s0+$0x7E20] =	vst v22  }
0x32f: {  	v56 =	vadd.s32 $0xD, v0;
	v26 =	vmul.u32 $0xCC, v46;
	v32 =	vmul.u32 $0x22, v48;
	[tilespmem:s0+$0x7EA0] =	vst v28;
	v38 =	vld [tilespmem:s8+$0xF50]  }
0x330: {  	v57 =	vadd.s32 $0xE, v0;
	v33 =	vmul.u32 $0x11, v50;
	[tilespmem:s0+$0x7F20] =	vst v12;
	v40 =	vld [tilespmem:s8+$0x1450]  }
0x331: {  	v0 =	vadd.s32 $0xF, v0;
	[tilespmem:s0+$0x7FA0] =	vst v20;
	v42 =	vld [tilespmem:s8+$0x1950];
	v58 =	vadd.s32 v26, v32  }
0x332: {  	v59 =	vld.idx.msk [tilespmem:v52+s24+$0x0], $0xffff;
	[tilespmem:s0+$0x8020] =	vst v31;
	v60 =	vadd.s32 v33, v58  }
0x333: {  	v19 =	vld.idx.msk [tilespmem:v54+s24+$0x0], $0xffff;
	[tilespmem:s0+$0x80A0] =	vst v8  }
0x334: {  	v61 =	vld.idx.msk [tilespmem:v56+s24+$0x0], $0xffff;
	[tilespmem:s0+$0xA520] =	vst v29;
	v25 =	vadd.s32 $0x1, v60  }
0x335: {  	v63 =	vld.idx.msk [tilespmem:v57+s24+$0x0], $0xffff;
	[tilespmem:s0+$0xA5A0] =	vst v1;
	v62 =	vadd.s32 $0x2, v60;
	v28 =	vmul.u32 $0xCC, v38;
	v29 =	vmul.u32 $0x22, v40  }
0x336: {  	[tilespmem:s0+$0xA620] =	vst v30;
	v32 =	vadd.s32 $0x3, v60;
	v0 =	vld.idx.msk [tilespmem:v0+s24+$0x0], $0xffff;
	v30 =	vmul.u32 $0x11, v42  }
0x337: {  	[tilespmem:s0+$0xA6A0] =	vst v3;
	v33 =	vadd.s32 $0x4, v60;
	v50 =	vadd.s32 v28, v29;
	v34 =	vld.idx.msk [tilespmem:v60+s24+$0x0], $0xffff  }
0x338: {  	v35 =	vadd.s32 $0x5, v60;
	[tilespmem:s0+$0x7F30] =	vst v7;
	v7 =	vadd.s32 v30, v50;
	v30 =	vld [tilespmem:s8+$0xF60]  }
0x339: {  	[tilespmem:s0+$0xA720] =	vst v37;
	v36 =	vadd.s32 $0x6, v60;
	v25 =	vld.idx.msk [tilespmem:v25+s24+$0x0], $0xffff  }
0x33a: {  	[tilespmem:s0+$0xA7A0] =	vst v39;
	v37 =	vadd.s32 $0x7, v60;
	v1 =	vld.idx.msk [tilespmem:v62+s24+$0x0], $0xffff  }
0x33b: {  	[tilespmem:s0+$0xA820] =	vst v6;
	v39 =	vadd.s32 $0x8, v60;
	v23 =	vld.idx.msk [tilespmem:v32+s24+$0x0], $0xffff  }
0x33c: {  	v41 =	vadd.s32 $0x9, v60;
	[tilespmem:s0+$0xA8A0] =	vst v10;
	v3 =	vld.idx.msk [tilespmem:v33+s24+$0x0], $0xffff  }
0x33d: {  	v44 =	vadd.s32 $0xA, v60;
	[tilespmem:s0+$0x7D30] =	vst v21;
	v43 =	vld.idx.msk [tilespmem:v35+s24+$0x0], $0xffff  }
0x33e: {  	v46 =	vadd.s32 $0xB, v60;
	[tilespmem:s0+$0x7DB0] =	vst v13;
	v45 =	vld.idx.msk [tilespmem:v36+s24+$0x0], $0xffff  }
0x33f: {  	v47 =	vadd.s32 $0xC, v60;
	[tilespmem:s0+$0x7E30] =	vst v11;
	v4 =	vld.idx.msk [tilespmem:v37+s24+$0x0], $0xffff  }
0x340: {  	v48 =	vadd.s32 $0xD, v60;
	[tilespmem:s0+$0x7EB0] =	vst v9;
	v5 =	vld.idx.msk [tilespmem:v39+s24+$0x0], $0xffff  }
0x341: {  	v49 =	vadd.s32 $0xE, v60;
	[tilespmem:s0+$0x7FB0] =	vst v14;
	v6 =	vld.idx.msk [tilespmem:v41+s24+$0x0], $0xffff  }
0x342: {  	v24 =	vadd.s32 $0xF, v60;
	[tilespmem:s0+$0x8030] =	vst v18;
	v26 =	vld.idx.msk [tilespmem:v44+s24+$0x0], $0xffff  }
0x343: {  	[tilespmem:s0+$0x80B0] =	vst v53;
	v51 =	vld.idx.msk [tilespmem:v46+s24+$0x0], $0xffff  }
0x344: {  	[tilespmem:s0+$0xA530] =	vst v55;
	v13 =	vld.idx.msk [tilespmem:v47+s24+$0x0], $0xffff  }
0x345: {  	[tilespmem:s0+$0xA5B0] =	vst v16;
	v53 =	vld.idx.msk [tilespmem:v48+s24+$0x0], $0xffff  }
0x346: {  	[tilespmem:s0+$0xA630] =	vst v17;
	v52 =	vadd.s32 $0x1, v7;
	v9 =	vld.idx.msk [tilespmem:v49+s24+$0x0], $0xffff  }
0x347: {  	[tilespmem:s0+$0xA6B0] =	vst v59;
	v54 =	vadd.s32 $0x2, v7;
	v56 =	vld.idx.msk [tilespmem:v24+s24+$0x0], $0xffff  }
0x348: {  	[tilespmem:s0+$0xA730] =	vst v19;
	v55 =	vadd.s32 $0x3, v7;
	v32 =	vld [tilespmem:s8+$0x1460]  }
0x349: {  	[tilespmem:s0+$0xA7B0] =	vst v61;
	v57 =	vadd.s32 $0x4, v7;
	v58 =	vld.idx.msk [tilespmem:v7+s24+$0x0], $0xffff  }
0x34a: {  	v60 =	vadd.s32 $0x5, v7;
	[tilespmem:s0+$0x7D40] =	vst v34;
	v34 =	vld [tilespmem:s8+$0x1960]  }
0x34b: {  	[tilespmem:s0+$0xA830] =	vst v63;
	v62 =	vadd.s32 $0x6, v7;
	v18 =	vld.idx.msk [tilespmem:v52+s24+$0x0], $0xffff  }
0x34c: {  	[tilespmem:s0+$0xA8B0] =	vst v0;
	v63 =	vadd.s32 $0x7, v7;
	v11 =	vld.idx.msk [tilespmem:v54+s24+$0x0], $0xffff  }
0x34d: {  	v31 =	vadd.s32 $0x8, v7;
	v59 =	vld.idx.msk [tilespmem:v55+s24+$0x0], $0xffff;
	[tilespmem:s0+$0x7DC0] =	vst v25  }
0x34e: {  	v33 =	vadd.s32 $0x9, v7;
	v61 =	vld.idx.msk [tilespmem:v57+s24+$0x0], $0xffff;
	[tilespmem:s0+$0x7E40] =	vst v1  }
0x34f: {  	v36 =	vadd.s32 $0xA, v7;
	v35 =	vld.idx.msk [tilespmem:v60+s24+$0x0], $0xffff;
	[tilespmem:s0+$0x7EC0] =	vst v23  }
0x350: {  	v37 =	vadd.s32 $0xB, v7;
	v20 =	vld.idx.msk [tilespmem:v62+s24+$0x0], $0xffff;
	[tilespmem:s0+$0x7F40] =	vst v3  }
0x351: {  	v38 =	vadd.s32 $0xC, v7;
	v0 =	vld.idx.msk [tilespmem:v63+s24+$0x0], $0xffff;
	[tilespmem:s0+$0x7FC0] =	vst v43  }
0x352: {  	v39 =	vadd.s32 $0xD, v7;
	v8 =	vld.idx.msk [tilespmem:v31+s24+$0x0], $0xffff;
	[tilespmem:s0+$0x8040] =	vst v45  }
0x353: {  	v41 =	vadd.s32 $0xE, v7;
	v40 =	vld.idx.msk [tilespmem:v33+s24+$0x0], $0xffff;
	[tilespmem:s0+$0x80C0] =	vst v4  }
0x354: {  	v15 =	vld.idx.msk [tilespmem:v36+s24+$0x0], $0xffff;
	[tilespmem:s0+$0xA540] =	vst v5  }
0x355: {  	v22 =	vmul.u32 $0xCC, v30;
	v24 =	vmul.u32 $0x22, v32;
	v43 =	vld.idx.msk [tilespmem:v37+s24+$0x0], $0xffff;
	[tilespmem:s0+$0xA5C0] =	vst v6  }
0x356: {  	v7 =	vadd.s32 $0xF, v7;
	v3 =	vld.idx.msk [tilespmem:v38+s24+$0x0], $0xffff;
	[tilespmem:s0+$0xA640] =	vst v26;
	v27 =	vmul.u32 $0x11, v34  }
0x357: {  	v10 =	vld.idx.msk [tilespmem:v39+s24+$0x0], $0xffff;
	[tilespmem:s0+$0xA6C0] =	vst v51;
	v42 =	vadd.s32 v22, v24  }
0x358: {  	v46 =	vld.idx.msk [tilespmem:v41+s24+$0x0], $0xffff;
	[tilespmem:s0+$0xA740] =	vst v13;
	v4 =	vadd.s32 v27, v42  }
0x359: {  	[tilespmem:s0+$0xA7C0] =	vst v53;
	v55 =	vld [tilespmem:s8+$0xF70];
	v44 =	vadd.s32 $0x1, v4  }
0x35a: {  	[tilespmem:s0+$0xA840] =	vst v9;
	v57 =	vld [tilespmem:s8+$0x1470];
	v45 =	vadd.s32 $0x2, v4  }
0x35b: {  	[tilespmem:s0+$0xA8C0] =	vst v56;
	v7 =	vld.idx.msk [tilespmem:v7+s24+$0x0], $0xffff;
	v47 =	vadd.s32 $0x3, v4  }
0x35c: {  	[tilespmem:s0+$0x7ED0] =	vst v59;
	v59 =	vld [tilespmem:s8+$0x1970];
	v48 =	vadd.s32 $0x4, v4  }
0x35d: {  	[tilespmem:s0+$0x7D50] =	vst v58;
	v52 =	vadd.s32 $0x5, v4;
	v49 =	vld.idx.msk [tilespmem:v4+s24+$0x0], $0xffff  }
0x35e: {  	[tilespmem:s0+$0x7DD0] =	vst v18;
	v53 =	vadd.s32 $0x6, v4;
	v6 =	vld.idx.msk [tilespmem:v44+s24+$0x0], $0xffff  }
0x35f: {  	[tilespmem:s0+$0x7E50] =	vst v11;
	v54 =	vadd.s32 $0x7, v4;
	v50 =	vld.idx.msk [tilespmem:v45+s24+$0x0], $0xffff  }
0x360: {  	[tilespmem:s0+$0x7F50] =	vst v61;
	v56 =	vadd.s32 $0x8, v4;
	v51 =	vld.idx.msk [tilespmem:v47+s24+$0x0], $0xffff  }
0x361: {  	[tilespmem:s0+$0x7FD0] =	vst v35;
	v58 =	vadd.s32 $0x9, v4;
	v13 =	vld.idx.msk [tilespmem:v48+s24+$0x0], $0xffff  }
0x362: {  	[tilespmem:s0+$0x8050] =	vst v20;
	v61 =	vadd.s32 $0xA, v4;
	v60 =	vld.idx.msk [tilespmem:v52+s24+$0x0], $0xffff  }
0x363: {  	[tilespmem:s0+$0x80D0] =	vst v0;
	v62 =	vadd.s32 $0xB, v4;
	v18 =	vld.idx.msk [tilespmem:v53+s24+$0x0], $0xffff  }
0x364: {  	[tilespmem:s0+$0xA550] =	vst v8;
	v28 =	vadd.s32 $0xC, v4;
	v63 =	vld.idx.msk [tilespmem:v54+s24+$0x0], $0xffff  }
0x365: {  	v22 =	vmul.u32 $0xCC, v55;
	v23 =	vmul.u32 $0x22, v57;
	[tilespmem:s0+$0xA5D0] =	vst v40;
	v30 =	vadd.s32 $0xD, v4;
	v29 =	vld.idx.msk [tilespmem:v56+s24+$0x0], $0xffff  }
0x366: {  	[tilespmem:s0+$0xA650] =	vst v15;
	v31 =	vadd.s32 $0xE, v4;
	v24 =	vmul.u32 $0x11, v59;
	v19 =	vld.idx.msk [tilespmem:v58+s24+$0x0], $0xffff  }
0x367: {  	[tilespmem:s0+$0xA6D0] =	vst v43;
	v32 =	vadd.s32 v22, v23;
	v4 =	vadd.s32 $0xF, v4;
	v17 =	vld.idx.msk [tilespmem:v61+s24+$0x0], $0xffff  }
0x368: {  	[tilespmem:s0+$0xA750] =	vst v3;
	v33 =	vld.idx.msk [tilespmem:v62+s24+$0x0], $0xffff;
	v15 =	vadd.s32 v24, v32  }
0x369: {  	[tilespmem:s0+$0xA7D0] =	vst v10;
	v34 =	vld.idx.msk [tilespmem:v28+s24+$0x0], $0xffff;
	v35 =	vadd.s32 $0x1, v15  }
0x36a: {  	[tilespmem:s0+$0xA850] =	vst v46;
	v36 =	vld.idx.msk [tilespmem:v30+s24+$0x0], $0xffff;
	v37 =	vadd.s32 $0x2, v15  }
0x36b: {  	[tilespmem:s0+$0xA8D0] =	vst v7;
	v38 =	vld.idx.msk [tilespmem:v31+s24+$0x0], $0xffff;
	v39 =	vadd.s32 $0x3, v15  }
0x36c: {  	v40 =	vadd.s32 $0x4, v15;
	v4 =	vld.idx.msk [tilespmem:v4+s24+$0x0], $0xffff;
	[tilespmem:s0+$0x7D60] =	vst v49  }
0x36d: {  	v42 =	vadd.s32 $0x5, v15;
	v41 =	vld.idx.msk [tilespmem:v15+s24+$0x0], $0xffff;
	[tilespmem:s0+$0x7DE0] =	vst v6  }
0x36e: {  	v44 =	vadd.s32 $0x6, v15;
	[tilespmem:s0+$0x7E60] =	vst v50;
	v43 =	vld.idx.msk [tilespmem:v35+s24+$0x0], $0xffff  }
0x36f: {  	v46 =	vadd.s32 $0x7, v15;
	[tilespmem:s0+$0x7EE0] =	vst v51;
	v45 =	vld.idx.msk [tilespmem:v37+s24+$0x0], $0xffff  }
0x370: {  	v48 =	vadd.s32 $0x8, v15;
	[tilespmem:s0+$0x7F60] =	vst v13;
	v47 =	vld.idx.msk [tilespmem:v39+s24+$0x0], $0xffff  }
0x371: {  	v52 =	vadd.s32 $0xB, v15;
	[tilespmem:s0+$0x7FE0] =	vst v60;
	v7 =	vld.idx.msk [tilespmem:v40+s24+$0x0], $0xffff  }
0x372: {  	v54 =	vadd.s32 $0xC, v15;
	[tilespmem:s0+$0x8060] =	vst v18;
	v50 =	vld.idx.msk [tilespmem:v42+s24+$0x0], $0xffff  }
0x373: {  	v56 =	vadd.s32 $0xD, v15;
	[tilespmem:s0+$0x80E0] =	vst v63;
	v11 =	vld.idx.msk [tilespmem:v44+s24+$0x0], $0xffff  }
0x374: {  	v57 =	vadd.s32 $0xE, v15;
	[tilespmem:s0+$0xA560] =	vst v29;
	v53 =	vld.idx.msk [tilespmem:v46+s24+$0x0], $0xffff  }
0x375: {  	v49 =	vadd.s32 $0x9, v15;
	[tilespmem:s0+$0xA5E0] =	vst v19;
	v55 =	vld.idx.msk [tilespmem:v48+s24+$0x0], $0xffff  }
0x376: {  	v51 =	vadd.s32 $0xA, v15;
	[tilespmem:s0+$0xA660] =	vst v17;
	v59 =	vld.idx.msk [tilespmem:v52+s24+$0x0], $0xffff  }
0x377: {  	v15 =	vadd.s32 $0xF, v15;
	[tilespmem:s0+$0xA6E0] =	vst v33;
	v60 =	vld.idx.msk [tilespmem:v54+s24+$0x0], $0xffff  }
0x378: {  	[tilespmem:s0+$0xA760] =	vst v34;
	v61 =	vld.idx.msk [tilespmem:v56+s24+$0x0], $0xffff  }
0x379: {  	[tilespmem:s0+$0xA7E0] =	vst v36;
	v62 =	vld.idx.msk [tilespmem:v57+s24+$0x0], $0xffff  }
0x37a: {  	[tilespmem:s0+$0xA860] =	vst v38;
	v13 =	vld.idx.msk [tilespmem:v49+s24+$0x0], $0xffff  }
0x37b: {  	[tilespmem:s0+$0xA8E0] =	vst v4;
	v58 =	vld.idx.msk [tilespmem:v51+s24+$0x0], $0xffff  }
0x37c: {  	v63 =	vld.idx.msk [tilespmem:v15+s24+$0x0], $0xffff;
	[tilespmem:s0+$0x7D70] =	vst v41  }
0x37d: {  	[tilespmem:s0+$0x7DF0] =	vst v43  }
0x37e: {  	[tilespmem:s0+$0x7E70] =	vst v45  }
0x37f: {  	[tilespmem:s0+$0x7EF0] =	vst v47  }
0x380: {  	[tilespmem:s0+$0x7F70] =	vst v7  }
0x381: {  	[tilespmem:s0+$0x7FF0] =	vst v50  }
0x382: {  	[tilespmem:s0+$0x8070] =	vst v11  }
0x383: {  	[tilespmem:s0+$0x80F0] =	vst v53  }
0x384: {  	[tilespmem:s0+$0xA570] =	vst v55  }
0x385: {  	[tilespmem:s0+$0xA6F0] =	vst v59  }
0x386: {  	p0 =	slt.u32 s17, $0x8;
	[tilespmem:s0+$0xA770] =	vst v60  }
.Ltmp7:
0x387: {  	[tilespmem:s0+$0xA7F0] =	vst v61;
	(pc) =	sbr.rel @p0 .LBB2_8-.Ltmp7, $4  }
0x388: {  	[tilespmem:s0+$0xA870] =	vst v62  }
0x389: {  	[tilespmem:s0+$0xA5F0] =	vst v13  }
0x38a: {  	s8 =	sadd.s32 $0x2, s17;
	[tilespmem:s0+$0xA670] =	vst v58  }
0x38b: {  	s17 =	smov.u32 s8;
	[tilespmem:s0+$0xA8F0] =	vst v63  }
0x38c: {  	s0 =	smul.u32 $0x2800, s16;
	_ =	sdelay $0x1  }
0x38d: {  	s0 =	sshrl.u32 s0, $0x3  }
0x38e: {  	p0 =	sgt.u32 s16, $0x963;
	s0 =	sadd.s32 s3, s0  }
0x38f: {  	[hbm4b:s0+s4] =	stream.linear.scatter [tilespmem:s29], [sflag:$0x5], $0x2800, $0x38;
	[tilespmem:$0x12900] =	vst v63  }
0x390: {  	s8 =	smul.u32 @!p0 $0x1400, s16;
	s0 =	sadd.s32 $0x30D400, s0  }
0x391: {  	[hbm4b:s0+s4] =	stream.linear.scatter [tilespmem:s30], [sflag:$0x5], $0x2800, $0x38;
	[tilespmem:$0x12900] =	vst v63  }
0x392: {  	s0 =	sshrl.u32 @!p0 s8, $0x3  }
0x393: {  	s16 =	simm.s32 @!p0 $0x80;
	s0 =	sadd.s32 @!p0 $0xF000, s0  }
0x394: {  	s17 =	simm.s32 @!p0 $0x200;
	s20 =	simm.s32 @!p0 $0xF00;
	s8 =	sadd.s32 @!p0 s1, s0  }
0x395: {  	[tilespmem:s20], [sflag:$0x2] =	stream.strided.gather @!p0 [hbm4b:s8+s16], $0x500, s17, s16, $0x38;
	[tilespmem:$0x12900] =	vst v63  }
0x396: {  	s8 =	sadd.s32 @!p0 s0, s7;
	s20 =	simm.s32 @!p0 $0x1400  }
0x397: {  	[tilespmem:s20], [sflag:$0x2] =	stream.strided.gather @!p0 [hbm4b:s8+s16], $0x500, s17, s16, $0x38;
	[tilespmem:$0x12900] =	vst v63  }
0x398: {  	s0 =	sadd.s32 @!p0 s0, s10;
	s8 =	simm.s32 @!p0 $0x1900  }
0x399: {  	[tilespmem:s8], [sflag:$0x2] =	stream.strided.gather @!p0 [hbm4b:s0+s16], $0x500, s17, s16, $0x38;
	[tilespmem:$0x12900] =	vst v63  }
.LBB2_10:
0x39a: {  	s15 =	sadd.s32 s19, s15  }
0x39b: {  	p0 =	sgt.u32 s15, $0x9C3  }
.Ltmp8:
0x39c: {  	_ = 	snop;
	(pc) =	sbr.rel @p0 .LBB2_14-.Ltmp8, $1  }
0x39d: {  	_ =	sdelay $0x3  }
0x39e: {  	_ =	swait.ge [sflag:s31], $0x500  }
0x39f: {  	[sflag:s31] =	ssyncset.done $0x0  }
0x3a0: {  	[sflag:s31] =	ssyncadd.s32 $0xFFFFFB00  }
0x3a1: {  	_ =	swait.ge [sflag:s31], $0x500  }
0x3a2: {  	[sflag:s31] =	ssyncset.done $0x0  }
0x3a3: {  	[sflag:s31] =	ssyncadd.s32 $0xFFFFFB00  }
0x3a4: {  	_ =	swait.ge [sflag:s31], $0x500  }
0x3a5: {  	p0 =	seq.s32 s14, $0x0;
	[sflag:s31] =	ssyncset.done $0x0  }
0x3a6: {  	s0 =	simm.s32 @!p0 $0x6;
	[sflag:s31] =	ssyncadd.s32 $0xFFFFFB00  }
0x3a7: {  	_ =	swait.ge @!p0 [sflag:s0], $0x2800  }
0x3a8: {  	[sflag:s0] =	ssyncset.done @!p0 $0x0  }
0x3a9: {  	[sflag:s0] =	ssyncadd.s32 @!p0 $0xFFFFD800  }
0x3aa: {  	_ =	swait.ge @!p0 [sflag:s0], $0x2800  }
0x3ab: {  	[sflag:s0] =	ssyncset.done @!p0 $0x0  }
0x3ac: {  	s16 =	simm.s32 $0x0;
	[sflag:s0] =	ssyncadd.s32 @!p0 $0xFFFFD800  }
.LBB2_12:
0x3ad: {  	s8 =	sshll.u32 s16, $0x7  }
0x3ae: {  	v0 =	vld [tilespmem:s8+$0x1E00]  }
0x3af: {  	v1 =	vld [tilespmem:s8+$0x2300]  }
0x3b0: {  	v2 =	vld [tilespmem:s8+$0x2800]  }
0x3b1: {  	v9 =	vld [tilespmem:s8+$0x1E10]  }
0x3b2: {  	v11 =	vld [tilespmem:s8+$0x2310]  }
0x3b3: {  	v13 =	vld [tilespmem:s8+$0x2810];
	_ =	sdelay $0x2  }
0x3b4: {  	v0 =	vmul.u32 $0xCC, v0;
	v1 =	vmul.u32 $0x22, v1  }
0x3b5: {  	v2 =	vmul.u32 $0x11, v2;
	v9 =	vmul.u32 $0xCC, v9;
	v11 =	vmul.u32 $0x22, v11  }
0x3b6: {  	v13 =	vmul.u32 $0x11, v13;
	v0 =	vadd.s32 v0, v1  }
0x3b7: {  	v9 =	vadd.s32 v9, v11;
	v0 =	vadd.s32 v2, v0  }
0x3b8: {  	v9 =	vadd.s32 v13, v9  }
0x3b9: {  	v62 =	vadd.s32 $0x1, v0  }
0x3ba: {  	v2 =	vadd.s32 $0x2, v0  }
0x3bb: {  	v3 =	vadd.s32 $0x3, v0  }
0x3bc: {  	v4 =	vadd.s32 $0x4, v0;
	v5 =	vld.idx.msk [tilespmem:v0+s24+$0x0], $0xffff  }
0x3bd: {  	v6 =	vadd.s32 $0x5, v0;
	v21 =	vld.idx.msk [tilespmem:v9+s24+$0x0], $0xffff  }
0x3be: {  	v7 =	vadd.s32 $0x6, v0;
	v1 =	vld.idx.msk [tilespmem:v62+s24+$0x0], $0xffff  }
0x3bf: {  	v8 =	vadd.s32 $0x7, v0;
	v2 =	vld.idx.msk [tilespmem:v2+s24+$0x0], $0xffff  }
0x3c0: {  	v10 =	vadd.s32 $0x8, v0;
	v3 =	vld.idx.msk [tilespmem:v3+s24+$0x0], $0xffff  }
0x3c1: {  	v12 =	vadd.s32 $0x9, v0;
	v4 =	vld.idx.msk [tilespmem:v4+s24+$0x0], $0xffff  }
0x3c2: {  	v14 =	vadd.s32 $0xA, v0;
	v6 =	vld.idx.msk [tilespmem:v6+s24+$0x0], $0xffff  }
0x3c3: {  	v15 =	vadd.s32 $0xB, v0;
	v7 =	vld.idx.msk [tilespmem:v7+s24+$0x0], $0xffff  }
0x3c4: {  	v16 =	vadd.s32 $0xC, v0;
	v8 =	vld.idx.msk [tilespmem:v8+s24+$0x0], $0xffff  }
0x3c5: {  	v17 =	vadd.s32 $0xD, v0;
	v10 =	vld.idx.msk [tilespmem:v10+s24+$0x0], $0xffff  }
0x3c6: {  	v18 =	vadd.s32 $0xE, v0;
	v12 =	vld.idx.msk [tilespmem:v12+s24+$0x0], $0xffff  }
0x3c7: {  	v0 =	vadd.s32 $0xF, v0;
	v14 =	vld.idx.msk [tilespmem:v14+s24+$0x0], $0xffff  }
0x3c8: {  	v29 =	vadd.s32 $0x1, v9;
	v63 =	vld.idx.msk [tilespmem:v15+s24+$0x0], $0xffff  }
0x3c9: {  	v31 =	vadd.s32 $0x2, v9;
	v28 =	vld.idx.msk [tilespmem:v16+s24+$0x0], $0xffff  }
0x3ca: {  	s0 =	sshll.u32 s16, $0xA;
	v19 =	vadd.s32 $0x3, v9;
	v30 =	vld.idx.msk [tilespmem:v17+s24+$0x0], $0xffff  }
0x3cb: {  	s17 =	sand.u32 $0x3FFFFC00, s0;
	v20 =	vadd.s32 $0x4, v9;
	v18 =	vld.idx.msk [tilespmem:v18+s24+$0x0], $0xffff  }
0x3cc: {  	v32 =	vadd.s32 $0x5, v9;
	v0 =	vld.idx.msk [tilespmem:v0+s24+$0x0], $0xffff;
	[tilespmem:s17+$0xCD00] =	vst v5  }
0x3cd: {  	v34 =	vadd.s32 $0x6, v9;
	v33 =	vld.idx.msk [tilespmem:v29+s24+$0x0], $0xffff;
	[tilespmem:s17+$0xCD80] =	vst v1  }
0x3ce: {  	v39 =	vadd.s32 $0xC, v9;
	v35 =	vld.idx.msk [tilespmem:v31+s24+$0x0], $0xffff;
	[tilespmem:s17+$0xCE00] =	vst v2  }
0x3cf: {  	v40 =	vadd.s32 $0xD, v9;
	v19 =	vld.idx.msk [tilespmem:v19+s24+$0x0], $0xffff;
	[tilespmem:s17+$0xCE80] =	vst v3  }
0x3d0: {  	v41 =	vadd.s32 $0xE, v9;
	v20 =	vld.idx.msk [tilespmem:v20+s24+$0x0], $0xffff;
	[tilespmem:s17+$0xCF00] =	vst v4  }
0x3d1: {  	v23 =	vadd.s32 $0x9, v9;
	v24 =	vld.idx.msk [tilespmem:v32+s24+$0x0], $0xffff;
	[tilespmem:s17+$0xCF80] =	vst v6  }
0x3d2: {  	v36 =	vadd.s32 $0x7, v9;
	v15 =	vld.idx.msk [tilespmem:v34+s24+$0x0], $0xffff;
	[tilespmem:s17+$0xD000] =	vst v7  }
0x3d3: {  	v22 =	vadd.s32 $0x8, v9;
	v13 =	vld.idx.msk [tilespmem:v39+s24+$0x0], $0xffff;
	[tilespmem:s17+$0xD080] =	vst v8  }
0x3d4: {  	v37 =	vadd.s32 $0xA, v9;
	v11 =	vld.idx.msk [tilespmem:v40+s24+$0x0], $0xffff;
	[tilespmem:s17+$0xF500] =	vst v10  }
0x3d5: {  	v38 =	vadd.s32 $0xB, v9;
	v42 =	vadd.s32 $0xF, v9;
	v9 =	vld.idx.msk [tilespmem:v41+s24+$0x0], $0xffff;
	[tilespmem:s17+$0xF580] =	vst v12  }
0x3d6: {  	v5 =	vld.idx.msk [tilespmem:v23+s24+$0x0], $0xffff;
	[tilespmem:s17+$0xF600] =	vst v14  }
0x3d7: {  	v3 =	vld.idx.msk [tilespmem:v36+s24+$0x0], $0xffff;
	[tilespmem:s17+$0xF680] =	vst v63  }
0x3d8: {  	v4 =	vld.idx.msk [tilespmem:v22+s24+$0x0], $0xffff;
	[tilespmem:s17+$0xF700] =	vst v28  }
0x3d9: {  	v6 =	vld.idx.msk [tilespmem:v37+s24+$0x0], $0xffff;
	[tilespmem:s17+$0xF780] =	vst v30  }
0x3da: {  	v10 =	vld.idx.msk [tilespmem:v38+s24+$0x0], $0xffff;
	[tilespmem:s17+$0xF800] =	vst v18  }
0x3db: {  	v7 =	vld.idx.msk [tilespmem:v42+s24+$0x0], $0xffff;
	[tilespmem:s17+$0xCD10] =	vst v21  }
0x3dc: {  	[tilespmem:s17+$0xCD90] =	vst v33  }
0x3dd: {  	[tilespmem:s17+$0xCE10] =	vst v35  }
0x3de: {  	[tilespmem:s17+$0xCE90] =	vst v19  }
0x3df: {  	[tilespmem:s17+$0xCF10] =	vst v20  }
0x3e0: {  	[tilespmem:s17+$0xCF90] =	vst v24  }
0x3e1: {  	[tilespmem:s17+$0xF880] =	vst v0  }
0x3e2: {  	[tilespmem:s17+$0xD010] =	vst v15  }
0x3e3: {  	v43 =	vld [tilespmem:s8+$0x1E20]  }
0x3e4: {  	v44 =	vld [tilespmem:s8+$0x2320]  }
0x3e5: {  	v45 =	vld [tilespmem:s8+$0x2820]  }
0x3e6: {  	v52 =	vld [tilespmem:s8+$0x1E30]  }
0x3e7: {  	v15 =	vld [tilespmem:s8+$0x2330]  }
0x3e8: {  	v55 =	vld [tilespmem:s8+$0x2830];
	_ =	sdelay $0x2  }
0x3e9: {  	v0 =	vmul.u32 $0xCC, v43;
	v1 =	vmul.u32 $0x22, v44  }
0x3ea: {  	v2 =	vmul.u32 $0x11, v45;
	v12 =	vmul.u32 $0xCC, v52;
	v15 =	vmul.u32 $0x22, v15  }
0x3eb: {  	v20 =	vmul.u32 $0x11, v55;
	v0 =	vadd.s32 v0, v1  }
0x3ec: {  	v61 =	vadd.s32 v12, v15;
	v0 =	vadd.s32 v2, v0  }
0x3ed: {  	v1 =	vadd.s32 v20, v61  }
0x3ee: {  	v46 =	vadd.s32 $0x1, v0  }
0x3ef: {  	v38 =	vld [tilespmem:s8+$0x1E40];
	v2 =	vadd.s32 $0x2, v0  }
0x3f0: {  	v40 =	vld [tilespmem:s8+$0x2340];
	v47 =	vadd.s32 $0x3, v0  }
0x3f1: {  	v48 =	vadd.s32 $0x4, v0;
	v17 =	vld.idx.msk [tilespmem:v0+s24+$0x0], $0xffff  }
0x3f2: {  	v49 =	vadd.s32 $0x5, v0;
	v41 =	vld.idx.msk [tilespmem:v1+s24+$0x0], $0xffff  }
0x3f3: {  	v50 =	vadd.s32 $0x6, v0;
	v18 =	vld.idx.msk [tilespmem:v46+s24+$0x0], $0xffff  }
0x3f4: {  	v51 =	vadd.s32 $0x7, v0;
	v19 =	vld.idx.msk [tilespmem:v2+s24+$0x0], $0xffff  }
0x3f5: {  	v53 =	vadd.s32 $0x8, v0;
	v26 =	vld.idx.msk [tilespmem:v47+s24+$0x0], $0xffff  }
0x3f6: {  	v54 =	vadd.s32 $0x9, v0;
	v27 =	vld.idx.msk [tilespmem:v48+s24+$0x0], $0xffff  }
0x3f7: {  	v56 =	vadd.s32 $0xA, v0;
	v28 =	vld.idx.msk [tilespmem:v49+s24+$0x0], $0xffff  }
0x3f8: {  	v57 =	vadd.s32 $0xB, v0;
	v30 =	vld.idx.msk [tilespmem:v50+s24+$0x0], $0xffff  }
0x3f9: {  	v58 =	vadd.s32 $0xC, v0;
	v37 =	vld.idx.msk [tilespmem:v51+s24+$0x0], $0xffff  }
0x3fa: {  	v59 =	vadd.s32 $0xD, v0;
	v43 =	vld.idx.msk [tilespmem:v53+s24+$0x0], $0xffff  }
0x3fb: {  	v60 =	vadd.s32 $0xE, v0;
	v44 =	vld.idx.msk [tilespmem:v54+s24+$0x0], $0xffff  }
0x3fc: {  	v62 =	vadd.s32 $0x1, v1;
	v45 =	vld.idx.msk [tilespmem:v56+s24+$0x0], $0xffff  }
0x3fd: {  	v63 =	vadd.s32 $0x2, v1;
	v46 =	vld.idx.msk [tilespmem:v57+s24+$0x0], $0xffff  }
0x3fe: {  	v16 =	vadd.s32 $0x3, v1;
	v47 =	vld.idx.msk [tilespmem:v58+s24+$0x0], $0xffff  }
0x3ff: {  	v24 =	vadd.s32 $0x4, v1;
	v48 =	vld.idx.msk [tilespmem:v59+s24+$0x0], $0xffff  }
0x400: {  	v49 =	vld.idx.msk [tilespmem:v60+s24+$0x0], $0xffff  }
0x401: {  	v25 =	vadd.s32 $0x5, v1;
	v31 =	vld.idx.msk [tilespmem:v62+s24+$0x0], $0xffff  }
0x402: {  	v29 =	vadd.s32 $0x6, v1;
	v23 =	vld.idx.msk [tilespmem:v63+s24+$0x0], $0xffff  }
0x403: {  	v36 =	vadd.s32 $0x7, v1;
	v14 =	vld.idx.msk [tilespmem:v16+s24+$0x0], $0xffff  }
0x404: {  	v39 =	vadd.s32 $0x8, v1;
	v12 =	vld.idx.msk [tilespmem:v24+s24+$0x0], $0xffff  }
0x405: {  	v52 =	vadd.s32 $0xA, v1;
	v51 =	vld [tilespmem:s8+$0x2840]  }
0x406: {  	v55 =	vadd.s32 $0xD, v1;
	v32 =	vld.idx.msk [tilespmem:v25+s24+$0x0], $0xffff  }
0x407: {  	v33 =	vld.idx.msk [tilespmem:v29+s24+$0x0], $0xffff  }
0x408: {  	v0 =	vadd.s32 $0xF, v0;
	v34 =	vld.idx.msk [tilespmem:v36+s24+$0x0], $0xffff  }
0x409: {  	v50 =	vadd.s32 $0x9, v1;
	v35 =	vld.idx.msk [tilespmem:v39+s24+$0x0], $0xffff  }
0x40a: {  	v53 =	vadd.s32 $0xB, v1;
	v39 =	vld.idx.msk [tilespmem:v52+s24+$0x0], $0xffff  }
0x40b: {  	v54 =	vadd.s32 $0xC, v1;
	v29 =	vld.idx.msk [tilespmem:v55+s24+$0x0], $0xffff  }
0x40c: {  	v56 =	vadd.s32 $0xE, v1;
	v52 =	vld [tilespmem:s8+$0x2350]  }
0x40d: {  	v15 =	vmul.u32 $0xCC, v38;
	v20 =	vmul.u32 $0x22, v40;
	v1 =	vadd.s32 $0xF, v1;
	v42 =	vld.idx.msk [tilespmem:v0+s24+$0x0], $0xffff  }
0x40e: {  	v38 =	vld.idx.msk [tilespmem:v50+s24+$0x0], $0xffff;
	v22 =	vmul.u32 $0x11, v51  }
0x40f: {  	v57 =	vadd.s32 v15, v20;
	v40 =	vld.idx.msk [tilespmem:v53+s24+$0x0], $0xffff  }
0x410: {  	v36 =	vld.idx.msk [tilespmem:v54+s24+$0x0], $0xffff;
	v22 =	vadd.s32 v22, v57  }
0x411: {  	v24 =	vld.idx.msk [tilespmem:v56+s24+$0x0], $0xffff;
	v58 =	vadd.s32 $0x1, v22  }
0x412: {  	v20 =	vld.idx.msk [tilespmem:v1+s24+$0x0], $0xffff;
	v2 =	vadd.s32 $0x2, v22  }
0x413: {  	v50 =	vld [tilespmem:s8+$0x1E50];
	v59 =	vadd.s32 $0x3, v22  }
0x414: {  	v54 =	vld [tilespmem:s8+$0x2850];
	v60 =	vadd.s32 $0x4, v22  }
0x415: {  	v61 =	vadd.s32 $0x5, v22;
	v15 =	vld.idx.msk [tilespmem:v22+s24+$0x0], $0xffff  }
0x416: {  	v62 =	vadd.s32 $0x6, v22;
	v8 =	vld.idx.msk [tilespmem:v58+s24+$0x0], $0xffff  }
0x417: {  	v25 =	vadd.s32 $0x7, v22;
	v2 =	vld.idx.msk [tilespmem:v2+s24+$0x0], $0xffff  }
0x418: {  	v51 =	vadd.s32 $0x8, v22;
	v1 =	vld.idx.msk [tilespmem:v59+s24+$0x0], $0xffff  }
0x419: {  	[tilespmem:s17+$0xF590] =	vst v5;
	v53 =	vadd.s32 $0x9, v22;
	v0 =	vld.idx.msk [tilespmem:v60+s24+$0x0], $0xffff  }
0x41a: {  	[tilespmem:s17+$0xD090] =	vst v3;
	v63 =	vadd.s32 $0xA, v22;
	v3 =	vld.idx.msk [tilespmem:v61+s24+$0x0], $0xffff  }
0x41b: {  	[tilespmem:s17+$0xF510] =	vst v4;
	v55 =	vadd.s32 $0xB, v22;
	v4 =	vld.idx.msk [tilespmem:v62+s24+$0x0], $0xffff  }
0x41c: {  	[tilespmem:s17+$0xF710] =	vst v13;
	v56 =	vadd.s32 $0xC, v22;
	v5 =	vld.idx.msk [tilespmem:v25+s24+$0x0], $0xffff  }
0x41d: {  	[tilespmem:s17+$0xF610] =	vst v6;
	v6 =	vld.idx.msk [tilespmem:v51+s24+$0x0], $0xffff  }
0x41e: {  	[tilespmem:s17+$0xF690] =	vst v10;
	v51 =	vadd.s32 $0xD, v22;
	v10 =	vld.idx.msk [tilespmem:v53+s24+$0x0], $0xffff  }
0x41f: {  	[tilespmem:s17+$0xF790] =	vst v11;
	v57 =	vmul.u32 $0xCC, v50;
	v58 =	vmul.u32 $0x22, v52;
	v59 =	vadd.s32 $0xE, v22;
	v21 =	vld.idx.msk [tilespmem:v63+s24+$0x0], $0xffff  }
0x420: {  	[tilespmem:s17+$0xF810] =	vst v9;
	v60 =	vmul.u32 $0x11, v54;
	v62 =	vadd.s32 $0xF, v22;
	v25 =	vld.idx.msk [tilespmem:v55+s24+$0x0], $0xffff  }
0x421: {  	[tilespmem:s17+$0xF890] =	vst v7;
	v22 =	vld.idx.msk [tilespmem:v56+s24+$0x0], $0xffff;
	v61 =	vadd.s32 v57, v58  }
0x422: {  	[tilespmem:s17+$0xCD20] =	vst v17;
	v52 =	vadd.s32 v60, v61;
	v61 =	vld [tilespmem:s8+$0x2360]  }
0x423: {  	[tilespmem:s17+$0xCDA0] =	vst v18;
	v63 =	vadd.s32 $0x1, v52;
	v16 =	vld.idx.msk [tilespmem:v51+s24+$0x0], $0xffff  }
0x424: {  	[tilespmem:s17+$0xCE20] =	vst v19;
	v11 =	vadd.s32 $0x2, v52;
	v17 =	vld.idx.msk [tilespmem:v59+s24+$0x0], $0xffff  }
0x425: {  	[tilespmem:s17+$0xCEA0] =	vst v26;
	v54 =	vadd.s32 $0x3, v52;
	v18 =	vld.idx.msk [tilespmem:v62+s24+$0x0], $0xffff  }
0x426: {  	[tilespmem:s17+$0xCF20] =	vst v27;
	v55 =	vadd.s32 $0x4, v52;
	v59 =	vld [tilespmem:s8+$0x1E60]  }
0x427: {  	[tilespmem:s17+$0xCFA0] =	vst v28;
	v19 =	vld.idx.msk [tilespmem:v52+s24+$0x0], $0xffff  }
0x428: {  	[tilespmem:s17+$0xD020] =	vst v30;
	v56 =	vadd.s32 $0x5, v52;
	v13 =	vld.idx.msk [tilespmem:v63+s24+$0x0], $0xffff  }
0x429: {  	[tilespmem:s17+$0xD0A0] =	vst v37;
	v57 =	vadd.s32 $0x6, v52;
	v11 =	vld.idx.msk [tilespmem:v11+s24+$0x0], $0xffff  }
0x42a: {  	[tilespmem:s17+$0xF520] =	vst v43;
	v58 =	vadd.s32 $0x7, v52;
	v9 =	vld.idx.msk [tilespmem:v54+s24+$0x0], $0xffff  }
0x42b: {  	[tilespmem:s17+$0xF5A0] =	vst v44;
	v60 =	vadd.s32 $0x8, v52;
	v7 =	vld.idx.msk [tilespmem:v55+s24+$0x0], $0xffff  }
0x42c: {  	[tilespmem:s17+$0xF620] =	vst v45;
	v53 =	vadd.s32 $0xA, v52;
	v63 =	vld [tilespmem:s8+$0x2860]  }
0x42d: {  	[tilespmem:s17+$0xF6A0] =	vst v46;
	v62 =	vadd.s32 $0x9, v52;
	v30 =	vld.idx.msk [tilespmem:v56+s24+$0x0], $0xffff  }
0x42e: {  	[tilespmem:s17+$0xF720] =	vst v47;
	v26 =	vld.idx.msk [tilespmem:v57+s24+$0x0], $0xffff  }
0x42f: {  	[tilespmem:s17+$0xF7A0] =	vst v48;
	v54 =	vadd.s32 $0xB, v52;
	v27 =	vld.idx.msk [tilespmem:v58+s24+$0x0], $0xffff  }
0x430: {  	[tilespmem:s17+$0xF820] =	vst v49;
	v55 =	vadd.s32 $0xC, v52;
	v28 =	vld.idx.msk [tilespmem:v60+s24+$0x0], $0xffff  }
0x431: {  	[tilespmem:s17+$0xF8A0] =	vst v42;
	v50 =	vmul.u32 $0x22, v61;
	v56 =	vadd.s32 $0xD, v52;
	v42 =	vld.idx.msk [tilespmem:v53+s24+$0x0], $0xffff;
	v57 =	vmul.u32 $0xCC, v59  }
0x432: {  	[tilespmem:s17+$0xCD30] =	vst v41;
	v37 =	vld.idx.msk [tilespmem:v62+s24+$0x0], $0xffff  }
0x433: {  	[tilespmem:s17+$0xCDB0] =	vst v31;
	v58 =	vadd.s32 $0xE, v52;
	v48 =	vadd.s32 v57, v50;
	v57 =	vld [tilespmem:s8+$0x2370]  }
0x434: {  	[tilespmem:s17+$0xCE30] =	vst v23;
	v60 =	vadd.s32 $0xF, v52;
	v59 =	vmul.u32 $0x11, v63;
	v41 =	vld.idx.msk [tilespmem:v54+s24+$0x0], $0xffff  }
0x435: {  	[tilespmem:s17+$0xCEB0] =	vst v14;
	v31 =	vld.idx.msk [tilespmem:v55+s24+$0x0], $0xffff  }
0x436: {  	[tilespmem:s17+$0xCF30] =	vst v12;
	v43 =	vld.idx.msk [tilespmem:v56+s24+$0x0], $0xffff;
	v48 =	vadd.s32 v59, v48  }
0x437: {  	[tilespmem:s17+$0xCFB0] =	vst v32;
	v59 =	vld [tilespmem:s8+$0x2870]  }
0x438: {  	[tilespmem:s17+$0xD030] =	vst v33;
	v44 =	vld.idx.msk [tilespmem:v58+s24+$0x0], $0xffff;
	v61 =	vadd.s32 $0x1, v48  }
0x439: {  	[tilespmem:s17+$0xD0B0] =	vst v34;
	v45 =	vld.idx.msk [tilespmem:v60+s24+$0x0], $0xffff;
	v62 =	vadd.s32 $0x2, v48  }
0x43a: {  	[tilespmem:s17+$0xF530] =	vst v35;
	v55 =	vld [tilespmem:s8+$0x1E70];
	s8 =	sor.u32 $0x1, s16;
	v63 =	vadd.s32 $0x3, v48  }
0x43b: {  	[tilespmem:s17+$0xF630] =	vst v39;
	v49 =	vadd.s32 $0x4, v48;
	s20 =	sshll.u32 s8, $0x7;
	v46 =	vld.idx.msk [tilespmem:v48+s24+$0x0], $0xffff  }
0x43c: {  	[tilespmem:s17+$0xF7B0] =	vst v29;
	v52 =	vadd.s32 $0x5, v48;
	v47 =	vmul.u32 $0x11, v59;
	v59 =	vld [tilespmem:s20+$0x1E00]  }
0x43d: {  	[tilespmem:s17+$0xF5B0] =	vst v38;
	v53 =	vadd.s32 $0x6, v48;
	v32 =	vld.idx.msk [tilespmem:v61+s24+$0x0], $0xffff  }
0x43e: {  	[tilespmem:s17+$0xF6B0] =	vst v40;
	v54 =	vadd.s32 $0x7, v48;
	v23 =	vld.idx.msk [tilespmem:v62+s24+$0x0], $0xffff  }
0x43f: {  	[tilespmem:s17+$0xF730] =	vst v36;
	v56 =	vadd.s32 $0x8, v48;
	v12 =	vld.idx.msk [tilespmem:v63+s24+$0x0], $0xffff  }
0x440: {  	[tilespmem:s17+$0xF830] =	vst v24;
	v58 =	vadd.s32 $0x9, v48;
	v14 =	vld.idx.msk [tilespmem:v49+s24+$0x0], $0xffff  }
0x441: {  	[tilespmem:s17+$0xF8B0] =	vst v20;
	v60 =	vadd.s32 $0xA, v48;
	v29 =	vld.idx.msk [tilespmem:v52+s24+$0x0], $0xffff  }
0x442: {  	[tilespmem:s17+$0xCD40] =	vst v15;
	v51 =	vadd.s32 $0xF, v48;
	v24 =	vld.idx.msk [tilespmem:v53+s24+$0x0], $0xffff  }
0x443: {  	[tilespmem:s17+$0xCDC0] =	vst v8;
	v20 =	vld.idx.msk [tilespmem:v54+s24+$0x0], $0xffff  }
0x444: {  	[tilespmem:s17+$0xCE40] =	vst v2;
	v61 =	vadd.s32 $0xB, v48;
	v15 =	vld.idx.msk [tilespmem:v56+s24+$0x0], $0xffff  }
0x445: {  	[tilespmem:s17+$0xCEC0] =	vst v1;
	v62 =	vadd.s32 $0xC, v48;
	v8 =	vld.idx.msk [tilespmem:v58+s24+$0x0], $0xffff  }
0x446: {  	[tilespmem:s17+$0xCF40] =	vst v0;
	v63 =	vadd.s32 $0xD, v48;
	v33 =	vld.idx.msk [tilespmem:v60+s24+$0x0], $0xffff  }
0x447: {  	[tilespmem:s17+$0xD0C0] =	vst v5;
	v40 =	vmul.u32 $0x22, v57;
	v38 =	vmul.u32 $0xCC, v55;
	v49 =	vadd.s32 $0xE, v48;
	v5 =	vld.idx.msk [tilespmem:v51+s24+$0x0], $0xffff  }
0x448: {  	[tilespmem:s17+$0xCFC0] =	vst v3;
	v36 =	vmul.u32 $0xCC, v59;
	v59 =	vld [tilespmem:s20+$0x1E10]  }
0x449: {  	[tilespmem:s17+$0xD040] =	vst v4;
	v50 =	vadd.s32 v38, v40;
	v1 =	vld.idx.msk [tilespmem:v61+s24+$0x0], $0xffff  }
0x44a: {  	[tilespmem:s17+$0xF540] =	vst v6;
	v2 =	vadd.s32 v47, v50;
	v0 =	vld.idx.msk [tilespmem:v62+s24+$0x0], $0xffff  }
0x44b: {  	[tilespmem:s17+$0xF5C0] =	vst v10;
	v52 =	vadd.s32 $0x1, v2;
	v3 =	vld.idx.msk [tilespmem:v63+s24+$0x0], $0xffff  }
0x44c: {  	[tilespmem:s17+$0xF640] =	vst v21;
	v53 =	vadd.s32 $0x2, v2;
	v4 =	vld.idx.msk [tilespmem:v49+s24+$0x0], $0xffff  }
0x44d: {  	[tilespmem:s17+$0xF6C0] =	vst v25;
	v54 =	vadd.s32 $0x3, v2;
	v61 =	vld [tilespmem:s20+$0x2300]  }
0x44e: {  	[tilespmem:s17+$0xF740] =	vst v22;
	v55 =	vadd.s32 $0x4, v2;
	v63 =	vld [tilespmem:s20+$0x2800]  }
0x44f: {  	[tilespmem:s17+$0xF7C0] =	vst v16;
	v56 =	vadd.s32 $0x5, v2;
	v6 =	vld.idx.msk [tilespmem:v2+s24+$0x0], $0xffff  }
0x450: {  	[tilespmem:s17+$0xF840] =	vst v17;
	v57 =	vadd.s32 $0x6, v2;
	v10 =	vld.idx.msk [tilespmem:v52+s24+$0x0], $0xffff  }
0x451: {  	[tilespmem:s17+$0xF8C0] =	vst v18;
	v58 =	vadd.s32 $0x7, v2;
	v21 =	vld.idx.msk [tilespmem:v53+s24+$0x0], $0xffff  }
0x452: {  	[tilespmem:s17+$0xCD50] =	vst v19;
	v60 =	vadd.s32 $0x8, v2;
	v25 =	vld.idx.msk [tilespmem:v54+s24+$0x0], $0xffff  }
0x453: {  	[tilespmem:s17+$0xCDD0] =	vst v13;
	v47 =	vadd.s32 $0xA, v2;
	v22 =	vld.idx.msk [tilespmem:v55+s24+$0x0], $0xffff  }
0x454: {  	[tilespmem:s17+$0xCE50] =	vst v11;
	v48 =	vadd.s32 $0xB, v2;
	v19 =	vld.idx.msk [tilespmem:v56+s24+$0x0], $0xffff  }
0x455: {  	[tilespmem:s17+$0xCED0] =	vst v9;
	v50 =	vadd.s32 $0xD, v2;
	v13 =	vld.idx.msk [tilespmem:v57+s24+$0x0], $0xffff  }
0x456: {  	[tilespmem:s17+$0xCF50] =	vst v7;
	v51 =	vadd.s32 $0xE, v2;
	v11 =	vld.idx.msk [tilespmem:v58+s24+$0x0], $0xffff  }
0x457: {  	[tilespmem:s17+$0xCFD0] =	vst v30;
	v62 =	vadd.s32 $0x9, v2;
	v9 =	vld.idx.msk [tilespmem:v60+s24+$0x0], $0xffff  }
0x458: {  	[tilespmem:s17+$0xD050] =	vst v26;
	v49 =	vadd.s32 $0xC, v2;
	v34 =	vld.idx.msk [tilespmem:v47+s24+$0x0], $0xffff  }
0x459: {  	[tilespmem:s17+$0xD0D0] =	vst v27;
	v26 =	vld.idx.msk [tilespmem:v48+s24+$0x0], $0xffff;
	v38 =	vmul.u32 $0x22, v61  }
0x45a: {  	[tilespmem:s17+$0xF550] =	vst v28;
	v17 =	vld.idx.msk [tilespmem:v50+s24+$0x0], $0xffff;
	v39 =	vmul.u32 $0x11, v63  }
0x45b: {  	[tilespmem:s17+$0xF650] =	vst v42;
	v2 =	vadd.s32 $0xF, v2;
	v18 =	vld.idx.msk [tilespmem:v51+s24+$0x0], $0xffff;
	v52 =	vadd.s32 v36, v38  }
0x45c: {  	[tilespmem:s17+$0xF5D0] =	vst v37;
	v7 =	vld.idx.msk [tilespmem:v62+s24+$0x0], $0xffff;
	v30 =	vadd.s32 v39, v52  }
0x45d: {  	[tilespmem:s17+$0xF6D0] =	vst v41;
	v16 =	vld.idx.msk [tilespmem:v49+s24+$0x0], $0xffff;
	v53 =	vadd.s32 $0x1, v30  }
0x45e: {  	[tilespmem:s17+$0xF750] =	vst v31;
	v61 =	vld [tilespmem:s20+$0x2310];
	v54 =	vadd.s32 $0x2, v30  }
0x45f: {  	[tilespmem:s17+$0xF7D0] =	vst v43;
	v63 =	vld [tilespmem:s20+$0x2810];
	v55 =	vadd.s32 $0x3, v30  }
0x460: {  	[tilespmem:s17+$0xF850] =	vst v44;
	v2 =	vld.idx.msk [tilespmem:v2+s24+$0x0], $0xffff;
	v56 =	vadd.s32 $0x4, v30  }
0x461: {  	[tilespmem:s17+$0xF8D0] =	vst v45;
	v57 =	vadd.s32 $0x5, v30;
	v37 =	vld.idx.msk [tilespmem:v30+s24+$0x0], $0xffff  }
0x462: {  	[tilespmem:s17+$0xCD60] =	vst v46;
	v58 =	vadd.s32 $0x6, v30;
	v27 =	vld.idx.msk [tilespmem:v53+s24+$0x0], $0xffff  }
0x463: {  	[tilespmem:s17+$0xCDE0] =	vst v32;
	v39 =	vadd.s32 $0x7, v30;
	v28 =	vld.idx.msk [tilespmem:v54+s24+$0x0], $0xffff  }
0x464: {  	[tilespmem:s17+$0xCE60] =	vst v23;
	v60 =	vadd.s32 $0x8, v30;
	v31 =	vld.idx.msk [tilespmem:v55+s24+$0x0], $0xffff  }
0x465: {  	[tilespmem:s17+$0xCEE0] =	vst v12;
	v62 =	vadd.s32 $0x9, v30;
	v36 =	vld.idx.msk [tilespmem:v56+s24+$0x0], $0xffff  }
0x466: {  	[tilespmem:s17+$0xCF60] =	vst v14;
	v45 =	vadd.s32 $0xA, v30;
	v12 =	vld.idx.msk [tilespmem:v57+s24+$0x0], $0xffff  }
0x467: {  	[tilespmem:s17+$0xCFE0] =	vst v29;
	v46 =	vadd.s32 $0xB, v30;
	v14 =	vld.idx.msk [tilespmem:v58+s24+$0x0], $0xffff  }
0x468: {  	[tilespmem:s17+$0xD060] =	vst v24;
	v47 =	vadd.s32 $0xC, v30;
	v29 =	vld.idx.msk [tilespmem:v39+s24+$0x0], $0xffff  }
0x469: {  	[tilespmem:s17+$0xD0E0] =	vst v20;
	v48 =	vadd.s32 $0xD, v30;
	v24 =	vld.idx.msk [tilespmem:v60+s24+$0x0], $0xffff  }
0x46a: {  	[tilespmem:s17+$0xF560] =	vst v15;
	v49 =	vadd.s32 $0xE, v30;
	v20 =	vld.idx.msk [tilespmem:v62+s24+$0x0], $0xffff  }
0x46b: {  	[tilespmem:s17+$0xF5E0] =	vst v8;
	v35 =	vld.idx.msk [tilespmem:v45+s24+$0x0], $0xffff  }
0x46c: {  	[tilespmem:s17+$0xF660] =	vst v33;
	v40 =	vmul.u32 $0xCC, v59;
	v41 =	vmul.u32 $0x22, v61;
	v8 =	vld.idx.msk [tilespmem:v46+s24+$0x0], $0xffff  }
0x46d: {  	[tilespmem:s17+$0xF8E0] =	vst v5;
	v42 =	vmul.u32 $0x11, v63;
	v33 =	vld.idx.msk [tilespmem:v47+s24+$0x0], $0xffff  }
0x46e: {  	[tilespmem:s17+$0xF6E0] =	vst v1;
	v50 =	vadd.s32 v40, v41;
	v30 =	vadd.s32 $0xF, v30;
	v1 =	vld.idx.msk [tilespmem:v48+s24+$0x0], $0xffff  }
0x46f: {  	[tilespmem:s17+$0xF760] =	vst v0;
	v15 =	vadd.s32 v42, v50;
	v0 =	vld.idx.msk [tilespmem:v49+s24+$0x0], $0xffff  }
0x470: {  	[tilespmem:s17+$0xF7E0] =	vst v3;
	v51 =	vadd.s32 $0x1, v15;
	v58 =	vld [tilespmem:s20+$0x1E20]  }
0x471: {  	[tilespmem:s17+$0xF860] =	vst v4;
	v52 =	vadd.s32 $0x2, v15;
	v60 =	vld [tilespmem:s20+$0x2320]  }
0x472: {  	[tilespmem:s17+$0xCD70] =	vst v6;
	v53 =	vadd.s32 $0x3, v15;
	v62 =	vld [tilespmem:s20+$0x2820]  }
0x473: {  	[tilespmem:s17+$0xCDF0] =	vst v10;
	v54 =	vadd.s32 $0x4, v15;
	v3 =	vld.idx.msk [tilespmem:v30+s24+$0x0], $0xffff  }
0x474: {  	[tilespmem:s17+$0xCE70] =	vst v21;
	v55 =	vadd.s32 $0x5, v15;
	v4 =	vld.idx.msk [tilespmem:v15+s24+$0x0], $0xffff  }
0x475: {  	[tilespmem:s17+$0xCEF0] =	vst v25;
	v56 =	vadd.s32 $0x6, v15;
	v5 =	vld.idx.msk [tilespmem:v51+s24+$0x0], $0xffff  }
0x476: {  	[tilespmem:s17+$0xCF70] =	vst v22;
	v57 =	vadd.s32 $0x7, v15;
	v6 =	vld.idx.msk [tilespmem:v52+s24+$0x0], $0xffff  }
0x477: {  	[tilespmem:s17+$0xCFF0] =	vst v19;
	v59 =	vadd.s32 $0x8, v15;
	v10 =	vld.idx.msk [tilespmem:v53+s24+$0x0], $0xffff  }
0x478: {  	[tilespmem:s17+$0xD070] =	vst v13;
	v61 =	vadd.s32 $0x9, v15;
	v21 =	vld.idx.msk [tilespmem:v54+s24+$0x0], $0xffff  }
0x479: {  	[tilespmem:s17+$0xD0F0] =	vst v11;
	v63 =	vadd.s32 $0xA, v15;
	v13 =	vld.idx.msk [tilespmem:v55+s24+$0x0], $0xffff  }
0x47a: {  	[tilespmem:s17+$0xF570] =	vst v9;
	v42 =	vadd.s32 $0xB, v15;
	v11 =	vld.idx.msk [tilespmem:v56+s24+$0x0], $0xffff  }
0x47b: {  	[tilespmem:s17+$0xF670] =	vst v34;
	v43 =	vadd.s32 $0xC, v15;
	v9 =	vld.idx.msk [tilespmem:v57+s24+$0x0], $0xffff  }
0x47c: {  	[tilespmem:s17+$0xF5F0] =	vst v7;
	v44 =	vadd.s32 $0xD, v15;
	v7 =	vld.idx.msk [tilespmem:v59+s24+$0x0], $0xffff  }
0x47d: {  	[tilespmem:s17+$0xF6F0] =	vst v26;
	v45 =	vadd.s32 $0xE, v15;
	v19 =	vld.idx.msk [tilespmem:v61+s24+$0x0], $0xffff  }
0x47e: {  	[tilespmem:s17+$0xF7F0] =	vst v17;
	v23 =	vld.idx.msk [tilespmem:v63+s24+$0x0], $0xffff  }
0x47f: {  	[tilespmem:s17+$0xF770] =	vst v16;
	v16 =	vld.idx.msk [tilespmem:v42+s24+$0x0], $0xffff  }
0x480: {  	s0 =	sshll.u32 s8, $0xA;
	[tilespmem:s17+$0xF870] =	vst v18;
	v32 =	vmul.u32 $0xCC, v58;
	v38 =	vmul.u32 $0x22, v60;
	v17 =	vld.idx.msk [tilespmem:v43+s24+$0x0], $0xffff  }
0x481: {  	s0 =	sand.u32 $0x3FFFFC00, s0;
	[tilespmem:s17+$0xF8F0] =	vst v2;
	v39 =	vmul.u32 $0x11, v62;
	v18 =	vld.idx.msk [tilespmem:v44+s24+$0x0], $0xffff  }
0x482: {  	v15 =	vadd.s32 $0xF, v15;
	[tilespmem:s0+$0xCD00] =	vst v37;
	v2 =	vld.idx.msk [tilespmem:v45+s24+$0x0], $0xffff;
	v46 =	vadd.s32 v32, v38  }
0x483: {  	[tilespmem:s0+$0xCD80] =	vst v27;
	v54 =	vld [tilespmem:s20+$0x1E30];
	v26 =	vadd.s32 v39, v46  }
0x484: {  	[tilespmem:s0+$0xCE00] =	vst v28;
	v56 =	vld [tilespmem:s20+$0x2330];
	v47 =	vadd.s32 $0x1, v26  }
0x485: {  	[tilespmem:s0+$0xCE80] =	vst v31;
	v58 =	vld [tilespmem:s20+$0x2830];
	v48 =	vadd.s32 $0x2, v26  }
0x486: {  	[tilespmem:s0+$0xCF00] =	vst v36;
	v46 =	vld [tilespmem:s20+$0x1E40];
	v49 =	vadd.s32 $0x3, v26  }
0x487: {  	[tilespmem:s0+$0xCF80] =	vst v12;
	v15 =	vld.idx.msk [tilespmem:v15+s24+$0x0], $0xffff;
	v50 =	vadd.s32 $0x4, v26  }
0x488: {  	[tilespmem:s0+$0xD000] =	vst v14;
	v51 =	vadd.s32 $0x5, v26;
	v27 =	vld.idx.msk [tilespmem:v26+s24+$0x0], $0xffff  }
0x489: {  	[tilespmem:s0+$0xD080] =	vst v29;
	v52 =	vadd.s32 $0x6, v26;
	v25 =	vld.idx.msk [tilespmem:v47+s24+$0x0], $0xffff  }
0x48a: {  	[tilespmem:s0+$0xF500] =	vst v24;
	v53 =	vadd.s32 $0x7, v26;
	v22 =	vld.idx.msk [tilespmem:v48+s24+$0x0], $0xffff  }
0x48b: {  	[tilespmem:s0+$0xF580] =	vst v20;
	v55 =	vadd.s32 $0x8, v26;
	v28 =	vld.idx.msk [tilespmem:v49+s24+$0x0], $0xffff  }
0x48c: {  	[tilespmem:s0+$0xF600] =	vst v35;
	v57 =	vadd.s32 $0x9, v26;
	v12 =	vld.idx.msk [tilespmem:v50+s24+$0x0], $0xffff  }
0x48d: {  	[tilespmem:s0+$0xF680] =	vst v8;
	v59 =	vadd.s32 $0xA, v26;
	v20 =	vld.idx.msk [tilespmem:v51+s24+$0x0], $0xffff  }
0x48e: {  	[tilespmem:s0+$0xF700] =	vst v33;
	v60 =	vadd.s32 $0xB, v26;
	v31 =	vld.idx.msk [tilespmem:v52+s24+$0x0], $0xffff  }
0x48f: {  	[tilespmem:s0+$0xF780] =	vst v1;
	v61 =	vadd.s32 $0xC, v26;
	v8 =	vld.idx.msk [tilespmem:v53+s24+$0x0], $0xffff  }
0x490: {  	[tilespmem:s0+$0xF800] =	vst v0;
	v62 =	vadd.s32 $0xD, v26;
	v29 =	vld.idx.msk [tilespmem:v55+s24+$0x0], $0xffff  }
0x491: {  	v63 =	vadd.s32 $0xE, v26;
	[tilespmem:s0+$0xF880] =	vst v3;
	v1 =	vld.idx.msk [tilespmem:v57+s24+$0x0], $0xffff  }
0x492: {  	[tilespmem:s0+$0xCD10] =	vst v4;
	v32 =	vmul.u32 $0xCC, v54;
	v34 =	vmul.u32 $0x22, v56;
	v30 =	vld.idx.msk [tilespmem:v59+s24+$0x0], $0xffff  }
0x493: {  	v36 =	vmul.u32 $0x11, v58;
	[tilespmem:s0+$0xCD90] =	vst v5;
	v3 =	vld.idx.msk [tilespmem:v60+s24+$0x0], $0xffff  }
0x494: {  	[tilespmem:s0+$0xCE10] =	vst v6;
	v34 =	vadd.s32 v32, v34;
	v26 =	vadd.s32 $0xF, v26;
	v37 =	vld.idx.msk [tilespmem:v61+s24+$0x0], $0xffff  }
0x495: {  	[tilespmem:s0+$0xCE90] =	vst v10;
	v0 =	vadd.s32 v36, v34;
	v39 =	vld.idx.msk [tilespmem:v62+s24+$0x0], $0xffff  }
0x496: {  	[tilespmem:s0+$0xCF10] =	vst v21;
	v38 =	vadd.s32 $0x1, v0;
	v6 =	vld.idx.msk [tilespmem:v63+s24+$0x0], $0xffff  }
0x497: {  	[tilespmem:s0+$0xCF90] =	vst v13;
	v40 =	vadd.s32 $0x2, v0;
	v48 =	vld [tilespmem:s20+$0x2340]  }
0x498: {  	[tilespmem:s0+$0xD010] =	vst v11;
	v41 =	vadd.s32 $0x3, v0;
	v50 =	vld [tilespmem:s20+$0x2840]  }
0x499: {  	[tilespmem:s0+$0xD090] =	vst v9;
	v42 =	vadd.s32 $0x4, v0;
	v10 =	vld.idx.msk [tilespmem:v26+s24+$0x0], $0xffff  }
0x49a: {  	[tilespmem:s0+$0xF510] =	vst v7;
	v43 =	vadd.s32 $0x5, v0;
	v21 =	vld.idx.msk [tilespmem:v0+s24+$0x0], $0xffff  }
0x49b: {  	[tilespmem:s0+$0xF590] =	vst v19;
	v44 =	vadd.s32 $0x6, v0;
	v13 =	vld.idx.msk [tilespmem:v38+s24+$0x0], $0xffff  }
0x49c: {  	[tilespmem:s0+$0xF610] =	vst v23;
	v45 =	vadd.s32 $0x7, v0;
	v11 =	vld.idx.msk [tilespmem:v40+s24+$0x0], $0xffff  }
0x49d: {  	[tilespmem:s0+$0xF690] =	vst v16;
	v47 =	vadd.s32 $0x8, v0;
	v9 =	vld.idx.msk [tilespmem:v41+s24+$0x0], $0xffff  }
0x49e: {  	[tilespmem:s0+$0xF710] =	vst v17;
	v49 =	vadd.s32 $0x9, v0;
	v7 =	vld.idx.msk [tilespmem:v42+s24+$0x0], $0xffff  }
0x49f: {  	[tilespmem:s0+$0xF790] =	vst v18;
	v51 =	vadd.s32 $0xA, v0;
	v14 =	vld.idx.msk [tilespmem:v43+s24+$0x0], $0xffff  }
0x4a0: {  	[tilespmem:s0+$0xF810] =	vst v2;
	v18 =	vld.idx.msk [tilespmem:v44+s24+$0x0], $0xffff  }
0x4a1: {  	[tilespmem:s0+$0xF890] =	vst v15;
	v53 =	vld.idx.msk [tilespmem:v45+s24+$0x0], $0xffff  }
0x4a2: {  	[tilespmem:s0+$0xCD20] =	vst v27;
	v55 =	vld.idx.msk [tilespmem:v47+s24+$0x0], $0xffff  }
0x4a3: {  	v52 =	vadd.s32 $0xB, v0;
	v16 =	vld.idx.msk [tilespmem:v49+s24+$0x0], $0xffff;
	[tilespmem:s0+$0xCDA0] =	vst v25  }
0x4a4: {  	v54 =	vadd.s32 $0xC, v0;
	v17 =	vld.idx.msk [tilespmem:v51+s24+$0x0], $0xffff;
	[tilespmem:s0+$0xCE20] =	vst v22  }
0x4a5: {  	v56 =	vadd.s32 $0xD, v0;
	v26 =	vmul.u32 $0xCC, v46;
	v32 =	vmul.u32 $0x22, v48;
	[tilespmem:s0+$0xCEA0] =	vst v28;
	v38 =	vld [tilespmem:s20+$0x1E50]  }
0x4a6: {  	v57 =	vadd.s32 $0xE, v0;
	v33 =	vmul.u32 $0x11, v50;
	[tilespmem:s0+$0xCF20] =	vst v12;
	v40 =	vld [tilespmem:s20+$0x2350]  }
0x4a7: {  	v0 =	vadd.s32 $0xF, v0;
	[tilespmem:s0+$0xCFA0] =	vst v20;
	v42 =	vld [tilespmem:s20+$0x2850];
	v58 =	vadd.s32 v26, v32  }
0x4a8: {  	v59 =	vld.idx.msk [tilespmem:v52+s24+$0x0], $0xffff;
	[tilespmem:s0+$0xD020] =	vst v31;
	v60 =	vadd.s32 v33, v58  }
0x4a9: {  	v19 =	vld.idx.msk [tilespmem:v54+s24+$0x0], $0xffff;
	[tilespmem:s0+$0xD0A0] =	vst v8  }
0x4aa: {  	v61 =	vld.idx.msk [tilespmem:v56+s24+$0x0], $0xffff;
	[tilespmem:s0+$0xF520] =	vst v29;
	v25 =	vadd.s32 $0x1, v60  }
0x4ab: {  	v63 =	vld.idx.msk [tilespmem:v57+s24+$0x0], $0xffff;
	[tilespmem:s0+$0xF5A0] =	vst v1;
	v62 =	vadd.s32 $0x2, v60;
	v28 =	vmul.u32 $0xCC, v38;
	v29 =	vmul.u32 $0x22, v40  }
0x4ac: {  	[tilespmem:s0+$0xF620] =	vst v30;
	v32 =	vadd.s32 $0x3, v60;
	v0 =	vld.idx.msk [tilespmem:v0+s24+$0x0], $0xffff;
	v30 =	vmul.u32 $0x11, v42  }
0x4ad: {  	[tilespmem:s0+$0xF6A0] =	vst v3;
	v33 =	vadd.s32 $0x4, v60;
	v50 =	vadd.s32 v28, v29;
	v34 =	vld.idx.msk [tilespmem:v60+s24+$0x0], $0xffff  }
0x4ae: {  	v35 =	vadd.s32 $0x5, v60;
	[tilespmem:s0+$0xCF30] =	vst v7;
	v7 =	vadd.s32 v30, v50;
	v30 =	vld [tilespmem:s20+$0x1E60]  }
0x4af: {  	[tilespmem:s0+$0xF720] =	vst v37;
	v36 =	vadd.s32 $0x6, v60;
	v25 =	vld.idx.msk [tilespmem:v25+s24+$0x0], $0xffff  }
0x4b0: {  	[tilespmem:s0+$0xF7A0] =	vst v39;
	v37 =	vadd.s32 $0x7, v60;
	v1 =	vld.idx.msk [tilespmem:v62+s24+$0x0], $0xffff  }
0x4b1: {  	[tilespmem:s0+$0xF820] =	vst v6;
	v39 =	vadd.s32 $0x8, v60;
	v23 =	vld.idx.msk [tilespmem:v32+s24+$0x0], $0xffff  }
0x4b2: {  	v41 =	vadd.s32 $0x9, v60;
	[tilespmem:s0+$0xF8A0] =	vst v10;
	v3 =	vld.idx.msk [tilespmem:v33+s24+$0x0], $0xffff  }
0x4b3: {  	v44 =	vadd.s32 $0xA, v60;
	[tilespmem:s0+$0xCD30] =	vst v21;
	v43 =	vld.idx.msk [tilespmem:v35+s24+$0x0], $0xffff  }
0x4b4: {  	v46 =	vadd.s32 $0xB, v60;
	[tilespmem:s0+$0xCDB0] =	vst v13;
	v45 =	vld.idx.msk [tilespmem:v36+s24+$0x0], $0xffff  }
0x4b5: {  	v47 =	vadd.s32 $0xC, v60;
	[tilespmem:s0+$0xCE30] =	vst v11;
	v4 =	vld.idx.msk [tilespmem:v37+s24+$0x0], $0xffff  }
0x4b6: {  	v48 =	vadd.s32 $0xD, v60;
	[tilespmem:s0+$0xCEB0] =	vst v9;
	v5 =	vld.idx.msk [tilespmem:v39+s24+$0x0], $0xffff  }
0x4b7: {  	v49 =	vadd.s32 $0xE, v60;
	[tilespmem:s0+$0xCFB0] =	vst v14;
	v6 =	vld.idx.msk [tilespmem:v41+s24+$0x0], $0xffff  }
0x4b8: {  	v24 =	vadd.s32 $0xF, v60;
	[tilespmem:s0+$0xD030] =	vst v18;
	v26 =	vld.idx.msk [tilespmem:v44+s24+$0x0], $0xffff  }
0x4b9: {  	[tilespmem:s0+$0xD0B0] =	vst v53;
	v51 =	vld.idx.msk [tilespmem:v46+s24+$0x0], $0xffff  }
0x4ba: {  	[tilespmem:s0+$0xF530] =	vst v55;
	v13 =	vld.idx.msk [tilespmem:v47+s24+$0x0], $0xffff  }
0x4bb: {  	[tilespmem:s0+$0xF5B0] =	vst v16;
	v53 =	vld.idx.msk [tilespmem:v48+s24+$0x0], $0xffff  }
0x4bc: {  	[tilespmem:s0+$0xF630] =	vst v17;
	v52 =	vadd.s32 $0x1, v7;
	v9 =	vld.idx.msk [tilespmem:v49+s24+$0x0], $0xffff  }
0x4bd: {  	[tilespmem:s0+$0xF6B0] =	vst v59;
	v54 =	vadd.s32 $0x2, v7;
	v56 =	vld.idx.msk [tilespmem:v24+s24+$0x0], $0xffff  }
0x4be: {  	[tilespmem:s0+$0xF730] =	vst v19;
	v55 =	vadd.s32 $0x3, v7;
	v32 =	vld [tilespmem:s20+$0x2360]  }
0x4bf: {  	[tilespmem:s0+$0xF7B0] =	vst v61;
	v57 =	vadd.s32 $0x4, v7;
	v58 =	vld.idx.msk [tilespmem:v7+s24+$0x0], $0xffff  }
0x4c0: {  	v60 =	vadd.s32 $0x5, v7;
	[tilespmem:s0+$0xCD40] =	vst v34;
	v34 =	vld [tilespmem:s20+$0x2860]  }
0x4c1: {  	[tilespmem:s0+$0xF830] =	vst v63;
	v62 =	vadd.s32 $0x6, v7;
	v18 =	vld.idx.msk [tilespmem:v52+s24+$0x0], $0xffff  }
0x4c2: {  	[tilespmem:s0+$0xF8B0] =	vst v0;
	v63 =	vadd.s32 $0x7, v7;
	v11 =	vld.idx.msk [tilespmem:v54+s24+$0x0], $0xffff  }
0x4c3: {  	v31 =	vadd.s32 $0x8, v7;
	v59 =	vld.idx.msk [tilespmem:v55+s24+$0x0], $0xffff;
	[tilespmem:s0+$0xCDC0] =	vst v25  }
0x4c4: {  	v33 =	vadd.s32 $0x9, v7;
	v61 =	vld.idx.msk [tilespmem:v57+s24+$0x0], $0xffff;
	[tilespmem:s0+$0xCE40] =	vst v1  }
0x4c5: {  	v36 =	vadd.s32 $0xA, v7;
	v35 =	vld.idx.msk [tilespmem:v60+s24+$0x0], $0xffff;
	[tilespmem:s0+$0xCEC0] =	vst v23  }
0x4c6: {  	v37 =	vadd.s32 $0xB, v7;
	v20 =	vld.idx.msk [tilespmem:v62+s24+$0x0], $0xffff;
	[tilespmem:s0+$0xCF40] =	vst v3  }
0x4c7: {  	v38 =	vadd.s32 $0xC, v7;
	v0 =	vld.idx.msk [tilespmem:v63+s24+$0x0], $0xffff;
	[tilespmem:s0+$0xCFC0] =	vst v43  }
0x4c8: {  	v39 =	vadd.s32 $0xD, v7;
	v8 =	vld.idx.msk [tilespmem:v31+s24+$0x0], $0xffff;
	[tilespmem:s0+$0xD040] =	vst v45  }
0x4c9: {  	v41 =	vadd.s32 $0xE, v7;
	v40 =	vld.idx.msk [tilespmem:v33+s24+$0x0], $0xffff;
	[tilespmem:s0+$0xD0C0] =	vst v4  }
0x4ca: {  	v15 =	vld.idx.msk [tilespmem:v36+s24+$0x0], $0xffff;
	[tilespmem:s0+$0xF540] =	vst v5  }
0x4cb: {  	v22 =	vmul.u32 $0xCC, v30;
	v24 =	vmul.u32 $0x22, v32;
	v43 =	vld.idx.msk [tilespmem:v37+s24+$0x0], $0xffff;
	[tilespmem:s0+$0xF5C0] =	vst v6  }
0x4cc: {  	v7 =	vadd.s32 $0xF, v7;
	v3 =	vld.idx.msk [tilespmem:v38+s24+$0x0], $0xffff;
	[tilespmem:s0+$0xF640] =	vst v26;
	v27 =	vmul.u32 $0x11, v34  }
0x4cd: {  	v10 =	vld.idx.msk [tilespmem:v39+s24+$0x0], $0xffff;
	[tilespmem:s0+$0xF6C0] =	vst v51;
	v42 =	vadd.s32 v22, v24  }
0x4ce: {  	v46 =	vld.idx.msk [tilespmem:v41+s24+$0x0], $0xffff;
	[tilespmem:s0+$0xF740] =	vst v13;
	v4 =	vadd.s32 v27, v42  }
0x4cf: {  	[tilespmem:s0+$0xF7C0] =	vst v53;
	v55 =	vld [tilespmem:s20+$0x1E70];
	v44 =	vadd.s32 $0x1, v4  }
0x4d0: {  	[tilespmem:s0+$0xF840] =	vst v9;
	v57 =	vld [tilespmem:s20+$0x2370];
	v45 =	vadd.s32 $0x2, v4  }
0x4d1: {  	[tilespmem:s0+$0xF8C0] =	vst v56;
	v7 =	vld.idx.msk [tilespmem:v7+s24+$0x0], $0xffff;
	v47 =	vadd.s32 $0x3, v4  }
0x4d2: {  	[tilespmem:s0+$0xCED0] =	vst v59;
	v59 =	vld [tilespmem:s20+$0x2870];
	v48 =	vadd.s32 $0x4, v4  }
0x4d3: {  	[tilespmem:s0+$0xCD50] =	vst v58;
	v52 =	vadd.s32 $0x5, v4;
	v49 =	vld.idx.msk [tilespmem:v4+s24+$0x0], $0xffff  }
0x4d4: {  	[tilespmem:s0+$0xCDD0] =	vst v18;
	v53 =	vadd.s32 $0x6, v4;
	v6 =	vld.idx.msk [tilespmem:v44+s24+$0x0], $0xffff  }
0x4d5: {  	[tilespmem:s0+$0xCE50] =	vst v11;
	v54 =	vadd.s32 $0x7, v4;
	v50 =	vld.idx.msk [tilespmem:v45+s24+$0x0], $0xffff  }
0x4d6: {  	[tilespmem:s0+$0xCF50] =	vst v61;
	v56 =	vadd.s32 $0x8, v4;
	v51 =	vld.idx.msk [tilespmem:v47+s24+$0x0], $0xffff  }
0x4d7: {  	[tilespmem:s0+$0xCFD0] =	vst v35;
	v58 =	vadd.s32 $0x9, v4;
	v13 =	vld.idx.msk [tilespmem:v48+s24+$0x0], $0xffff  }
0x4d8: {  	[tilespmem:s0+$0xD050] =	vst v20;
	v61 =	vadd.s32 $0xA, v4;
	v60 =	vld.idx.msk [tilespmem:v52+s24+$0x0], $0xffff  }
0x4d9: {  	[tilespmem:s0+$0xD0D0] =	vst v0;
	v62 =	vadd.s32 $0xB, v4;
	v18 =	vld.idx.msk [tilespmem:v53+s24+$0x0], $0xffff  }
0x4da: {  	[tilespmem:s0+$0xF550] =	vst v8;
	v28 =	vadd.s32 $0xC, v4;
	v63 =	vld.idx.msk [tilespmem:v54+s24+$0x0], $0xffff  }
0x4db: {  	v22 =	vmul.u32 $0xCC, v55;
	v23 =	vmul.u32 $0x22, v57;
	[tilespmem:s0+$0xF5D0] =	vst v40;
	v30 =	vadd.s32 $0xD, v4;
	v29 =	vld.idx.msk [tilespmem:v56+s24+$0x0], $0xffff  }
0x4dc: {  	[tilespmem:s0+$0xF650] =	vst v15;
	v31 =	vadd.s32 $0xE, v4;
	v24 =	vmul.u32 $0x11, v59;
	v19 =	vld.idx.msk [tilespmem:v58+s24+$0x0], $0xffff  }
0x4dd: {  	[tilespmem:s0+$0xF6D0] =	vst v43;
	v32 =	vadd.s32 v22, v23;
	v4 =	vadd.s32 $0xF, v4;
	v17 =	vld.idx.msk [tilespmem:v61+s24+$0x0], $0xffff  }
0x4de: {  	[tilespmem:s0+$0xF750] =	vst v3;
	v33 =	vld.idx.msk [tilespmem:v62+s24+$0x0], $0xffff;
	v15 =	vadd.s32 v24, v32  }
0x4df: {  	[tilespmem:s0+$0xF7D0] =	vst v10;
	v34 =	vld.idx.msk [tilespmem:v28+s24+$0x0], $0xffff;
	v35 =	vadd.s32 $0x1, v15  }
0x4e0: {  	[tilespmem:s0+$0xF850] =	vst v46;
	v36 =	vld.idx.msk [tilespmem:v30+s24+$0x0], $0xffff;
	v37 =	vadd.s32 $0x2, v15  }
0x4e1: {  	[tilespmem:s0+$0xF8D0] =	vst v7;
	v38 =	vld.idx.msk [tilespmem:v31+s24+$0x0], $0xffff;
	v39 =	vadd.s32 $0x3, v15  }
0x4e2: {  	v40 =	vadd.s32 $0x4, v15;
	v4 =	vld.idx.msk [tilespmem:v4+s24+$0x0], $0xffff;
	[tilespmem:s0+$0xCD60] =	vst v49  }
0x4e3: {  	v42 =	vadd.s32 $0x5, v15;
	v41 =	vld.idx.msk [tilespmem:v15+s24+$0x0], $0xffff;
	[tilespmem:s0+$0xCDE0] =	vst v6  }
0x4e4: {  	v44 =	vadd.s32 $0x6, v15;
	[tilespmem:s0+$0xCE60] =	vst v50;
	v43 =	vld.idx.msk [tilespmem:v35+s24+$0x0], $0xffff  }
0x4e5: {  	v46 =	vadd.s32 $0x7, v15;
	[tilespmem:s0+$0xCEE0] =	vst v51;
	v45 =	vld.idx.msk [tilespmem:v37+s24+$0x0], $0xffff  }
0x4e6: {  	v48 =	vadd.s32 $0x8, v15;
	[tilespmem:s0+$0xCF60] =	vst v13;
	v47 =	vld.idx.msk [tilespmem:v39+s24+$0x0], $0xffff  }
0x4e7: {  	v52 =	vadd.s32 $0xB, v15;
	[tilespmem:s0+$0xCFE0] =	vst v60;
	v7 =	vld.idx.msk [tilespmem:v40+s24+$0x0], $0xffff  }
0x4e8: {  	v54 =	vadd.s32 $0xC, v15;
	[tilespmem:s0+$0xD060] =	vst v18;
	v50 =	vld.idx.msk [tilespmem:v42+s24+$0x0], $0xffff  }
0x4e9: {  	v56 =	vadd.s32 $0xD, v15;
	[tilespmem:s0+$0xD0E0] =	vst v63;
	v11 =	vld.idx.msk [tilespmem:v44+s24+$0x0], $0xffff  }
0x4ea: {  	v57 =	vadd.s32 $0xE, v15;
	[tilespmem:s0+$0xF560] =	vst v29;
	v53 =	vld.idx.msk [tilespmem:v46+s24+$0x0], $0xffff  }
0x4eb: {  	v49 =	vadd.s32 $0x9, v15;
	[tilespmem:s0+$0xF5E0] =	vst v19;
	v55 =	vld.idx.msk [tilespmem:v48+s24+$0x0], $0xffff  }
0x4ec: {  	v51 =	vadd.s32 $0xA, v15;
	[tilespmem:s0+$0xF660] =	vst v17;
	v59 =	vld.idx.msk [tilespmem:v52+s24+$0x0], $0xffff  }
0x4ed: {  	v15 =	vadd.s32 $0xF, v15;
	[tilespmem:s0+$0xF6E0] =	vst v33;
	v60 =	vld.idx.msk [tilespmem:v54+s24+$0x0], $0xffff  }
0x4ee: {  	[tilespmem:s0+$0xF760] =	vst v34;
	v61 =	vld.idx.msk [tilespmem:v56+s24+$0x0], $0xffff  }
0x4ef: {  	[tilespmem:s0+$0xF7E0] =	vst v36;
	v62 =	vld.idx.msk [tilespmem:v57+s24+$0x0], $0xffff  }
0x4f0: {  	[tilespmem:s0+$0xF860] =	vst v38;
	v13 =	vld.idx.msk [tilespmem:v49+s24+$0x0], $0xffff  }
0x4f1: {  	[tilespmem:s0+$0xF8E0] =	vst v4;
	v58 =	vld.idx.msk [tilespmem:v51+s24+$0x0], $0xffff  }
0x4f2: {  	v63 =	vld.idx.msk [tilespmem:v15+s24+$0x0], $0xffff;
	[tilespmem:s0+$0xCD70] =	vst v41  }
0x4f3: {  	[tilespmem:s0+$0xCDF0] =	vst v43  }
0x4f4: {  	[tilespmem:s0+$0xCE70] =	vst v45  }
0x4f5: {  	[tilespmem:s0+$0xCEF0] =	vst v47  }
0x4f6: {  	[tilespmem:s0+$0xCF70] =	vst v7  }
0x4f7: {  	[tilespmem:s0+$0xCFF0] =	vst v50  }
0x4f8: {  	[tilespmem:s0+$0xD070] =	vst v11  }
0x4f9: {  	[tilespmem:s0+$0xD0F0] =	vst v53  }
0x4fa: {  	[tilespmem:s0+$0xF570] =	vst v55  }
0x4fb: {  	[tilespmem:s0+$0xF6F0] =	vst v59  }
0x4fc: {  	p0 =	slt.u32 s16, $0x8;
	[tilespmem:s0+$0xF770] =	vst v60  }
.Ltmp9:
0x4fd: {  	[tilespmem:s0+$0xF7F0] =	vst v61;
	(pc) =	sbr.rel @p0 .LBB2_12-.Ltmp9, $4  }
0x4fe: {  	[tilespmem:s0+$0xF870] =	vst v62  }
0x4ff: {  	[tilespmem:s0+$0xF5F0] =	vst v13  }
0x500: {  	s20 =	sadd.s32 $0x2, s16;
	[tilespmem:s0+$0xF670] =	vst v58  }
0x501: {  	s16 =	smov.u32 s20;
	[tilespmem:s0+$0xF8F0] =	vst v63  }
0x502: {  	s0 =	smul.u32 $0x2800, s15;
	_ =	sdelay $0x1  }
0x503: {  	s0 =	sshrl.u32 s0, $0x3  }
0x504: {  	p0 =	sgt.u32 s15, $0x963;
	s0 =	sadd.s32 s3, s0  }
0x505: {  	[hbm4b:s0+s4] =	stream.linear.scatter [tilespmem:s2], [sflag:$0x6], $0x2800, $0x38;
	[tilespmem:$0x12900] =	vst v63  }
0x506: {  	s8 =	smul.u32 @!p0 $0x1400, s15;
	s0 =	sadd.s32 $0x30D400, s0  }
0x507: {  	[hbm4b:s0+s4] =	stream.linear.scatter [tilespmem:s6], [sflag:$0x6], $0x2800, $0x38;
	[tilespmem:$0x12900] =	vst v63  }
0x508: {  	s0 =	sshrl.u32 @!p0 s8, $0x3  }
0x509: {  	s15 =	simm.s32 @!p0 $0x80;
	s0 =	sadd.s32 @!p0 $0xF000, s0  }
0x50a: {  	s16 =	simm.s32 @!p0 $0x200;
	s17 =	simm.s32 @!p0 $0x1E00;
	s8 =	sadd.s32 @!p0 s1, s0  }
0x50b: {  	[tilespmem:s17], [sflag:$0x3] =	stream.strided.gather @!p0 [hbm4b:s8+s15], $0x500, s16, s15, $0x38;
	[tilespmem:$0x12900] =	vst v63  }
.Ltmp10:
0x50c: {  	_ = 	snop;
	(pc) =	sbr.rel .LBB2_14-.Ltmp10, $4  }
0x50d: {  	s8 =	sadd.s32 @!p0 s0, s7;
	s17 =	simm.s32 @!p0 $0x2300  }
0x50e: {  	[tilespmem:s17], [sflag:$0x3] =	stream.strided.gather @!p0 [hbm4b:s8+s15], $0x500, s16, s15, $0x38;
	[tilespmem:$0x12900] =	vst v63  }
0x50f: {  	s0 =	sadd.s32 @!p0 s0, s10;
	s8 =	simm.s32 @!p0 $0x2800  }
0x510: {  	[tilespmem:s8], [sflag:$0x3] =	stream.strided.gather @!p0 [hbm4b:s0+s15], $0x500, s16, s15, $0x38;
	[tilespmem:$0x12900] =	vst v63  }
.LBB2_16:
0x511: {  	_ =	sfence.sel $0x180000  }
0x512: {  	[bflag:$0x0] =	sbarrier.arrive $0xFFFF  }
0x513: {  	_ =	strace $0x90000047  }
0x514: {  	s0 =	stileid.u32;
	[bflag:$0x2] =	sbarrier.arrive $0xFFFF  }
0x515: {  	p0 =	sne.s32 s0, $0x0;
	s0 =	rddreg [dreg:$0x3]  }
0x516: {  	s0 =	sadd.s32 @!p0 $0x100000, s0  }
0x517: {  	[sflag:s0] =	ssyncadd.tile.s32 @!p0 $0x1;
	_ =	shalt  }
.Lfunc_end2:
_tile_overlayer_lowered:
.L_overlay_start_2:
0x518: {  	(tag) =	ssettag $0x2  }
0x519: {  	s0 =	rddreg [dreg:$0x0];
	s2 =	stileid.u32  }
0x51a: {  	s1 =	rddreg [dreg:$0x1];
	p0 =	sne.s32 s2, $0x0  }
0x51b: {  	s3 =	rddreg [dreg:$0x2];
	[bflag:$0x3] =	sbarrier.arrive $0xFFFF;
	s2 =	simm.s32 @!p0 $0x1C07  }
0x51c: {  	[timem:s3], [sflag:s2] =	dma.local @!p0 [hbm:s0], s1  }
0x51d: {  	s0 =	simm.s32 @!p0 $0x7  }
0x51e: {  	_ =	swait.ge @!p0 [sflag:s0], s1  }
0x51f: {  	s1 =	ssub.s32 @!p0 $0x0, s1;
	[sflag:s0] =	ssyncset.done @!p0 $0x0  }
0x520: {  	[sflag:s0] =	ssyncadd.s32 @!p0 s1  }
0x521: {  	[bflag:$0x3] =	sbarrier.arrive $0xFFFF  }
0x522: {  	_ =	shalt  }

</sc_bundles>
